<compile_context>
chip_gen: v7x
topology: tpu7x:2x2x1
jax: 0.10.2.dev20260603
libtpu: 0.0.44.dev20260713+nightly
codegen_flags: <defaults>
</compile_context>

<pallas_src>
import functools

import jax
import jax.numpy as jnp
from jax import lax
from jax.experimental import pallas as pl
from jax.experimental.pallas import tpu as pltpu
from jax.experimental.pallas import tpu_sc as plsc

B, S, D = 8, 2048, 384
MAXM = 14336
NTILES = 32
TPB = NTILES // B
CHUNK = 64
NCHUNK = MAXM // (CHUNK * TPB)
SV = S // 16
CV = CHUNK // 16
DV = D // 16
NBUF = 4
UNROLL = NBUF
STAGE_LAG = 3


@functools.partial(
    pl.kernel,
    out_type=(
        jax.ShapeDtypeStruct((B * MAXM, D), jnp.float32),
        jax.ShapeDtypeStruct((B, 16), jnp.int32),
    ),
    mesh=plsc.VectorSubcoreMesh(core_axis_name="c", subcore_axis_name="s"),
    compiler_params=pltpu.CompilerParams(needs_layout_passes=False),
    scratch_types=[
        pltpu.VMEM((S,), jnp.int32),
        pltpu.VMEM((S,), jnp.int32),
        pltpu.VMEM((NBUF, CHUNK), jnp.int32),
        pltpu.VMEM((CHUNK, D), jnp.float32),
        pltpu.VMEM((CHUNK, D), jnp.float32),
        pltpu.VMEM((CHUNK, D), jnp.float32),
        pltpu.VMEM((CHUNK, D), jnp.float32),
        pltpu.VMEM((CHUNK, D), jnp.float32),
        pltpu.VMEM((16,), jnp.int32),
        pltpu.SemaphoreType.DMA,
        pltpu.SemaphoreType.DMA,
        pltpu.SemaphoreType.DMA,
        pltpu.SemaphoreType.DMA,
        pltpu.SemaphoreType.DMA,
        pltpu.SemaphoreType.DMA,
        pltpu.SemaphoreType.DMA,
        pltpu.SemaphoreType.DMA,
        pltpu.SemaphoreType.DMA,
    ],
)
def _expand(x_hbm, dur_hbm, out_hbm, len_hbm,
            dur_ref, csum_ref, idx4, buf0, buf1, buf2, buf3, zbuf, lens_v,
            sem, gsem0, gsem1, gsem2, gsem3, ssem0, ssem1, ssem2, ssem3):
    cid = lax.axis_index("c")
    sid = lax.axis_index("s")
    wid = cid * 16 + sid
    b = wid // TPB
    q = wid % TPB
    src_base = b * S

    bufs = (buf0, buf1, buf2, buf3)
    gsems = (gsem0, gsem1, gsem2, gsem3)
    ssems = (ssem0, ssem1, ssem2, ssem3)

    iota16 = lax.broadcasted_iota(jnp.int32, (16,), 0)
    zv = jnp.zeros((16,), jnp.float32)

    gather_dnums = lax.GatherDimensionNumbers(
        offset_dims=(), collapsed_slice_dims=(0,), start_index_map=(0,))

    def lane_permute(v, idx):
        return lax.gather(v, idx[:, None], gather_dnums, slice_sizes=(1,),
                          mode=lax.GatherScatterMode.PROMISE_IN_BOUNDS)

    def lane_cumsum(v):
        s = v
        for k in (1, 2, 4, 8):
            sh = lane_permute(s, jnp.maximum(iota16 - k, 0))
            s = s + jnp.where(iota16 >= k, sh, 0)
        return s

    pltpu.async_copy(dur_hbm.at[b], dur_ref, sem).wait()

    def cs_body(i, carry):
        for h in range(2):
            v = dur_ref[pl.ds(i * 32 + h * 16, 16)]
            s = lane_cumsum(v) + carry
            csum_ref[pl.ds(i * 32 + h * 16, 16)] = s
            carry = s[15]
        return carry

    total = lax.fori_loop(0, SV // 2, cs_body, jnp.int32(0))

    @pl.when(q == 0)
    def _():
        lens_v[...] = jnp.where(iota16 == 0, total, 0)
        pltpu.async_copy(lens_v, len_hbm.at[b], sem)

    def chunk_cut(l):
        tc0 = (q + l * TPB) * CHUNK
        return tc0, jnp.clip(total - tc0, 0, CHUNK)

    def stage1(l, p, first=False):
        tc0, cut = chunk_cut(l)

        @pl.when(cut > 0)
        def _():
            def idx_body(v, _):
                t = tc0 + v * 16 + iota16
                j = jnp.zeros((16,), jnp.int32)
                step = 1024
                for _u in range(11):
                    probe = plsc.load_gather(csum_ref, [j + (step - 1)])
                    j = jnp.where(probe <= t, j + step, j)
                    step //= 2
                idx4[p, pl.ds(v * 16, 16)] = (
                    src_base + jnp.minimum(j, S - 1))
                return 0

            lax.fori_loop(0, CV, idx_body, 0)

        if not first:
            @pl.when(l >= NBUF)
            def _():
                dst_old = out_hbm.at[
                    pl.ds(b * MAXM + tc0 - NBUF * TPB * CHUNK, CHUNK)]
                pltpu.make_async_copy(bufs[p], dst_old, ssems[p]).wait()

        @pl.when(cut > 0)
        def _():
            h = CHUNK // 2
            pltpu.async_copy(x_hbm.at[idx4.at[p, pl.ds(0, h)]],
                             bufs[p].at[pl.ds(0, h)], gsems[p])
            pltpu.async_copy(x_hbm.at[idx4.at[p, pl.ds(h, h)]],
                             bufs[p].at[pl.ds(h, h)], gsems[p])

    def stage2(l, p):
        tc0, cut = chunk_cut(l)
        dst = out_hbm.at[pl.ds(b * MAXM + tc0, CHUNK)]

        @pl.when(cut > 0)
        def _():
            pltpu.make_async_copy(
                x_hbm.at[idx4.at[p]], bufs[p], gsems[p]).wait()

            @pl.when(cut < CHUNK)
            def _():
                def zr(r, _):
                    for col in range(DV):
                        bufs[p][r, pl.ds(col * 16, 16)] = zv
                    return 0

                lax.fori_loop(cut, CHUNK, zr, 0)

            pltpu.async_copy(bufs[p], dst, ssems[p])

        @pl.when(cut <= 0)
        def _():
            pltpu.async_copy(zbuf, dst, ssems[p])

    stage1(jnp.int32(0), 0, first=True)
    stage1(jnp.int32(1), 1, first=True)
    stage1(jnp.int32(2), 2, first=True)

    def z_body(r, _):
        for col in range(DV):
            zbuf[r, pl.ds(col * 16, 16)] = zv
        return 0

    lax.fori_loop(0, CHUNK, z_body, 0)

    def pipe_body(g, _):
        for i in range(UNROLL):
            l1 = g * UNROLL + i + STAGE_LAG

            @pl.when(l1 < NCHUNK)
            def _(l1=l1, i=i):
                stage1(l1, (i + STAGE_LAG) % NBUF)

            l2 = l1 - STAGE_LAG

            @pl.when(l2 < NCHUNK)
            def _(l2=l2, m=i % NBUF):
                stage2(l2, m)

        return 0

    niter = (NCHUNK + UNROLL - 1) // UNROLL
    lax.fori_loop(0, niter, pipe_body, 0)

    for c in range(NCHUNK - NBUF, NCHUNK):
        p = c % NBUF
        dst = out_hbm.at[pl.ds(b * MAXM + (q + c * TPB) * CHUNK, CHUNK)]
        pltpu.make_async_copy(bufs[p], dst, ssems[p]).wait()

    @pl.when(q == 0)
    def _():
        pltpu.make_async_copy(lens_v, len_hbm.at[b], sem).wait()


def kernel(x, duration, max_mel_len):
    del max_mel_len
    out_flat, lens = _expand(x.reshape(B * S, D), duration)
    return out_flat.reshape(B, MAXM, D), lens[:, 0]

# --- scband reference (transcript-rebuilt; emitter-appended) ---
"""Pipeline reference for scband-length-regulator-23605140259248 (READ-ONLY COPY).

The authoritative reference and input builder live on the scoring server;
editing this copy changes nothing except your own understanding.
"""

import jax, jax.numpy as jnp
import numpy as np

B, S, D = 8, 2048, 384
MAX_MEL = 14336

def setup_inputs(seed: int = 0) -> dict:
    key = jax.random.key(seed)
    k1, k2 = jax.random.split(key)
    x = jax.random.normal(k1, (B, S, D), dtype=jnp.float32)
    duration = jax.random.randint(k2, (B, S), 0, 8, dtype=jnp.int32)
    return {"x": x, "duration": duration, "max_mel_len": MAX_MEL}

def reference(x, duration, max_mel_len):
    # Faithful LengthRegulator: each source vector x[b, i] is repeated duration[b, i]
    # times along the time axis, result zero-padded to max_mel_len.
    # Implemented as a gather: output position t maps to source index
    # searchsorted(cumsum(dur), t, side='right'), masked past the total length.
    S_ = x.shape[1]
    pos = jnp.arange(MAX_MEL)

    def expand_one(xb, db):
        csum = jnp.cumsum(db)  # (S,)
        idx = jnp.searchsorted(csum, pos, side='right')  # (max_mel,)
        idx = jnp.clip(idx, 0, S_ - 1)
        out = jnp.take(xb, idx, axis=0)  # gather (max_mel, D)
        total = csum[-1]
        mask = ((pos < total) & (pos < max_mel_len)).astype(xb.dtype)
        return out * mask[:, None], total

    output, mel_len = jax.vmap(expand_one)(x, duration)
    return output, mel_len.astype(jnp.int32)

if __name__ == "__main__":
    import jax
    _d = setup_inputs()
    print(jax.jit(kernel)(*tuple(_d.values())))

</pallas_src>

<mosaic_0001>
#map = affine_map<(d0, d1) -> (0, 0)>
module attributes {stable_mosaic.version = 14 : i64} {
  func.func @_expand(%arg0: i32, %arg1: i32, %arg2: memref<16384x384xf32, #tpu.memory_space<hbm>>, %arg3: memref<8x2048xi32, #tpu.memory_space<hbm>>, %arg4: memref<114688x384xf32, #tpu.memory_space<hbm>>, %arg5: memref<8x16xi32, #tpu.memory_space<hbm>>, %arg6: memref<2048xi32, #tpu.memory_space<vmem>>, %arg7: memref<2048xi32, #tpu.memory_space<vmem>>, %arg8: memref<4x64xi32, #tpu.memory_space<vmem>>, %arg9: memref<64x384xf32, #tpu.memory_space<vmem>>, %arg10: memref<64x384xf32, #tpu.memory_space<vmem>>, %arg11: memref<64x384xf32, #tpu.memory_space<vmem>>, %arg12: memref<64x384xf32, #tpu.memory_space<vmem>>, %arg13: memref<64x384xf32, #tpu.memory_space<vmem>>, %arg14: memref<16xi32, #tpu.memory_space<vmem>>, %arg15: memref<!tpu.dma_semaphore, #tpu.memory_space<semaphore_mem>>, %arg16: memref<!tpu.dma_semaphore, #tpu.memory_space<semaphore_mem>>, %arg17: memref<!tpu.dma_semaphore, #tpu.memory_space<semaphore_mem>>, %arg18: memref<!tpu.dma_semaphore, #tpu.memory_space<semaphore_mem>>, %arg19: memref<!tpu.dma_semaphore, #tpu.memory_space<semaphore_mem>>, %arg20: memref<!tpu.dma_semaphore, #tpu.memory_space<semaphore_mem>>, %arg21: memref<!tpu.dma_semaphore, #tpu.memory_space<semaphore_mem>>, %arg22: memref<!tpu.dma_semaphore, #tpu.memory_space<semaphore_mem>>, %arg23: memref<!tpu.dma_semaphore, #tpu.memory_space<semaphore_mem>>) attributes {dimension_semantics = [#tpu.dimension_semantics<core_parallel>, #tpu.dimension_semantics<subcore_parallel>], iteration_bounds = array<i64: 2, 16>, scalar_prefetch = 0 : i64, scratch_operands = 18 : i64, tpu.core_type = #tpu.core_type<sc_vector_subcore>, window_params = [{transform_indices = #map}, {transform_indices = #map}, {transform_indices = #map}, {transform_indices = #map}]} {
    %mul3A = arith.constant 16 : i32
    %mul3A_0 = arith.muli %arg0, %mul3A : i32
    %add3A = arith.addi %mul3A_0, %arg1 : i32
    %jit3A = arith.constant 4 : i32
    %div3A = arith.divsi %add3A, %jit3A : i32
    %sign3A = arith.constant 0 : i32
    %sign3A_1 = arith.cmpi sgt, %add3A, %sign3A : i32
    %sign3A_2 = arith.extui %sign3A_1 : i1 to i32
    %sign3A_3 = arith.constant 0 : i32
    %sign3A_4 = arith.cmpi slt, %add3A, %sign3A_3 : i32
    %sign3A_5 = arith.extui %sign3A_4 : i1 to i32
    %sign3A_6 = arith.subi %sign3A_2, %sign3A_5 : i32
    %sign3A_7 = arith.constant 0 : i32
    %sign3A_8 = arith.cmpi sgt, %jit3A, %sign3A_7 : i32
    %sign3A_9 = arith.extui %sign3A_8 : i1 to i32
    %sign3A_10 = arith.constant 0 : i32
    %sign3A_11 = arith.cmpi slt, %jit3A, %sign3A_10 : i32
    %sign3A_12 = arith.extui %sign3A_11 : i1 to i32
    %sign3A_13 = arith.subi %sign3A_9, %sign3A_12 : i32
    %ne3A = arith.cmpi ne, %sign3A_6, %sign3A_13 : i32
    %rem3A = arith.remsi %add3A, %jit3A : i32
    %ne3A_14 = arith.constant 0 : i32
    %ne3A_15 = arith.cmpi ne, %rem3A, %ne3A_14 : i32
    %and3A = arith.andi %ne3A, %ne3A_15 : i1
    %sub3A = arith.constant 1 : i32
    %sub3A_16 = arith.subi %div3A, %sub3A : i32
    %select_n3A = arith.select %and3A, %sub3A_16, %div3A : i32
    %jit3A_17 = arith.constant 4 : i32
    %eq3A = arith.constant 0 : i32
    %eq3A_18 = arith.cmpi eq, %jit3A_17, %eq3A : i32
    %jit3A_19 = arith.constant 1 : i32
    %select_n3A_20 = arith.select %eq3A_18, %jit3A_19, %jit3A_17 : i32
    %rem3A_21 = arith.remsi %add3A, %select_n3A_20 : i32
    %ne3A_22 = arith.constant 0 : i32
    %ne3A_23 = arith.cmpi ne, %rem3A_21, %ne3A_22 : i32
    %lt3A = arith.constant 0 : i32
    %lt3A_24 = arith.cmpi slt, %rem3A_21, %lt3A : i32
    %lt3A_25 = arith.constant 0 : i32
    %lt3A_26 = arith.cmpi slt, %select_n3A_20, %lt3A_25 : i32
    %ne3A_27 = arith.xori %lt3A_24, %lt3A_26 : i1
    %and3A_28 = arith.andi %ne3A_27, %ne3A_23 : i1
    %add3A_29 = arith.addi %rem3A_21, %select_n3A_20 : i32
    %select_n3A_30 = arith.select %and3A_28, %add3A_29, %rem3A_21 : i32
    %mul3A_31 = arith.constant 2048 : i32
    %mul3A_32 = arith.muli %select_n3A, %mul3A_31 : i32
    %iota3A = tpu.iota {dimensions = array<i32: 0>} : vector<16xi32>
    %broadcast_in_dim3A = arith.constant 0.000000e+00 : f32
    %broadcast_in_dim3A_33 = vector.broadcast %broadcast_in_dim3A : f32 to vector<16xf32>
    %dma_start3A = arith.constant 0 : i32
    %dma_start3A_34 = tpu.memref_slice %arg3[%select_n3A, %dma_start3A] : memref<8x2048xi32, #tpu.memory_space<hbm>> -> memref<1x2048xi32, #tpu.memory_space<hbm>>
    %dma_start3A_35 = tpu.memref_squeeze %dma_start3A_34 : memref<1x2048xi32, #tpu.memory_space<hbm>> -> memref<2048xi32, #tpu.memory_space<hbm>>
    %dma_start3A_36 = arith.constant 0 : i32
    %dma_start3A_37 = tpu.memref_slice %arg3[%select_n3A, %dma_start3A_36] : memref<8x2048xi32, #tpu.memory_space<hbm>> -> memref<1x2048xi32, #tpu.memory_space<hbm>>
    %dma_start3A_38 = tpu.memref_squeeze %dma_start3A_37 : memref<1x2048xi32, #tpu.memory_space<hbm>> -> memref<2048xi32, #tpu.memory_space<hbm>>
    tpu.enqueue_dma source(%dma_start3A_38 : memref<2048xi32, #tpu.memory_space<hbm>>) target(%arg6 : memref<2048xi32, #tpu.memory_space<vmem>>) target_semaphore(%arg15 : memref<!tpu.dma_semaphore, #tpu.memory_space<semaphore_mem>>)
    %dma_wait3A = arith.constant 0 : i32
    %dma_wait3A_39 = tpu.memref_slice %arg3[%select_n3A, %dma_wait3A] : memref<8x2048xi32, #tpu.memory_space<hbm>> -> memref<1x2048xi32, #tpu.memory_space<hbm>>
    %dma_wait3A_40 = tpu.memref_squeeze %dma_wait3A_39 : memref<1x2048xi32, #tpu.memory_space<hbm>> -> memref<2048xi32, #tpu.memory_space<hbm>>
    %dma_wait3A_41 = arith.constant 0 : i32
    %dma_wait3A_42 = tpu.memref_slice %arg3[%select_n3A, %dma_wait3A_41] : memref<8x2048xi32, #tpu.memory_space<hbm>> -> memref<1x2048xi32, #tpu.memory_space<hbm>>
    %dma_wait3A_43 = tpu.memref_squeeze %dma_wait3A_42 : memref<1x2048xi32, #tpu.memory_space<hbm>> -> memref<2048xi32, #tpu.memory_space<hbm>>
    tpu.wait_dma2 semaphore(%arg15 : memref<!tpu.dma_semaphore, #tpu.memory_space<semaphore_mem>>) src(%dma_wait3A_43 : memref<2048xi32, #tpu.memory_space<hbm>>) dst(%arg6 : memref<2048xi32, #tpu.memory_space<vmem>>)
    %scan3A = arith.constant 0 : i32
    %scan3A_44 = arith.constant 0 : i32
    %scan3A_45 = arith.constant 64 : i32
    %scan3A_46 = arith.addi %scan3A_44, %scan3A_45 : i32
    %scan3A_47 = arith.constant 1 : i32
    %scan3A_48 = scf.for %scan3A_176 = %scan3A_44 to %scan3A_46 step %scan3A_47 iter_args(%scan3A_177 = %scan3A) -> (i32)  : i32 {
      %mul3A_178 = arith.constant 32 : i32
      %mul3A_179 = arith.muli %scan3A_176, %mul3A_178 : i32
      %add3A_180 = arith.constant 0 : i32
      %add3A_181 = arith.addi %mul3A_179, %add3A_180 : i32
      %get3A = arith.index_cast %add3A_181 : i32 to index
      %get3A_182 = tpu.vector_load %arg6[%get3A] {strides = array<i32>} : memref<2048xi32, #tpu.memory_space<vmem>>, vector<16xi32>,
      %sub3A_183 = arith.constant 1 : i32
      %sub3A_184 = vector.broadcast %sub3A_183 : i32 to vector<16xi32>
      %sub3A_185 = arith.subi %iota3A, %sub3A_184 : vector<16xi32>
      %max3A_186 = arith.constant 0 : i32
      %max3A_187 = vector.broadcast %max3A_186 : i32 to vector<16xi32>
      %max3A_188 = arith.maxsi %sub3A_185, %max3A_187 : vector<16xi32>
      %broadcast_in_dim3A_189 = vector.shape_cast %max3A_188 : vector<16xi32> to vector<16x1xi32>
      %gather3A = vector.shape_cast %broadcast_in_dim3A_189 : vector<16x1xi32> to vector<16xi32>
      %gather3A_190 = tpu.dynamic_gather %get3A_182[%gather3A] in [0] : vector<16xi32>, vector<16xi32> -> vector<16xi32>
      %ge3A = arith.constant 1 : i32
      %ge3A_191 = vector.broadcast %ge3A : i32 to vector<16xi32>
      %ge3A_192 = arith.cmpi sge, %iota3A, %ge3A_191 : vector<16xi32>
      %jit3A_193 = arith.constant 0 : i32
      %broadcast_in_dim3A_194 = vector.broadcast %jit3A_193 : i32 to vector<16xi32>
      %select_n3A_195 = arith.select %ge3A_192, %gather3A_190, %broadcast_in_dim3A_194 : vector<16xi1>, vector<16xi32>
      %add3A_196 = arith.addi %get3A_182, %select_n3A_195 : vector<16xi32>
      %sub3A_197 = arith.constant 2 : i32
      %sub3A_198 = vector.broadcast %sub3A_197 : i32 to vector<16xi32>
      %sub3A_199 = arith.subi %iota3A, %sub3A_198 : vector<16xi32>
      %max3A_200 = arith.constant 0 : i32
      %max3A_201 = vector.broadcast %max3A_200 : i32 to vector<16xi32>
      %max3A_202 = arith.maxsi %sub3A_199, %max3A_201 : vector<16xi32>
      %broadcast_in_dim3A_203 = vector.shape_cast %max3A_202 : vector<16xi32> to vector<16x1xi32>
      %gather3A_204 = vector.shape_cast %broadcast_in_dim3A_203 : vector<16x1xi32> to vector<16xi32>
      %gather3A_205 = tpu.dynamic_gather %add3A_196[%gather3A_204] in [0] : vector<16xi32>, vector<16xi32> -> vector<16xi32>
      %ge3A_206 = arith.constant 2 : i32
      %ge3A_207 = vector.broadcast %ge3A_206 : i32 to vector<16xi32>
      %ge3A_208 = arith.cmpi sge, %iota3A, %ge3A_207 : vector<16xi32>
      %jit3A_209 = arith.constant 0 : i32
      %broadcast_in_dim3A_210 = vector.broadcast %jit3A_209 : i32 to vector<16xi32>
      %select_n3A_211 = arith.select %ge3A_208, %gather3A_205, %broadcast_in_dim3A_210 : vector<16xi1>, vector<16xi32>
      %add3A_212 = arith.addi %add3A_196, %select_n3A_211 : vector<16xi32>
      %sub3A_213 = arith.constant 4 : i32
      %sub3A_214 = vector.broadcast %sub3A_213 : i32 to vector<16xi32>
      %sub3A_215 = arith.subi %iota3A, %sub3A_214 : vector<16xi32>
      %max3A_216 = arith.constant 0 : i32
      %max3A_217 = vector.broadcast %max3A_216 : i32 to vector<16xi32>
      %max3A_218 = arith.maxsi %sub3A_215, %max3A_217 : vector<16xi32>
      %broadcast_in_dim3A_219 = vector.shape_cast %max3A_218 : vector<16xi32> to vector<16x1xi32>
      %gather3A_220 = vector.shape_cast %broadcast_in_dim3A_219 : vector<16x1xi32> to vector<16xi32>
      %gather3A_221 = tpu.dynamic_gather %add3A_212[%gather3A_220] in [0] : vector<16xi32>, vector<16xi32> -> vector<16xi32>
      %ge3A_222 = arith.constant 4 : i32
      %ge3A_223 = vector.broadcast %ge3A_222 : i32 to vector<16xi32>
      %ge3A_224 = arith.cmpi sge, %iota3A, %ge3A_223 : vector<16xi32>
      %jit3A_225 = arith.constant 0 : i32
      %broadcast_in_dim3A_226 = vector.broadcast %jit3A_225 : i32 to vector<16xi32>
      %select_n3A_227 = arith.select %ge3A_224, %gather3A_221, %broadcast_in_dim3A_226 : vector<16xi1>, vector<16xi32>
      %add3A_228 = arith.addi %add3A_212, %select_n3A_227 : vector<16xi32>
      %sub3A_229 = arith.constant 8 : i32
      %sub3A_230 = vector.broadcast %sub3A_229 : i32 to vector<16xi32>
      %sub3A_231 = arith.subi %iota3A, %sub3A_230 : vector<16xi32>
      %max3A_232 = arith.constant 0 : i32
      %max3A_233 = vector.broadcast %max3A_232 : i32 to vector<16xi32>
      %max3A_234 = arith.maxsi %sub3A_231, %max3A_233 : vector<16xi32>
      %broadcast_in_dim3A_235 = vector.shape_cast %max3A_234 : vector<16xi32> to vector<16x1xi32>
      %gather3A_236 = vector.shape_cast %broadcast_in_dim3A_235 : vector<16x1xi32> to vector<16xi32>
      %gather3A_237 = tpu.dynamic_gather %add3A_228[%gather3A_236] in [0] : vector<16xi32>, vector<16xi32> -> vector<16xi32>
      %ge3A_238 = arith.constant 8 : i32
      %ge3A_239 = vector.broadcast %ge3A_238 : i32 to vector<16xi32>
      %ge3A_240 = arith.cmpi sge, %iota3A, %ge3A_239 : vector<16xi32>
      %jit3A_241 = arith.constant 0 : i32
      %broadcast_in_dim3A_242 = vector.broadcast %jit3A_241 : i32 to vector<16xi32>
      %select_n3A_243 = arith.select %ge3A_240, %gather3A_237, %broadcast_in_dim3A_242 : vector<16xi1>, vector<16xi32>
      %add3A_244 = arith.addi %add3A_228, %select_n3A_243 : vector<16xi32>
      %add3A_245 = vector.broadcast %scan3A_177 : i32 to vector<16xi32>
      %add3A_246 = arith.addi %add3A_244, %add3A_245 : vector<16xi32>
      %mul3A_247 = arith.constant 32 : i32
      %mul3A_248 = arith.muli %scan3A_176, %mul3A_247 : i32
      %add3A_249 = arith.constant 0 : i32
      %add3A_250 = arith.addi %mul3A_248, %add3A_249 : i32
      %swap3A = arith.index_cast %add3A_250 : i32 to index
      %swap3A_251 = tpu.vector_load %arg7[%swap3A] {strides = array<i32>} : memref<2048xi32, #tpu.memory_space<vmem>>, vector<16xi32>,
      tpu.vector_store %arg7[%swap3A], %add3A_246 {strides = array<i32>} : memref<2048xi32, #tpu.memory_space<vmem>>, vector<16xi32>,
      %slice3A = vector.extract_strided_slice %add3A_246 {offsets = [15], sizes = [1], strides = [1]} : vector<16xi32> to vector<1xi32>
      %squeeze3A = vector.extract %slice3A[0] : i32 from vector<1xi32>
      %mul3A_252 = arith.constant 32 : i32
      %mul3A_253 = arith.muli %scan3A_176, %mul3A_252 : i32
      %add3A_254 = arith.constant 16 : i32
      %add3A_255 = arith.addi %mul3A_253, %add3A_254 : i32
      %get3A_256 = arith.index_cast %add3A_255 : i32 to index
      %get3A_257 = tpu.vector_load %arg6[%get3A_256] {strides = array<i32>} : memref<2048xi32, #tpu.memory_space<vmem>>, vector<16xi32>,
      %sub3A_258 = arith.constant 1 : i32
      %sub3A_259 = vector.broadcast %sub3A_258 : i32 to vector<16xi32>
      %sub3A_260 = arith.subi %iota3A, %sub3A_259 : vector<16xi32>
      %max3A_261 = arith.constant 0 : i32
      %max3A_262 = vector.broadcast %max3A_261 : i32 to vector<16xi32>
      %max3A_263 = arith.maxsi %sub3A_260, %max3A_262 : vector<16xi32>
      %broadcast_in_dim3A_264 = vector.shape_cast %max3A_263 : vector<16xi32> to vector<16x1xi32>
      %gather3A_265 = vector.shape_cast %broadcast_in_dim3A_264 : vector<16x1xi32> to vector<16xi32>
      %gather3A_266 = tpu.dynamic_gather %get3A_257[%gather3A_265] in [0] : vector<16xi32>, vector<16xi32> -> vector<16xi32>
      %ge3A_267 = arith.constant 1 : i32
      %ge3A_268 = vector.broadcast %ge3A_267 : i32 to vector<16xi32>
      %ge3A_269 = arith.cmpi sge, %iota3A, %ge3A_268 : vector<16xi32>
      %jit3A_270 = arith.constant 0 : i32
      %broadcast_in_dim3A_271 = vector.broadcast %jit3A_270 : i32 to vector<16xi32>
      %select_n3A_272 = arith.select %ge3A_269, %gather3A_266, %broadcast_in_dim3A_271 : vector<16xi1>, vector<16xi32>
      %add3A_273 = arith.addi %get3A_257, %select_n3A_272 : vector<16xi32>
      %sub3A_274 = arith.constant 2 : i32
      %sub3A_275 = vector.broadcast %sub3A_274 : i32 to vector<16xi32>
      %sub3A_276 = arith.subi %iota3A, %sub3A_275 : vector<16xi32>
      %max3A_277 = arith.constant 0 : i32
      %max3A_278 = vector.broadcast %max3A_277 : i32 to vector<16xi32>
      %max3A_279 = arith.maxsi %sub3A_276, %max3A_278 : vector<16xi32>
      %broadcast_in_dim3A_280 = vector.shape_cast %max3A_279 : vector<16xi32> to vector<16x1xi32>
      %gather3A_281 = vector.shape_cast %broadcast_in_dim3A_280 : vector<16x1xi32> to vector<16xi32>
      %gather3A_282 = tpu.dynamic_gather %add3A_273[%gather3A_281] in [0] : vector<16xi32>, vector<16xi32> -> vector<16xi32>
      %ge3A_283 = arith.constant 2 : i32
      %ge3A_284 = vector.broadcast %ge3A_283 : i32 to vector<16xi32>
      %ge3A_285 = arith.cmpi sge, %iota3A, %ge3A_284 : vector<16xi32>
      %jit3A_286 = arith.constant 0 : i32
      %broadcast_in_dim3A_287 = vector.broadcast %jit3A_286 : i32 to vector<16xi32>
      %select_n3A_288 = arith.select %ge3A_285, %gather3A_282, %broadcast_in_dim3A_287 : vector<16xi1>, vector<16xi32>
      %add3A_289 = arith.addi %add3A_273, %select_n3A_288 : vector<16xi32>
      %sub3A_290 = arith.constant 4 : i32
      %sub3A_291 = vector.broadcast %sub3A_290 : i32 to vector<16xi32>
      %sub3A_292 = arith.subi %iota3A, %sub3A_291 : vector<16xi32>
      %max3A_293 = arith.constant 0 : i32
      %max3A_294 = vector.broadcast %max3A_293 : i32 to vector<16xi32>
      %max3A_295 = arith.maxsi %sub3A_292, %max3A_294 : vector<16xi32>
      %broadcast_in_dim3A_296 = vector.shape_cast %max3A_295 : vector<16xi32> to vector<16x1xi32>
      %gather3A_297 = vector.shape_cast %broadcast_in_dim3A_296 : vector<16x1xi32> to vector<16xi32>
      %gather3A_298 = tpu.dynamic_gather %add3A_289[%gather3A_297] in [0] : vector<16xi32>, vector<16xi32> -> vector<16xi32>
      %ge3A_299 = arith.constant 4 : i32
      %ge3A_300 = vector.broadcast %ge3A_299 : i32 to vector<16xi32>
      %ge3A_301 = arith.cmpi sge, %iota3A, %ge3A_300 : vector<16xi32>
      %jit3A_302 = arith.constant 0 : i32
      %broadcast_in_dim3A_303 = vector.broadcast %jit3A_302 : i32 to vector<16xi32>
      %select_n3A_304 = arith.select %ge3A_301, %gather3A_298, %broadcast_in_dim3A_303 : vector<16xi1>, vector<16xi32>
      %add3A_305 = arith.addi %add3A_289, %select_n3A_304 : vector<16xi32>
      %sub3A_306 = arith.constant 8 : i32
      %sub3A_307 = vector.broadcast %sub3A_306 : i32 to vector<16xi32>
      %sub3A_308 = arith.subi %iota3A, %sub3A_307 : vector<16xi32>
      %max3A_309 = arith.constant 0 : i32
      %max3A_310 = vector.broadcast %max3A_309 : i32 to vector<16xi32>
      %max3A_311 = arith.maxsi %sub3A_308, %max3A_310 : vector<16xi32>
      %broadcast_in_dim3A_312 = vector.shape_cast %max3A_311 : vector<16xi32> to vector<16x1xi32>
      %gather3A_313 = vector.shape_cast %broadcast_in_dim3A_312 : vector<16x1xi32> to vector<16xi32>
      %gather3A_314 = tpu.dynamic_gather %add3A_305[%gather3A_313] in [0] : vector<16xi32>, vector<16xi32> -> vector<16xi32>
      %ge3A_315 = arith.constant 8 : i32
      %ge3A_316 = vector.broadcast %ge3A_315 : i32 to vector<16xi32>
      %ge3A_317 = arith.cmpi sge, %iota3A, %ge3A_316 : vector<16xi32>
      %jit3A_318 = arith.constant 0 : i32
      %broadcast_in_dim3A_319 = vector.broadcast %jit3A_318 : i32 to vector<16xi32>
      %select_n3A_320 = arith.select %ge3A_317, %gather3A_314, %broadcast_in_dim3A_319 : vector<16xi1>, vector<16xi32>
      %add3A_321 = arith.addi %add3A_305, %select_n3A_320 : vector<16xi32>
      %add3A_322 = vector.broadcast %squeeze3A : i32 to vector<16xi32>
      %add3A_323 = arith.addi %add3A_321, %add3A_322 : vector<16xi32>
      %mul3A_324 = arith.constant 32 : i32
      %mul3A_325 = arith.muli %scan3A_176, %mul3A_324 : i32
      %add3A_326 = arith.constant 16 : i32
      %add3A_327 = arith.addi %mul3A_325, %add3A_326 : i32
      %swap3A_328 = arith.index_cast %add3A_327 : i32 to index
      %swap3A_329 = tpu.vector_load %arg7[%swap3A_328] {strides = array<i32>} : memref<2048xi32, #tpu.memory_space<vmem>>, vector<16xi32>,
      tpu.vector_store %arg7[%swap3A_328], %add3A_323 {strides = array<i32>} : memref<2048xi32, #tpu.memory_space<vmem>>, vector<16xi32>,
      %slice3A_330 = vector.extract_strided_slice %add3A_323 {offsets = [15], sizes = [1], strides = [1]} : vector<16xi32> to vector<1xi32>
      %squeeze3A_331 = vector.extract %slice3A_330[0] : i32 from vector<1xi32>
      scf.yield %squeeze3A_331 : i32
    }
    %scan3A_49 = arith.constant 64 : i32
    %eq3A_50 = arith.constant 0 : i32
    %eq3A_51 = arith.cmpi eq, %select_n3A_30, %eq3A_50 : i32
    %convert_element_type3A = arith.extui %eq3A_51 : i1 to i32
    %cond3A = arith.constant 0 : i32
    %cond3A_52 = arith.cmpi ne, %convert_element_type3A, %cond3A : i32
    scf.if %cond3A_52 {
      %eq3A_176 = arith.constant 0 : i32
      %eq3A_177 = vector.broadcast %eq3A_176 : i32 to vector<16xi32>
      %eq3A_178 = arith.cmpi eq, %iota3A, %eq3A_177 : vector<16xi32>
      %jit3A_179 = arith.constant 0 : i32
      %broadcast_in_dim3A_180 = vector.broadcast %scan3A_48 : i32 to vector<16xi32>
      %broadcast_in_dim3A_181 = vector.broadcast %jit3A_179 : i32 to vector<16xi32>
      %select_n3A_182 = arith.select %eq3A_178, %broadcast_in_dim3A_180, %broadcast_in_dim3A_181 : vector<16xi1>, vector<16xi32>
      %swap3A = arith.constant 0 : index
      %swap3A_183 = tpu.vector_load %arg14[%swap3A] {strides = array<i32>} : memref<16xi32, #tpu.memory_space<vmem>>, vector<16xi32>,
      tpu.vector_store %arg14[%swap3A], %select_n3A_182 {strides = array<i32>} : memref<16xi32, #tpu.memory_space<vmem>>, vector<16xi32>,
      %dma_start3A_184 = arith.constant 0 : i32
      %dma_start3A_185 = tpu.memref_slice %arg5[%select_n3A, %dma_start3A_184] : memref<8x16xi32, #tpu.memory_space<hbm>> -> memref<1x16xi32, #tpu.memory_space<hbm>>
      %dma_start3A_186 = tpu.memref_squeeze %dma_start3A_185 : memref<1x16xi32, #tpu.memory_space<hbm>> -> memref<16xi32, #tpu.memory_space<hbm>>
      %dma_start3A_187 = arith.constant 0 : i32
      %dma_start3A_188 = tpu.memref_slice %arg5[%select_n3A, %dma_start3A_187] : memref<8x16xi32, #tpu.memory_space<hbm>> -> memref<1x16xi32, #tpu.memory_space<hbm>>
      %dma_start3A_189 = tpu.memref_squeeze %dma_start3A_188 : memref<1x16xi32, #tpu.memory_space<hbm>> -> memref<16xi32, #tpu.memory_space<hbm>>
      tpu.enqueue_dma source(%arg14 : memref<16xi32, #tpu.memory_space<vmem>>) target(%dma_start3A_189 : memref<16xi32, #tpu.memory_space<hbm>>) target_semaphore(%arg15 : memref<!tpu.dma_semaphore, #tpu.memory_space<semaphore_mem>>)
    } else {
    }
    %mul3A_53 = arith.constant 0 : i32
    %mul3A_54 = arith.constant 4 : i32
    %mul3A_55 = arith.muli %mul3A_53, %mul3A_54 : i32
    %add3A_56 = arith.addi %select_n3A_30, %mul3A_55 : i32
    %mul3A_57 = arith.constant 64 : i32
    %mul3A_58 = arith.muli %add3A_56, %mul3A_57 : i32
    %sub3A_59 = arith.subi %scan3A_48, %mul3A_58 : i32
    %jit3A_60 = arith.constant 0 : i32
    %jit3A_61 = arith.constant 64 : i32
    %max3A = arith.maxsi %jit3A_60, %sub3A_59 : i32
    %min3A = arith.minsi %jit3A_61, %max3A : i32
    %gt3A = arith.constant 0 : i32
    %gt3A_62 = arith.cmpi sgt, %min3A, %gt3A : i32
    %convert_element_type3A_63 = arith.extui %gt3A_62 : i1 to i32
    %cond3A_64 = arith.constant 0 : i32
    %cond3A_65 = arith.cmpi ne, %convert_element_type3A_63, %cond3A_64 : i32
    scf.if %cond3A_65 {
      %scan3A_176 = arith.constant 0 : i32
      %scan3A_177 = arith.constant 0 : i32
      %scan3A_178 = arith.constant 4 : i32
      %scan3A_179 = arith.addi %scan3A_177, %scan3A_178 : i32
      %scan3A_180 = arith.constant 1 : i32
      %scan3A_181 = scf.for %scan3A_183 = %scan3A_177 to %scan3A_179 step %scan3A_180 iter_args(%scan3A_184 = %scan3A_176) -> (i32)  : i32 {
        %mul3A_185 = arith.constant 16 : i32
        %mul3A_186 = arith.muli %scan3A_183, %mul3A_185 : i32
        %add3A_187 = arith.addi %mul3A_58, %mul3A_186 : i32
        %add3A_188 = vector.broadcast %add3A_187 : i32 to vector<16xi32>
        %add3A_189 = arith.addi %add3A_188, %iota3A : vector<16xi32>
        %broadcast_in_dim3A_190 = arith.constant 0 : i32
        %broadcast_in_dim3A_191 = vector.broadcast %broadcast_in_dim3A_190 : i32 to vector<16xi32>
        %add3A_192 = arith.constant 1023 : i32
        %add3A_193 = vector.broadcast %add3A_192 : i32 to vector<16xi32>
        %add3A_194 = arith.addi %broadcast_in_dim3A_191, %add3A_193 : vector<16xi32>
        %gather3A = tpu.vector_load_idx %arg7[%add3A_194] : memref<2048xi32, #tpu.memory_space<vmem>>[vector<16xi32>], vector<16xi32>,
        %le3A = arith.cmpi sle, %gather3A, %add3A_189 : vector<16xi32>
        %add3A_195 = arith.constant 1024 : i32
        %add3A_196 = vector.broadcast %add3A_195 : i32 to vector<16xi32>
        %add3A_197 = arith.addi %broadcast_in_dim3A_191, %add3A_196 : vector<16xi32>
        %select_n3A_198 = arith.select %le3A, %add3A_197, %broadcast_in_dim3A_191 : vector<16xi1>, vector<16xi32>
        %add3A_199 = arith.constant 511 : i32
        %add3A_200 = vector.broadcast %add3A_199 : i32 to vector<16xi32>
        %add3A_201 = arith.addi %select_n3A_198, %add3A_200 : vector<16xi32>
        %gather3A_202 = tpu.vector_load_idx %arg7[%add3A_201] : memref<2048xi32, #tpu.memory_space<vmem>>[vector<16xi32>], vector<16xi32>,
        %le3A_203 = arith.cmpi sle, %gather3A_202, %add3A_189 : vector<16xi32>
        %add3A_204 = arith.constant 512 : i32
        %add3A_205 = vector.broadcast %add3A_204 : i32 to vector<16xi32>
        %add3A_206 = arith.addi %select_n3A_198, %add3A_205 : vector<16xi32>
        %select_n3A_207 = arith.select %le3A_203, %add3A_206, %select_n3A_198 : vector<16xi1>, vector<16xi32>
        %add3A_208 = arith.constant 255 : i32
        %add3A_209 = vector.broadcast %add3A_208 : i32 to vector<16xi32>
        %add3A_210 = arith.addi %select_n3A_207, %add3A_209 : vector<16xi32>
        %gather3A_211 = tpu.vector_load_idx %arg7[%add3A_210] : memref<2048xi32, #tpu.memory_space<vmem>>[vector<16xi32>], vector<16xi32>,
        %le3A_212 = arith.cmpi sle, %gather3A_211, %add3A_189 : vector<16xi32>
        %add3A_213 = arith.constant 256 : i32
        %add3A_214 = vector.broadcast %add3A_213 : i32 to vector<16xi32>
        %add3A_215 = arith.addi %select_n3A_207, %add3A_214 : vector<16xi32>
        %select_n3A_216 = arith.select %le3A_212, %add3A_215, %select_n3A_207 : vector<16xi1>, vector<16xi32>
        %add3A_217 = arith.constant 127 : i32
        %add3A_218 = vector.broadcast %add3A_217 : i32 to vector<16xi32>
        %add3A_219 = arith.addi %select_n3A_216, %add3A_218 : vector<16xi32>
        %gather3A_220 = tpu.vector_load_idx %arg7[%add3A_219] : memref<2048xi32, #tpu.memory_space<vmem>>[vector<16xi32>], vector<16xi32>,
        %le3A_221 = arith.cmpi sle, %gather3A_220, %add3A_189 : vector<16xi32>
        %add3A_222 = arith.constant 128 : i32
        %add3A_223 = vector.broadcast %add3A_222 : i32 to vector<16xi32>
        %add3A_224 = arith.addi %select_n3A_216, %add3A_223 : vector<16xi32>
        %select_n3A_225 = arith.select %le3A_221, %add3A_224, %select_n3A_216 : vector<16xi1>, vector<16xi32>
        %add3A_226 = arith.constant 63 : i32
        %add3A_227 = vector.broadcast %add3A_226 : i32 to vector<16xi32>
        %add3A_228 = arith.addi %select_n3A_225, %add3A_227 : vector<16xi32>
        %gather3A_229 = tpu.vector_load_idx %arg7[%add3A_228] : memref<2048xi32, #tpu.memory_space<vmem>>[vector<16xi32>], vector<16xi32>,
        %le3A_230 = arith.cmpi sle, %gather3A_229, %add3A_189 : vector<16xi32>
        %add3A_231 = arith.constant 64 : i32
        %add3A_232 = vector.broadcast %add3A_231 : i32 to vector<16xi32>
        %add3A_233 = arith.addi %select_n3A_225, %add3A_232 : vector<16xi32>
        %select_n3A_234 = arith.select %le3A_230, %add3A_233, %select_n3A_225 : vector<16xi1>, vector<16xi32>
        %add3A_235 = arith.constant 31 : i32
        %add3A_236 = vector.broadcast %add3A_235 : i32 to vector<16xi32>
        %add3A_237 = arith.addi %select_n3A_234, %add3A_236 : vector<16xi32>
        %gather3A_238 = tpu.vector_load_idx %arg7[%add3A_237] : memref<2048xi32, #tpu.memory_space<vmem>>[vector<16xi32>], vector<16xi32>,
        %le3A_239 = arith.cmpi sle, %gather3A_238, %add3A_189 : vector<16xi32>
        %add3A_240 = arith.constant 32 : i32
        %add3A_241 = vector.broadcast %add3A_240 : i32 to vector<16xi32>
        %add3A_242 = arith.addi %select_n3A_234, %add3A_241 : vector<16xi32>
        %select_n3A_243 = arith.select %le3A_239, %add3A_242, %select_n3A_234 : vector<16xi1>, vector<16xi32>
        %add3A_244 = arith.constant 15 : i32
        %add3A_245 = vector.broadcast %add3A_244 : i32 to vector<16xi32>
        %add3A_246 = arith.addi %select_n3A_243, %add3A_245 : vector<16xi32>
        %gather3A_247 = tpu.vector_load_idx %arg7[%add3A_246] : memref<2048xi32, #tpu.memory_space<vmem>>[vector<16xi32>], vector<16xi32>,
        %le3A_248 = arith.cmpi sle, %gather3A_247, %add3A_189 : vector<16xi32>
        %add3A_249 = arith.constant 16 : i32
        %add3A_250 = vector.broadcast %add3A_249 : i32 to vector<16xi32>
        %add3A_251 = arith.addi %select_n3A_243, %add3A_250 : vector<16xi32>
        %select_n3A_252 = arith.select %le3A_248, %add3A_251, %select_n3A_243 : vector<16xi1>, vector<16xi32>
        %add3A_253 = arith.constant 7 : i32
        %add3A_254 = vector.broadcast %add3A_253 : i32 to vector<16xi32>
        %add3A_255 = arith.addi %select_n3A_252, %add3A_254 : vector<16xi32>
        %gather3A_256 = tpu.vector_load_idx %arg7[%add3A_255] : memref<2048xi32, #tpu.memory_space<vmem>>[vector<16xi32>], vector<16xi32>,
        %le3A_257 = arith.cmpi sle, %gather3A_256, %add3A_189 : vector<16xi32>
        %add3A_258 = arith.constant 8 : i32
        %add3A_259 = vector.broadcast %add3A_258 : i32 to vector<16xi32>
        %add3A_260 = arith.addi %select_n3A_252, %add3A_259 : vector<16xi32>
        %select_n3A_261 = arith.select %le3A_257, %add3A_260, %select_n3A_252 : vector<16xi1>, vector<16xi32>
        %add3A_262 = arith.constant 3 : i32
        %add3A_263 = vector.broadcast %add3A_262 : i32 to vector<16xi32>
        %add3A_264 = arith.addi %select_n3A_261, %add3A_263 : vector<16xi32>
        %gather3A_265 = tpu.vector_load_idx %arg7[%add3A_264] : memref<2048xi32, #tpu.memory_space<vmem>>[vector<16xi32>], vector<16xi32>,
        %le3A_266 = arith.cmpi sle, %gather3A_265, %add3A_189 : vector<16xi32>
        %add3A_267 = arith.constant 4 : i32
        %add3A_268 = vector.broadcast %add3A_267 : i32 to vector<16xi32>
        %add3A_269 = arith.addi %select_n3A_261, %add3A_268 : vector<16xi32>
        %select_n3A_270 = arith.select %le3A_266, %add3A_269, %select_n3A_261 : vector<16xi1>, vector<16xi32>
        %add3A_271 = arith.constant 1 : i32
        %add3A_272 = vector.broadcast %add3A_271 : i32 to vector<16xi32>
        %add3A_273 = arith.addi %select_n3A_270, %add3A_272 : vector<16xi32>
        %gather3A_274 = tpu.vector_load_idx %arg7[%add3A_273] : memref<2048xi32, #tpu.memory_space<vmem>>[vector<16xi32>], vector<16xi32>,
        %le3A_275 = arith.cmpi sle, %gather3A_274, %add3A_189 : vector<16xi32>
        %add3A_276 = arith.constant 2 : i32
        %add3A_277 = vector.broadcast %add3A_276 : i32 to vector<16xi32>
        %add3A_278 = arith.addi %select_n3A_270, %add3A_277 : vector<16xi32>
        %select_n3A_279 = arith.select %le3A_275, %add3A_278, %select_n3A_270 : vector<16xi1>, vector<16xi32>
        %add3A_280 = arith.constant 0 : i32
        %add3A_281 = vector.broadcast %add3A_280 : i32 to vector<16xi32>
        %add3A_282 = arith.addi %select_n3A_279, %add3A_281 : vector<16xi32>
        %gather3A_283 = tpu.vector_load_idx %arg7[%add3A_282] : memref<2048xi32, #tpu.memory_space<vmem>>[vector<16xi32>], vector<16xi32>,
        %le3A_284 = arith.cmpi sle, %gather3A_283, %add3A_189 : vector<16xi32>
        %add3A_285 = arith.constant 1 : i32
        %add3A_286 = vector.broadcast %add3A_285 : i32 to vector<16xi32>
        %add3A_287 = arith.addi %select_n3A_279, %add3A_286 : vector<16xi32>
        %select_n3A_288 = arith.select %le3A_284, %add3A_287, %select_n3A_279 : vector<16xi1>, vector<16xi32>
        %min3A_289 = arith.constant 2047 : i32
        %min3A_290 = vector.broadcast %min3A_289 : i32 to vector<16xi32>
        %min3A_291 = arith.minsi %select_n3A_288, %min3A_290 : vector<16xi32>
        %add3A_292 = vector.broadcast %mul3A_32 : i32 to vector<16xi32>
        %add3A_293 = arith.addi %add3A_292, %min3A_291 : vector<16xi32>
        %mul3A_294 = arith.constant 16 : i32
        %mul3A_295 = arith.muli %scan3A_183, %mul3A_294 : i32
        %swap3A = arith.constant 0 : i32
        %swap3A_296 = arith.index_cast %swap3A : i32 to index
        %swap3A_297 = arith.index_cast %mul3A_295 : i32 to index
        %swap3A_298 = tpu.vector_load %arg8[%swap3A_296, %swap3A_297] {strides = array<i32>} : memref<4x64xi32, #tpu.memory_space<vmem>>, vector<16xi32>,
        tpu.vector_store %arg8[%swap3A_296, %swap3A_297], %add3A_293 {strides = array<i32>} : memref<4x64xi32, #tpu.memory_space<vmem>>, vector<16xi32>,
        %scan3A_299 = arith.constant 0 : i32
        scf.yield %scan3A_299 : i32
      }
      %scan3A_182 = arith.constant 4 : i32
    } else {
    }
    %gt3A_66 = arith.constant 0 : i32
    %gt3A_67 = arith.cmpi sgt, %min3A, %gt3A_66 : i32
    %convert_element_type3A_68 = arith.extui %gt3A_67 : i1 to i32
    %cond3A_69 = arith.constant 0 : i32
    %cond3A_70 = arith.cmpi ne, %convert_element_type3A_68, %cond3A_69 : i32
    scf.if %cond3A_70 {
      %dma_start3A_176 = arith.constant 0 : i32
      %dma_start3A_177 = arith.constant 0 : i32
      %dma_start3A_178 = arith.constant 0 : i32
      %dma_start3A_179 = tpu.memref_slice %arg9[%dma_start3A_177, %dma_start3A_178] : memref<64x384xf32, #tpu.memory_space<vmem>> -> memref<32x384xf32, #tpu.memory_space<vmem>>
      %dma_start3A_180 = arith.constant 0 : i32
      %dma_start3A_181 = tpu.memref_slice %arg8[%dma_start3A_176, %dma_start3A_180] : memref<4x64xi32, #tpu.memory_space<vmem>> -> memref<1x32xi32, #tpu.memory_space<vmem>>
      %dma_start3A_182 = tpu.memref_squeeze %dma_start3A_181 : memref<1x32xi32, #tpu.memory_space<vmem>> -> memref<32xi32, #tpu.memory_space<vmem>>
      %dma_start3A_183 = arith.constant 0 : i32
      %dma_start3A_184 = arith.constant 0 : i32
      %dma_start3A_185 = tpu.memref_slice %arg2[%dma_start3A_183, %dma_start3A_184] : memref<16384x384xf32, #tpu.memory_space<hbm>> -> memref<16384x384xf32, #tpu.memory_space<hbm>>
      tpu.enqueue_indirect_dma source(%dma_start3A_185 : memref<16384x384xf32, #tpu.memory_space<hbm>>) target(%dma_start3A_179 : memref<32x384xf32, #tpu.memory_space<vmem>>) offsets(%dma_start3A_182 : memref<32xi32, #tpu.memory_space<vmem>>) semaphore(%arg16 : memref<!tpu.dma_semaphore, #tpu.memory_space<semaphore_mem>>)
      %dma_start3A_186 = arith.constant 0 : i32
      %dma_start3A_187 = arith.constant 32 : i32
      %dma_start3A_188 = arith.constant 0 : i32
      %dma_start3A_189 = tpu.memref_slice %arg9[%dma_start3A_187, %dma_start3A_188] : memref<64x384xf32, #tpu.memory_space<vmem>> -> memref<32x384xf32, #tpu.memory_space<vmem>>
      %dma_start3A_190 = arith.constant 32 : i32
      %dma_start3A_191 = tpu.memref_slice %arg8[%dma_start3A_186, %dma_start3A_190] : memref<4x64xi32, #tpu.memory_space<vmem>> -> memref<1x32xi32, #tpu.memory_space<vmem>>
      %dma_start3A_192 = tpu.memref_squeeze %dma_start3A_191 : memref<1x32xi32, #tpu.memory_space<vmem>> -> memref<32xi32, #tpu.memory_space<vmem>>
      %dma_start3A_193 = arith.constant 0 : i32
      %dma_start3A_194 = arith.constant 0 : i32
      %dma_start3A_195 = tpu.memref_slice %arg2[%dma_start3A_193, %dma_start3A_194] : memref<16384x384xf32, #tpu.memory_space<hbm>> -> memref<16384x384xf32, #tpu.memory_space<hbm>>
      tpu.enqueue_indirect_dma source(%dma_start3A_195 : memref<16384x384xf32, #tpu.memory_space<hbm>>) target(%dma_start3A_189 : memref<32x384xf32, #tpu.memory_space<vmem>>) offsets(%dma_start3A_192 : memref<32xi32, #tpu.memory_space<vmem>>) semaphore(%arg16 : memref<!tpu.dma_semaphore, #tpu.memory_space<semaphore_mem>>)
    } else {
    }
    %mul3A_71 = arith.constant 1 : i32
    %mul3A_72 = arith.constant 4 : i32
    %mul3A_73 = arith.muli %mul3A_71, %mul3A_72 : i32
    %add3A_74 = arith.addi %select_n3A_30, %mul3A_73 : i32
    %mul3A_75 = arith.constant 64 : i32
    %mul3A_76 = arith.muli %add3A_74, %mul3A_75 : i32
    %sub3A_77 = arith.subi %scan3A_48, %mul3A_76 : i32
    %jit3A_78 = arith.constant 0 : i32
    %jit3A_79 = arith.constant 64 : i32
    %max3A_80 = arith.maxsi %jit3A_78, %sub3A_77 : i32
    %min3A_81 = arith.minsi %jit3A_79, %max3A_80 : i32
    %gt3A_82 = arith.constant 0 : i32
    %gt3A_83 = arith.cmpi sgt, %min3A_81, %gt3A_82 : i32
    %convert_element_type3A_84 = arith.extui %gt3A_83 : i1 to i32
    %cond3A_85 = arith.constant 0 : i32
    %cond3A_86 = arith.cmpi ne, %convert_element_type3A_84, %cond3A_85 : i32
    scf.if %cond3A_86 {
      %scan3A_176 = arith.constant 0 : i32
      %scan3A_177 = arith.constant 0 : i32
      %scan3A_178 = arith.constant 4 : i32
      %scan3A_179 = arith.addi %scan3A_177, %scan3A_178 : i32
      %scan3A_180 = arith.constant 1 : i32
      %scan3A_181 = scf.for %scan3A_183 = %scan3A_177 to %scan3A_179 step %scan3A_180 iter_args(%scan3A_184 = %scan3A_176) -> (i32)  : i32 {
        %mul3A_185 = arith.constant 16 : i32
        %mul3A_186 = arith.muli %scan3A_183, %mul3A_185 : i32
        %add3A_187 = arith.addi %mul3A_76, %mul3A_186 : i32
        %add3A_188 = vector.broadcast %add3A_187 : i32 to vector<16xi32>
        %add3A_189 = arith.addi %add3A_188, %iota3A : vector<16xi32>
        %broadcast_in_dim3A_190 = arith.constant 0 : i32
        %broadcast_in_dim3A_191 = vector.broadcast %broadcast_in_dim3A_190 : i32 to vector<16xi32>
        %add3A_192 = arith.constant 1023 : i32
        %add3A_193 = vector.broadcast %add3A_192 : i32 to vector<16xi32>
        %add3A_194 = arith.addi %broadcast_in_dim3A_191, %add3A_193 : vector<16xi32>
        %gather3A = tpu.vector_load_idx %arg7[%add3A_194] : memref<2048xi32, #tpu.memory_space<vmem>>[vector<16xi32>], vector<16xi32>,
        %le3A = arith.cmpi sle, %gather3A, %add3A_189 : vector<16xi32>
        %add3A_195 = arith.constant 1024 : i32
        %add3A_196 = vector.broadcast %add3A_195 : i32 to vector<16xi32>
        %add3A_197 = arith.addi %broadcast_in_dim3A_191, %add3A_196 : vector<16xi32>
        %select_n3A_198 = arith.select %le3A, %add3A_197, %broadcast_in_dim3A_191 : vector<16xi1>, vector<16xi32>
        %add3A_199 = arith.constant 511 : i32
        %add3A_200 = vector.broadcast %add3A_199 : i32 to vector<16xi32>
        %add3A_201 = arith.addi %select_n3A_198, %add3A_200 : vector<16xi32>
        %gather3A_202 = tpu.vector_load_idx %arg7[%add3A_201] : memref<2048xi32, #tpu.memory_space<vmem>>[vector<16xi32>], vector<16xi32>,
        %le3A_203 = arith.cmpi sle, %gather3A_202, %add3A_189 : vector<16xi32>
        %add3A_204 = arith.constant 512 : i32
        %add3A_205 = vector.broadcast %add3A_204 : i32 to vector<16xi32>
        %add3A_206 = arith.addi %select_n3A_198, %add3A_205 : vector<16xi32>
        %select_n3A_207 = arith.select %le3A_203, %add3A_206, %select_n3A_198 : vector<16xi1>, vector<16xi32>
        %add3A_208 = arith.constant 255 : i32
        %add3A_209 = vector.broadcast %add3A_208 : i32 to vector<16xi32>
        %add3A_210 = arith.addi %select_n3A_207, %add3A_209 : vector<16xi32>
        %gather3A_211 = tpu.vector_load_idx %arg7[%add3A_210] : memref<2048xi32, #tpu.memory_space<vmem>>[vector<16xi32>], vector<16xi32>,
        %le3A_212 = arith.cmpi sle, %gather3A_211, %add3A_189 : vector<16xi32>
        %add3A_213 = arith.constant 256 : i32
        %add3A_214 = vector.broadcast %add3A_213 : i32 to vector<16xi32>
        %add3A_215 = arith.addi %select_n3A_207, %add3A_214 : vector<16xi32>
        %select_n3A_216 = arith.select %le3A_212, %add3A_215, %select_n3A_207 : vector<16xi1>, vector<16xi32>
        %add3A_217 = arith.constant 127 : i32
        %add3A_218 = vector.broadcast %add3A_217 : i32 to vector<16xi32>
        %add3A_219 = arith.addi %select_n3A_216, %add3A_218 : vector<16xi32>
        %gather3A_220 = tpu.vector_load_idx %arg7[%add3A_219] : memref<2048xi32, #tpu.memory_space<vmem>>[vector<16xi32>], vector<16xi32>,
        %le3A_221 = arith.cmpi sle, %gather3A_220, %add3A_189 : vector<16xi32>
        %add3A_222 = arith.constant 128 : i32
        %add3A_223 = vector.broadcast %add3A_222 : i32 to vector<16xi32>
        %add3A_224 = arith.addi %select_n3A_216, %add3A_223 : vector<16xi32>
        %select_n3A_225 = arith.select %le3A_221, %add3A_224, %select_n3A_216 : vector<16xi1>, vector<16xi32>
        %add3A_226 = arith.constant 63 : i32
        %add3A_227 = vector.broadcast %add3A_226 : i32 to vector<16xi32>
        %add3A_228 = arith.addi %select_n3A_225, %add3A_227 : vector<16xi32>
        %gather3A_229 = tpu.vector_load_idx %arg7[%add3A_228] : memref<2048xi32, #tpu.memory_space<vmem>>[vector<16xi32>], vector<16xi32>,
        %le3A_230 = arith.cmpi sle, %gather3A_229, %add3A_189 : vector<16xi32>
        %add3A_231 = arith.constant 64 : i32
        %add3A_232 = vector.broadcast %add3A_231 : i32 to vector<16xi32>
        %add3A_233 = arith.addi %select_n3A_225, %add3A_232 : vector<16xi32>
        %select_n3A_234 = arith.select %le3A_230, %add3A_233, %select_n3A_225 : vector<16xi1>, vector<16xi32>
        %add3A_235 = arith.constant 31 : i32
        %add3A_236 = vector.broadcast %add3A_235 : i32 to vector<16xi32>
        %add3A_237 = arith.addi %select_n3A_234, %add3A_236 : vector<16xi32>
        %gather3A_238 = tpu.vector_load_idx %arg7[%add3A_237] : memref<2048xi32, #tpu.memory_space<vmem>>[vector<16xi32>], vector<16xi32>,
        %le3A_239 = arith.cmpi sle, %gather3A_238, %add3A_189 : vector<16xi32>
        %add3A_240 = arith.constant 32 : i32
        %add3A_241 = vector.broadcast %add3A_240 : i32 to vector<16xi32>
        %add3A_242 = arith.addi %select_n3A_234, %add3A_241 : vector<16xi32>
        %select_n3A_243 = arith.select %le3A_239, %add3A_242, %select_n3A_234 : vector<16xi1>, vector<16xi32>
        %add3A_244 = arith.constant 15 : i32
        %add3A_245 = vector.broadcast %add3A_244 : i32 to vector<16xi32>
        %add3A_246 = arith.addi %select_n3A_243, %add3A_245 : vector<16xi32>
        %gather3A_247 = tpu.vector_load_idx %arg7[%add3A_246] : memref<2048xi32, #tpu.memory_space<vmem>>[vector<16xi32>], vector<16xi32>,
        %le3A_248 = arith.cmpi sle, %gather3A_247, %add3A_189 : vector<16xi32>
        %add3A_249 = arith.constant 16 : i32
        %add3A_250 = vector.broadcast %add3A_249 : i32 to vector<16xi32>
        %add3A_251 = arith.addi %select_n3A_243, %add3A_250 : vector<16xi32>
        %select_n3A_252 = arith.select %le3A_248, %add3A_251, %select_n3A_243 : vector<16xi1>, vector<16xi32>
        %add3A_253 = arith.constant 7 : i32
        %add3A_254 = vector.broadcast %add3A_253 : i32 to vector<16xi32>
        %add3A_255 = arith.addi %select_n3A_252, %add3A_254 : vector<16xi32>
        %gather3A_256 = tpu.vector_load_idx %arg7[%add3A_255] : memref<2048xi32, #tpu.memory_space<vmem>>[vector<16xi32>], vector<16xi32>,
        %le3A_257 = arith.cmpi sle, %gather3A_256, %add3A_189 : vector<16xi32>
        %add3A_258 = arith.constant 8 : i32
        %add3A_259 = vector.broadcast %add3A_258 : i32 to vector<16xi32>
        %add3A_260 = arith.addi %select_n3A_252, %add3A_259 : vector<16xi32>
        %select_n3A_261 = arith.select %le3A_257, %add3A_260, %select_n3A_252 : vector<16xi1>, vector<16xi32>
        %add3A_262 = arith.constant 3 : i32
        %add3A_263 = vector.broadcast %add3A_262 : i32 to vector<16xi32>
        %add3A_264 = arith.addi %select_n3A_261, %add3A_263 : vector<16xi32>
        %gather3A_265 = tpu.vector_load_idx %arg7[%add3A_264] : memref<2048xi32, #tpu.memory_space<vmem>>[vector<16xi32>], vector<16xi32>,
        %le3A_266 = arith.cmpi sle, %gather3A_265, %add3A_189 : vector<16xi32>
        %add3A_267 = arith.constant 4 : i32
        %add3A_268 = vector.broadcast %add3A_267 : i32 to vector<16xi32>
        %add3A_269 = arith.addi %select_n3A_261, %add3A_268 : vector<16xi32>
        %select_n3A_270 = arith.select %le3A_266, %add3A_269, %select_n3A_261 : vector<16xi1>, vector<16xi32>
        %add3A_271 = arith.constant 1 : i32
        %add3A_272 = vector.broadcast %add3A_271 : i32 to vector<16xi32>
        %add3A_273 = arith.addi %select_n3A_270, %add3A_272 : vector<16xi32>
        %gather3A_274 = tpu.vector_load_idx %arg7[%add3A_273] : memref<2048xi32, #tpu.memory_space<vmem>>[vector<16xi32>], vector<16xi32>,
        %le3A_275 = arith.cmpi sle, %gather3A_274, %add3A_189 : vector<16xi32>
        %add3A_276 = arith.constant 2 : i32
        %add3A_277 = vector.broadcast %add3A_276 : i32 to vector<16xi32>
        %add3A_278 = arith.addi %select_n3A_270, %add3A_277 : vector<16xi32>
        %select_n3A_279 = arith.select %le3A_275, %add3A_278, %select_n3A_270 : vector<16xi1>, vector<16xi32>
        %add3A_280 = arith.constant 0 : i32
        %add3A_281 = vector.broadcast %add3A_280 : i32 to vector<16xi32>
        %add3A_282 = arith.addi %select_n3A_279, %add3A_281 : vector<16xi32>
        %gather3A_283 = tpu.vector_load_idx %arg7[%add3A_282] : memref<2048xi32, #tpu.memory_space<vmem>>[vector<16xi32>], vector<16xi32>,
        %le3A_284 = arith.cmpi sle, %gather3A_283, %add3A_189 : vector<16xi32>
        %add3A_285 = arith.constant 1 : i32
        %add3A_286 = vector.broadcast %add3A_285 : i32 to vector<16xi32>
        %add3A_287 = arith.addi %select_n3A_279, %add3A_286 : vector<16xi32>
        %select_n3A_288 = arith.select %le3A_284, %add3A_287, %select_n3A_279 : vector<16xi1>, vector<16xi32>
        %min3A_289 = arith.constant 2047 : i32
        %min3A_290 = vector.broadcast %min3A_289 : i32 to vector<16xi32>
        %min3A_291 = arith.minsi %select_n3A_288, %min3A_290 : vector<16xi32>
        %add3A_292 = vector.broadcast %mul3A_32 : i32 to vector<16xi32>
        %add3A_293 = arith.addi %add3A_292, %min3A_291 : vector<16xi32>
        %mul3A_294 = arith.constant 16 : i32
        %mul3A_295 = arith.muli %scan3A_183, %mul3A_294 : i32
        %swap3A = arith.constant 1 : i32
        %swap3A_296 = arith.index_cast %swap3A : i32 to index
        %swap3A_297 = arith.index_cast %mul3A_295 : i32 to index
        %swap3A_298 = tpu.vector_load %arg8[%swap3A_296, %swap3A_297] {strides = array<i32>} : memref<4x64xi32, #tpu.memory_space<vmem>>, vector<16xi32>,
        tpu.vector_store %arg8[%swap3A_296, %swap3A_297], %add3A_293 {strides = array<i32>} : memref<4x64xi32, #tpu.memory_space<vmem>>, vector<16xi32>,
        %scan3A_299 = arith.constant 0 : i32
        scf.yield %scan3A_299 : i32
      }
      %scan3A_182 = arith.constant 4 : i32
    } else {
    }
    %gt3A_87 = arith.constant 0 : i32
    %gt3A_88 = arith.cmpi sgt, %min3A_81, %gt3A_87 : i32
    %convert_element_type3A_89 = arith.extui %gt3A_88 : i1 to i32
    %cond3A_90 = arith.constant 0 : i32
    %cond3A_91 = arith.cmpi ne, %convert_element_type3A_89, %cond3A_90 : i32
    scf.if %cond3A_91 {
      %dma_start3A_176 = arith.constant 1 : i32
      %dma_start3A_177 = arith.constant 0 : i32
      %dma_start3A_178 = arith.constant 0 : i32
      %dma_start3A_179 = tpu.memref_slice %arg10[%dma_start3A_177, %dma_start3A_178] : memref<64x384xf32, #tpu.memory_space<vmem>> -> memref<32x384xf32, #tpu.memory_space<vmem>>
      %dma_start3A_180 = arith.constant 0 : i32
      %dma_start3A_181 = tpu.memref_slice %arg8[%dma_start3A_176, %dma_start3A_180] : memref<4x64xi32, #tpu.memory_space<vmem>> -> memref<1x32xi32, #tpu.memory_space<vmem>>
      %dma_start3A_182 = tpu.memref_squeeze %dma_start3A_181 : memref<1x32xi32, #tpu.memory_space<vmem>> -> memref<32xi32, #tpu.memory_space<vmem>>
      %dma_start3A_183 = arith.constant 0 : i32
      %dma_start3A_184 = arith.constant 0 : i32
      %dma_start3A_185 = tpu.memref_slice %arg2[%dma_start3A_183, %dma_start3A_184] : memref<16384x384xf32, #tpu.memory_space<hbm>> -> memref<16384x384xf32, #tpu.memory_space<hbm>>
      tpu.enqueue_indirect_dma source(%dma_start3A_185 : memref<16384x384xf32, #tpu.memory_space<hbm>>) target(%dma_start3A_179 : memref<32x384xf32, #tpu.memory_space<vmem>>) offsets(%dma_start3A_182 : memref<32xi32, #tpu.memory_space<vmem>>) semaphore(%arg17 : memref<!tpu.dma_semaphore, #tpu.memory_space<semaphore_mem>>)
      %dma_start3A_186 = arith.constant 1 : i32
      %dma_start3A_187 = arith.constant 32 : i32
      %dma_start3A_188 = arith.constant 0 : i32
      %dma_start3A_189 = tpu.memref_slice %arg10[%dma_start3A_187, %dma_start3A_188] : memref<64x384xf32, #tpu.memory_space<vmem>> -> memref<32x384xf32, #tpu.memory_space<vmem>>
      %dma_start3A_190 = arith.constant 32 : i32
      %dma_start3A_191 = tpu.memref_slice %arg8[%dma_start3A_186, %dma_start3A_190] : memref<4x64xi32, #tpu.memory_space<vmem>> -> memref<1x32xi32, #tpu.memory_space<vmem>>
      %dma_start3A_192 = tpu.memref_squeeze %dma_start3A_191 : memref<1x32xi32, #tpu.memory_space<vmem>> -> memref<32xi32, #tpu.memory_space<vmem>>
      %dma_start3A_193 = arith.constant 0 : i32
      %dma_start3A_194 = arith.constant 0 : i32
      %dma_start3A_195 = tpu.memref_slice %arg2[%dma_start3A_193, %dma_start3A_194] : memref<16384x384xf32, #tpu.memory_space<hbm>> -> memref<16384x384xf32, #tpu.memory_space<hbm>>
      tpu.enqueue_indirect_dma source(%dma_start3A_195 : memref<16384x384xf32, #tpu.memory_space<hbm>>) target(%dma_start3A_189 : memref<32x384xf32, #tpu.memory_space<vmem>>) offsets(%dma_start3A_192 : memref<32xi32, #tpu.memory_space<vmem>>) semaphore(%arg17 : memref<!tpu.dma_semaphore, #tpu.memory_space<semaphore_mem>>)
    } else {
    }
    %mul3A_92 = arith.constant 2 : i32
    %mul3A_93 = arith.constant 4 : i32
    %mul3A_94 = arith.muli %mul3A_92, %mul3A_93 : i32
    %add3A_95 = arith.addi %select_n3A_30, %mul3A_94 : i32
    %mul3A_96 = arith.constant 64 : i32
    %mul3A_97 = arith.muli %add3A_95, %mul3A_96 : i32
    %sub3A_98 = arith.subi %scan3A_48, %mul3A_97 : i32
    %jit3A_99 = arith.constant 0 : i32
    %jit3A_100 = arith.constant 64 : i32
    %max3A_101 = arith.maxsi %jit3A_99, %sub3A_98 : i32
    %min3A_102 = arith.minsi %jit3A_100, %max3A_101 : i32
    %gt3A_103 = arith.constant 0 : i32
    %gt3A_104 = arith.cmpi sgt, %min3A_102, %gt3A_103 : i32
    %convert_element_type3A_105 = arith.extui %gt3A_104 : i1 to i32
    %cond3A_106 = arith.constant 0 : i32
    %cond3A_107 = arith.cmpi ne, %convert_element_type3A_105, %cond3A_106 : i32
    scf.if %cond3A_107 {
      %scan3A_176 = arith.constant 0 : i32
      %scan3A_177 = arith.constant 0 : i32
      %scan3A_178 = arith.constant 4 : i32
      %scan3A_179 = arith.addi %scan3A_177, %scan3A_178 : i32
      %scan3A_180 = arith.constant 1 : i32
      %scan3A_181 = scf.for %scan3A_183 = %scan3A_177 to %scan3A_179 step %scan3A_180 iter_args(%scan3A_184 = %scan3A_176) -> (i32)  : i32 {
        %mul3A_185 = arith.constant 16 : i32
        %mul3A_186 = arith.muli %scan3A_183, %mul3A_185 : i32
        %add3A_187 = arith.addi %mul3A_97, %mul3A_186 : i32
        %add3A_188 = vector.broadcast %add3A_187 : i32 to vector<16xi32>
        %add3A_189 = arith.addi %add3A_188, %iota3A : vector<16xi32>
        %broadcast_in_dim3A_190 = arith.constant 0 : i32
        %broadcast_in_dim3A_191 = vector.broadcast %broadcast_in_dim3A_190 : i32 to vector<16xi32>
        %add3A_192 = arith.constant 1023 : i32
        %add3A_193 = vector.broadcast %add3A_192 : i32 to vector<16xi32>
        %add3A_194 = arith.addi %broadcast_in_dim3A_191, %add3A_193 : vector<16xi32>
        %gather3A = tpu.vector_load_idx %arg7[%add3A_194] : memref<2048xi32, #tpu.memory_space<vmem>>[vector<16xi32>], vector<16xi32>,
        %le3A = arith.cmpi sle, %gather3A, %add3A_189 : vector<16xi32>
        %add3A_195 = arith.constant 1024 : i32
        %add3A_196 = vector.broadcast %add3A_195 : i32 to vector<16xi32>
        %add3A_197 = arith.addi %broadcast_in_dim3A_191, %add3A_196 : vector<16xi32>
        %select_n3A_198 = arith.select %le3A, %add3A_197, %broadcast_in_dim3A_191 : vector<16xi1>, vector<16xi32>
        %add3A_199 = arith.constant 511 : i32
        %add3A_200 = vector.broadcast %add3A_199 : i32 to vector<16xi32>
        %add3A_201 = arith.addi %select_n3A_198, %add3A_200 : vector<16xi32>
        %gather3A_202 = tpu.vector_load_idx %arg7[%add3A_201] : memref<2048xi32, #tpu.memory_space<vmem>>[vector<16xi32>], vector<16xi32>,
        %le3A_203 = arith.cmpi sle, %gather3A_202, %add3A_189 : vector<16xi32>
        %add3A_204 = arith.constant 512 : i32
        %add3A_205 = vector.broadcast %add3A_204 : i32 to vector<16xi32>
        %add3A_206 = arith.addi %select_n3A_198, %add3A_205 : vector<16xi32>
        %select_n3A_207 = arith.select %le3A_203, %add3A_206, %select_n3A_198 : vector<16xi1>, vector<16xi32>
        %add3A_208 = arith.constant 255 : i32
        %add3A_209 = vector.broadcast %add3A_208 : i32 to vector<16xi32>
        %add3A_210 = arith.addi %select_n3A_207, %add3A_209 : vector<16xi32>
        %gather3A_211 = tpu.vector_load_idx %arg7[%add3A_210] : memref<2048xi32, #tpu.memory_space<vmem>>[vector<16xi32>], vector<16xi32>,
        %le3A_212 = arith.cmpi sle, %gather3A_211, %add3A_189 : vector<16xi32>
        %add3A_213 = arith.constant 256 : i32
        %add3A_214 = vector.broadcast %add3A_213 : i32 to vector<16xi32>
        %add3A_215 = arith.addi %select_n3A_207, %add3A_214 : vector<16xi32>
        %select_n3A_216 = arith.select %le3A_212, %add3A_215, %select_n3A_207 : vector<16xi1>, vector<16xi32>
        %add3A_217 = arith.constant 127 : i32
        %add3A_218 = vector.broadcast %add3A_217 : i32 to vector<16xi32>
        %add3A_219 = arith.addi %select_n3A_216, %add3A_218 : vector<16xi32>
        %gather3A_220 = tpu.vector_load_idx %arg7[%add3A_219] : memref<2048xi32, #tpu.memory_space<vmem>>[vector<16xi32>], vector<16xi32>,
        %le3A_221 = arith.cmpi sle, %gather3A_220, %add3A_189 : vector<16xi32>
        %add3A_222 = arith.constant 128 : i32
        %add3A_223 = vector.broadcast %add3A_222 : i32 to vector<16xi32>
        %add3A_224 = arith.addi %select_n3A_216, %add3A_223 : vector<16xi32>
        %select_n3A_225 = arith.select %le3A_221, %add3A_224, %select_n3A_216 : vector<16xi1>, vector<16xi32>
        %add3A_226 = arith.constant 63 : i32
        %add3A_227 = vector.broadcast %add3A_226 : i32 to vector<16xi32>
        %add3A_228 = arith.addi %select_n3A_225, %add3A_227 : vector<16xi32>
        %gather3A_229 = tpu.vector_load_idx %arg7[%add3A_228] : memref<2048xi32, #tpu.memory_space<vmem>>[vector<16xi32>], vector<16xi32>,
        %le3A_230 = arith.cmpi sle, %gather3A_229, %add3A_189 : vector<16xi32>
        %add3A_231 = arith.constant 64 : i32
        %add3A_232 = vector.broadcast %add3A_231 : i32 to vector<16xi32>
        %add3A_233 = arith.addi %select_n3A_225, %add3A_232 : vector<16xi32>
        %select_n3A_234 = arith.select %le3A_230, %add3A_233, %select_n3A_225 : vector<16xi1>, vector<16xi32>
        %add3A_235 = arith.constant 31 : i32
        %add3A_236 = vector.broadcast %add3A_235 : i32 to vector<16xi32>
        %add3A_237 = arith.addi %select_n3A_234, %add3A_236 : vector<16xi32>
        %gather3A_238 = tpu.vector_load_idx %arg7[%add3A_237] : memref<2048xi32, #tpu.memory_space<vmem>>[vector<16xi32>], vector<16xi32>,
        %le3A_239 = arith.cmpi sle, %gather3A_238, %add3A_189 : vector<16xi32>
        %add3A_240 = arith.constant 32 : i32
        %add3A_241 = vector.broadcast %add3A_240 : i32 to vector<16xi32>
        %add3A_242 = arith.addi %select_n3A_234, %add3A_241 : vector<16xi32>
        %select_n3A_243 = arith.select %le3A_239, %add3A_242, %select_n3A_234 : vector<16xi1>, vector<16xi32>
        %add3A_244 = arith.constant 15 : i32
        %add3A_245 = vector.broadcast %add3A_244 : i32 to vector<16xi32>
        %add3A_246 = arith.addi %select_n3A_243, %add3A_245 : vector<16xi32>
        %gather3A_247 = tpu.vector_load_idx %arg7[%add3A_246] : memref<2048xi32, #tpu.memory_space<vmem>>[vector<16xi32>], vector<16xi32>,
        %le3A_248 = arith.cmpi sle, %gather3A_247, %add3A_189 : vector<16xi32>
        %add3A_249 = arith.constant 16 : i32
        %add3A_250 = vector.broadcast %add3A_249 : i32 to vector<16xi32>
        %add3A_251 = arith.addi %select_n3A_243, %add3A_250 : vector<16xi32>
        %select_n3A_252 = arith.select %le3A_248, %add3A_251, %select_n3A_243 : vector<16xi1>, vector<16xi32>
        %add3A_253 = arith.constant 7 : i32
        %add3A_254 = vector.broadcast %add3A_253 : i32 to vector<16xi32>
        %add3A_255 = arith.addi %select_n3A_252, %add3A_254 : vector<16xi32>
        %gather3A_256 = tpu.vector_load_idx %arg7[%add3A_255] : memref<2048xi32, #tpu.memory_space<vmem>>[vector<16xi32>], vector<16xi32>,
        %le3A_257 = arith.cmpi sle, %gather3A_256, %add3A_189 : vector<16xi32>
        %add3A_258 = arith.constant 8 : i32
        %add3A_259 = vector.broadcast %add3A_258 : i32 to vector<16xi32>
        %add3A_260 = arith.addi %select_n3A_252, %add3A_259 : vector<16xi32>
        %select_n3A_261 = arith.select %le3A_257, %add3A_260, %select_n3A_252 : vector<16xi1>, vector<16xi32>
        %add3A_262 = arith.constant 3 : i32
        %add3A_263 = vector.broadcast %add3A_262 : i32 to vector<16xi32>
        %add3A_264 = arith.addi %select_n3A_261, %add3A_263 : vector<16xi32>
        %gather3A_265 = tpu.vector_load_idx %arg7[%add3A_264] : memref<2048xi32, #tpu.memory_space<vmem>>[vector<16xi32>], vector<16xi32>,
        %le3A_266 = arith.cmpi sle, %gather3A_265, %add3A_189 : vector<16xi32>
        %add3A_267 = arith.constant 4 : i32
        %add3A_268 = vector.broadcast %add3A_267 : i32 to vector<16xi32>
        %add3A_269 = arith.addi %select_n3A_261, %add3A_268 : vector<16xi32>
        %select_n3A_270 = arith.select %le3A_266, %add3A_269, %select_n3A_261 : vector<16xi1>, vector<16xi32>
        %add3A_271 = arith.constant 1 : i32
        %add3A_272 = vector.broadcast %add3A_271 : i32 to vector<16xi32>
        %add3A_273 = arith.addi %select_n3A_270, %add3A_272 : vector<16xi32>
        %gather3A_274 = tpu.vector_load_idx %arg7[%add3A_273] : memref<2048xi32, #tpu.memory_space<vmem>>[vector<16xi32>], vector<16xi32>,
        %le3A_275 = arith.cmpi sle, %gather3A_274, %add3A_189 : vector<16xi32>
        %add3A_276 = arith.constant 2 : i32
        %add3A_277 = vector.broadcast %add3A_276 : i32 to vector<16xi32>
        %add3A_278 = arith.addi %select_n3A_270, %add3A_277 : vector<16xi32>
        %select_n3A_279 = arith.select %le3A_275, %add3A_278, %select_n3A_270 : vector<16xi1>, vector<16xi32>
        %add3A_280 = arith.constant 0 : i32
        %add3A_281 = vector.broadcast %add3A_280 : i32 to vector<16xi32>
        %add3A_282 = arith.addi %select_n3A_279, %add3A_281 : vector<16xi32>
        %gather3A_283 = tpu.vector_load_idx %arg7[%add3A_282] : memref<2048xi32, #tpu.memory_space<vmem>>[vector<16xi32>], vector<16xi32>,
        %le3A_284 = arith.cmpi sle, %gather3A_283, %add3A_189 : vector<16xi32>
        %add3A_285 = arith.constant 1 : i32
        %add3A_286 = vector.broadcast %add3A_285 : i32 to vector<16xi32>
        %add3A_287 = arith.addi %select_n3A_279, %add3A_286 : vector<16xi32>
        %select_n3A_288 = arith.select %le3A_284, %add3A_287, %select_n3A_279 : vector<16xi1>, vector<16xi32>
        %min3A_289 = arith.constant 2047 : i32
        %min3A_290 = vector.broadcast %min3A_289 : i32 to vector<16xi32>
        %min3A_291 = arith.minsi %select_n3A_288, %min3A_290 : vector<16xi32>
        %add3A_292 = vector.broadcast %mul3A_32 : i32 to vector<16xi32>
        %add3A_293 = arith.addi %add3A_292, %min3A_291 : vector<16xi32>
        %mul3A_294 = arith.constant 16 : i32
        %mul3A_295 = arith.muli %scan3A_183, %mul3A_294 : i32
        %swap3A = arith.constant 2 : i32
        %swap3A_296 = arith.index_cast %swap3A : i32 to index
        %swap3A_297 = arith.index_cast %mul3A_295 : i32 to index
        %swap3A_298 = tpu.vector_load %arg8[%swap3A_296, %swap3A_297] {strides = array<i32>} : memref<4x64xi32, #tpu.memory_space<vmem>>, vector<16xi32>,
        tpu.vector_store %arg8[%swap3A_296, %swap3A_297], %add3A_293 {strides = array<i32>} : memref<4x64xi32, #tpu.memory_space<vmem>>, vector<16xi32>,
        %scan3A_299 = arith.constant 0 : i32
        scf.yield %scan3A_299 : i32
      }
      %scan3A_182 = arith.constant 4 : i32
    } else {
    }
    %gt3A_108 = arith.constant 0 : i32
    %gt3A_109 = arith.cmpi sgt, %min3A_102, %gt3A_108 : i32
    %convert_element_type3A_110 = arith.extui %gt3A_109 : i1 to i32
    %cond3A_111 = arith.constant 0 : i32
    %cond3A_112 = arith.cmpi ne, %convert_element_type3A_110, %cond3A_111 : i32
    scf.if %cond3A_112 {
      %dma_start3A_176 = arith.constant 2 : i32
      %dma_start3A_177 = arith.constant 0 : i32
      %dma_start3A_178 = arith.constant 0 : i32
      %dma_start3A_179 = tpu.memref_slice %arg11[%dma_start3A_177, %dma_start3A_178] : memref<64x384xf32, #tpu.memory_space<vmem>> -> memref<32x384xf32, #tpu.memory_space<vmem>>
      %dma_start3A_180 = arith.constant 0 : i32
      %dma_start3A_181 = tpu.memref_slice %arg8[%dma_start3A_176, %dma_start3A_180] : memref<4x64xi32, #tpu.memory_space<vmem>> -> memref<1x32xi32, #tpu.memory_space<vmem>>
      %dma_start3A_182 = tpu.memref_squeeze %dma_start3A_181 : memref<1x32xi32, #tpu.memory_space<vmem>> -> memref<32xi32, #tpu.memory_space<vmem>>
      %dma_start3A_183 = arith.constant 0 : i32
      %dma_start3A_184 = arith.constant 0 : i32
      %dma_start3A_185 = tpu.memref_slice %arg2[%dma_start3A_183, %dma_start3A_184] : memref<16384x384xf32, #tpu.memory_space<hbm>> -> memref<16384x384xf32, #tpu.memory_space<hbm>>
      tpu.enqueue_indirect_dma source(%dma_start3A_185 : memref<16384x384xf32, #tpu.memory_space<hbm>>) target(%dma_start3A_179 : memref<32x384xf32, #tpu.memory_space<vmem>>) offsets(%dma_start3A_182 : memref<32xi32, #tpu.memory_space<vmem>>) semaphore(%arg18 : memref<!tpu.dma_semaphore, #tpu.memory_space<semaphore_mem>>)
      %dma_start3A_186 = arith.constant 2 : i32
      %dma_start3A_187 = arith.constant 32 : i32
      %dma_start3A_188 = arith.constant 0 : i32
      %dma_start3A_189 = tpu.memref_slice %arg11[%dma_start3A_187, %dma_start3A_188] : memref<64x384xf32, #tpu.memory_space<vmem>> -> memref<32x384xf32, #tpu.memory_space<vmem>>
      %dma_start3A_190 = arith.constant 32 : i32
      %dma_start3A_191 = tpu.memref_slice %arg8[%dma_start3A_186, %dma_start3A_190] : memref<4x64xi32, #tpu.memory_space<vmem>> -> memref<1x32xi32, #tpu.memory_space<vmem>>
      %dma_start3A_192 = tpu.memref_squeeze %dma_start3A_191 : memref<1x32xi32, #tpu.memory_space<vmem>> -> memref<32xi32, #tpu.memory_space<vmem>>
      %dma_start3A_193 = arith.constant 0 : i32
      %dma_start3A_194 = arith.constant 0 : i32
      %dma_start3A_195 = tpu.memref_slice %arg2[%dma_start3A_193, %dma_start3A_194] : memref<16384x384xf32, #tpu.memory_space<hbm>> -> memref<16384x384xf32, #tpu.memory_space<hbm>>
      tpu.enqueue_indirect_dma source(%dma_start3A_195 : memref<16384x384xf32, #tpu.memory_space<hbm>>) target(%dma_start3A_189 : memref<32x384xf32, #tpu.memory_space<vmem>>) offsets(%dma_start3A_192 : memref<32xi32, #tpu.memory_space<vmem>>) semaphore(%arg18 : memref<!tpu.dma_semaphore, #tpu.memory_space<semaphore_mem>>)
    } else {
    }
    %scan3A_113 = arith.constant 0 : i32
    %scan3A_114 = arith.constant 0 : i32
    %scan3A_115 = arith.constant 64 : i32
    %scan3A_116 = arith.addi %scan3A_114, %scan3A_115 : i32
    %scan3A_117 = arith.constant 1 : i32
    %scan3A_118 = scf.for %scan3A_176 = %scan3A_114 to %scan3A_116 step %scan3A_117 iter_args(%scan3A_177 = %scan3A_113) -> (i32)  : i32 {
      %swap3A = arith.index_cast %scan3A_176 : i32 to index
      %swap3A_178 = arith.constant 0 : index
      %swap3A_179 = tpu.vector_load %arg13[%swap3A, %swap3A_178] {strides = array<i32>} : memref<64x384xf32, #tpu.memory_space<vmem>>, vector<16xf32>,
      tpu.vector_store %arg13[%swap3A, %swap3A_178], %broadcast_in_dim3A_33 {strides = array<i32>} : memref<64x384xf32, #tpu.memory_space<vmem>>, vector<16xf32>,
      %swap3A_180 = arith.index_cast %scan3A_176 : i32 to index
      %swap3A_181 = arith.constant 16 : index
      %swap3A_182 = tpu.vector_load %arg13[%swap3A_180, %swap3A_181] {strides = array<i32>} : memref<64x384xf32, #tpu.memory_space<vmem>>, vector<16xf32>,
      tpu.vector_store %arg13[%swap3A_180, %swap3A_181], %broadcast_in_dim3A_33 {strides = array<i32>} : memref<64x384xf32, #tpu.memory_space<vmem>>, vector<16xf32>,
      %swap3A_183 = arith.index_cast %scan3A_176 : i32 to index
      %swap3A_184 = arith.constant 32 : index
      %swap3A_185 = tpu.vector_load %arg13[%swap3A_183, %swap3A_184] {strides = array<i32>} : memref<64x384xf32, #tpu.memory_space<vmem>>, vector<16xf32>,
      tpu.vector_store %arg13[%swap3A_183, %swap3A_184], %broadcast_in_dim3A_33 {strides = array<i32>} : memref<64x384xf32, #tpu.memory_space<vmem>>, vector<16xf32>,
      %swap3A_186 = arith.index_cast %scan3A_176 : i32 to index
      %swap3A_187 = arith.constant 48 : index
      %swap3A_188 = tpu.vector_load %arg13[%swap3A_186, %swap3A_187] {strides = array<i32>} : memref<64x384xf32, #tpu.memory_space<vmem>>, vector<16xf32>,
      tpu.vector_store %arg13[%swap3A_186, %swap3A_187], %broadcast_in_dim3A_33 {strides = array<i32>} : memref<64x384xf32, #tpu.memory_space<vmem>>, vector<16xf32>,
      %swap3A_189 = arith.index_cast %scan3A_176 : i32 to index
      %swap3A_190 = arith.constant 64 : index
      %swap3A_191 = tpu.vector_load %arg13[%swap3A_189, %swap3A_190] {strides = array<i32>} : memref<64x384xf32, #tpu.memory_space<vmem>>, vector<16xf32>,
      tpu.vector_store %arg13[%swap3A_189, %swap3A_190], %broadcast_in_dim3A_33 {strides = array<i32>} : memref<64x384xf32, #tpu.memory_space<vmem>>, vector<16xf32>,
      %swap3A_192 = arith.index_cast %scan3A_176 : i32 to index
      %swap3A_193 = arith.constant 80 : index
      %swap3A_194 = tpu.vector_load %arg13[%swap3A_192, %swap3A_193] {strides = array<i32>} : memref<64x384xf32, #tpu.memory_space<vmem>>, vector<16xf32>,
      tpu.vector_store %arg13[%swap3A_192, %swap3A_193], %broadcast_in_dim3A_33 {strides = array<i32>} : memref<64x384xf32, #tpu.memory_space<vmem>>, vector<16xf32>,
      %swap3A_195 = arith.index_cast %scan3A_176 : i32 to index
      %swap3A_196 = arith.constant 96 : index
      %swap3A_197 = tpu.vector_load %arg13[%swap3A_195, %swap3A_196] {strides = array<i32>} : memref<64x384xf32, #tpu.memory_space<vmem>>, vector<16xf32>,
      tpu.vector_store %arg13[%swap3A_195, %swap3A_196], %broadcast_in_dim3A_33 {strides = array<i32>} : memref<64x384xf32, #tpu.memory_space<vmem>>, vector<16xf32>,
      %swap3A_198 = arith.index_cast %scan3A_176 : i32 to index
      %swap3A_199 = arith.constant 112 : index
      %swap3A_200 = tpu.vector_load %arg13[%swap3A_198, %swap3A_199] {strides = array<i32>} : memref<64x384xf32, #tpu.memory_space<vmem>>, vector<16xf32>,
      tpu.vector_store %arg13[%swap3A_198, %swap3A_199], %broadcast_in_dim3A_33 {strides = array<i32>} : memref<64x384xf32, #tpu.memory_space<vmem>>, vector<16xf32>,
      %swap3A_201 = arith.index_cast %scan3A_176 : i32 to index
      %swap3A_202 = arith.constant 128 : index
      %swap3A_203 = tpu.vector_load %arg13[%swap3A_201, %swap3A_202] {strides = array<i32>} : memref<64x384xf32, #tpu.memory_space<vmem>>, vector<16xf32>,
      tpu.vector_store %arg13[%swap3A_201, %swap3A_202], %broadcast_in_dim3A_33 {strides = array<i32>} : memref<64x384xf32, #tpu.memory_space<vmem>>, vector<16xf32>,
      %swap3A_204 = arith.index_cast %scan3A_176 : i32 to index
      %swap3A_205 = arith.constant 144 : index
      %swap3A_206 = tpu.vector_load %arg13[%swap3A_204, %swap3A_205] {strides = array<i32>} : memref<64x384xf32, #tpu.memory_space<vmem>>, vector<16xf32>,
      tpu.vector_store %arg13[%swap3A_204, %swap3A_205], %broadcast_in_dim3A_33 {strides = array<i32>} : memref<64x384xf32, #tpu.memory_space<vmem>>, vector<16xf32>,
      %swap3A_207 = arith.index_cast %scan3A_176 : i32 to index
      %swap3A_208 = arith.constant 160 : index
      %swap3A_209 = tpu.vector_load %arg13[%swap3A_207, %swap3A_208] {strides = array<i32>} : memref<64x384xf32, #tpu.memory_space<vmem>>, vector<16xf32>,
      tpu.vector_store %arg13[%swap3A_207, %swap3A_208], %broadcast_in_dim3A_33 {strides = array<i32>} : memref<64x384xf32, #tpu.memory_space<vmem>>, vector<16xf32>,
      %swap3A_210 = arith.index_cast %scan3A_176 : i32 to index
      %swap3A_211 = arith.constant 176 : index
      %swap3A_212 = tpu.vector_load %arg13[%swap3A_210, %swap3A_211] {strides = array<i32>} : memref<64x384xf32, #tpu.memory_space<vmem>>, vector<16xf32>,
      tpu.vector_store %arg13[%swap3A_210, %swap3A_211], %broadcast_in_dim3A_33 {strides = array<i32>} : memref<64x384xf32, #tpu.memory_space<vmem>>, vector<16xf32>,
      %swap3A_213 = arith.index_cast %scan3A_176 : i32 to index
      %swap3A_214 = arith.constant 192 : index
      %swap3A_215 = tpu.vector_load %arg13[%swap3A_213, %swap3A_214] {strides = array<i32>} : memref<64x384xf32, #tpu.memory_space<vmem>>, vector<16xf32>,
      tpu.vector_store %arg13[%swap3A_213, %swap3A_214], %broadcast_in_dim3A_33 {strides = array<i32>} : memref<64x384xf32, #tpu.memory_space<vmem>>, vector<16xf32>,
      %swap3A_216 = arith.index_cast %scan3A_176 : i32 to index
      %swap3A_217 = arith.constant 208 : index
      %swap3A_218 = tpu.vector_load %arg13[%swap3A_216, %swap3A_217] {strides = array<i32>} : memref<64x384xf32, #tpu.memory_space<vmem>>, vector<16xf32>,
      tpu.vector_store %arg13[%swap3A_216, %swap3A_217], %broadcast_in_dim3A_33 {strides = array<i32>} : memref<64x384xf32, #tpu.memory_space<vmem>>, vector<16xf32>,
      %swap3A_219 = arith.index_cast %scan3A_176 : i32 to index
      %swap3A_220 = arith.constant 224 : index
      %swap3A_221 = tpu.vector_load %arg13[%swap3A_219, %swap3A_220] {strides = array<i32>} : memref<64x384xf32, #tpu.memory_space<vmem>>, vector<16xf32>,
      tpu.vector_store %arg13[%swap3A_219, %swap3A_220], %broadcast_in_dim3A_33 {strides = array<i32>} : memref<64x384xf32, #tpu.memory_space<vmem>>, vector<16xf32>,
      %swap3A_222 = arith.index_cast %scan3A_176 : i32 to index
      %swap3A_223 = arith.constant 240 : index
      %swap3A_224 = tpu.vector_load %arg13[%swap3A_222, %swap3A_223] {strides = array<i32>} : memref<64x384xf32, #tpu.memory_space<vmem>>, vector<16xf32>,
      tpu.vector_store %arg13[%swap3A_222, %swap3A_223], %broadcast_in_dim3A_33 {strides = array<i32>} : memref<64x384xf32, #tpu.memory_space<vmem>>, vector<16xf32>,
      %swap3A_225 = arith.index_cast %scan3A_176 : i32 to index
      %swap3A_226 = arith.constant 256 : index
      %swap3A_227 = tpu.vector_load %arg13[%swap3A_225, %swap3A_226] {strides = array<i32>} : memref<64x384xf32, #tpu.memory_space<vmem>>, vector<16xf32>,
      tpu.vector_store %arg13[%swap3A_225, %swap3A_226], %broadcast_in_dim3A_33 {strides = array<i32>} : memref<64x384xf32, #tpu.memory_space<vmem>>, vector<16xf32>,
      %swap3A_228 = arith.index_cast %scan3A_176 : i32 to index
      %swap3A_229 = arith.constant 272 : index
      %swap3A_230 = tpu.vector_load %arg13[%swap3A_228, %swap3A_229] {strides = array<i32>} : memref<64x384xf32, #tpu.memory_space<vmem>>, vector<16xf32>,
      tpu.vector_store %arg13[%swap3A_228, %swap3A_229], %broadcast_in_dim3A_33 {strides = array<i32>} : memref<64x384xf32, #tpu.memory_space<vmem>>, vector<16xf32>,
      %swap3A_231 = arith.index_cast %scan3A_176 : i32 to index
      %swap3A_232 = arith.constant 288 : index
      %swap3A_233 = tpu.vector_load %arg13[%swap3A_231, %swap3A_232] {strides = array<i32>} : memref<64x384xf32, #tpu.memory_space<vmem>>, vector<16xf32>,
      tpu.vector_store %arg13[%swap3A_231, %swap3A_232], %broadcast_in_dim3A_33 {strides = array<i32>} : memref<64x384xf32, #tpu.memory_space<vmem>>, vector<16xf32>,
      %swap3A_234 = arith.index_cast %scan3A_176 : i32 to index
      %swap3A_235 = arith.constant 304 : index
      %swap3A_236 = tpu.vector_load %arg13[%swap3A_234, %swap3A_235] {strides = array<i32>} : memref<64x384xf32, #tpu.memory_space<vmem>>, vector<16xf32>,
      tpu.vector_store %arg13[%swap3A_234, %swap3A_235], %broadcast_in_dim3A_33 {strides = array<i32>} : memref<64x384xf32, #tpu.memory_space<vmem>>, vector<16xf32>,
      %swap3A_237 = arith.index_cast %scan3A_176 : i32 to index
      %swap3A_238 = arith.constant 320 : index
      %swap3A_239 = tpu.vector_load %arg13[%swap3A_237, %swap3A_238] {strides = array<i32>} : memref<64x384xf32, #tpu.memory_space<vmem>>, vector<16xf32>,
      tpu.vector_store %arg13[%swap3A_237, %swap3A_238], %broadcast_in_dim3A_33 {strides = array<i32>} : memref<64x384xf32, #tpu.memory_space<vmem>>, vector<16xf32>,
      %swap3A_240 = arith.index_cast %scan3A_176 : i32 to index
      %swap3A_241 = arith.constant 336 : index
      %swap3A_242 = tpu.vector_load %arg13[%swap3A_240, %swap3A_241] {strides = array<i32>} : memref<64x384xf32, #tpu.memory_space<vmem>>, vector<16xf32>,
      tpu.vector_store %arg13[%swap3A_240, %swap3A_241], %broadcast_in_dim3A_33 {strides = array<i32>} : memref<64x384xf32, #tpu.memory_space<vmem>>, vector<16xf32>,
      %swap3A_243 = arith.index_cast %scan3A_176 : i32 to index
      %swap3A_244 = arith.constant 352 : index
      %swap3A_245 = tpu.vector_load %arg13[%swap3A_243, %swap3A_244] {strides = array<i32>} : memref<64x384xf32, #tpu.memory_space<vmem>>, vector<16xf32>,
      tpu.vector_store %arg13[%swap3A_243, %swap3A_244], %broadcast_in_dim3A_33 {strides = array<i32>} : memref<64x384xf32, #tpu.memory_space<vmem>>, vector<16xf32>,
      %swap3A_246 = arith.index_cast %scan3A_176 : i32 to index
      %swap3A_247 = arith.constant 368 : index
      %swap3A_248 = tpu.vector_load %arg13[%swap3A_246, %swap3A_247] {strides = array<i32>} : memref<64x384xf32, #tpu.memory_space<vmem>>, vector<16xf32>,
      tpu.vector_store %arg13[%swap3A_246, %swap3A_247], %broadcast_in_dim3A_33 {strides = array<i32>} : memref<64x384xf32, #tpu.memory_space<vmem>>, vector<16xf32>,
      %scan3A_249 = arith.constant 0 : i32
      scf.yield %scan3A_249 : i32
    }
    %scan3A_119 = arith.constant 64 : i32
    %scan3A_120 = arith.constant 0 : i32
    %scan3A_121 = arith.constant 0 : i32
    %scan3A_122 = arith.constant 14 : i32
    %scan3A_123 = arith.addi %scan3A_121, %scan3A_122 : i32
    %scan3A_124 = arith.constant 1 : i32
    %scan3A_125 = scf.for %scan3A_176 = %scan3A_121 to %scan3A_123 step %scan3A_124 iter_args(%scan3A_177 = %scan3A_120) -> (i32)  : i32 {
      %mul3A_178 = arith.constant 4 : i32
      %mul3A_179 = arith.muli %scan3A_176, %mul3A_178 : i32
      %add3A_180 = arith.constant 0 : i32
      %add3A_181 = arith.addi %mul3A_179, %add3A_180 : i32
      %add3A_182 = arith.constant 3 : i32
      %add3A_183 = arith.addi %add3A_181, %add3A_182 : i32
      %lt3A_184 = arith.constant 56 : i32
      %lt3A_185 = arith.cmpi slt, %add3A_183, %lt3A_184 : i32
      %convert_element_type3A_186 = arith.extui %lt3A_185 : i1 to i32
      %cond3A_187 = arith.constant 0 : i32
      %cond3A_188 = arith.cmpi ne, %convert_element_type3A_186, %cond3A_187 : i32
      scf.if %cond3A_188 {
        %mul3A_251 = arith.constant 4 : i32
        %mul3A_252 = arith.muli %add3A_183, %mul3A_251 : i32
        %add3A_253 = arith.addi %select_n3A_30, %mul3A_252 : i32
        %mul3A_254 = arith.constant 64 : i32
        %mul3A_255 = arith.muli %add3A_253, %mul3A_254 : i32
        %sub3A_256 = arith.subi %scan3A_48, %mul3A_255 : i32
        %jit3A_257 = arith.constant 0 : i32
        %jit3A_258 = arith.constant 64 : i32
        %max3A_259 = arith.maxsi %jit3A_257, %sub3A_256 : i32
        %min3A_260 = arith.minsi %jit3A_258, %max3A_259 : i32
        %gt3A_261 = arith.constant 0 : i32
        %gt3A_262 = arith.cmpi sgt, %min3A_260, %gt3A_261 : i32
        %convert_element_type3A_263 = arith.extui %gt3A_262 : i1 to i32
        %cond3A_264 = arith.constant 0 : i32
        %cond3A_265 = arith.cmpi ne, %convert_element_type3A_263, %cond3A_264 : i32
        scf.if %cond3A_265 {
          %scan3A_275 = arith.constant 0 : i32
          %scan3A_276 = arith.constant 0 : i32
          %scan3A_277 = arith.constant 4 : i32
          %scan3A_278 = arith.addi %scan3A_276, %scan3A_277 : i32
          %scan3A_279 = arith.constant 1 : i32
          %scan3A_280 = scf.for %scan3A_282 = %scan3A_276 to %scan3A_278 step %scan3A_279 iter_args(%scan3A_283 = %scan3A_275) -> (i32)  : i32 {
            %mul3A_284 = arith.constant 16 : i32
            %mul3A_285 = arith.muli %scan3A_282, %mul3A_284 : i32
            %add3A_286 = arith.addi %mul3A_255, %mul3A_285 : i32
            %add3A_287 = vector.broadcast %add3A_286 : i32 to vector<16xi32>
            %add3A_288 = arith.addi %add3A_287, %iota3A : vector<16xi32>
            %broadcast_in_dim3A_289 = arith.constant 0 : i32
            %broadcast_in_dim3A_290 = vector.broadcast %broadcast_in_dim3A_289 : i32 to vector<16xi32>
            %add3A_291 = arith.constant 1023 : i32
            %add3A_292 = vector.broadcast %add3A_291 : i32 to vector<16xi32>
            %add3A_293 = arith.addi %broadcast_in_dim3A_290, %add3A_292 : vector<16xi32>
            %gather3A = tpu.vector_load_idx %arg7[%add3A_293] : memref<2048xi32, #tpu.memory_space<vmem>>[vector<16xi32>], vector<16xi32>,
            %le3A = arith.cmpi sle, %gather3A, %add3A_288 : vector<16xi32>
            %add3A_294 = arith.constant 1024 : i32
            %add3A_295 = vector.broadcast %add3A_294 : i32 to vector<16xi32>
            %add3A_296 = arith.addi %broadcast_in_dim3A_290, %add3A_295 : vector<16xi32>
            %select_n3A_297 = arith.select %le3A, %add3A_296, %broadcast_in_dim3A_290 : vector<16xi1>, vector<16xi32>
            %add3A_298 = arith.constant 511 : i32
            %add3A_299 = vector.broadcast %add3A_298 : i32 to vector<16xi32>
            %add3A_300 = arith.addi %select_n3A_297, %add3A_299 : vector<16xi32>
            %gather3A_301 = tpu.vector_load_idx %arg7[%add3A_300] : memref<2048xi32, #tpu.memory_space<vmem>>[vector<16xi32>], vector<16xi32>,
            %le3A_302 = arith.cmpi sle, %gather3A_301, %add3A_288 : vector<16xi32>
            %add3A_303 = arith.constant 512 : i32
            %add3A_304 = vector.broadcast %add3A_303 : i32 to vector<16xi32>
            %add3A_305 = arith.addi %select_n3A_297, %add3A_304 : vector<16xi32>
            %select_n3A_306 = arith.select %le3A_302, %add3A_305, %select_n3A_297 : vector<16xi1>, vector<16xi32>
            %add3A_307 = arith.constant 255 : i32
            %add3A_308 = vector.broadcast %add3A_307 : i32 to vector<16xi32>
            %add3A_309 = arith.addi %select_n3A_306, %add3A_308 : vector<16xi32>
            %gather3A_310 = tpu.vector_load_idx %arg7[%add3A_309] : memref<2048xi32, #tpu.memory_space<vmem>>[vector<16xi32>], vector<16xi32>,
            %le3A_311 = arith.cmpi sle, %gather3A_310, %add3A_288 : vector<16xi32>
            %add3A_312 = arith.constant 256 : i32
            %add3A_313 = vector.broadcast %add3A_312 : i32 to vector<16xi32>
            %add3A_314 = arith.addi %select_n3A_306, %add3A_313 : vector<16xi32>
            %select_n3A_315 = arith.select %le3A_311, %add3A_314, %select_n3A_306 : vector<16xi1>, vector<16xi32>
            %add3A_316 = arith.constant 127 : i32
            %add3A_317 = vector.broadcast %add3A_316 : i32 to vector<16xi32>
            %add3A_318 = arith.addi %select_n3A_315, %add3A_317 : vector<16xi32>
            %gather3A_319 = tpu.vector_load_idx %arg7[%add3A_318] : memref<2048xi32, #tpu.memory_space<vmem>>[vector<16xi32>], vector<16xi32>,
            %le3A_320 = arith.cmpi sle, %gather3A_319, %add3A_288 : vector<16xi32>
            %add3A_321 = arith.constant 128 : i32
            %add3A_322 = vector.broadcast %add3A_321 : i32 to vector<16xi32>
            %add3A_323 = arith.addi %select_n3A_315, %add3A_322 : vector<16xi32>
            %select_n3A_324 = arith.select %le3A_320, %add3A_323, %select_n3A_315 : vector<16xi1>, vector<16xi32>
            %add3A_325 = arith.constant 63 : i32
            %add3A_326 = vector.broadcast %add3A_325 : i32 to vector<16xi32>
            %add3A_327 = arith.addi %select_n3A_324, %add3A_326 : vector<16xi32>
            %gather3A_328 = tpu.vector_load_idx %arg7[%add3A_327] : memref<2048xi32, #tpu.memory_space<vmem>>[vector<16xi32>], vector<16xi32>,
            %le3A_329 = arith.cmpi sle, %gather3A_328, %add3A_288 : vector<16xi32>
            %add3A_330 = arith.constant 64 : i32
            %add3A_331 = vector.broadcast %add3A_330 : i32 to vector<16xi32>
            %add3A_332 = arith.addi %select_n3A_324, %add3A_331 : vector<16xi32>
            %select_n3A_333 = arith.select %le3A_329, %add3A_332, %select_n3A_324 : vector<16xi1>, vector<16xi32>
            %add3A_334 = arith.constant 31 : i32
            %add3A_335 = vector.broadcast %add3A_334 : i32 to vector<16xi32>
            %add3A_336 = arith.addi %select_n3A_333, %add3A_335 : vector<16xi32>
            %gather3A_337 = tpu.vector_load_idx %arg7[%add3A_336] : memref<2048xi32, #tpu.memory_space<vmem>>[vector<16xi32>], vector<16xi32>,
            %le3A_338 = arith.cmpi sle, %gather3A_337, %add3A_288 : vector<16xi32>
            %add3A_339 = arith.constant 32 : i32
            %add3A_340 = vector.broadcast %add3A_339 : i32 to vector<16xi32>
            %add3A_341 = arith.addi %select_n3A_333, %add3A_340 : vector<16xi32>
            %select_n3A_342 = arith.select %le3A_338, %add3A_341, %select_n3A_333 : vector<16xi1>, vector<16xi32>
            %add3A_343 = arith.constant 15 : i32
            %add3A_344 = vector.broadcast %add3A_343 : i32 to vector<16xi32>
            %add3A_345 = arith.addi %select_n3A_342, %add3A_344 : vector<16xi32>
            %gather3A_346 = tpu.vector_load_idx %arg7[%add3A_345] : memref<2048xi32, #tpu.memory_space<vmem>>[vector<16xi32>], vector<16xi32>,
            %le3A_347 = arith.cmpi sle, %gather3A_346, %add3A_288 : vector<16xi32>
            %add3A_348 = arith.constant 16 : i32
            %add3A_349 = vector.broadcast %add3A_348 : i32 to vector<16xi32>
            %add3A_350 = arith.addi %select_n3A_342, %add3A_349 : vector<16xi32>
            %select_n3A_351 = arith.select %le3A_347, %add3A_350, %select_n3A_342 : vector<16xi1>, vector<16xi32>
            %add3A_352 = arith.constant 7 : i32
            %add3A_353 = vector.broadcast %add3A_352 : i32 to vector<16xi32>
            %add3A_354 = arith.addi %select_n3A_351, %add3A_353 : vector<16xi32>
            %gather3A_355 = tpu.vector_load_idx %arg7[%add3A_354] : memref<2048xi32, #tpu.memory_space<vmem>>[vector<16xi32>], vector<16xi32>,
            %le3A_356 = arith.cmpi sle, %gather3A_355, %add3A_288 : vector<16xi32>
            %add3A_357 = arith.constant 8 : i32
            %add3A_358 = vector.broadcast %add3A_357 : i32 to vector<16xi32>
            %add3A_359 = arith.addi %select_n3A_351, %add3A_358 : vector<16xi32>
            %select_n3A_360 = arith.select %le3A_356, %add3A_359, %select_n3A_351 : vector<16xi1>, vector<16xi32>
            %add3A_361 = arith.constant 3 : i32
            %add3A_362 = vector.broadcast %add3A_361 : i32 to vector<16xi32>
            %add3A_363 = arith.addi %select_n3A_360, %add3A_362 : vector<16xi32>
            %gather3A_364 = tpu.vector_load_idx %arg7[%add3A_363] : memref<2048xi32, #tpu.memory_space<vmem>>[vector<16xi32>], vector<16xi32>,
            %le3A_365 = arith.cmpi sle, %gather3A_364, %add3A_288 : vector<16xi32>
            %add3A_366 = arith.constant 4 : i32
            %add3A_367 = vector.broadcast %add3A_366 : i32 to vector<16xi32>
            %add3A_368 = arith.addi %select_n3A_360, %add3A_367 : vector<16xi32>
            %select_n3A_369 = arith.select %le3A_365, %add3A_368, %select_n3A_360 : vector<16xi1>, vector<16xi32>
            %add3A_370 = arith.constant 1 : i32
            %add3A_371 = vector.broadcast %add3A_370 : i32 to vector<16xi32>
            %add3A_372 = arith.addi %select_n3A_369, %add3A_371 : vector<16xi32>
            %gather3A_373 = tpu.vector_load_idx %arg7[%add3A_372] : memref<2048xi32, #tpu.memory_space<vmem>>[vector<16xi32>], vector<16xi32>,
            %le3A_374 = arith.cmpi sle, %gather3A_373, %add3A_288 : vector<16xi32>
            %add3A_375 = arith.constant 2 : i32
            %add3A_376 = vector.broadcast %add3A_375 : i32 to vector<16xi32>
            %add3A_377 = arith.addi %select_n3A_369, %add3A_376 : vector<16xi32>
            %select_n3A_378 = arith.select %le3A_374, %add3A_377, %select_n3A_369 : vector<16xi1>, vector<16xi32>
            %add3A_379 = arith.constant 0 : i32
            %add3A_380 = vector.broadcast %add3A_379 : i32 to vector<16xi32>
            %add3A_381 = arith.addi %select_n3A_378, %add3A_380 : vector<16xi32>
            %gather3A_382 = tpu.vector_load_idx %arg7[%add3A_381] : memref<2048xi32, #tpu.memory_space<vmem>>[vector<16xi32>], vector<16xi32>,
            %le3A_383 = arith.cmpi sle, %gather3A_382, %add3A_288 : vector<16xi32>
            %add3A_384 = arith.constant 1 : i32
            %add3A_385 = vector.broadcast %add3A_384 : i32 to vector<16xi32>
            %add3A_386 = arith.addi %select_n3A_378, %add3A_385 : vector<16xi32>
            %select_n3A_387 = arith.select %le3A_383, %add3A_386, %select_n3A_378 : vector<16xi1>, vector<16xi32>
            %min3A_388 = arith.constant 2047 : i32
            %min3A_389 = vector.broadcast %min3A_388 : i32 to vector<16xi32>
            %min3A_390 = arith.minsi %select_n3A_387, %min3A_389 : vector<16xi32>
            %add3A_391 = vector.broadcast %mul3A_32 : i32 to vector<16xi32>
            %add3A_392 = arith.addi %add3A_391, %min3A_390 : vector<16xi32>
            %mul3A_393 = arith.constant 16 : i32
            %mul3A_394 = arith.muli %scan3A_282, %mul3A_393 : i32
            %swap3A = arith.constant 3 : i32
            %swap3A_395 = arith.index_cast %swap3A : i32 to index
            %swap3A_396 = arith.index_cast %mul3A_394 : i32 to index
            %swap3A_397 = tpu.vector_load %arg8[%swap3A_395, %swap3A_396] {strides = array<i32>} : memref<4x64xi32, #tpu.memory_space<vmem>>, vector<16xi32>,
            tpu.vector_store %arg8[%swap3A_395, %swap3A_396], %add3A_392 {strides = array<i32>} : memref<4x64xi32, #tpu.memory_space<vmem>>, vector<16xi32>,
            %scan3A_398 = arith.constant 0 : i32
            scf.yield %scan3A_398 : i32
          }
          %scan3A_281 = arith.constant 4 : i32
        } else {
        }
        %ge3A = arith.constant 4 : i32
        %ge3A_266 = arith.cmpi sge, %add3A_183, %ge3A : i32
        %convert_element_type3A_267 = arith.extui %ge3A_266 : i1 to i32
        %cond3A_268 = arith.constant 0 : i32
        %cond3A_269 = arith.cmpi ne, %convert_element_type3A_267, %cond3A_268 : i32
        scf.if %cond3A_269 {
          %mul3A_275 = arith.constant 14336 : i32
          %mul3A_276 = arith.muli %select_n3A, %mul3A_275 : i32
          %add3A_277 = arith.addi %mul3A_276, %mul3A_255 : i32
          %sub3A_278 = arith.constant 1024 : i32
          %sub3A_279 = arith.subi %add3A_277, %sub3A_278 : i32
          %dma_wait3A_280 = arith.constant 0 : i32
          %dma_wait3A_281 = tpu.memref_slice %arg4[%sub3A_279, %dma_wait3A_280] : memref<114688x384xf32, #tpu.memory_space<hbm>> -> memref<64x384xf32, #tpu.memory_space<hbm>>
          %dma_wait3A_282 = arith.constant 0 : i32
          %dma_wait3A_283 = tpu.memref_slice %arg4[%sub3A_279, %dma_wait3A_282] : memref<114688x384xf32, #tpu.memory_space<hbm>> -> memref<64x384xf32, #tpu.memory_space<hbm>>
          tpu.wait_dma2 semaphore(%arg23 : memref<!tpu.dma_semaphore, #tpu.memory_space<semaphore_mem>>) src(%arg12 : memref<64x384xf32, #tpu.memory_space<vmem>>) dst(%dma_wait3A_283 : memref<64x384xf32, #tpu.memory_space<hbm>>)
        } else {
        }
        %gt3A_270 = arith.constant 0 : i32
        %gt3A_271 = arith.cmpi sgt, %min3A_260, %gt3A_270 : i32
        %convert_element_type3A_272 = arith.extui %gt3A_271 : i1 to i32
        %cond3A_273 = arith.constant 0 : i32
        %cond3A_274 = arith.cmpi ne, %convert_element_type3A_272, %cond3A_273 : i32
        scf.if %cond3A_274 {
          %dma_start3A_275 = arith.constant 3 : i32
          %dma_start3A_276 = arith.constant 0 : i32
          %dma_start3A_277 = arith.constant 0 : i32
          %dma_start3A_278 = tpu.memref_slice %arg12[%dma_start3A_276, %dma_start3A_277] : memref<64x384xf32, #tpu.memory_space<vmem>> -> memref<32x384xf32, #tpu.memory_space<vmem>>
          %dma_start3A_279 = arith.constant 0 : i32
          %dma_start3A_280 = tpu.memref_slice %arg8[%dma_start3A_275, %dma_start3A_279] : memref<4x64xi32, #tpu.memory_space<vmem>> -> memref<1x32xi32, #tpu.memory_space<vmem>>
          %dma_start3A_281 = tpu.memref_squeeze %dma_start3A_280 : memref<1x32xi32, #tpu.memory_space<vmem>> -> memref<32xi32, #tpu.memory_space<vmem>>
          %dma_start3A_282 = arith.constant 0 : i32
          %dma_start3A_283 = arith.constant 0 : i32
          %dma_start3A_284 = tpu.memref_slice %arg2[%dma_start3A_282, %dma_start3A_283] : memref<16384x384xf32, #tpu.memory_space<hbm>> -> memref<16384x384xf32, #tpu.memory_space<hbm>>
          tpu.enqueue_indirect_dma source(%dma_start3A_284 : memref<16384x384xf32, #tpu.memory_space<hbm>>) target(%dma_start3A_278 : memref<32x384xf32, #tpu.memory_space<vmem>>) offsets(%dma_start3A_281 : memref<32xi32, #tpu.memory_space<vmem>>) semaphore(%arg19 : memref<!tpu.dma_semaphore, #tpu.memory_space<semaphore_mem>>)
          %dma_start3A_285 = arith.constant 3 : i32
          %dma_start3A_286 = arith.constant 32 : i32
          %dma_start3A_287 = arith.constant 0 : i32
          %dma_start3A_288 = tpu.memref_slice %arg12[%dma_start3A_286, %dma_start3A_287] : memref<64x384xf32, #tpu.memory_space<vmem>> -> memref<32x384xf32, #tpu.memory_space<vmem>>
          %dma_start3A_289 = arith.constant 32 : i32
          %dma_start3A_290 = tpu.memref_slice %arg8[%dma_start3A_285, %dma_start3A_289] : memref<4x64xi32, #tpu.memory_space<vmem>> -> memref<1x32xi32, #tpu.memory_space<vmem>>
          %dma_start3A_291 = tpu.memref_squeeze %dma_start3A_290 : memref<1x32xi32, #tpu.memory_space<vmem>> -> memref<32xi32, #tpu.memory_space<vmem>>
          %dma_start3A_292 = arith.constant 0 : i32
          %dma_start3A_293 = arith.constant 0 : i32
          %dma_start3A_294 = tpu.memref_slice %arg2[%dma_start3A_292, %dma_start3A_293] : memref<16384x384xf32, #tpu.memory_space<hbm>> -> memref<16384x384xf32, #tpu.memory_space<hbm>>
          tpu.enqueue_indirect_dma source(%dma_start3A_294 : memref<16384x384xf32, #tpu.memory_space<hbm>>) target(%dma_start3A_288 : memref<32x384xf32, #tpu.memory_space<vmem>>) offsets(%dma_start3A_291 : memref<32xi32, #tpu.memory_space<vmem>>) semaphore(%arg19 : memref<!tpu.dma_semaphore, #tpu.memory_space<semaphore_mem>>)
        } else {
        }
      } else {
      }
      %sub3A_189 = arith.constant 3 : i32
      %sub3A_190 = arith.subi %add3A_183, %sub3A_189 : i32
      %lt3A_191 = arith.constant 56 : i32
      %lt3A_192 = arith.cmpi slt, %sub3A_190, %lt3A_191 : i32
      %convert_element_type3A_193 = arith.extui %lt3A_192 : i1 to i32
      %cond3A_194 = arith.constant 0 : i32
      %cond3A_195 = arith.cmpi ne, %convert_element_type3A_193, %cond3A_194 : i32
      scf.if %cond3A_195 {
        %mul3A_251 = arith.constant 4 : i32
        %mul3A_252 = arith.muli %sub3A_190, %mul3A_251 : i32
        %add3A_253 = arith.addi %select_n3A_30, %mul3A_252 : i32
        %mul3A_254 = arith.constant 64 : i32
        %mul3A_255 = arith.muli %add3A_253, %mul3A_254 : i32
        %sub3A_256 = arith.subi %scan3A_48, %mul3A_255 : i32
        %jit3A_257 = arith.constant 0 : i32
        %jit3A_258 = arith.constant 64 : i32
        %max3A_259 = arith.maxsi %jit3A_257, %sub3A_256 : i32
        %min3A_260 = arith.minsi %jit3A_258, %max3A_259 : i32
        %mul3A_261 = arith.constant 14336 : i32
        %mul3A_262 = arith.muli %select_n3A, %mul3A_261 : i32
        %add3A_263 = arith.addi %mul3A_262, %mul3A_255 : i32
        %gt3A_264 = arith.constant 0 : i32
        %gt3A_265 = arith.cmpi sgt, %min3A_260, %gt3A_264 : i32
        %convert_element_type3A_266 = arith.extui %gt3A_265 : i1 to i32
        %cond3A_267 = arith.constant 0 : i32
        %cond3A_268 = arith.cmpi ne, %convert_element_type3A_266, %cond3A_267 : i32
        scf.if %cond3A_268 {
          %dma_wait3A_273 = arith.constant 0 : i32
          %dma_wait3A_274 = arith.constant 0 : i32
          %dma_wait3A_275 = tpu.memref_slice %arg8[%dma_wait3A_273, %dma_wait3A_274] : memref<4x64xi32, #tpu.memory_space<vmem>> -> memref<1x64xi32, #tpu.memory_space<vmem>>
          %dma_wait3A_276 = tpu.memref_squeeze %dma_wait3A_275 : memref<1x64xi32, #tpu.memory_space<vmem>> -> memref<64xi32, #tpu.memory_space<vmem>>
          %dma_wait3A_277 = arith.constant 0 : i32
          %dma_wait3A_278 = arith.constant 0 : i32
          %dma_wait3A_279 = tpu.memref_slice %arg2[%dma_wait3A_277, %dma_wait3A_278] : memref<16384x384xf32, #tpu.memory_space<hbm>> -> memref<16384x384xf32, #tpu.memory_space<hbm>>
          tpu.wait_indirect_dma semaphore(%arg16 : memref<!tpu.dma_semaphore, #tpu.memory_space<semaphore_mem>>) src(%dma_wait3A_279 : memref<16384x384xf32, #tpu.memory_space<hbm>>) dst(%arg9 : memref<64x384xf32, #tpu.memory_space<vmem>>)
          %lt3A_280 = arith.constant 64 : i32
          %lt3A_281 = arith.cmpi slt, %min3A_260, %lt3A_280 : i32
          %convert_element_type3A_282 = arith.extui %lt3A_281 : i1 to i32
          %cond3A_283 = arith.constant 0 : i32
          %cond3A_284 = arith.cmpi ne, %convert_element_type3A_282, %cond3A_283 : i32
          scf.if %cond3A_284 {
            %while3A = arith.constant 64 : i32
            %while3A_289 = arith.constant 0 : i32
            %while3A_290 = arith.subi %while3A, %min3A_260 : i32
            %while3A_291 = arith.addi %min3A_260, %while3A_290 : i32
            %while3A_292 = arith.constant 1 : i32
            %while3A_293 = arith.divsi %while3A_290, %while3A_292 : i32
            %while3A_294 = arith.muli %while3A_293, %while3A_292 : i32
            %while3A_295 = arith.addi %min3A_260, %while3A_294 : i32
            %while3A_296 = arith.constant 1 : i32
            %while3A_297 = scf.for %while3A_300 = %min3A_260 to %while3A_295 step %while3A_296 iter_args(%while3A_301 = %while3A_289) -> (i32)  : i32 {
              %swap3A = arith.index_cast %while3A_300 : i32 to index
              %swap3A_302 = arith.constant 0 : index
              %swap3A_303 = tpu.vector_load %arg9[%swap3A, %swap3A_302] {strides = array<i32>} : memref<64x384xf32, #tpu.memory_space<vmem>>, vector<16xf32>,
              tpu.vector_store %arg9[%swap3A, %swap3A_302], %broadcast_in_dim3A_33 {strides = array<i32>} : memref<64x384xf32, #tpu.memory_space<vmem>>, vector<16xf32>,
              %swap3A_304 = arith.index_cast %while3A_300 : i32 to index
              %swap3A_305 = arith.constant 16 : index
              %swap3A_306 = tpu.vector_load %arg9[%swap3A_304, %swap3A_305] {strides = array<i32>} : memref<64x384xf32, #tpu.memory_space<vmem>>, vector<16xf32>,
              tpu.vector_store %arg9[%swap3A_304, %swap3A_305], %broadcast_in_dim3A_33 {strides = array<i32>} : memref<64x384xf32, #tpu.memory_space<vmem>>, vector<16xf32>,
              %swap3A_307 = arith.index_cast %while3A_300 : i32 to index
              %swap3A_308 = arith.constant 32 : index
              %swap3A_309 = tpu.vector_load %arg9[%swap3A_307, %swap3A_308] {strides = array<i32>} : memref<64x384xf32, #tpu.memory_space<vmem>>, vector<16xf32>,
              tpu.vector_store %arg9[%swap3A_307, %swap3A_308], %broadcast_in_dim3A_33 {strides = array<i32>} : memref<64x384xf32, #tpu.memory_space<vmem>>, vector<16xf32>,
              %swap3A_310 = arith.index_cast %while3A_300 : i32 to index
              %swap3A_311 = arith.constant 48 : index
              %swap3A_312 = tpu.vector_load %arg9[%swap3A_310, %swap3A_311] {strides = array<i32>} : memref<64x384xf32, #tpu.memory_space<vmem>>, vector<16xf32>,
              tpu.vector_store %arg9[%swap3A_310, %swap3A_311], %broadcast_in_dim3A_33 {strides = array<i32>} : memref<64x384xf32, #tpu.memory_space<vmem>>, vector<16xf32>,
              %swap3A_313 = arith.index_cast %while3A_300 : i32 to index
              %swap3A_314 = arith.constant 64 : index
              %swap3A_315 = tpu.vector_load %arg9[%swap3A_313, %swap3A_314] {strides = array<i32>} : memref<64x384xf32, #tpu.memory_space<vmem>>, vector<16xf32>,
              tpu.vector_store %arg9[%swap3A_313, %swap3A_314], %broadcast_in_dim3A_33 {strides = array<i32>} : memref<64x384xf32, #tpu.memory_space<vmem>>, vector<16xf32>,
              %swap3A_316 = arith.index_cast %while3A_300 : i32 to index
              %swap3A_317 = arith.constant 80 : index
              %swap3A_318 = tpu.vector_load %arg9[%swap3A_316, %swap3A_317] {strides = array<i32>} : memref<64x384xf32, #tpu.memory_space<vmem>>, vector<16xf32>,
              tpu.vector_store %arg9[%swap3A_316, %swap3A_317], %broadcast_in_dim3A_33 {strides = array<i32>} : memref<64x384xf32, #tpu.memory_space<vmem>>, vector<16xf32>,
              %swap3A_319 = arith.index_cast %while3A_300 : i32 to index
              %swap3A_320 = arith.constant 96 : index
              %swap3A_321 = tpu.vector_load %arg9[%swap3A_319, %swap3A_320] {strides = array<i32>} : memref<64x384xf32, #tpu.memory_space<vmem>>, vector<16xf32>,
              tpu.vector_store %arg9[%swap3A_319, %swap3A_320], %broadcast_in_dim3A_33 {strides = array<i32>} : memref<64x384xf32, #tpu.memory_space<vmem>>, vector<16xf32>,
              %swap3A_322 = arith.index_cast %while3A_300 : i32 to index
              %swap3A_323 = arith.constant 112 : index
              %swap3A_324 = tpu.vector_load %arg9[%swap3A_322, %swap3A_323] {strides = array<i32>} : memref<64x384xf32, #tpu.memory_space<vmem>>, vector<16xf32>,
              tpu.vector_store %arg9[%swap3A_322, %swap3A_323], %broadcast_in_dim3A_33 {strides = array<i32>} : memref<64x384xf32, #tpu.memory_space<vmem>>, vector<16xf32>,
              %swap3A_325 = arith.index_cast %while3A_300 : i32 to index
              %swap3A_326 = arith.constant 128 : index
              %swap3A_327 = tpu.vector_load %arg9[%swap3A_325, %swap3A_326] {strides = array<i32>} : memref<64x384xf32, #tpu.memory_space<vmem>>, vector<16xf32>,
              tpu.vector_store %arg9[%swap3A_325, %swap3A_326], %broadcast_in_dim3A_33 {strides = array<i32>} : memref<64x384xf32, #tpu.memory_space<vmem>>, vector<16xf32>,
              %swap3A_328 = arith.index_cast %while3A_300 : i32 to index
              %swap3A_329 = arith.constant 144 : index
              %swap3A_330 = tpu.vector_load %arg9[%swap3A_328, %swap3A_329] {strides = array<i32>} : memref<64x384xf32, #tpu.memory_space<vmem>>, vector<16xf32>,
              tpu.vector_store %arg9[%swap3A_328, %swap3A_329], %broadcast_in_dim3A_33 {strides = array<i32>} : memref<64x384xf32, #tpu.memory_space<vmem>>, vector<16xf32>,
              %swap3A_331 = arith.index_cast %while3A_300 : i32 to index
              %swap3A_332 = arith.constant 160 : index
              %swap3A_333 = tpu.vector_load %arg9[%swap3A_331, %swap3A_332] {strides = array<i32>} : memref<64x384xf32, #tpu.memory_space<vmem>>, vector<16xf32>,
              tpu.vector_store %arg9[%swap3A_331, %swap3A_332], %broadcast_in_dim3A_33 {strides = array<i32>} : memref<64x384xf32, #tpu.memory_space<vmem>>, vector<16xf32>,
              %swap3A_334 = arith.index_cast %while3A_300 : i32 to index
              %swap3A_335 = arith.constant 176 : index
              %swap3A_336 = tpu.vector_load %arg9[%swap3A_334, %swap3A_335] {strides = array<i32>} : memref<64x384xf32, #tpu.memory_space<vmem>>, vector<16xf32>,
              tpu.vector_store %arg9[%swap3A_334, %swap3A_335], %broadcast_in_dim3A_33 {strides = array<i32>} : memref<64x384xf32, #tpu.memory_space<vmem>>, vector<16xf32>,
              %swap3A_337 = arith.index_cast %while3A_300 : i32 to index
              %swap3A_338 = arith.constant 192 : index
              %swap3A_339 = tpu.vector_load %arg9[%swap3A_337, %swap3A_338] {strides = array<i32>} : memref<64x384xf32, #tpu.memory_space<vmem>>, vector<16xf32>,
              tpu.vector_store %arg9[%swap3A_337, %swap3A_338], %broadcast_in_dim3A_33 {strides = array<i32>} : memref<64x384xf32, #tpu.memory_space<vmem>>, vector<16xf32>,
              %swap3A_340 = arith.index_cast %while3A_300 : i32 to index
              %swap3A_341 = arith.constant 208 : index
              %swap3A_342 = tpu.vector_load %arg9[%swap3A_340, %swap3A_341] {strides = array<i32>} : memref<64x384xf32, #tpu.memory_space<vmem>>, vector<16xf32>,
              tpu.vector_store %arg9[%swap3A_340, %swap3A_341], %broadcast_in_dim3A_33 {strides = array<i32>} : memref<64x384xf32, #tpu.memory_space<vmem>>, vector<16xf32>,
              %swap3A_343 = arith.index_cast %while3A_300 : i32 to index
              %swap3A_344 = arith.constant 224 : index
              %swap3A_345 = tpu.vector_load %arg9[%swap3A_343, %swap3A_344] {strides = array<i32>} : memref<64x384xf32, #tpu.memory_space<vmem>>, vector<16xf32>,
              tpu.vector_store %arg9[%swap3A_343, %swap3A_344], %broadcast_in_dim3A_33 {strides = array<i32>} : memref<64x384xf32, #tpu.memory_space<vmem>>, vector<16xf32>,
              %swap3A_346 = arith.index_cast %while3A_300 : i32 to index
              %swap3A_347 = arith.constant 240 : index
              %swap3A_348 = tpu.vector_load %arg9[%swap3A_346, %swap3A_347] {strides = array<i32>} : memref<64x384xf32, #tpu.memory_space<vmem>>, vector<16xf32>,
              tpu.vector_store %arg9[%swap3A_346, %swap3A_347], %broadcast_in_dim3A_33 {strides = array<i32>} : memref<64x384xf32, #tpu.memory_space<vmem>>, vector<16xf32>,
              %swap3A_349 = arith.index_cast %while3A_300 : i32 to index
              %swap3A_350 = arith.constant 256 : index
              %swap3A_351 = tpu.vector_load %arg9[%swap3A_349, %swap3A_350] {strides = array<i32>} : memref<64x384xf32, #tpu.memory_space<vmem>>, vector<16xf32>,
              tpu.vector_store %arg9[%swap3A_349, %swap3A_350], %broadcast_in_dim3A_33 {strides = array<i32>} : memref<64x384xf32, #tpu.memory_space<vmem>>, vector<16xf32>,
              %swap3A_352 = arith.index_cast %while3A_300 : i32 to index
              %swap3A_353 = arith.constant 272 : index
              %swap3A_354 = tpu.vector_load %arg9[%swap3A_352, %swap3A_353] {strides = array<i32>} : memref<64x384xf32, #tpu.memory_space<vmem>>, vector<16xf32>,
              tpu.vector_store %arg9[%swap3A_352, %swap3A_353], %broadcast_in_dim3A_33 {strides = array<i32>} : memref<64x384xf32, #tpu.memory_space<vmem>>, vector<16xf32>,
              %swap3A_355 = arith.index_cast %while3A_300 : i32 to index
              %swap3A_356 = arith.constant 288 : index
              %swap3A_357 = tpu.vector_load %arg9[%swap3A_355, %swap3A_356] {strides = array<i32>} : memref<64x384xf32, #tpu.memory_space<vmem>>, vector<16xf32>,
              tpu.vector_store %arg9[%swap3A_355, %swap3A_356], %broadcast_in_dim3A_33 {strides = array<i32>} : memref<64x384xf32, #tpu.memory_space<vmem>>, vector<16xf32>,
              %swap3A_358 = arith.index_cast %while3A_300 : i32 to index
              %swap3A_359 = arith.constant 304 : index
              %swap3A_360 = tpu.vector_load %arg9[%swap3A_358, %swap3A_359] {strides = array<i32>} : memref<64x384xf32, #tpu.memory_space<vmem>>, vector<16xf32>,
              tpu.vector_store %arg9[%swap3A_358, %swap3A_359], %broadcast_in_dim3A_33 {strides = array<i32>} : memref<64x384xf32, #tpu.memory_space<vmem>>, vector<16xf32>,
              %swap3A_361 = arith.index_cast %while3A_300 : i32 to index
              %swap3A_362 = arith.constant 320 : index
              %swap3A_363 = tpu.vector_load %arg9[%swap3A_361, %swap3A_362] {strides = array<i32>} : memref<64x384xf32, #tpu.memory_space<vmem>>, vector<16xf32>,
              tpu.vector_store %arg9[%swap3A_361, %swap3A_362], %broadcast_in_dim3A_33 {strides = array<i32>} : memref<64x384xf32, #tpu.memory_space<vmem>>, vector<16xf32>,
              %swap3A_364 = arith.index_cast %while3A_300 : i32 to index
              %swap3A_365 = arith.constant 336 : index
              %swap3A_366 = tpu.vector_load %arg9[%swap3A_364, %swap3A_365] {strides = array<i32>} : memref<64x384xf32, #tpu.memory_space<vmem>>, vector<16xf32>,
              tpu.vector_store %arg9[%swap3A_364, %swap3A_365], %broadcast_in_dim3A_33 {strides = array<i32>} : memref<64x384xf32, #tpu.memory_space<vmem>>, vector<16xf32>,
              %swap3A_367 = arith.index_cast %while3A_300 : i32 to index
              %swap3A_368 = arith.constant 352 : index
              %swap3A_369 = tpu.vector_load %arg9[%swap3A_367, %swap3A_368] {strides = array<i32>} : memref<64x384xf32, #tpu.memory_space<vmem>>, vector<16xf32>,
              tpu.vector_store %arg9[%swap3A_367, %swap3A_368], %broadcast_in_dim3A_33 {strides = array<i32>} : memref<64x384xf32, #tpu.memory_space<vmem>>, vector<16xf32>,
              %swap3A_370 = arith.index_cast %while3A_300 : i32 to index
              %swap3A_371 = arith.constant 368 : index
              %swap3A_372 = tpu.vector_load %arg9[%swap3A_370, %swap3A_371] {strides = array<i32>} : memref<64x384xf32, #tpu.memory_space<vmem>>, vector<16xf32>,
              tpu.vector_store %arg9[%swap3A_370, %swap3A_371], %broadcast_in_dim3A_33 {strides = array<i32>} : memref<64x384xf32, #tpu.memory_space<vmem>>, vector<16xf32>,
              %while3A_373 = arith.constant 0 : i32
              scf.yield %while3A_373 : i32
            }
            %while3A_298 = arith.constant 1 : i32
            %while3A_299 = scf.for %while3A_300 = %while3A_295 to %while3A_291 step %while3A_298 iter_args(%while3A_301 = %while3A_297) -> (i32)  : i32 {
              %swap3A = arith.index_cast %while3A_300 : i32 to index
              %swap3A_302 = arith.constant 0 : index
              %swap3A_303 = tpu.vector_load %arg9[%swap3A, %swap3A_302] {strides = array<i32>} : memref<64x384xf32, #tpu.memory_space<vmem>>, vector<16xf32>,
              tpu.vector_store %arg9[%swap3A, %swap3A_302], %broadcast_in_dim3A_33 {strides = array<i32>} : memref<64x384xf32, #tpu.memory_space<vmem>>, vector<16xf32>,
              %swap3A_304 = arith.index_cast %while3A_300 : i32 to index
              %swap3A_305 = arith.constant 16 : index
              %swap3A_306 = tpu.vector_load %arg9[%swap3A_304, %swap3A_305] {strides = array<i32>} : memref<64x384xf32, #tpu.memory_space<vmem>>, vector<16xf32>,
              tpu.vector_store %arg9[%swap3A_304, %swap3A_305], %broadcast_in_dim3A_33 {strides = array<i32>} : memref<64x384xf32, #tpu.memory_space<vmem>>, vector<16xf32>,
              %swap3A_307 = arith.index_cast %while3A_300 : i32 to index
              %swap3A_308 = arith.constant 32 : index
              %swap3A_309 = tpu.vector_load %arg9[%swap3A_307, %swap3A_308] {strides = array<i32>} : memref<64x384xf32, #tpu.memory_space<vmem>>, vector<16xf32>,
              tpu.vector_store %arg9[%swap3A_307, %swap3A_308], %broadcast_in_dim3A_33 {strides = array<i32>} : memref<64x384xf32, #tpu.memory_space<vmem>>, vector<16xf32>,
              %swap3A_310 = arith.index_cast %while3A_300 : i32 to index
              %swap3A_311 = arith.constant 48 : index
              %swap3A_312 = tpu.vector_load %arg9[%swap3A_310, %swap3A_311] {strides = array<i32>} : memref<64x384xf32, #tpu.memory_space<vmem>>, vector<16xf32>,
              tpu.vector_store %arg9[%swap3A_310, %swap3A_311], %broadcast_in_dim3A_33 {strides = array<i32>} : memref<64x384xf32, #tpu.memory_space<vmem>>, vector<16xf32>,
              %swap3A_313 = arith.index_cast %while3A_300 : i32 to index
              %swap3A_314 = arith.constant 64 : index
              %swap3A_315 = tpu.vector_load %arg9[%swap3A_313, %swap3A_314] {strides = array<i32>} : memref<64x384xf32, #tpu.memory_space<vmem>>, vector<16xf32>,
              tpu.vector_store %arg9[%swap3A_313, %swap3A_314], %broadcast_in_dim3A_33 {strides = array<i32>} : memref<64x384xf32, #tpu.memory_space<vmem>>, vector<16xf32>,
              %swap3A_316 = arith.index_cast %while3A_300 : i32 to index
              %swap3A_317 = arith.constant 80 : index
              %swap3A_318 = tpu.vector_load %arg9[%swap3A_316, %swap3A_317] {strides = array<i32>} : memref<64x384xf32, #tpu.memory_space<vmem>>, vector<16xf32>,
              tpu.vector_store %arg9[%swap3A_316, %swap3A_317], %broadcast_in_dim3A_33 {strides = array<i32>} : memref<64x384xf32, #tpu.memory_space<vmem>>, vector<16xf32>,
              %swap3A_319 = arith.index_cast %while3A_300 : i32 to index
              %swap3A_320 = arith.constant 96 : index
              %swap3A_321 = tpu.vector_load %arg9[%swap3A_319, %swap3A_320] {strides = array<i32>} : memref<64x384xf32, #tpu.memory_space<vmem>>, vector<16xf32>,
              tpu.vector_store %arg9[%swap3A_319, %swap3A_320], %broadcast_in_dim3A_33 {strides = array<i32>} : memref<64x384xf32, #tpu.memory_space<vmem>>, vector<16xf32>,
              %swap3A_322 = arith.index_cast %while3A_300 : i32 to index
              %swap3A_323 = arith.constant 112 : index
              %swap3A_324 = tpu.vector_load %arg9[%swap3A_322, %swap3A_323] {strides = array<i32>} : memref<64x384xf32, #tpu.memory_space<vmem>>, vector<16xf32>,
              tpu.vector_store %arg9[%swap3A_322, %swap3A_323], %broadcast_in_dim3A_33 {strides = array<i32>} : memref<64x384xf32, #tpu.memory_space<vmem>>, vector<16xf32>,
              %swap3A_325 = arith.index_cast %while3A_300 : i32 to index
              %swap3A_326 = arith.constant 128 : index
              %swap3A_327 = tpu.vector_load %arg9[%swap3A_325, %swap3A_326] {strides = array<i32>} : memref<64x384xf32, #tpu.memory_space<vmem>>, vector<16xf32>,
              tpu.vector_store %arg9[%swap3A_325, %swap3A_326], %broadcast_in_dim3A_33 {strides = array<i32>} : memref<64x384xf32, #tpu.memory_space<vmem>>, vector<16xf32>,
              %swap3A_328 = arith.index_cast %while3A_300 : i32 to index
              %swap3A_329 = arith.constant 144 : index
              %swap3A_330 = tpu.vector_load %arg9[%swap3A_328, %swap3A_329] {strides = array<i32>} : memref<64x384xf32, #tpu.memory_space<vmem>>, vector<16xf32>,
              tpu.vector_store %arg9[%swap3A_328, %swap3A_329], %broadcast_in_dim3A_33 {strides = array<i32>} : memref<64x384xf32, #tpu.memory_space<vmem>>, vector<16xf32>,
              %swap3A_331 = arith.index_cast %while3A_300 : i32 to index
              %swap3A_332 = arith.constant 160 : index
              %swap3A_333 = tpu.vector_load %arg9[%swap3A_331, %swap3A_332] {strides = array<i32>} : memref<64x384xf32, #tpu.memory_space<vmem>>, vector<16xf32>,
              tpu.vector_store %arg9[%swap3A_331, %swap3A_332], %broadcast_in_dim3A_33 {strides = array<i32>} : memref<64x384xf32, #tpu.memory_space<vmem>>, vector<16xf32>,
              %swap3A_334 = arith.index_cast %while3A_300 : i32 to index
              %swap3A_335 = arith.constant 176 : index
              %swap3A_336 = tpu.vector_load %arg9[%swap3A_334, %swap3A_335] {strides = array<i32>} : memref<64x384xf32, #tpu.memory_space<vmem>>, vector<16xf32>,
              tpu.vector_store %arg9[%swap3A_334, %swap3A_335], %broadcast_in_dim3A_33 {strides = array<i32>} : memref<64x384xf32, #tpu.memory_space<vmem>>, vector<16xf32>,
              %swap3A_337 = arith.index_cast %while3A_300 : i32 to index
              %swap3A_338 = arith.constant 192 : index
              %swap3A_339 = tpu.vector_load %arg9[%swap3A_337, %swap3A_338] {strides = array<i32>} : memref<64x384xf32, #tpu.memory_space<vmem>>, vector<16xf32>,
              tpu.vector_store %arg9[%swap3A_337, %swap3A_338], %broadcast_in_dim3A_33 {strides = array<i32>} : memref<64x384xf32, #tpu.memory_space<vmem>>, vector<16xf32>,
              %swap3A_340 = arith.index_cast %while3A_300 : i32 to index
              %swap3A_341 = arith.constant 208 : index
              %swap3A_342 = tpu.vector_load %arg9[%swap3A_340, %swap3A_341] {strides = array<i32>} : memref<64x384xf32, #tpu.memory_space<vmem>>, vector<16xf32>,
              tpu.vector_store %arg9[%swap3A_340, %swap3A_341], %broadcast_in_dim3A_33 {strides = array<i32>} : memref<64x384xf32, #tpu.memory_space<vmem>>, vector<16xf32>,
              %swap3A_343 = arith.index_cast %while3A_300 : i32 to index
              %swap3A_344 = arith.constant 224 : index
              %swap3A_345 = tpu.vector_load %arg9[%swap3A_343, %swap3A_344] {strides = array<i32>} : memref<64x384xf32, #tpu.memory_space<vmem>>, vector<16xf32>,
              tpu.vector_store %arg9[%swap3A_343, %swap3A_344], %broadcast_in_dim3A_33 {strides = array<i32>} : memref<64x384xf32, #tpu.memory_space<vmem>>, vector<16xf32>,
              %swap3A_346 = arith.index_cast %while3A_300 : i32 to index
              %swap3A_347 = arith.constant 240 : index
              %swap3A_348 = tpu.vector_load %arg9[%swap3A_346, %swap3A_347] {strides = array<i32>} : memref<64x384xf32, #tpu.memory_space<vmem>>, vector<16xf32>,
              tpu.vector_store %arg9[%swap3A_346, %swap3A_347], %broadcast_in_dim3A_33 {strides = array<i32>} : memref<64x384xf32, #tpu.memory_space<vmem>>, vector<16xf32>,
              %swap3A_349 = arith.index_cast %while3A_300 : i32 to index
              %swap3A_350 = arith.constant 256 : index
              %swap3A_351 = tpu.vector_load %arg9[%swap3A_349, %swap3A_350] {strides = array<i32>} : memref<64x384xf32, #tpu.memory_space<vmem>>, vector<16xf32>,
              tpu.vector_store %arg9[%swap3A_349, %swap3A_350], %broadcast_in_dim3A_33 {strides = array<i32>} : memref<64x384xf32, #tpu.memory_space<vmem>>, vector<16xf32>,
              %swap3A_352 = arith.index_cast %while3A_300 : i32 to index
              %swap3A_353 = arith.constant 272 : index
              %swap3A_354 = tpu.vector_load %arg9[%swap3A_352, %swap3A_353] {strides = array<i32>} : memref<64x384xf32, #tpu.memory_space<vmem>>, vector<16xf32>,
              tpu.vector_store %arg9[%swap3A_352, %swap3A_353], %broadcast_in_dim3A_33 {strides = array<i32>} : memref<64x384xf32, #tpu.memory_space<vmem>>, vector<16xf32>,
              %swap3A_355 = arith.index_cast %while3A_300 : i32 to index
              %swap3A_356 = arith.constant 288 : index
              %swap3A_357 = tpu.vector_load %arg9[%swap3A_355, %swap3A_356] {strides = array<i32>} : memref<64x384xf32, #tpu.memory_space<vmem>>, vector<16xf32>,
              tpu.vector_store %arg9[%swap3A_355, %swap3A_356], %broadcast_in_dim3A_33 {strides = array<i32>} : memref<64x384xf32, #tpu.memory_space<vmem>>, vector<16xf32>,
              %swap3A_358 = arith.index_cast %while3A_300 : i32 to index
              %swap3A_359 = arith.constant 304 : index
              %swap3A_360 = tpu.vector_load %arg9[%swap3A_358, %swap3A_359] {strides = array<i32>} : memref<64x384xf32, #tpu.memory_space<vmem>>, vector<16xf32>,
              tpu.vector_store %arg9[%swap3A_358, %swap3A_359], %broadcast_in_dim3A_33 {strides = array<i32>} : memref<64x384xf32, #tpu.memory_space<vmem>>, vector<16xf32>,
              %swap3A_361 = arith.index_cast %while3A_300 : i32 to index
              %swap3A_362 = arith.constant 320 : index
              %swap3A_363 = tpu.vector_load %arg9[%swap3A_361, %swap3A_362] {strides = array<i32>} : memref<64x384xf32, #tpu.memory_space<vmem>>, vector<16xf32>,
              tpu.vector_store %arg9[%swap3A_361, %swap3A_362], %broadcast_in_dim3A_33 {strides = array<i32>} : memref<64x384xf32, #tpu.memory_space<vmem>>, vector<16xf32>,
              %swap3A_364 = arith.index_cast %while3A_300 : i32 to index
              %swap3A_365 = arith.constant 336 : index
              %swap3A_366 = tpu.vector_load %arg9[%swap3A_364, %swap3A_365] {strides = array<i32>} : memref<64x384xf32, #tpu.memory_space<vmem>>, vector<16xf32>,
              tpu.vector_store %arg9[%swap3A_364, %swap3A_365], %broadcast_in_dim3A_33 {strides = array<i32>} : memref<64x384xf32, #tpu.memory_space<vmem>>, vector<16xf32>,
              %swap3A_367 = arith.index_cast %while3A_300 : i32 to index
              %swap3A_368 = arith.constant 352 : index
              %swap3A_369 = tpu.vector_load %arg9[%swap3A_367, %swap3A_368] {strides = array<i32>} : memref<64x384xf32, #tpu.memory_space<vmem>>, vector<16xf32>,
              tpu.vector_store %arg9[%swap3A_367, %swap3A_368], %broadcast_in_dim3A_33 {strides = array<i32>} : memref<64x384xf32, #tpu.memory_space<vmem>>, vector<16xf32>,
              %swap3A_370 = arith.index_cast %while3A_300 : i32 to index
              %swap3A_371 = arith.constant 368 : index
              %swap3A_372 = tpu.vector_load %arg9[%swap3A_370, %swap3A_371] {strides = array<i32>} : memref<64x384xf32, #tpu.memory_space<vmem>>, vector<16xf32>,
              tpu.vector_store %arg9[%swap3A_370, %swap3A_371], %broadcast_in_dim3A_33 {strides = array<i32>} : memref<64x384xf32, #tpu.memory_space<vmem>>, vector<16xf32>,
              %while3A_373 = arith.constant 0 : i32
              scf.yield %while3A_373 : i32
            }
          } else {
          }
          %dma_start3A_285 = arith.constant 0 : i32
          %dma_start3A_286 = tpu.memref_slice %arg4[%add3A_263, %dma_start3A_285] : memref<114688x384xf32, #tpu.memory_space<hbm>> -> memref<64x384xf32, #tpu.memory_space<hbm>>
          %dma_start3A_287 = arith.constant 0 : i32
          %dma_start3A_288 = tpu.memref_slice %arg4[%add3A_263, %dma_start3A_287] : memref<114688x384xf32, #tpu.memory_space<hbm>> -> memref<64x384xf32, #tpu.memory_space<hbm>>
          tpu.enqueue_dma source(%arg9 : memref<64x384xf32, #tpu.memory_space<vmem>>) target(%dma_start3A_288 : memref<64x384xf32, #tpu.memory_space<hbm>>) target_semaphore(%arg20 : memref<!tpu.dma_semaphore, #tpu.memory_space<semaphore_mem>>)
        } else {
        }
        %le3A = arith.constant 0 : i32
        %le3A_269 = arith.cmpi sle, %min3A_260, %le3A : i32
        %convert_element_type3A_270 = arith.extui %le3A_269 : i1 to i32
        %cond3A_271 = arith.constant 0 : i32
        %cond3A_272 = arith.cmpi ne, %convert_element_type3A_270, %cond3A_271 : i32
        scf.if %cond3A_272 {
          %dma_start3A_273 = arith.constant 0 : i32
          %dma_start3A_274 = tpu.memref_slice %arg4[%add3A_263, %dma_start3A_273] : memref<114688x384xf32, #tpu.memory_space<hbm>> -> memref<64x384xf32, #tpu.memory_space<hbm>>
          %dma_start3A_275 = arith.constant 0 : i32
          %dma_start3A_276 = tpu.memref_slice %arg4[%add3A_263, %dma_start3A_275] : memref<114688x384xf32, #tpu.memory_space<hbm>> -> memref<64x384xf32, #tpu.memory_space<hbm>>
          tpu.enqueue_dma source(%arg13 : memref<64x384xf32, #tpu.memory_space<vmem>>) target(%dma_start3A_276 : memref<64x384xf32, #tpu.memory_space<hbm>>) target_semaphore(%arg20 : memref<!tpu.dma_semaphore, #tpu.memory_space<semaphore_mem>>)
        } else {
        }
      } else {
      }
      %mul3A_196 = arith.constant 4 : i32
      %mul3A_197 = arith.muli %scan3A_176, %mul3A_196 : i32
      %add3A_198 = arith.constant 1 : i32
      %add3A_199 = arith.addi %mul3A_197, %add3A_198 : i32
      %add3A_200 = arith.constant 3 : i32
      %add3A_201 = arith.addi %add3A_199, %add3A_200 : i32
      %lt3A_202 = arith.constant 56 : i32
      %lt3A_203 = arith.cmpi slt, %add3A_201, %lt3A_202 : i32
      %convert_element_type3A_204 = arith.extui %lt3A_203 : i1 to i32
      %cond3A_205 = arith.constant 0 : i32
      %cond3A_206 = arith.cmpi ne, %convert_element_type3A_204, %cond3A_205 : i32
      scf.if %cond3A_206 {
        %mul3A_251 = arith.constant 4 : i32
        %mul3A_252 = arith.muli %add3A_201, %mul3A_251 : i32
        %add3A_253 = arith.addi %select_n3A_30, %mul3A_252 : i32
        %mul3A_254 = arith.constant 64 : i32
        %mul3A_255 = arith.muli %add3A_253, %mul3A_254 : i32
        %sub3A_256 = arith.subi %scan3A_48, %mul3A_255 : i32
        %jit3A_257 = arith.constant 0 : i32
        %jit3A_258 = arith.constant 64 : i32
        %max3A_259 = arith.maxsi %jit3A_257, %sub3A_256 : i32
        %min3A_260 = arith.minsi %jit3A_258, %max3A_259 : i32
        %gt3A_261 = arith.constant 0 : i32
        %gt3A_262 = arith.cmpi sgt, %min3A_260, %gt3A_261 : i32
        %convert_element_type3A_263 = arith.extui %gt3A_262 : i1 to i32
        %cond3A_264 = arith.constant 0 : i32
        %cond3A_265 = arith.cmpi ne, %convert_element_type3A_263, %cond3A_264 : i32
        scf.if %cond3A_265 {
          %scan3A_275 = arith.constant 0 : i32
          %scan3A_276 = arith.constant 0 : i32
          %scan3A_277 = arith.constant 4 : i32
          %scan3A_278 = arith.addi %scan3A_276, %scan3A_277 : i32
          %scan3A_279 = arith.constant 1 : i32
          %scan3A_280 = scf.for %scan3A_282 = %scan3A_276 to %scan3A_278 step %scan3A_279 iter_args(%scan3A_283 = %scan3A_275) -> (i32)  : i32 {
            %mul3A_284 = arith.constant 16 : i32
            %mul3A_285 = arith.muli %scan3A_282, %mul3A_284 : i32
            %add3A_286 = arith.addi %mul3A_255, %mul3A_285 : i32
            %add3A_287 = vector.broadcast %add3A_286 : i32 to vector<16xi32>
            %add3A_288 = arith.addi %add3A_287, %iota3A : vector<16xi32>
            %broadcast_in_dim3A_289 = arith.constant 0 : i32
            %broadcast_in_dim3A_290 = vector.broadcast %broadcast_in_dim3A_289 : i32 to vector<16xi32>
            %add3A_291 = arith.constant 1023 : i32
            %add3A_292 = vector.broadcast %add3A_291 : i32 to vector<16xi32>
            %add3A_293 = arith.addi %broadcast_in_dim3A_290, %add3A_292 : vector<16xi32>
            %gather3A = tpu.vector_load_idx %arg7[%add3A_293] : memref<2048xi32, #tpu.memory_space<vmem>>[vector<16xi32>], vector<16xi32>,
            %le3A = arith.cmpi sle, %gather3A, %add3A_288 : vector<16xi32>
            %add3A_294 = arith.constant 1024 : i32
            %add3A_295 = vector.broadcast %add3A_294 : i32 to vector<16xi32>
            %add3A_296 = arith.addi %broadcast_in_dim3A_290, %add3A_295 : vector<16xi32>
            %select_n3A_297 = arith.select %le3A, %add3A_296, %broadcast_in_dim3A_290 : vector<16xi1>, vector<16xi32>
            %add3A_298 = arith.constant 511 : i32
            %add3A_299 = vector.broadcast %add3A_298 : i32 to vector<16xi32>
            %add3A_300 = arith.addi %select_n3A_297, %add3A_299 : vector<16xi32>
            %gather3A_301 = tpu.vector_load_idx %arg7[%add3A_300] : memref<2048xi32, #tpu.memory_space<vmem>>[vector<16xi32>], vector<16xi32>,
            %le3A_302 = arith.cmpi sle, %gather3A_301, %add3A_288 : vector<16xi32>
            %add3A_303 = arith.constant 512 : i32
            %add3A_304 = vector.broadcast %add3A_303 : i32 to vector<16xi32>
            %add3A_305 = arith.addi %select_n3A_297, %add3A_304 : vector<16xi32>
            %select_n3A_306 = arith.select %le3A_302, %add3A_305, %select_n3A_297 : vector<16xi1>, vector<16xi32>
            %add3A_307 = arith.constant 255 : i32
            %add3A_308 = vector.broadcast %add3A_307 : i32 to vector<16xi32>
            %add3A_309 = arith.addi %select_n3A_306, %add3A_308 : vector<16xi32>
            %gather3A_310 = tpu.vector_load_idx %arg7[%add3A_309] : memref<2048xi32, #tpu.memory_space<vmem>>[vector<16xi32>], vector<16xi32>,
            %le3A_311 = arith.cmpi sle, %gather3A_310, %add3A_288 : vector<16xi32>
            %add3A_312 = arith.constant 256 : i32
            %add3A_313 = vector.broadcast %add3A_312 : i32 to vector<16xi32>
            %add3A_314 = arith.addi %select_n3A_306, %add3A_313 : vector<16xi32>
            %select_n3A_315 = arith.select %le3A_311, %add3A_314, %select_n3A_306 : vector<16xi1>, vector<16xi32>
            %add3A_316 = arith.constant 127 : i32
            %add3A_317 = vector.broadcast %add3A_316 : i32 to vector<16xi32>
            %add3A_318 = arith.addi %select_n3A_315, %add3A_317 : vector<16xi32>
            %gather3A_319 = tpu.vector_load_idx %arg7[%add3A_318] : memref<2048xi32, #tpu.memory_space<vmem>>[vector<16xi32>], vector<16xi32>,
            %le3A_320 = arith.cmpi sle, %gather3A_319, %add3A_288 : vector<16xi32>
            %add3A_321 = arith.constant 128 : i32
            %add3A_322 = vector.broadcast %add3A_321 : i32 to vector<16xi32>
            %add3A_323 = arith.addi %select_n3A_315, %add3A_322 : vector<16xi32>
            %select_n3A_324 = arith.select %le3A_320, %add3A_323, %select_n3A_315 : vector<16xi1>, vector<16xi32>
            %add3A_325 = arith.constant 63 : i32
            %add3A_326 = vector.broadcast %add3A_325 : i32 to vector<16xi32>
            %add3A_327 = arith.addi %select_n3A_324, %add3A_326 : vector<16xi32>
            %gather3A_328 = tpu.vector_load_idx %arg7[%add3A_327] : memref<2048xi32, #tpu.memory_space<vmem>>[vector<16xi32>], vector<16xi32>,
            %le3A_329 = arith.cmpi sle, %gather3A_328, %add3A_288 : vector<16xi32>
            %add3A_330 = arith.constant 64 : i32
            %add3A_331 = vector.broadcast %add3A_330 : i32 to vector<16xi32>
            %add3A_332 = arith.addi %select_n3A_324, %add3A_331 : vector<16xi32>
            %select_n3A_333 = arith.select %le3A_329, %add3A_332, %select_n3A_324 : vector<16xi1>, vector<16xi32>
            %add3A_334 = arith.constant 31 : i32
            %add3A_335 = vector.broadcast %add3A_334 : i32 to vector<16xi32>
            %add3A_336 = arith.addi %select_n3A_333, %add3A_335 : vector<16xi32>
            %gather3A_337 = tpu.vector_load_idx %arg7[%add3A_336] : memref<2048xi32, #tpu.memory_space<vmem>>[vector<16xi32>], vector<16xi32>,
            %le3A_338 = arith.cmpi sle, %gather3A_337, %add3A_288 : vector<16xi32>
            %add3A_339 = arith.constant 32 : i32
            %add3A_340 = vector.broadcast %add3A_339 : i32 to vector<16xi32>
            %add3A_341 = arith.addi %select_n3A_333, %add3A_340 : vector<16xi32>
            %select_n3A_342 = arith.select %le3A_338, %add3A_341, %select_n3A_333 : vector<16xi1>, vector<16xi32>
            %add3A_343 = arith.constant 15 : i32
            %add3A_344 = vector.broadcast %add3A_343 : i32 to vector<16xi32>
            %add3A_345 = arith.addi %select_n3A_342, %add3A_344 : vector<16xi32>
            %gather3A_346 = tpu.vector_load_idx %arg7[%add3A_345] : memref<2048xi32, #tpu.memory_space<vmem>>[vector<16xi32>], vector<16xi32>,
            %le3A_347 = arith.cmpi sle, %gather3A_346, %add3A_288 : vector<16xi32>
            %add3A_348 = arith.constant 16 : i32
            %add3A_349 = vector.broadcast %add3A_348 : i32 to vector<16xi32>
            %add3A_350 = arith.addi %select_n3A_342, %add3A_349 : vector<16xi32>
            %select_n3A_351 = arith.select %le3A_347, %add3A_350, %select_n3A_342 : vector<16xi1>, vector<16xi32>
            %add3A_352 = arith.constant 7 : i32
            %add3A_353 = vector.broadcast %add3A_352 : i32 to vector<16xi32>
            %add3A_354 = arith.addi %select_n3A_351, %add3A_353 : vector<16xi32>
            %gather3A_355 = tpu.vector_load_idx %arg7[%add3A_354] : memref<2048xi32, #tpu.memory_space<vmem>>[vector<16xi32>], vector<16xi32>,
            %le3A_356 = arith.cmpi sle, %gather3A_355, %add3A_288 : vector<16xi32>
            %add3A_357 = arith.constant 8 : i32
            %add3A_358 = vector.broadcast %add3A_357 : i32 to vector<16xi32>
            %add3A_359 = arith.addi %select_n3A_351, %add3A_358 : vector<16xi32>
            %select_n3A_360 = arith.select %le3A_356, %add3A_359, %select_n3A_351 : vector<16xi1>, vector<16xi32>
            %add3A_361 = arith.constant 3 : i32
            %add3A_362 = vector.broadcast %add3A_361 : i32 to vector<16xi32>
            %add3A_363 = arith.addi %select_n3A_360, %add3A_362 : vector<16xi32>
            %gather3A_364 = tpu.vector_load_idx %arg7[%add3A_363] : memref<2048xi32, #tpu.memory_space<vmem>>[vector<16xi32>], vector<16xi32>,
            %le3A_365 = arith.cmpi sle, %gather3A_364, %add3A_288 : vector<16xi32>
            %add3A_366 = arith.constant 4 : i32
            %add3A_367 = vector.broadcast %add3A_366 : i32 to vector<16xi32>
            %add3A_368 = arith.addi %select_n3A_360, %add3A_367 : vector<16xi32>
            %select_n3A_369 = arith.select %le3A_365, %add3A_368, %select_n3A_360 : vector<16xi1>, vector<16xi32>
            %add3A_370 = arith.constant 1 : i32
            %add3A_371 = vector.broadcast %add3A_370 : i32 to vector<16xi32>
            %add3A_372 = arith.addi %select_n3A_369, %add3A_371 : vector<16xi32>
            %gather3A_373 = tpu.vector_load_idx %arg7[%add3A_372] : memref<2048xi32, #tpu.memory_space<vmem>>[vector<16xi32>], vector<16xi32>,
            %le3A_374 = arith.cmpi sle, %gather3A_373, %add3A_288 : vector<16xi32>
            %add3A_375 = arith.constant 2 : i32
            %add3A_376 = vector.broadcast %add3A_375 : i32 to vector<16xi32>
            %add3A_377 = arith.addi %select_n3A_369, %add3A_376 : vector<16xi32>
            %select_n3A_378 = arith.select %le3A_374, %add3A_377, %select_n3A_369 : vector<16xi1>, vector<16xi32>
            %add3A_379 = arith.constant 0 : i32
            %add3A_380 = vector.broadcast %add3A_379 : i32 to vector<16xi32>
            %add3A_381 = arith.addi %select_n3A_378, %add3A_380 : vector<16xi32>
            %gather3A_382 = tpu.vector_load_idx %arg7[%add3A_381] : memref<2048xi32, #tpu.memory_space<vmem>>[vector<16xi32>], vector<16xi32>,
            %le3A_383 = arith.cmpi sle, %gather3A_382, %add3A_288 : vector<16xi32>
            %add3A_384 = arith.constant 1 : i32
            %add3A_385 = vector.broadcast %add3A_384 : i32 to vector<16xi32>
            %add3A_386 = arith.addi %select_n3A_378, %add3A_385 : vector<16xi32>
            %select_n3A_387 = arith.select %le3A_383, %add3A_386, %select_n3A_378 : vector<16xi1>, vector<16xi32>
            %min3A_388 = arith.constant 2047 : i32
            %min3A_389 = vector.broadcast %min3A_388 : i32 to vector<16xi32>
            %min3A_390 = arith.minsi %select_n3A_387, %min3A_389 : vector<16xi32>
            %add3A_391 = vector.broadcast %mul3A_32 : i32 to vector<16xi32>
            %add3A_392 = arith.addi %add3A_391, %min3A_390 : vector<16xi32>
            %mul3A_393 = arith.constant 16 : i32
            %mul3A_394 = arith.muli %scan3A_282, %mul3A_393 : i32
            %swap3A = arith.constant 0 : i32
            %swap3A_395 = arith.index_cast %swap3A : i32 to index
            %swap3A_396 = arith.index_cast %mul3A_394 : i32 to index
            %swap3A_397 = tpu.vector_load %arg8[%swap3A_395, %swap3A_396] {strides = array<i32>} : memref<4x64xi32, #tpu.memory_space<vmem>>, vector<16xi32>,
            tpu.vector_store %arg8[%swap3A_395, %swap3A_396], %add3A_392 {strides = array<i32>} : memref<4x64xi32, #tpu.memory_space<vmem>>, vector<16xi32>,
            %scan3A_398 = arith.constant 0 : i32
            scf.yield %scan3A_398 : i32
          }
          %scan3A_281 = arith.constant 4 : i32
        } else {
        }
        %ge3A = arith.constant 4 : i32
        %ge3A_266 = arith.cmpi sge, %add3A_201, %ge3A : i32
        %convert_element_type3A_267 = arith.extui %ge3A_266 : i1 to i32
        %cond3A_268 = arith.constant 0 : i32
        %cond3A_269 = arith.cmpi ne, %convert_element_type3A_267, %cond3A_268 : i32
        scf.if %cond3A_269 {
          %mul3A_275 = arith.constant 14336 : i32
          %mul3A_276 = arith.muli %select_n3A, %mul3A_275 : i32
          %add3A_277 = arith.addi %mul3A_276, %mul3A_255 : i32
          %sub3A_278 = arith.constant 1024 : i32
          %sub3A_279 = arith.subi %add3A_277, %sub3A_278 : i32
          %dma_wait3A_280 = arith.constant 0 : i32
          %dma_wait3A_281 = tpu.memref_slice %arg4[%sub3A_279, %dma_wait3A_280] : memref<114688x384xf32, #tpu.memory_space<hbm>> -> memref<64x384xf32, #tpu.memory_space<hbm>>
          %dma_wait3A_282 = arith.constant 0 : i32
          %dma_wait3A_283 = tpu.memref_slice %arg4[%sub3A_279, %dma_wait3A_282] : memref<114688x384xf32, #tpu.memory_space<hbm>> -> memref<64x384xf32, #tpu.memory_space<hbm>>
          tpu.wait_dma2 semaphore(%arg20 : memref<!tpu.dma_semaphore, #tpu.memory_space<semaphore_mem>>) src(%arg9 : memref<64x384xf32, #tpu.memory_space<vmem>>) dst(%dma_wait3A_283 : memref<64x384xf32, #tpu.memory_space<hbm>>)
        } else {
        }
        %gt3A_270 = arith.constant 0 : i32
        %gt3A_271 = arith.cmpi sgt, %min3A_260, %gt3A_270 : i32
        %convert_element_type3A_272 = arith.extui %gt3A_271 : i1 to i32
        %cond3A_273 = arith.constant 0 : i32
        %cond3A_274 = arith.cmpi ne, %convert_element_type3A_272, %cond3A_273 : i32
        scf.if %cond3A_274 {
          %dma_start3A_275 = arith.constant 0 : i32
          %dma_start3A_276 = arith.constant 0 : i32
          %dma_start3A_277 = arith.constant 0 : i32
          %dma_start3A_278 = tpu.memref_slice %arg9[%dma_start3A_276, %dma_start3A_277] : memref<64x384xf32, #tpu.memory_space<vmem>> -> memref<32x384xf32, #tpu.memory_space<vmem>>
          %dma_start3A_279 = arith.constant 0 : i32
          %dma_start3A_280 = tpu.memref_slice %arg8[%dma_start3A_275, %dma_start3A_279] : memref<4x64xi32, #tpu.memory_space<vmem>> -> memref<1x32xi32, #tpu.memory_space<vmem>>
          %dma_start3A_281 = tpu.memref_squeeze %dma_start3A_280 : memref<1x32xi32, #tpu.memory_space<vmem>> -> memref<32xi32, #tpu.memory_space<vmem>>
          %dma_start3A_282 = arith.constant 0 : i32
          %dma_start3A_283 = arith.constant 0 : i32
          %dma_start3A_284 = tpu.memref_slice %arg2[%dma_start3A_282, %dma_start3A_283] : memref<16384x384xf32, #tpu.memory_space<hbm>> -> memref<16384x384xf32, #tpu.memory_space<hbm>>
          tpu.enqueue_indirect_dma source(%dma_start3A_284 : memref<16384x384xf32, #tpu.memory_space<hbm>>) target(%dma_start3A_278 : memref<32x384xf32, #tpu.memory_space<vmem>>) offsets(%dma_start3A_281 : memref<32xi32, #tpu.memory_space<vmem>>) semaphore(%arg16 : memref<!tpu.dma_semaphore, #tpu.memory_space<semaphore_mem>>)
          %dma_start3A_285 = arith.constant 0 : i32
          %dma_start3A_286 = arith.constant 32 : i32
          %dma_start3A_287 = arith.constant 0 : i32
          %dma_start3A_288 = tpu.memref_slice %arg9[%dma_start3A_286, %dma_start3A_287] : memref<64x384xf32, #tpu.memory_space<vmem>> -> memref<32x384xf32, #tpu.memory_space<vmem>>
          %dma_start3A_289 = arith.constant 32 : i32
          %dma_start3A_290 = tpu.memref_slice %arg8[%dma_start3A_285, %dma_start3A_289] : memref<4x64xi32, #tpu.memory_space<vmem>> -> memref<1x32xi32, #tpu.memory_space<vmem>>
          %dma_start3A_291 = tpu.memref_squeeze %dma_start3A_290 : memref<1x32xi32, #tpu.memory_space<vmem>> -> memref<32xi32, #tpu.memory_space<vmem>>
          %dma_start3A_292 = arith.constant 0 : i32
          %dma_start3A_293 = arith.constant 0 : i32
          %dma_start3A_294 = tpu.memref_slice %arg2[%dma_start3A_292, %dma_start3A_293] : memref<16384x384xf32, #tpu.memory_space<hbm>> -> memref<16384x384xf32, #tpu.memory_space<hbm>>
          tpu.enqueue_indirect_dma source(%dma_start3A_294 : memref<16384x384xf32, #tpu.memory_space<hbm>>) target(%dma_start3A_288 : memref<32x384xf32, #tpu.memory_space<vmem>>) offsets(%dma_start3A_291 : memref<32xi32, #tpu.memory_space<vmem>>) semaphore(%arg16 : memref<!tpu.dma_semaphore, #tpu.memory_space<semaphore_mem>>)
        } else {
        }
      } else {
      }
      %sub3A_207 = arith.constant 3 : i32
      %sub3A_208 = arith.subi %add3A_201, %sub3A_207 : i32
      %lt3A_209 = arith.constant 56 : i32
      %lt3A_210 = arith.cmpi slt, %sub3A_208, %lt3A_209 : i32
      %convert_element_type3A_211 = arith.extui %lt3A_210 : i1 to i32
      %cond3A_212 = arith.constant 0 : i32
      %cond3A_213 = arith.cmpi ne, %convert_element_type3A_211, %cond3A_212 : i32
      scf.if %cond3A_213 {
        %mul3A_251 = arith.constant 4 : i32
        %mul3A_252 = arith.muli %sub3A_208, %mul3A_251 : i32
        %add3A_253 = arith.addi %select_n3A_30, %mul3A_252 : i32
        %mul3A_254 = arith.constant 64 : i32
        %mul3A_255 = arith.muli %add3A_253, %mul3A_254 : i32
        %sub3A_256 = arith.subi %scan3A_48, %mul3A_255 : i32
        %jit3A_257 = arith.constant 0 : i32
        %jit3A_258 = arith.constant 64 : i32
        %max3A_259 = arith.maxsi %jit3A_257, %sub3A_256 : i32
        %min3A_260 = arith.minsi %jit3A_258, %max3A_259 : i32
        %mul3A_261 = arith.constant 14336 : i32
        %mul3A_262 = arith.muli %select_n3A, %mul3A_261 : i32
        %add3A_263 = arith.addi %mul3A_262, %mul3A_255 : i32
        %gt3A_264 = arith.constant 0 : i32
        %gt3A_265 = arith.cmpi sgt, %min3A_260, %gt3A_264 : i32
        %convert_element_type3A_266 = arith.extui %gt3A_265 : i1 to i32
        %cond3A_267 = arith.constant 0 : i32
        %cond3A_268 = arith.cmpi ne, %convert_element_type3A_266, %cond3A_267 : i32
        scf.if %cond3A_268 {
          %dma_wait3A_273 = arith.constant 1 : i32
          %dma_wait3A_274 = arith.constant 0 : i32
          %dma_wait3A_275 = tpu.memref_slice %arg8[%dma_wait3A_273, %dma_wait3A_274] : memref<4x64xi32, #tpu.memory_space<vmem>> -> memref<1x64xi32, #tpu.memory_space<vmem>>
          %dma_wait3A_276 = tpu.memref_squeeze %dma_wait3A_275 : memref<1x64xi32, #tpu.memory_space<vmem>> -> memref<64xi32, #tpu.memory_space<vmem>>
          %dma_wait3A_277 = arith.constant 0 : i32
          %dma_wait3A_278 = arith.constant 0 : i32
          %dma_wait3A_279 = tpu.memref_slice %arg2[%dma_wait3A_277, %dma_wait3A_278] : memref<16384x384xf32, #tpu.memory_space<hbm>> -> memref<16384x384xf32, #tpu.memory_space<hbm>>
          tpu.wait_indirect_dma semaphore(%arg17 : memref<!tpu.dma_semaphore, #tpu.memory_space<semaphore_mem>>) src(%dma_wait3A_279 : memref<16384x384xf32, #tpu.memory_space<hbm>>) dst(%arg10 : memref<64x384xf32, #tpu.memory_space<vmem>>)
          %lt3A_280 = arith.constant 64 : i32
          %lt3A_281 = arith.cmpi slt, %min3A_260, %lt3A_280 : i32
          %convert_element_type3A_282 = arith.extui %lt3A_281 : i1 to i32
          %cond3A_283 = arith.constant 0 : i32
          %cond3A_284 = arith.cmpi ne, %convert_element_type3A_282, %cond3A_283 : i32
          scf.if %cond3A_284 {
            %while3A = arith.constant 64 : i32
            %while3A_289 = arith.constant 0 : i32
            %while3A_290 = arith.subi %while3A, %min3A_260 : i32
            %while3A_291 = arith.addi %min3A_260, %while3A_290 : i32
            %while3A_292 = arith.constant 1 : i32
            %while3A_293 = arith.divsi %while3A_290, %while3A_292 : i32
            %while3A_294 = arith.muli %while3A_293, %while3A_292 : i32
            %while3A_295 = arith.addi %min3A_260, %while3A_294 : i32
            %while3A_296 = arith.constant 1 : i32
            %while3A_297 = scf.for %while3A_300 = %min3A_260 to %while3A_295 step %while3A_296 iter_args(%while3A_301 = %while3A_289) -> (i32)  : i32 {
              %swap3A = arith.index_cast %while3A_300 : i32 to index
              %swap3A_302 = arith.constant 0 : index
              %swap3A_303 = tpu.vector_load %arg10[%swap3A, %swap3A_302] {strides = array<i32>} : memref<64x384xf32, #tpu.memory_space<vmem>>, vector<16xf32>,
              tpu.vector_store %arg10[%swap3A, %swap3A_302], %broadcast_in_dim3A_33 {strides = array<i32>} : memref<64x384xf32, #tpu.memory_space<vmem>>, vector<16xf32>,
              %swap3A_304 = arith.index_cast %while3A_300 : i32 to index
              %swap3A_305 = arith.constant 16 : index
              %swap3A_306 = tpu.vector_load %arg10[%swap3A_304, %swap3A_305] {strides = array<i32>} : memref<64x384xf32, #tpu.memory_space<vmem>>, vector<16xf32>,
              tpu.vector_store %arg10[%swap3A_304, %swap3A_305], %broadcast_in_dim3A_33 {strides = array<i32>} : memref<64x384xf32, #tpu.memory_space<vmem>>, vector<16xf32>,
              %swap3A_307 = arith.index_cast %while3A_300 : i32 to index
              %swap3A_308 = arith.constant 32 : index
              %swap3A_309 = tpu.vector_load %arg10[%swap3A_307, %swap3A_308] {strides = array<i32>} : memref<64x384xf32, #tpu.memory_space<vmem>>, vector<16xf32>,
              tpu.vector_store %arg10[%swap3A_307, %swap3A_308], %broadcast_in_dim3A_33 {strides = array<i32>} : memref<64x384xf32, #tpu.memory_space<vmem>>, vector<16xf32>,
              %swap3A_310 = arith.index_cast %while3A_300 : i32 to index
              %swap3A_311 = arith.constant 48 : index
              %swap3A_312 = tpu.vector_load %arg10[%swap3A_310, %swap3A_311] {strides = array<i32>} : memref<64x384xf32, #tpu.memory_space<vmem>>, vector<16xf32>,
              tpu.vector_store %arg10[%swap3A_310, %swap3A_311], %broadcast_in_dim3A_33 {strides = array<i32>} : memref<64x384xf32, #tpu.memory_space<vmem>>, vector<16xf32>,
              %swap3A_313 = arith.index_cast %while3A_300 : i32 to index
              %swap3A_314 = arith.constant 64 : index
              %swap3A_315 = tpu.vector_load %arg10[%swap3A_313, %swap3A_314] {strides = array<i32>} : memref<64x384xf32, #tpu.memory_space<vmem>>, vector<16xf32>,
              tpu.vector_store %arg10[%swap3A_313, %swap3A_314], %broadcast_in_dim3A_33 {strides = array<i32>} : memref<64x384xf32, #tpu.memory_space<vmem>>, vector<16xf32>,
              %swap3A_316 = arith.index_cast %while3A_300 : i32 to index
              %swap3A_317 = arith.constant 80 : index
              %swap3A_318 = tpu.vector_load %arg10[%swap3A_316, %swap3A_317] {strides = array<i32>} : memref<64x384xf32, #tpu.memory_space<vmem>>, vector<16xf32>,
              tpu.vector_store %arg10[%swap3A_316, %swap3A_317], %broadcast_in_dim3A_33 {strides = array<i32>} : memref<64x384xf32, #tpu.memory_space<vmem>>, vector<16xf32>,
              %swap3A_319 = arith.index_cast %while3A_300 : i32 to index
              %swap3A_320 = arith.constant 96 : index
              %swap3A_321 = tpu.vector_load %arg10[%swap3A_319, %swap3A_320] {strides = array<i32>} : memref<64x384xf32, #tpu.memory_space<vmem>>, vector<16xf32>,
              tpu.vector_store %arg10[%swap3A_319, %swap3A_320], %broadcast_in_dim3A_33 {strides = array<i32>} : memref<64x384xf32, #tpu.memory_space<vmem>>, vector<16xf32>,
              %swap3A_322 = arith.index_cast %while3A_300 : i32 to index
              %swap3A_323 = arith.constant 112 : index
              %swap3A_324 = tpu.vector_load %arg10[%swap3A_322, %swap3A_323] {strides = array<i32>} : memref<64x384xf32, #tpu.memory_space<vmem>>, vector<16xf32>,
              tpu.vector_store %arg10[%swap3A_322, %swap3A_323], %broadcast_in_dim3A_33 {strides = array<i32>} : memref<64x384xf32, #tpu.memory_space<vmem>>, vector<16xf32>,
              %swap3A_325 = arith.index_cast %while3A_300 : i32 to index
              %swap3A_326 = arith.constant 128 : index
              %swap3A_327 = tpu.vector_load %arg10[%swap3A_325, %swap3A_326] {strides = array<i32>} : memref<64x384xf32, #tpu.memory_space<vmem>>, vector<16xf32>,
              tpu.vector_store %arg10[%swap3A_325, %swap3A_326], %broadcast_in_dim3A_33 {strides = array<i32>} : memref<64x384xf32, #tpu.memory_space<vmem>>, vector<16xf32>,
              %swap3A_328 = arith.index_cast %while3A_300 : i32 to index
              %swap3A_329 = arith.constant 144 : index
              %swap3A_330 = tpu.vector_load %arg10[%swap3A_328, %swap3A_329] {strides = array<i32>} : memref<64x384xf32, #tpu.memory_space<vmem>>, vector<16xf32>,
              tpu.vector_store %arg10[%swap3A_328, %swap3A_329], %broadcast_in_dim3A_33 {strides = array<i32>} : memref<64x384xf32, #tpu.memory_space<vmem>>, vector<16xf32>,
              %swap3A_331 = arith.index_cast %while3A_300 : i32 to index
              %swap3A_332 = arith.constant 160 : index
              %swap3A_333 = tpu.vector_load %arg10[%swap3A_331, %swap3A_332] {strides = array<i32>} : memref<64x384xf32, #tpu.memory_space<vmem>>, vector<16xf32>,
              tpu.vector_store %arg10[%swap3A_331, %swap3A_332], %broadcast_in_dim3A_33 {strides = array<i32>} : memref<64x384xf32, #tpu.memory_space<vmem>>, vector<16xf32>,
              %swap3A_334 = arith.index_cast %while3A_300 : i32 to index
              %swap3A_335 = arith.constant 176 : index
              %swap3A_336 = tpu.vector_load %arg10[%swap3A_334, %swap3A_335] {strides = array<i32>} : memref<64x384xf32, #tpu.memory_space<vmem>>, vector<16xf32>,
              tpu.vector_store %arg10[%swap3A_334, %swap3A_335], %broadcast_in_dim3A_33 {strides = array<i32>} : memref<64x384xf32, #tpu.memory_space<vmem>>, vector<16xf32>,
              %swap3A_337 = arith.index_cast %while3A_300 : i32 to index
              %swap3A_338 = arith.constant 192 : index
              %swap3A_339 = tpu.vector_load %arg10[%swap3A_337, %swap3A_338] {strides = array<i32>} : memref<64x384xf32, #tpu.memory_space<vmem>>, vector<16xf32>,
              tpu.vector_store %arg10[%swap3A_337, %swap3A_338], %broadcast_in_dim3A_33 {strides = array<i32>} : memref<64x384xf32, #tpu.memory_space<vmem>>, vector<16xf32>,
              %swap3A_340 = arith.index_cast %while3A_300 : i32 to index
              %swap3A_341 = arith.constant 208 : index
              %swap3A_342 = tpu.vector_load %arg10[%swap3A_340, %swap3A_341] {strides = array<i32>} : memref<64x384xf32, #tpu.memory_space<vmem>>, vector<16xf32>,
              tpu.vector_store %arg10[%swap3A_340, %swap3A_341], %broadcast_in_dim3A_33 {strides = array<i32>} : memref<64x384xf32, #tpu.memory_space<vmem>>, vector<16xf32>,
              %swap3A_343 = arith.index_cast %while3A_300 : i32 to index
              %swap3A_344 = arith.constant 224 : index
              %swap3A_345 = tpu.vector_load %arg10[%swap3A_343, %swap3A_344] {strides = array<i32>} : memref<64x384xf32, #tpu.memory_space<vmem>>, vector<16xf32>,
              tpu.vector_store %arg10[%swap3A_343, %swap3A_344], %broadcast_in_dim3A_33 {strides = array<i32>} : memref<64x384xf32, #tpu.memory_space<vmem>>, vector<16xf32>,
              %swap3A_346 = arith.index_cast %while3A_300 : i32 to index
              %swap3A_347 = arith.constant 240 : index
              %swap3A_348 = tpu.vector_load %arg10[%swap3A_346, %swap3A_347] {strides = array<i32>} : memref<64x384xf32, #tpu.memory_space<vmem>>, vector<16xf32>,
              tpu.vector_store %arg10[%swap3A_346, %swap3A_347], %broadcast_in_dim3A_33 {strides = array<i32>} : memref<64x384xf32, #tpu.memory_space<vmem>>, vector<16xf32>,
              %swap3A_349 = arith.index_cast %while3A_300 : i32 to index
              %swap3A_350 = arith.constant 256 : index
              %swap3A_351 = tpu.vector_load %arg10[%swap3A_349, %swap3A_350] {strides = array<i32>} : memref<64x384xf32, #tpu.memory_space<vmem>>, vector<16xf32>,
              tpu.vector_store %arg10[%swap3A_349, %swap3A_350], %broadcast_in_dim3A_33 {strides = array<i32>} : memref<64x384xf32, #tpu.memory_space<vmem>>, vector<16xf32>,
              %swap3A_352 = arith.index_cast %while3A_300 : i32 to index
              %swap3A_353 = arith.constant 272 : index
              %swap3A_354 = tpu.vector_load %arg10[%swap3A_352, %swap3A_353] {strides = array<i32>} : memref<64x384xf32, #tpu.memory_space<vmem>>, vector<16xf32>,
              tpu.vector_store %arg10[%swap3A_352, %swap3A_353], %broadcast_in_dim3A_33 {strides = array<i32>} : memref<64x384xf32, #tpu.memory_space<vmem>>, vector<16xf32>,
              %swap3A_355 = arith.index_cast %while3A_300 : i32 to index
              %swap3A_356 = arith.constant 288 : index
              %swap3A_357 = tpu.vector_load %arg10[%swap3A_355, %swap3A_356] {strides = array<i32>} : memref<64x384xf32, #tpu.memory_space<vmem>>, vector<16xf32>,
              tpu.vector_store %arg10[%swap3A_355, %swap3A_356], %broadcast_in_dim3A_33 {strides = array<i32>} : memref<64x384xf32, #tpu.memory_space<vmem>>, vector<16xf32>,
              %swap3A_358 = arith.index_cast %while3A_300 : i32 to index
              %swap3A_359 = arith.constant 304 : index
              %swap3A_360 = tpu.vector_load %arg10[%swap3A_358, %swap3A_359] {strides = array<i32>} : memref<64x384xf32, #tpu.memory_space<vmem>>, vector<16xf32>,
              tpu.vector_store %arg10[%swap3A_358, %swap3A_359], %broadcast_in_dim3A_33 {strides = array<i32>} : memref<64x384xf32, #tpu.memory_space<vmem>>, vector<16xf32>,
              %swap3A_361 = arith.index_cast %while3A_300 : i32 to index
              %swap3A_362 = arith.constant 320 : index
              %swap3A_363 = tpu.vector_load %arg10[%swap3A_361, %swap3A_362] {strides = array<i32>} : memref<64x384xf32, #tpu.memory_space<vmem>>, vector<16xf32>,
              tpu.vector_store %arg10[%swap3A_361, %swap3A_362], %broadcast_in_dim3A_33 {strides = array<i32>} : memref<64x384xf32, #tpu.memory_space<vmem>>, vector<16xf32>,
              %swap3A_364 = arith.index_cast %while3A_300 : i32 to index
              %swap3A_365 = arith.constant 336 : index
              %swap3A_366 = tpu.vector_load %arg10[%swap3A_364, %swap3A_365] {strides = array<i32>} : memref<64x384xf32, #tpu.memory_space<vmem>>, vector<16xf32>,
              tpu.vector_store %arg10[%swap3A_364, %swap3A_365], %broadcast_in_dim3A_33 {strides = array<i32>} : memref<64x384xf32, #tpu.memory_space<vmem>>, vector<16xf32>,
              %swap3A_367 = arith.index_cast %while3A_300 : i32 to index
              %swap3A_368 = arith.constant 352 : index
              %swap3A_369 = tpu.vector_load %arg10[%swap3A_367, %swap3A_368] {strides = array<i32>} : memref<64x384xf32, #tpu.memory_space<vmem>>, vector<16xf32>,
              tpu.vector_store %arg10[%swap3A_367, %swap3A_368], %broadcast_in_dim3A_33 {strides = array<i32>} : memref<64x384xf32, #tpu.memory_space<vmem>>, vector<16xf32>,
              %swap3A_370 = arith.index_cast %while3A_300 : i32 to index
              %swap3A_371 = arith.constant 368 : index
              %swap3A_372 = tpu.vector_load %arg10[%swap3A_370, %swap3A_371] {strides = array<i32>} : memref<64x384xf32, #tpu.memory_space<vmem>>, vector<16xf32>,
              tpu.vector_store %arg10[%swap3A_370, %swap3A_371], %broadcast_in_dim3A_33 {strides = array<i32>} : memref<64x384xf32, #tpu.memory_space<vmem>>, vector<16xf32>,
              %while3A_373 = arith.constant 0 : i32
              scf.yield %while3A_373 : i32
            }
            %while3A_298 = arith.constant 1 : i32
            %while3A_299 = scf.for %while3A_300 = %while3A_295 to %while3A_291 step %while3A_298 iter_args(%while3A_301 = %while3A_297) -> (i32)  : i32 {
              %swap3A = arith.index_cast %while3A_300 : i32 to index
              %swap3A_302 = arith.constant 0 : index
              %swap3A_303 = tpu.vector_load %arg10[%swap3A, %swap3A_302] {strides = array<i32>} : memref<64x384xf32, #tpu.memory_space<vmem>>, vector<16xf32>,
              tpu.vector_store %arg10[%swap3A, %swap3A_302], %broadcast_in_dim3A_33 {strides = array<i32>} : memref<64x384xf32, #tpu.memory_space<vmem>>, vector<16xf32>,
              %swap3A_304 = arith.index_cast %while3A_300 : i32 to index
              %swap3A_305 = arith.constant 16 : index
              %swap3A_306 = tpu.vector_load %arg10[%swap3A_304, %swap3A_305] {strides = array<i32>} : memref<64x384xf32, #tpu.memory_space<vmem>>, vector<16xf32>,
              tpu.vector_store %arg10[%swap3A_304, %swap3A_305], %broadcast_in_dim3A_33 {strides = array<i32>} : memref<64x384xf32, #tpu.memory_space<vmem>>, vector<16xf32>,
              %swap3A_307 = arith.index_cast %while3A_300 : i32 to index
              %swap3A_308 = arith.constant 32 : index
              %swap3A_309 = tpu.vector_load %arg10[%swap3A_307, %swap3A_308] {strides = array<i32>} : memref<64x384xf32, #tpu.memory_space<vmem>>, vector<16xf32>,
              tpu.vector_store %arg10[%swap3A_307, %swap3A_308], %broadcast_in_dim3A_33 {strides = array<i32>} : memref<64x384xf32, #tpu.memory_space<vmem>>, vector<16xf32>,
              %swap3A_310 = arith.index_cast %while3A_300 : i32 to index
              %swap3A_311 = arith.constant 48 : index
              %swap3A_312 = tpu.vector_load %arg10[%swap3A_310, %swap3A_311] {strides = array<i32>} : memref<64x384xf32, #tpu.memory_space<vmem>>, vector<16xf32>,
              tpu.vector_store %arg10[%swap3A_310, %swap3A_311], %broadcast_in_dim3A_33 {strides = array<i32>} : memref<64x384xf32, #tpu.memory_space<vmem>>, vector<16xf32>,
              %swap3A_313 = arith.index_cast %while3A_300 : i32 to index
              %swap3A_314 = arith.constant 64 : index
              %swap3A_315 = tpu.vector_load %arg10[%swap3A_313, %swap3A_314] {strides = array<i32>} : memref<64x384xf32, #tpu.memory_space<vmem>>, vector<16xf32>,
              tpu.vector_store %arg10[%swap3A_313, %swap3A_314], %broadcast_in_dim3A_33 {strides = array<i32>} : memref<64x384xf32, #tpu.memory_space<vmem>>, vector<16xf32>,
              %swap3A_316 = arith.index_cast %while3A_300 : i32 to index
              %swap3A_317 = arith.constant 80 : index
              %swap3A_318 = tpu.vector_load %arg10[%swap3A_316, %swap3A_317] {strides = array<i32>} : memref<64x384xf32, #tpu.memory_space<vmem>>, vector<16xf32>,
              tpu.vector_store %arg10[%swap3A_316, %swap3A_317], %broadcast_in_dim3A_33 {strides = array<i32>} : memref<64x384xf32, #tpu.memory_space<vmem>>, vector<16xf32>,
              %swap3A_319 = arith.index_cast %while3A_300 : i32 to index
              %swap3A_320 = arith.constant 96 : index
              %swap3A_321 = tpu.vector_load %arg10[%swap3A_319, %swap3A_320] {strides = array<i32>} : memref<64x384xf32, #tpu.memory_space<vmem>>, vector<16xf32>,
              tpu.vector_store %arg10[%swap3A_319, %swap3A_320], %broadcast_in_dim3A_33 {strides = array<i32>} : memref<64x384xf32, #tpu.memory_space<vmem>>, vector<16xf32>,
              %swap3A_322 = arith.index_cast %while3A_300 : i32 to index
              %swap3A_323 = arith.constant 112 : index
              %swap3A_324 = tpu.vector_load %arg10[%swap3A_322, %swap3A_323] {strides = array<i32>} : memref<64x384xf32, #tpu.memory_space<vmem>>, vector<16xf32>,
              tpu.vector_store %arg10[%swap3A_322, %swap3A_323], %broadcast_in_dim3A_33 {strides = array<i32>} : memref<64x384xf32, #tpu.memory_space<vmem>>, vector<16xf32>,
              %swap3A_325 = arith.index_cast %while3A_300 : i32 to index
              %swap3A_326 = arith.constant 128 : index
              %swap3A_327 = tpu.vector_load %arg10[%swap3A_325, %swap3A_326] {strides = array<i32>} : memref<64x384xf32, #tpu.memory_space<vmem>>, vector<16xf32>,
              tpu.vector_store %arg10[%swap3A_325, %swap3A_326], %broadcast_in_dim3A_33 {strides = array<i32>} : memref<64x384xf32, #tpu.memory_space<vmem>>, vector<16xf32>,
              %swap3A_328 = arith.index_cast %while3A_300 : i32 to index
              %swap3A_329 = arith.constant 144 : index
              %swap3A_330 = tpu.vector_load %arg10[%swap3A_328, %swap3A_329] {strides = array<i32>} : memref<64x384xf32, #tpu.memory_space<vmem>>, vector<16xf32>,
              tpu.vector_store %arg10[%swap3A_328, %swap3A_329], %broadcast_in_dim3A_33 {strides = array<i32>} : memref<64x384xf32, #tpu.memory_space<vmem>>, vector<16xf32>,
              %swap3A_331 = arith.index_cast %while3A_300 : i32 to index
              %swap3A_332 = arith.constant 160 : index
              %swap3A_333 = tpu.vector_load %arg10[%swap3A_331, %swap3A_332] {strides = array<i32>} : memref<64x384xf32, #tpu.memory_space<vmem>>, vector<16xf32>,
              tpu.vector_store %arg10[%swap3A_331, %swap3A_332], %broadcast_in_dim3A_33 {strides = array<i32>} : memref<64x384xf32, #tpu.memory_space<vmem>>, vector<16xf32>,
              %swap3A_334 = arith.index_cast %while3A_300 : i32 to index
              %swap3A_335 = arith.constant 176 : index
              %swap3A_336 = tpu.vector_load %arg10[%swap3A_334, %swap3A_335] {strides = array<i32>} : memref<64x384xf32, #tpu.memory_space<vmem>>, vector<16xf32>,
              tpu.vector_store %arg10[%swap3A_334, %swap3A_335], %broadcast_in_dim3A_33 {strides = array<i32>} : memref<64x384xf32, #tpu.memory_space<vmem>>, vector<16xf32>,
              %swap3A_337 = arith.index_cast %while3A_300 : i32 to index
              %swap3A_338 = arith.constant 192 : index
              %swap3A_339 = tpu.vector_load %arg10[%swap3A_337, %swap3A_338] {strides = array<i32>} : memref<64x384xf32, #tpu.memory_space<vmem>>, vector<16xf32>,
              tpu.vector_store %arg10[%swap3A_337, %swap3A_338], %broadcast_in_dim3A_33 {strides = array<i32>} : memref<64x384xf32, #tpu.memory_space<vmem>>, vector<16xf32>,
              %swap3A_340 = arith.index_cast %while3A_300 : i32 to index
              %swap3A_341 = arith.constant 208 : index
              %swap3A_342 = tpu.vector_load %arg10[%swap3A_340, %swap3A_341] {strides = array<i32>} : memref<64x384xf32, #tpu.memory_space<vmem>>, vector<16xf32>,
              tpu.vector_store %arg10[%swap3A_340, %swap3A_341], %broadcast_in_dim3A_33 {strides = array<i32>} : memref<64x384xf32, #tpu.memory_space<vmem>>, vector<16xf32>,
              %swap3A_343 = arith.index_cast %while3A_300 : i32 to index
              %swap3A_344 = arith.constant 224 : index
              %swap3A_345 = tpu.vector_load %arg10[%swap3A_343, %swap3A_344] {strides = array<i32>} : memref<64x384xf32, #tpu.memory_space<vmem>>, vector<16xf32>,
              tpu.vector_store %arg10[%swap3A_343, %swap3A_344], %broadcast_in_dim3A_33 {strides = array<i32>} : memref<64x384xf32, #tpu.memory_space<vmem>>, vector<16xf32>,
              %swap3A_346 = arith.index_cast %while3A_300 : i32 to index
              %swap3A_347 = arith.constant 240 : index
              %swap3A_348 = tpu.vector_load %arg10[%swap3A_346, %swap3A_347] {strides = array<i32>} : memref<64x384xf32, #tpu.memory_space<vmem>>, vector<16xf32>,
              tpu.vector_store %arg10[%swap3A_346, %swap3A_347], %broadcast_in_dim3A_33 {strides = array<i32>} : memref<64x384xf32, #tpu.memory_space<vmem>>, vector<16xf32>,
              %swap3A_349 = arith.index_cast %while3A_300 : i32 to index
              %swap3A_350 = arith.constant 256 : index
              %swap3A_351 = tpu.vector_load %arg10[%swap3A_349, %swap3A_350] {strides = array<i32>} : memref<64x384xf32, #tpu.memory_space<vmem>>, vector<16xf32>,
              tpu.vector_store %arg10[%swap3A_349, %swap3A_350], %broadcast_in_dim3A_33 {strides = array<i32>} : memref<64x384xf32, #tpu.memory_space<vmem>>, vector<16xf32>,
              %swap3A_352 = arith.index_cast %while3A_300 : i32 to index
              %swap3A_353 = arith.constant 272 : index
              %swap3A_354 = tpu.vector_load %arg10[%swap3A_352, %swap3A_353] {strides = array<i32>} : memref<64x384xf32, #tpu.memory_space<vmem>>, vector<16xf32>,
              tpu.vector_store %arg10[%swap3A_352, %swap3A_353], %broadcast_in_dim3A_33 {strides = array<i32>} : memref<64x384xf32, #tpu.memory_space<vmem>>, vector<16xf32>,
              %swap3A_355 = arith.index_cast %while3A_300 : i32 to index
              %swap3A_356 = arith.constant 288 : index
              %swap3A_357 = tpu.vector_load %arg10[%swap3A_355, %swap3A_356] {strides = array<i32>} : memref<64x384xf32, #tpu.memory_space<vmem>>, vector<16xf32>,
              tpu.vector_store %arg10[%swap3A_355, %swap3A_356], %broadcast_in_dim3A_33 {strides = array<i32>} : memref<64x384xf32, #tpu.memory_space<vmem>>, vector<16xf32>,
              %swap3A_358 = arith.index_cast %while3A_300 : i32 to index
              %swap3A_359 = arith.constant 304 : index
              %swap3A_360 = tpu.vector_load %arg10[%swap3A_358, %swap3A_359] {strides = array<i32>} : memref<64x384xf32, #tpu.memory_space<vmem>>, vector<16xf32>,
              tpu.vector_store %arg10[%swap3A_358, %swap3A_359], %broadcast_in_dim3A_33 {strides = array<i32>} : memref<64x384xf32, #tpu.memory_space<vmem>>, vector<16xf32>,
              %swap3A_361 = arith.index_cast %while3A_300 : i32 to index
              %swap3A_362 = arith.constant 320 : index
              %swap3A_363 = tpu.vector_load %arg10[%swap3A_361, %swap3A_362] {strides = array<i32>} : memref<64x384xf32, #tpu.memory_space<vmem>>, vector<16xf32>,
              tpu.vector_store %arg10[%swap3A_361, %swap3A_362], %broadcast_in_dim3A_33 {strides = array<i32>} : memref<64x384xf32, #tpu.memory_space<vmem>>, vector<16xf32>,
              %swap3A_364 = arith.index_cast %while3A_300 : i32 to index
              %swap3A_365 = arith.constant 336 : index
              %swap3A_366 = tpu.vector_load %arg10[%swap3A_364, %swap3A_365] {strides = array<i32>} : memref<64x384xf32, #tpu.memory_space<vmem>>, vector<16xf32>,
              tpu.vector_store %arg10[%swap3A_364, %swap3A_365], %broadcast_in_dim3A_33 {strides = array<i32>} : memref<64x384xf32, #tpu.memory_space<vmem>>, vector<16xf32>,
              %swap3A_367 = arith.index_cast %while3A_300 : i32 to index
              %swap3A_368 = arith.constant 352 : index
              %swap3A_369 = tpu.vector_load %arg10[%swap3A_367, %swap3A_368] {strides = array<i32>} : memref<64x384xf32, #tpu.memory_space<vmem>>, vector<16xf32>,
              tpu.vector_store %arg10[%swap3A_367, %swap3A_368], %broadcast_in_dim3A_33 {strides = array<i32>} : memref<64x384xf32, #tpu.memory_space<vmem>>, vector<16xf32>,
              %swap3A_370 = arith.index_cast %while3A_300 : i32 to index
              %swap3A_371 = arith.constant 368 : index
              %swap3A_372 = tpu.vector_load %arg10[%swap3A_370, %swap3A_371] {strides = array<i32>} : memref<64x384xf32, #tpu.memory_space<vmem>>, vector<16xf32>,
              tpu.vector_store %arg10[%swap3A_370, %swap3A_371], %broadcast_in_dim3A_33 {strides = array<i32>} : memref<64x384xf32, #tpu.memory_space<vmem>>, vector<16xf32>,
              %while3A_373 = arith.constant 0 : i32
              scf.yield %while3A_373 : i32
            }
          } else {
          }
          %dma_start3A_285 = arith.constant 0 : i32
          %dma_start3A_286 = tpu.memref_slice %arg4[%add3A_263, %dma_start3A_285] : memref<114688x384xf32, #tpu.memory_space<hbm>> -> memref<64x384xf32, #tpu.memory_space<hbm>>
          %dma_start3A_287 = arith.constant 0 : i32
          %dma_start3A_288 = tpu.memref_slice %arg4[%add3A_263, %dma_start3A_287] : memref<114688x384xf32, #tpu.memory_space<hbm>> -> memref<64x384xf32, #tpu.memory_space<hbm>>
          tpu.enqueue_dma source(%arg10 : memref<64x384xf32, #tpu.memory_space<vmem>>) target(%dma_start3A_288 : memref<64x384xf32, #tpu.memory_space<hbm>>) target_semaphore(%arg21 : memref<!tpu.dma_semaphore, #tpu.memory_space<semaphore_mem>>)
        } else {
        }
        %le3A = arith.constant 0 : i32
        %le3A_269 = arith.cmpi sle, %min3A_260, %le3A : i32
        %convert_element_type3A_270 = arith.extui %le3A_269 : i1 to i32
        %cond3A_271 = arith.constant 0 : i32
        %cond3A_272 = arith.cmpi ne, %convert_element_type3A_270, %cond3A_271 : i32
        scf.if %cond3A_272 {
          %dma_start3A_273 = arith.constant 0 : i32
          %dma_start3A_274 = tpu.memref_slice %arg4[%add3A_263, %dma_start3A_273] : memref<114688x384xf32, #tpu.memory_space<hbm>> -> memref<64x384xf32, #tpu.memory_space<hbm>>
          %dma_start3A_275 = arith.constant 0 : i32
          %dma_start3A_276 = tpu.memref_slice %arg4[%add3A_263, %dma_start3A_275] : memref<114688x384xf32, #tpu.memory_space<hbm>> -> memref<64x384xf32, #tpu.memory_space<hbm>>
          tpu.enqueue_dma source(%arg13 : memref<64x384xf32, #tpu.memory_space<vmem>>) target(%dma_start3A_276 : memref<64x384xf32, #tpu.memory_space<hbm>>) target_semaphore(%arg21 : memref<!tpu.dma_semaphore, #tpu.memory_space<semaphore_mem>>)
        } else {
        }
      } else {
      }
      %mul3A_214 = arith.constant 4 : i32
      %mul3A_215 = arith.muli %scan3A_176, %mul3A_214 : i32
      %add3A_216 = arith.constant 2 : i32
      %add3A_217 = arith.addi %mul3A_215, %add3A_216 : i32
      %add3A_218 = arith.constant 3 : i32
      %add3A_219 = arith.addi %add3A_217, %add3A_218 : i32
      %lt3A_220 = arith.constant 56 : i32
      %lt3A_221 = arith.cmpi slt, %add3A_219, %lt3A_220 : i32
      %convert_element_type3A_222 = arith.extui %lt3A_221 : i1 to i32
      %cond3A_223 = arith.constant 0 : i32
      %cond3A_224 = arith.cmpi ne, %convert_element_type3A_222, %cond3A_223 : i32
      scf.if %cond3A_224 {
        %mul3A_251 = arith.constant 4 : i32
        %mul3A_252 = arith.muli %add3A_219, %mul3A_251 : i32
        %add3A_253 = arith.addi %select_n3A_30, %mul3A_252 : i32
        %mul3A_254 = arith.constant 64 : i32
        %mul3A_255 = arith.muli %add3A_253, %mul3A_254 : i32
        %sub3A_256 = arith.subi %scan3A_48, %mul3A_255 : i32
        %jit3A_257 = arith.constant 0 : i32
        %jit3A_258 = arith.constant 64 : i32
        %max3A_259 = arith.maxsi %jit3A_257, %sub3A_256 : i32
        %min3A_260 = arith.minsi %jit3A_258, %max3A_259 : i32
        %gt3A_261 = arith.constant 0 : i32
        %gt3A_262 = arith.cmpi sgt, %min3A_260, %gt3A_261 : i32
        %convert_element_type3A_263 = arith.extui %gt3A_262 : i1 to i32
        %cond3A_264 = arith.constant 0 : i32
        %cond3A_265 = arith.cmpi ne, %convert_element_type3A_263, %cond3A_264 : i32
        scf.if %cond3A_265 {
          %scan3A_275 = arith.constant 0 : i32
          %scan3A_276 = arith.constant 0 : i32
          %scan3A_277 = arith.constant 4 : i32
          %scan3A_278 = arith.addi %scan3A_276, %scan3A_277 : i32
          %scan3A_279 = arith.constant 1 : i32
          %scan3A_280 = scf.for %scan3A_282 = %scan3A_276 to %scan3A_278 step %scan3A_279 iter_args(%scan3A_283 = %scan3A_275) -> (i32)  : i32 {
            %mul3A_284 = arith.constant 16 : i32
            %mul3A_285 = arith.muli %scan3A_282, %mul3A_284 : i32
            %add3A_286 = arith.addi %mul3A_255, %mul3A_285 : i32
            %add3A_287 = vector.broadcast %add3A_286 : i32 to vector<16xi32>
            %add3A_288 = arith.addi %add3A_287, %iota3A : vector<16xi32>
            %broadcast_in_dim3A_289 = arith.constant 0 : i32
            %broadcast_in_dim3A_290 = vector.broadcast %broadcast_in_dim3A_289 : i32 to vector<16xi32>
            %add3A_291 = arith.constant 1023 : i32
            %add3A_292 = vector.broadcast %add3A_291 : i32 to vector<16xi32>
            %add3A_293 = arith.addi %broadcast_in_dim3A_290, %add3A_292 : vector<16xi32>
            %gather3A = tpu.vector_load_idx %arg7[%add3A_293] : memref<2048xi32, #tpu.memory_space<vmem>>[vector<16xi32>], vector<16xi32>,
            %le3A = arith.cmpi sle, %gather3A, %add3A_288 : vector<16xi32>
            %add3A_294 = arith.constant 1024 : i32
            %add3A_295 = vector.broadcast %add3A_294 : i32 to vector<16xi32>
            %add3A_296 = arith.addi %broadcast_in_dim3A_290, %add3A_295 : vector<16xi32>
            %select_n3A_297 = arith.select %le3A, %add3A_296, %broadcast_in_dim3A_290 : vector<16xi1>, vector<16xi32>
            %add3A_298 = arith.constant 511 : i32
            %add3A_299 = vector.broadcast %add3A_298 : i32 to vector<16xi32>
            %add3A_300 = arith.addi %select_n3A_297, %add3A_299 : vector<16xi32>
            %gather3A_301 = tpu.vector_load_idx %arg7[%add3A_300] : memref<2048xi32, #tpu.memory_space<vmem>>[vector<16xi32>], vector<16xi32>,
            %le3A_302 = arith.cmpi sle, %gather3A_301, %add3A_288 : vector<16xi32>
            %add3A_303 = arith.constant 512 : i32
            %add3A_304 = vector.broadcast %add3A_303 : i32 to vector<16xi32>
            %add3A_305 = arith.addi %select_n3A_297, %add3A_304 : vector<16xi32>
            %select_n3A_306 = arith.select %le3A_302, %add3A_305, %select_n3A_297 : vector<16xi1>, vector<16xi32>
            %add3A_307 = arith.constant 255 : i32
            %add3A_308 = vector.broadcast %add3A_307 : i32 to vector<16xi32>
            %add3A_309 = arith.addi %select_n3A_306, %add3A_308 : vector<16xi32>
            %gather3A_310 = tpu.vector_load_idx %arg7[%add3A_309] : memref<2048xi32, #tpu.memory_space<vmem>>[vector<16xi32>], vector<16xi32>,
            %le3A_311 = arith.cmpi sle, %gather3A_310, %add3A_288 : vector<16xi32>
            %add3A_312 = arith.constant 256 : i32
            %add3A_313 = vector.broadcast %add3A_312 : i32 to vector<16xi32>
            %add3A_314 = arith.addi %select_n3A_306, %add3A_313 : vector<16xi32>
            %select_n3A_315 = arith.select %le3A_311, %add3A_314, %select_n3A_306 : vector<16xi1>, vector<16xi32>
            %add3A_316 = arith.constant 127 : i32
            %add3A_317 = vector.broadcast %add3A_316 : i32 to vector<16xi32>
            %add3A_318 = arith.addi %select_n3A_315, %add3A_317 : vector<16xi32>
            %gather3A_319 = tpu.vector_load_idx %arg7[%add3A_318] : memref<2048xi32, #tpu.memory_space<vmem>>[vector<16xi32>], vector<16xi32>,
            %le3A_320 = arith.cmpi sle, %gather3A_319, %add3A_288 : vector<16xi32>
            %add3A_321 = arith.constant 128 : i32
            %add3A_322 = vector.broadcast %add3A_321 : i32 to vector<16xi32>
            %add3A_323 = arith.addi %select_n3A_315, %add3A_322 : vector<16xi32>
            %select_n3A_324 = arith.select %le3A_320, %add3A_323, %select_n3A_315 : vector<16xi1>, vector<16xi32>
            %add3A_325 = arith.constant 63 : i32
            %add3A_326 = vector.broadcast %add3A_325 : i32 to vector<16xi32>
            %add3A_327 = arith.addi %select_n3A_324, %add3A_326 : vector<16xi32>
            %gather3A_328 = tpu.vector_load_idx %arg7[%add3A_327] : memref<2048xi32, #tpu.memory_space<vmem>>[vector<16xi32>], vector<16xi32>,
            %le3A_329 = arith.cmpi sle, %gather3A_328, %add3A_288 : vector<16xi32>
            %add3A_330 = arith.constant 64 : i32
            %add3A_331 = vector.broadcast %add3A_330 : i32 to vector<16xi32>
            %add3A_332 = arith.addi %select_n3A_324, %add3A_331 : vector<16xi32>
            %select_n3A_333 = arith.select %le3A_329, %add3A_332, %select_n3A_324 : vector<16xi1>, vector<16xi32>
            %add3A_334 = arith.constant 31 : i32
            %add3A_335 = vector.broadcast %add3A_334 : i32 to vector<16xi32>
            %add3A_336 = arith.addi %select_n3A_333, %add3A_335 : vector<16xi32>
            %gather3A_337 = tpu.vector_load_idx %arg7[%add3A_336] : memref<2048xi32, #tpu.memory_space<vmem>>[vector<16xi32>], vector<16xi32>,
            %le3A_338 = arith.cmpi sle, %gather3A_337, %add3A_288 : vector<16xi32>
            %add3A_339 = arith.constant 32 : i32
            %add3A_340 = vector.broadcast %add3A_339 : i32 to vector<16xi32>
            %add3A_341 = arith.addi %select_n3A_333, %add3A_340 : vector<16xi32>
            %select_n3A_342 = arith.select %le3A_338, %add3A_341, %select_n3A_333 : vector<16xi1>, vector<16xi32>
            %add3A_343 = arith.constant 15 : i32
            %add3A_344 = vector.broadcast %add3A_343 : i32 to vector<16xi32>
            %add3A_345 = arith.addi %select_n3A_342, %add3A_344 : vector<16xi32>
            %gather3A_346 = tpu.vector_load_idx %arg7[%add3A_345] : memref<2048xi32, #tpu.memory_space<vmem>>[vector<16xi32>], vector<16xi32>,
            %le3A_347 = arith.cmpi sle, %gather3A_346, %add3A_288 : vector<16xi32>
            %add3A_348 = arith.constant 16 : i32
            %add3A_349 = vector.broadcast %add3A_348 : i32 to vector<16xi32>
            %add3A_350 = arith.addi %select_n3A_342, %add3A_349 : vector<16xi32>
            %select_n3A_351 = arith.select %le3A_347, %add3A_350, %select_n3A_342 : vector<16xi1>, vector<16xi32>
            %add3A_352 = arith.constant 7 : i32
            %add3A_353 = vector.broadcast %add3A_352 : i32 to vector<16xi32>
            %add3A_354 = arith.addi %select_n3A_351, %add3A_353 : vector<16xi32>
            %gather3A_355 = tpu.vector_load_idx %arg7[%add3A_354] : memref<2048xi32, #tpu.memory_space<vmem>>[vector<16xi32>], vector<16xi32>,
            %le3A_356 = arith.cmpi sle, %gather3A_355, %add3A_288 : vector<16xi32>
            %add3A_357 = arith.constant 8 : i32
            %add3A_358 = vector.broadcast %add3A_357 : i32 to vector<16xi32>
            %add3A_359 = arith.addi %select_n3A_351, %add3A_358 : vector<16xi32>
            %select_n3A_360 = arith.select %le3A_356, %add3A_359, %select_n3A_351 : vector<16xi1>, vector<16xi32>
            %add3A_361 = arith.constant 3 : i32
            %add3A_362 = vector.broadcast %add3A_361 : i32 to vector<16xi32>
            %add3A_363 = arith.addi %select_n3A_360, %add3A_362 : vector<16xi32>
            %gather3A_364 = tpu.vector_load_idx %arg7[%add3A_363] : memref<2048xi32, #tpu.memory_space<vmem>>[vector<16xi32>], vector<16xi32>,
            %le3A_365 = arith.cmpi sle, %gather3A_364, %add3A_288 : vector<16xi32>
            %add3A_366 = arith.constant 4 : i32
            %add3A_367 = vector.broadcast %add3A_366 : i32 to vector<16xi32>
            %add3A_368 = arith.addi %select_n3A_360, %add3A_367 : vector<16xi32>
            %select_n3A_369 = arith.select %le3A_365, %add3A_368, %select_n3A_360 : vector<16xi1>, vector<16xi32>
            %add3A_370 = arith.constant 1 : i32
            %add3A_371 = vector.broadcast %add3A_370 : i32 to vector<16xi32>
            %add3A_372 = arith.addi %select_n3A_369, %add3A_371 : vector<16xi32>
            %gather3A_373 = tpu.vector_load_idx %arg7[%add3A_372] : memref<2048xi32, #tpu.memory_space<vmem>>[vector<16xi32>], vector<16xi32>,
            %le3A_374 = arith.cmpi sle, %gather3A_373, %add3A_288 : vector<16xi32>
            %add3A_375 = arith.constant 2 : i32
            %add3A_376 = vector.broadcast %add3A_375 : i32 to vector<16xi32>
            %add3A_377 = arith.addi %select_n3A_369, %add3A_376 : vector<16xi32>
            %select_n3A_378 = arith.select %le3A_374, %add3A_377, %select_n3A_369 : vector<16xi1>, vector<16xi32>
            %add3A_379 = arith.constant 0 : i32
            %add3A_380 = vector.broadcast %add3A_379 : i32 to vector<16xi32>
            %add3A_381 = arith.addi %select_n3A_378, %add3A_380 : vector<16xi32>
            %gather3A_382 = tpu.vector_load_idx %arg7[%add3A_381] : memref<2048xi32, #tpu.memory_space<vmem>>[vector<16xi32>], vector<16xi32>,
            %le3A_383 = arith.cmpi sle, %gather3A_382, %add3A_288 : vector<16xi32>
            %add3A_384 = arith.constant 1 : i32
            %add3A_385 = vector.broadcast %add3A_384 : i32 to vector<16xi32>
            %add3A_386 = arith.addi %select_n3A_378, %add3A_385 : vector<16xi32>
            %select_n3A_387 = arith.select %le3A_383, %add3A_386, %select_n3A_378 : vector<16xi1>, vector<16xi32>
            %min3A_388 = arith.constant 2047 : i32
            %min3A_389 = vector.broadcast %min3A_388 : i32 to vector<16xi32>
            %min3A_390 = arith.minsi %select_n3A_387, %min3A_389 : vector<16xi32>
            %add3A_391 = vector.broadcast %mul3A_32 : i32 to vector<16xi32>
            %add3A_392 = arith.addi %add3A_391, %min3A_390 : vector<16xi32>
            %mul3A_393 = arith.constant 16 : i32
            %mul3A_394 = arith.muli %scan3A_282, %mul3A_393 : i32
            %swap3A = arith.constant 1 : i32
            %swap3A_395 = arith.index_cast %swap3A : i32 to index
            %swap3A_396 = arith.index_cast %mul3A_394 : i32 to index
            %swap3A_397 = tpu.vector_load %arg8[%swap3A_395, %swap3A_396] {strides = array<i32>} : memref<4x64xi32, #tpu.memory_space<vmem>>, vector<16xi32>,
            tpu.vector_store %arg8[%swap3A_395, %swap3A_396], %add3A_392 {strides = array<i32>} : memref<4x64xi32, #tpu.memory_space<vmem>>, vector<16xi32>,
            %scan3A_398 = arith.constant 0 : i32
            scf.yield %scan3A_398 : i32
          }
          %scan3A_281 = arith.constant 4 : i32
        } else {
        }
        %ge3A = arith.constant 4 : i32
        %ge3A_266 = arith.cmpi sge, %add3A_219, %ge3A : i32
        %convert_element_type3A_267 = arith.extui %ge3A_266 : i1 to i32
        %cond3A_268 = arith.constant 0 : i32
        %cond3A_269 = arith.cmpi ne, %convert_element_type3A_267, %cond3A_268 : i32
        scf.if %cond3A_269 {
          %mul3A_275 = arith.constant 14336 : i32
          %mul3A_276 = arith.muli %select_n3A, %mul3A_275 : i32
          %add3A_277 = arith.addi %mul3A_276, %mul3A_255 : i32
          %sub3A_278 = arith.constant 1024 : i32
          %sub3A_279 = arith.subi %add3A_277, %sub3A_278 : i32
          %dma_wait3A_280 = arith.constant 0 : i32
          %dma_wait3A_281 = tpu.memref_slice %arg4[%sub3A_279, %dma_wait3A_280] : memref<114688x384xf32, #tpu.memory_space<hbm>> -> memref<64x384xf32, #tpu.memory_space<hbm>>
          %dma_wait3A_282 = arith.constant 0 : i32
          %dma_wait3A_283 = tpu.memref_slice %arg4[%sub3A_279, %dma_wait3A_282] : memref<114688x384xf32, #tpu.memory_space<hbm>> -> memref<64x384xf32, #tpu.memory_space<hbm>>
          tpu.wait_dma2 semaphore(%arg21 : memref<!tpu.dma_semaphore, #tpu.memory_space<semaphore_mem>>) src(%arg10 : memref<64x384xf32, #tpu.memory_space<vmem>>) dst(%dma_wait3A_283 : memref<64x384xf32, #tpu.memory_space<hbm>>)
        } else {
        }
        %gt3A_270 = arith.constant 0 : i32
        %gt3A_271 = arith.cmpi sgt, %min3A_260, %gt3A_270 : i32
        %convert_element_type3A_272 = arith.extui %gt3A_271 : i1 to i32
        %cond3A_273 = arith.constant 0 : i32
        %cond3A_274 = arith.cmpi ne, %convert_element_type3A_272, %cond3A_273 : i32
        scf.if %cond3A_274 {
          %dma_start3A_275 = arith.constant 1 : i32
          %dma_start3A_276 = arith.constant 0 : i32
          %dma_start3A_277 = arith.constant 0 : i32
          %dma_start3A_278 = tpu.memref_slice %arg10[%dma_start3A_276, %dma_start3A_277] : memref<64x384xf32, #tpu.memory_space<vmem>> -> memref<32x384xf32, #tpu.memory_space<vmem>>
          %dma_start3A_279 = arith.constant 0 : i32
          %dma_start3A_280 = tpu.memref_slice %arg8[%dma_start3A_275, %dma_start3A_279] : memref<4x64xi32, #tpu.memory_space<vmem>> -> memref<1x32xi32, #tpu.memory_space<vmem>>
          %dma_start3A_281 = tpu.memref_squeeze %dma_start3A_280 : memref<1x32xi32, #tpu.memory_space<vmem>> -> memref<32xi32, #tpu.memory_space<vmem>>
          %dma_start3A_282 = arith.constant 0 : i32
          %dma_start3A_283 = arith.constant 0 : i32
          %dma_start3A_284 = tpu.memref_slice %arg2[%dma_start3A_282, %dma_start3A_283] : memref<16384x384xf32, #tpu.memory_space<hbm>> -> memref<16384x384xf32, #tpu.memory_space<hbm>>
          tpu.enqueue_indirect_dma source(%dma_start3A_284 : memref<16384x384xf32, #tpu.memory_space<hbm>>) target(%dma_start3A_278 : memref<32x384xf32, #tpu.memory_space<vmem>>) offsets(%dma_start3A_281 : memref<32xi32, #tpu.memory_space<vmem>>) semaphore(%arg17 : memref<!tpu.dma_semaphore, #tpu.memory_space<semaphore_mem>>)
          %dma_start3A_285 = arith.constant 1 : i32
          %dma_start3A_286 = arith.constant 32 : i32
          %dma_start3A_287 = arith.constant 0 : i32
          %dma_start3A_288 = tpu.memref_slice %arg10[%dma_start3A_286, %dma_start3A_287] : memref<64x384xf32, #tpu.memory_space<vmem>> -> memref<32x384xf32, #tpu.memory_space<vmem>>
          %dma_start3A_289 = arith.constant 32 : i32
          %dma_start3A_290 = tpu.memref_slice %arg8[%dma_start3A_285, %dma_start3A_289] : memref<4x64xi32, #tpu.memory_space<vmem>> -> memref<1x32xi32, #tpu.memory_space<vmem>>
          %dma_start3A_291 = tpu.memref_squeeze %dma_start3A_290 : memref<1x32xi32, #tpu.memory_space<vmem>> -> memref<32xi32, #tpu.memory_space<vmem>>
          %dma_start3A_292 = arith.constant 0 : i32
          %dma_start3A_293 = arith.constant 0 : i32
          %dma_start3A_294 = tpu.memref_slice %arg2[%dma_start3A_292, %dma_start3A_293] : memref<16384x384xf32, #tpu.memory_space<hbm>> -> memref<16384x384xf32, #tpu.memory_space<hbm>>
          tpu.enqueue_indirect_dma source(%dma_start3A_294 : memref<16384x384xf32, #tpu.memory_space<hbm>>) target(%dma_start3A_288 : memref<32x384xf32, #tpu.memory_space<vmem>>) offsets(%dma_start3A_291 : memref<32xi32, #tpu.memory_space<vmem>>) semaphore(%arg17 : memref<!tpu.dma_semaphore, #tpu.memory_space<semaphore_mem>>)
        } else {
        }
      } else {
      }
      %sub3A_225 = arith.constant 3 : i32
      %sub3A_226 = arith.subi %add3A_219, %sub3A_225 : i32
      %lt3A_227 = arith.constant 56 : i32
      %lt3A_228 = arith.cmpi slt, %sub3A_226, %lt3A_227 : i32
      %convert_element_type3A_229 = arith.extui %lt3A_228 : i1 to i32
      %cond3A_230 = arith.constant 0 : i32
      %cond3A_231 = arith.cmpi ne, %convert_element_type3A_229, %cond3A_230 : i32
      scf.if %cond3A_231 {
        %mul3A_251 = arith.constant 4 : i32
        %mul3A_252 = arith.muli %sub3A_226, %mul3A_251 : i32
        %add3A_253 = arith.addi %select_n3A_30, %mul3A_252 : i32
        %mul3A_254 = arith.constant 64 : i32
        %mul3A_255 = arith.muli %add3A_253, %mul3A_254 : i32
        %sub3A_256 = arith.subi %scan3A_48, %mul3A_255 : i32
        %jit3A_257 = arith.constant 0 : i32
        %jit3A_258 = arith.constant 64 : i32
        %max3A_259 = arith.maxsi %jit3A_257, %sub3A_256 : i32
        %min3A_260 = arith.minsi %jit3A_258, %max3A_259 : i32
        %mul3A_261 = arith.constant 14336 : i32
        %mul3A_262 = arith.muli %select_n3A, %mul3A_261 : i32
        %add3A_263 = arith.addi %mul3A_262, %mul3A_255 : i32
        %gt3A_264 = arith.constant 0 : i32
        %gt3A_265 = arith.cmpi sgt, %min3A_260, %gt3A_264 : i32
        %convert_element_type3A_266 = arith.extui %gt3A_265 : i1 to i32
        %cond3A_267 = arith.constant 0 : i32
        %cond3A_268 = arith.cmpi ne, %convert_element_type3A_266, %cond3A_267 : i32
        scf.if %cond3A_268 {
          %dma_wait3A_273 = arith.constant 2 : i32
          %dma_wait3A_274 = arith.constant 0 : i32
          %dma_wait3A_275 = tpu.memref_slice %arg8[%dma_wait3A_273, %dma_wait3A_274] : memref<4x64xi32, #tpu.memory_space<vmem>> -> memref<1x64xi32, #tpu.memory_space<vmem>>
          %dma_wait3A_276 = tpu.memref_squeeze %dma_wait3A_275 : memref<1x64xi32, #tpu.memory_space<vmem>> -> memref<64xi32, #tpu.memory_space<vmem>>
          %dma_wait3A_277 = arith.constant 0 : i32
          %dma_wait3A_278 = arith.constant 0 : i32
          %dma_wait3A_279 = tpu.memref_slice %arg2[%dma_wait3A_277, %dma_wait3A_278] : memref<16384x384xf32, #tpu.memory_space<hbm>> -> memref<16384x384xf32, #tpu.memory_space<hbm>>
          tpu.wait_indirect_dma semaphore(%arg18 : memref<!tpu.dma_semaphore, #tpu.memory_space<semaphore_mem>>) src(%dma_wait3A_279 : memref<16384x384xf32, #tpu.memory_space<hbm>>) dst(%arg11 : memref<64x384xf32, #tpu.memory_space<vmem>>)
          %lt3A_280 = arith.constant 64 : i32
          %lt3A_281 = arith.cmpi slt, %min3A_260, %lt3A_280 : i32
          %convert_element_type3A_282 = arith.extui %lt3A_281 : i1 to i32
          %cond3A_283 = arith.constant 0 : i32
          %cond3A_284 = arith.cmpi ne, %convert_element_type3A_282, %cond3A_283 : i32
          scf.if %cond3A_284 {
            %while3A = arith.constant 64 : i32
            %while3A_289 = arith.constant 0 : i32
            %while3A_290 = arith.subi %while3A, %min3A_260 : i32
            %while3A_291 = arith.addi %min3A_260, %while3A_290 : i32
            %while3A_292 = arith.constant 1 : i32
            %while3A_293 = arith.divsi %while3A_290, %while3A_292 : i32
            %while3A_294 = arith.muli %while3A_293, %while3A_292 : i32
            %while3A_295 = arith.addi %min3A_260, %while3A_294 : i32
            %while3A_296 = arith.constant 1 : i32
            %while3A_297 = scf.for %while3A_300 = %min3A_260 to %while3A_295 step %while3A_296 iter_args(%while3A_301 = %while3A_289) -> (i32)  : i32 {
              %swap3A = arith.index_cast %while3A_300 : i32 to index
              %swap3A_302 = arith.constant 0 : index
              %swap3A_303 = tpu.vector_load %arg11[%swap3A, %swap3A_302] {strides = array<i32>} : memref<64x384xf32, #tpu.memory_space<vmem>>, vector<16xf32>,
              tpu.vector_store %arg11[%swap3A, %swap3A_302], %broadcast_in_dim3A_33 {strides = array<i32>} : memref<64x384xf32, #tpu.memory_space<vmem>>, vector<16xf32>,
              %swap3A_304 = arith.index_cast %while3A_300 : i32 to index
              %swap3A_305 = arith.constant 16 : index
              %swap3A_306 = tpu.vector_load %arg11[%swap3A_304, %swap3A_305] {strides = array<i32>} : memref<64x384xf32, #tpu.memory_space<vmem>>, vector<16xf32>,
              tpu.vector_store %arg11[%swap3A_304, %swap3A_305], %broadcast_in_dim3A_33 {strides = array<i32>} : memref<64x384xf32, #tpu.memory_space<vmem>>, vector<16xf32>,
              %swap3A_307 = arith.index_cast %while3A_300 : i32 to index
              %swap3A_308 = arith.constant 32 : index
              %swap3A_309 = tpu.vector_load %arg11[%swap3A_307, %swap3A_308] {strides = array<i32>} : memref<64x384xf32, #tpu.memory_space<vmem>>, vector<16xf32>,
              tpu.vector_store %arg11[%swap3A_307, %swap3A_308], %broadcast_in_dim3A_33 {strides = array<i32>} : memref<64x384xf32, #tpu.memory_space<vmem>>, vector<16xf32>,
              %swap3A_310 = arith.index_cast %while3A_300 : i32 to index
              %swap3A_311 = arith.constant 48 : index
              %swap3A_312 = tpu.vector_load %arg11[%swap3A_310, %swap3A_311] {strides = array<i32>} : memref<64x384xf32, #tpu.memory_space<vmem>>, vector<16xf32>,
              tpu.vector_store %arg11[%swap3A_310, %swap3A_311], %broadcast_in_dim3A_33 {strides = array<i32>} : memref<64x384xf32, #tpu.memory_space<vmem>>, vector<16xf32>,
              %swap3A_313 = arith.index_cast %while3A_300 : i32 to index
              %swap3A_314 = arith.constant 64 : index
              %swap3A_315 = tpu.vector_load %arg11[%swap3A_313, %swap3A_314] {strides = array<i32>} : memref<64x384xf32, #tpu.memory_space<vmem>>, vector<16xf32>,
              tpu.vector_store %arg11[%swap3A_313, %swap3A_314], %broadcast_in_dim3A_33 {strides = array<i32>} : memref<64x384xf32, #tpu.memory_space<vmem>>, vector<16xf32>,
              %swap3A_316 = arith.index_cast %while3A_300 : i32 to index
              %swap3A_317 = arith.constant 80 : index
              %swap3A_318 = tpu.vector_load %arg11[%swap3A_316, %swap3A_317] {strides = array<i32>} : memref<64x384xf32, #tpu.memory_space<vmem>>, vector<16xf32>,
              tpu.vector_store %arg11[%swap3A_316, %swap3A_317], %broadcast_in_dim3A_33 {strides = array<i32>} : memref<64x384xf32, #tpu.memory_space<vmem>>, vector<16xf32>,
              %swap3A_319 = arith.index_cast %while3A_300 : i32 to index
              %swap3A_320 = arith.constant 96 : index
              %swap3A_321 = tpu.vector_load %arg11[%swap3A_319, %swap3A_320] {strides = array<i32>} : memref<64x384xf32, #tpu.memory_space<vmem>>, vector<16xf32>,
              tpu.vector_store %arg11[%swap3A_319, %swap3A_320], %broadcast_in_dim3A_33 {strides = array<i32>} : memref<64x384xf32, #tpu.memory_space<vmem>>, vector<16xf32>,
              %swap3A_322 = arith.index_cast %while3A_300 : i32 to index
              %swap3A_323 = arith.constant 112 : index
              %swap3A_324 = tpu.vector_load %arg11[%swap3A_322, %swap3A_323] {strides = array<i32>} : memref<64x384xf32, #tpu.memory_space<vmem>>, vector<16xf32>,
              tpu.vector_store %arg11[%swap3A_322, %swap3A_323], %broadcast_in_dim3A_33 {strides = array<i32>} : memref<64x384xf32, #tpu.memory_space<vmem>>, vector<16xf32>,
              %swap3A_325 = arith.index_cast %while3A_300 : i32 to index
              %swap3A_326 = arith.constant 128 : index
              %swap3A_327 = tpu.vector_load %arg11[%swap3A_325, %swap3A_326] {strides = array<i32>} : memref<64x384xf32, #tpu.memory_space<vmem>>, vector<16xf32>,
              tpu.vector_store %arg11[%swap3A_325, %swap3A_326], %broadcast_in_dim3A_33 {strides = array<i32>} : memref<64x384xf32, #tpu.memory_space<vmem>>, vector<16xf32>,
              %swap3A_328 = arith.index_cast %while3A_300 : i32 to index
              %swap3A_329 = arith.constant 144 : index
              %swap3A_330 = tpu.vector_load %arg11[%swap3A_328, %swap3A_329] {strides = array<i32>} : memref<64x384xf32, #tpu.memory_space<vmem>>, vector<16xf32>,
              tpu.vector_store %arg11[%swap3A_328, %swap3A_329], %broadcast_in_dim3A_33 {strides = array<i32>} : memref<64x384xf32, #tpu.memory_space<vmem>>, vector<16xf32>,
              %swap3A_331 = arith.index_cast %while3A_300 : i32 to index
              %swap3A_332 = arith.constant 160 : index
              %swap3A_333 = tpu.vector_load %arg11[%swap3A_331, %swap3A_332] {strides = array<i32>} : memref<64x384xf32, #tpu.memory_space<vmem>>, vector<16xf32>,
              tpu.vector_store %arg11[%swap3A_331, %swap3A_332], %broadcast_in_dim3A_33 {strides = array<i32>} : memref<64x384xf32, #tpu.memory_space<vmem>>, vector<16xf32>,
              %swap3A_334 = arith.index_cast %while3A_300 : i32 to index
              %swap3A_335 = arith.constant 176 : index
              %swap3A_336 = tpu.vector_load %arg11[%swap3A_334, %swap3A_335] {strides = array<i32>} : memref<64x384xf32, #tpu.memory_space<vmem>>, vector<16xf32>,
              tpu.vector_store %arg11[%swap3A_334, %swap3A_335], %broadcast_in_dim3A_33 {strides = array<i32>} : memref<64x384xf32, #tpu.memory_space<vmem>>, vector<16xf32>,
              %swap3A_337 = arith.index_cast %while3A_300 : i32 to index
              %swap3A_338 = arith.constant 192 : index
              %swap3A_339 = tpu.vector_load %arg11[%swap3A_337, %swap3A_338] {strides = array<i32>} : memref<64x384xf32, #tpu.memory_space<vmem>>, vector<16xf32>,
              tpu.vector_store %arg11[%swap3A_337, %swap3A_338], %broadcast_in_dim3A_33 {strides = array<i32>} : memref<64x384xf32, #tpu.memory_space<vmem>>, vector<16xf32>,
              %swap3A_340 = arith.index_cast %while3A_300 : i32 to index
              %swap3A_341 = arith.constant 208 : index
              %swap3A_342 = tpu.vector_load %arg11[%swap3A_340, %swap3A_341] {strides = array<i32>} : memref<64x384xf32, #tpu.memory_space<vmem>>, vector<16xf32>,
              tpu.vector_store %arg11[%swap3A_340, %swap3A_341], %broadcast_in_dim3A_33 {strides = array<i32>} : memref<64x384xf32, #tpu.memory_space<vmem>>, vector<16xf32>,
              %swap3A_343 = arith.index_cast %while3A_300 : i32 to index
              %swap3A_344 = arith.constant 224 : index
              %swap3A_345 = tpu.vector_load %arg11[%swap3A_343, %swap3A_344] {strides = array<i32>} : memref<64x384xf32, #tpu.memory_space<vmem>>, vector<16xf32>,
              tpu.vector_store %arg11[%swap3A_343, %swap3A_344], %broadcast_in_dim3A_33 {strides = array<i32>} : memref<64x384xf32, #tpu.memory_space<vmem>>, vector<16xf32>,
              %swap3A_346 = arith.index_cast %while3A_300 : i32 to index
              %swap3A_347 = arith.constant 240 : index
              %swap3A_348 = tpu.vector_load %arg11[%swap3A_346, %swap3A_347] {strides = array<i32>} : memref<64x384xf32, #tpu.memory_space<vmem>>, vector<16xf32>,
              tpu.vector_store %arg11[%swap3A_346, %swap3A_347], %broadcast_in_dim3A_33 {strides = array<i32>} : memref<64x384xf32, #tpu.memory_space<vmem>>, vector<16xf32>,
              %swap3A_349 = arith.index_cast %while3A_300 : i32 to index
              %swap3A_350 = arith.constant 256 : index
              %swap3A_351 = tpu.vector_load %arg11[%swap3A_349, %swap3A_350] {strides = array<i32>} : memref<64x384xf32, #tpu.memory_space<vmem>>, vector<16xf32>,
              tpu.vector_store %arg11[%swap3A_349, %swap3A_350], %broadcast_in_dim3A_33 {strides = array<i32>} : memref<64x384xf32, #tpu.memory_space<vmem>>, vector<16xf32>,
              %swap3A_352 = arith.index_cast %while3A_300 : i32 to index
              %swap3A_353 = arith.constant 272 : index
              %swap3A_354 = tpu.vector_load %arg11[%swap3A_352, %swap3A_353] {strides = array<i32>} : memref<64x384xf32, #tpu.memory_space<vmem>>, vector<16xf32>,
              tpu.vector_store %arg11[%swap3A_352, %swap3A_353], %broadcast_in_dim3A_33 {strides = array<i32>} : memref<64x384xf32, #tpu.memory_space<vmem>>, vector<16xf32>,
              %swap3A_355 = arith.index_cast %while3A_300 : i32 to index
              %swap3A_356 = arith.constant 288 : index
              %swap3A_357 = tpu.vector_load %arg11[%swap3A_355, %swap3A_356] {strides = array<i32>} : memref<64x384xf32, #tpu.memory_space<vmem>>, vector<16xf32>,
              tpu.vector_store %arg11[%swap3A_355, %swap3A_356], %broadcast_in_dim3A_33 {strides = array<i32>} : memref<64x384xf32, #tpu.memory_space<vmem>>, vector<16xf32>,
              %swap3A_358 = arith.index_cast %while3A_300 : i32 to index
              %swap3A_359 = arith.constant 304 : index
              %swap3A_360 = tpu.vector_load %arg11[%swap3A_358, %swap3A_359] {strides = array<i32>} : memref<64x384xf32, #tpu.memory_space<vmem>>, vector<16xf32>,
              tpu.vector_store %arg11[%swap3A_358, %swap3A_359], %broadcast_in_dim3A_33 {strides = array<i32>} : memref<64x384xf32, #tpu.memory_space<vmem>>, vector<16xf32>,
              %swap3A_361 = arith.index_cast %while3A_300 : i32 to index
              %swap3A_362 = arith.constant 320 : index
              %swap3A_363 = tpu.vector_load %arg11[%swap3A_361, %swap3A_362] {strides = array<i32>} : memref<64x384xf32, #tpu.memory_space<vmem>>, vector<16xf32>,
              tpu.vector_store %arg11[%swap3A_361, %swap3A_362], %broadcast_in_dim3A_33 {strides = array<i32>} : memref<64x384xf32, #tpu.memory_space<vmem>>, vector<16xf32>,
              %swap3A_364 = arith.index_cast %while3A_300 : i32 to index
              %swap3A_365 = arith.constant 336 : index
              %swap3A_366 = tpu.vector_load %arg11[%swap3A_364, %swap3A_365] {strides = array<i32>} : memref<64x384xf32, #tpu.memory_space<vmem>>, vector<16xf32>,
              tpu.vector_store %arg11[%swap3A_364, %swap3A_365], %broadcast_in_dim3A_33 {strides = array<i32>} : memref<64x384xf32, #tpu.memory_space<vmem>>, vector<16xf32>,
              %swap3A_367 = arith.index_cast %while3A_300 : i32 to index
              %swap3A_368 = arith.constant 352 : index
              %swap3A_369 = tpu.vector_load %arg11[%swap3A_367, %swap3A_368] {strides = array<i32>} : memref<64x384xf32, #tpu.memory_space<vmem>>, vector<16xf32>,
              tpu.vector_store %arg11[%swap3A_367, %swap3A_368], %broadcast_in_dim3A_33 {strides = array<i32>} : memref<64x384xf32, #tpu.memory_space<vmem>>, vector<16xf32>,
              %swap3A_370 = arith.index_cast %while3A_300 : i32 to index
              %swap3A_371 = arith.constant 368 : index
              %swap3A_372 = tpu.vector_load %arg11[%swap3A_370, %swap3A_371] {strides = array<i32>} : memref<64x384xf32, #tpu.memory_space<vmem>>, vector<16xf32>,
              tpu.vector_store %arg11[%swap3A_370, %swap3A_371], %broadcast_in_dim3A_33 {strides = array<i32>} : memref<64x384xf32, #tpu.memory_space<vmem>>, vector<16xf32>,
              %while3A_373 = arith.constant 0 : i32
              scf.yield %while3A_373 : i32
            }
            %while3A_298 = arith.constant 1 : i32
            %while3A_299 = scf.for %while3A_300 = %while3A_295 to %while3A_291 step %while3A_298 iter_args(%while3A_301 = %while3A_297) -> (i32)  : i32 {
              %swap3A = arith.index_cast %while3A_300 : i32 to index
              %swap3A_302 = arith.constant 0 : index
              %swap3A_303 = tpu.vector_load %arg11[%swap3A, %swap3A_302] {strides = array<i32>} : memref<64x384xf32, #tpu.memory_space<vmem>>, vector<16xf32>,
              tpu.vector_store %arg11[%swap3A, %swap3A_302], %broadcast_in_dim3A_33 {strides = array<i32>} : memref<64x384xf32, #tpu.memory_space<vmem>>, vector<16xf32>,
              %swap3A_304 = arith.index_cast %while3A_300 : i32 to index
              %swap3A_305 = arith.constant 16 : index
              %swap3A_306 = tpu.vector_load %arg11[%swap3A_304, %swap3A_305] {strides = array<i32>} : memref<64x384xf32, #tpu.memory_space<vmem>>, vector<16xf32>,
              tpu.vector_store %arg11[%swap3A_304, %swap3A_305], %broadcast_in_dim3A_33 {strides = array<i32>} : memref<64x384xf32, #tpu.memory_space<vmem>>, vector<16xf32>,
              %swap3A_307 = arith.index_cast %while3A_300 : i32 to index
              %swap3A_308 = arith.constant 32 : index
              %swap3A_309 = tpu.vector_load %arg11[%swap3A_307, %swap3A_308] {strides = array<i32>} : memref<64x384xf32, #tpu.memory_space<vmem>>, vector<16xf32>,
              tpu.vector_store %arg11[%swap3A_307, %swap3A_308], %broadcast_in_dim3A_33 {strides = array<i32>} : memref<64x384xf32, #tpu.memory_space<vmem>>, vector<16xf32>,
              %swap3A_310 = arith.index_cast %while3A_300 : i32 to index
              %swap3A_311 = arith.constant 48 : index
              %swap3A_312 = tpu.vector_load %arg11[%swap3A_310, %swap3A_311] {strides = array<i32>} : memref<64x384xf32, #tpu.memory_space<vmem>>, vector<16xf32>,
              tpu.vector_store %arg11[%swap3A_310, %swap3A_311], %broadcast_in_dim3A_33 {strides = array<i32>} : memref<64x384xf32, #tpu.memory_space<vmem>>, vector<16xf32>,
              %swap3A_313 = arith.index_cast %while3A_300 : i32 to index
              %swap3A_314 = arith.constant 64 : index
              %swap3A_315 = tpu.vector_load %arg11[%swap3A_313, %swap3A_314] {strides = array<i32>} : memref<64x384xf32, #tpu.memory_space<vmem>>, vector<16xf32>,
              tpu.vector_store %arg11[%swap3A_313, %swap3A_314], %broadcast_in_dim3A_33 {strides = array<i32>} : memref<64x384xf32, #tpu.memory_space<vmem>>, vector<16xf32>,
              %swap3A_316 = arith.index_cast %while3A_300 : i32 to index
              %swap3A_317 = arith.constant 80 : index
              %swap3A_318 = tpu.vector_load %arg11[%swap3A_316, %swap3A_317] {strides = array<i32>} : memref<64x384xf32, #tpu.memory_space<vmem>>, vector<16xf32>,
              tpu.vector_store %arg11[%swap3A_316, %swap3A_317], %broadcast_in_dim3A_33 {strides = array<i32>} : memref<64x384xf32, #tpu.memory_space<vmem>>, vector<16xf32>,
              %swap3A_319 = arith.index_cast %while3A_300 : i32 to index
              %swap3A_320 = arith.constant 96 : index
              %swap3A_321 = tpu.vector_load %arg11[%swap3A_319, %swap3A_320] {strides = array<i32>} : memref<64x384xf32, #tpu.memory_space<vmem>>, vector<16xf32>,
              tpu.vector_store %arg11[%swap3A_319, %swap3A_320], %broadcast_in_dim3A_33 {strides = array<i32>} : memref<64x384xf32, #tpu.memory_space<vmem>>, vector<16xf32>,
              %swap3A_322 = arith.index_cast %while3A_300 : i32 to index
              %swap3A_323 = arith.constant 112 : index
              %swap3A_324 = tpu.vector_load %arg11[%swap3A_322, %swap3A_323] {strides = array<i32>} : memref<64x384xf32, #tpu.memory_space<vmem>>, vector<16xf32>,
              tpu.vector_store %arg11[%swap3A_322, %swap3A_323], %broadcast_in_dim3A_33 {strides = array<i32>} : memref<64x384xf32, #tpu.memory_space<vmem>>, vector<16xf32>,
              %swap3A_325 = arith.index_cast %while3A_300 : i32 to index
              %swap3A_326 = arith.constant 128 : index
              %swap3A_327 = tpu.vector_load %arg11[%swap3A_325, %swap3A_326] {strides = array<i32>} : memref<64x384xf32, #tpu.memory_space<vmem>>, vector<16xf32>,
              tpu.vector_store %arg11[%swap3A_325, %swap3A_326], %broadcast_in_dim3A_33 {strides = array<i32>} : memref<64x384xf32, #tpu.memory_space<vmem>>, vector<16xf32>,
              %swap3A_328 = arith.index_cast %while3A_300 : i32 to index
              %swap3A_329 = arith.constant 144 : index
              %swap3A_330 = tpu.vector_load %arg11[%swap3A_328, %swap3A_329] {strides = array<i32>} : memref<64x384xf32, #tpu.memory_space<vmem>>, vector<16xf32>,
              tpu.vector_store %arg11[%swap3A_328, %swap3A_329], %broadcast_in_dim3A_33 {strides = array<i32>} : memref<64x384xf32, #tpu.memory_space<vmem>>, vector<16xf32>,
              %swap3A_331 = arith.index_cast %while3A_300 : i32 to index
              %swap3A_332 = arith.constant 160 : index
              %swap3A_333 = tpu.vector_load %arg11[%swap3A_331, %swap3A_332] {strides = array<i32>} : memref<64x384xf32, #tpu.memory_space<vmem>>, vector<16xf32>,
              tpu.vector_store %arg11[%swap3A_331, %swap3A_332], %broadcast_in_dim3A_33 {strides = array<i32>} : memref<64x384xf32, #tpu.memory_space<vmem>>, vector<16xf32>,
              %swap3A_334 = arith.index_cast %while3A_300 : i32 to index
              %swap3A_335 = arith.constant 176 : index
              %swap3A_336 = tpu.vector_load %arg11[%swap3A_334, %swap3A_335] {strides = array<i32>} : memref<64x384xf32, #tpu.memory_space<vmem>>, vector<16xf32>,
              tpu.vector_store %arg11[%swap3A_334, %swap3A_335], %broadcast_in_dim3A_33 {strides = array<i32>} : memref<64x384xf32, #tpu.memory_space<vmem>>, vector<16xf32>,
              %swap3A_337 = arith.index_cast %while3A_300 : i32 to index
              %swap3A_338 = arith.constant 192 : index
              %swap3A_339 = tpu.vector_load %arg11[%swap3A_337, %swap3A_338] {strides = array<i32>} : memref<64x384xf32, #tpu.memory_space<vmem>>, vector<16xf32>,
              tpu.vector_store %arg11[%swap3A_337, %swap3A_338], %broadcast_in_dim3A_33 {strides = array<i32>} : memref<64x384xf32, #tpu.memory_space<vmem>>, vector<16xf32>,
              %swap3A_340 = arith.index_cast %while3A_300 : i32 to index
              %swap3A_341 = arith.constant 208 : index
              %swap3A_342 = tpu.vector_load %arg11[%swap3A_340, %swap3A_341] {strides = array<i32>} : memref<64x384xf32, #tpu.memory_space<vmem>>, vector<16xf32>,
              tpu.vector_store %arg11[%swap3A_340, %swap3A_341], %broadcast_in_dim3A_33 {strides = array<i32>} : memref<64x384xf32, #tpu.memory_space<vmem>>, vector<16xf32>,
              %swap3A_343 = arith.index_cast %while3A_300 : i32 to index
              %swap3A_344 = arith.constant 224 : index
              %swap3A_345 = tpu.vector_load %arg11[%swap3A_343, %swap3A_344] {strides = array<i32>} : memref<64x384xf32, #tpu.memory_space<vmem>>, vector<16xf32>,
              tpu.vector_store %arg11[%swap3A_343, %swap3A_344], %broadcast_in_dim3A_33 {strides = array<i32>} : memref<64x384xf32, #tpu.memory_space<vmem>>, vector<16xf32>,
              %swap3A_346 = arith.index_cast %while3A_300 : i32 to index
              %swap3A_347 = arith.constant 240 : index
              %swap3A_348 = tpu.vector_load %arg11[%swap3A_346, %swap3A_347] {strides = array<i32>} : memref<64x384xf32, #tpu.memory_space<vmem>>, vector<16xf32>,
              tpu.vector_store %arg11[%swap3A_346, %swap3A_347], %broadcast_in_dim3A_33 {strides = array<i32>} : memref<64x384xf32, #tpu.memory_space<vmem>>, vector<16xf32>,
              %swap3A_349 = arith.index_cast %while3A_300 : i32 to index
              %swap3A_350 = arith.constant 256 : index
              %swap3A_351 = tpu.vector_load %arg11[%swap3A_349, %swap3A_350] {strides = array<i32>} : memref<64x384xf32, #tpu.memory_space<vmem>>, vector<16xf32>,
              tpu.vector_store %arg11[%swap3A_349, %swap3A_350], %broadcast_in_dim3A_33 {strides = array<i32>} : memref<64x384xf32, #tpu.memory_space<vmem>>, vector<16xf32>,
              %swap3A_352 = arith.index_cast %while3A_300 : i32 to index
              %swap3A_353 = arith.constant 272 : index
              %swap3A_354 = tpu.vector_load %arg11[%swap3A_352, %swap3A_353] {strides = array<i32>} : memref<64x384xf32, #tpu.memory_space<vmem>>, vector<16xf32>,
              tpu.vector_store %arg11[%swap3A_352, %swap3A_353], %broadcast_in_dim3A_33 {strides = array<i32>} : memref<64x384xf32, #tpu.memory_space<vmem>>, vector<16xf32>,
              %swap3A_355 = arith.index_cast %while3A_300 : i32 to index
              %swap3A_356 = arith.constant 288 : index
              %swap3A_357 = tpu.vector_load %arg11[%swap3A_355, %swap3A_356] {strides = array<i32>} : memref<64x384xf32, #tpu.memory_space<vmem>>, vector<16xf32>,
              tpu.vector_store %arg11[%swap3A_355, %swap3A_356], %broadcast_in_dim3A_33 {strides = array<i32>} : memref<64x384xf32, #tpu.memory_space<vmem>>, vector<16xf32>,
              %swap3A_358 = arith.index_cast %while3A_300 : i32 to index
              %swap3A_359 = arith.constant 304 : index
              %swap3A_360 = tpu.vector_load %arg11[%swap3A_358, %swap3A_359] {strides = array<i32>} : memref<64x384xf32, #tpu.memory_space<vmem>>, vector<16xf32>,
              tpu.vector_store %arg11[%swap3A_358, %swap3A_359], %broadcast_in_dim3A_33 {strides = array<i32>} : memref<64x384xf32, #tpu.memory_space<vmem>>, vector<16xf32>,
              %swap3A_361 = arith.index_cast %while3A_300 : i32 to index
              %swap3A_362 = arith.constant 320 : index
              %swap3A_363 = tpu.vector_load %arg11[%swap3A_361, %swap3A_362] {strides = array<i32>} : memref<64x384xf32, #tpu.memory_space<vmem>>, vector<16xf32>,
              tpu.vector_store %arg11[%swap3A_361, %swap3A_362], %broadcast_in_dim3A_33 {strides = array<i32>} : memref<64x384xf32, #tpu.memory_space<vmem>>, vector<16xf32>,
              %swap3A_364 = arith.index_cast %while3A_300 : i32 to index
              %swap3A_365 = arith.constant 336 : index
              %swap3A_366 = tpu.vector_load %arg11[%swap3A_364, %swap3A_365] {strides = array<i32>} : memref<64x384xf32, #tpu.memory_space<vmem>>, vector<16xf32>,
              tpu.vector_store %arg11[%swap3A_364, %swap3A_365], %broadcast_in_dim3A_33 {strides = array<i32>} : memref<64x384xf32, #tpu.memory_space<vmem>>, vector<16xf32>,
              %swap3A_367 = arith.index_cast %while3A_300 : i32 to index
              %swap3A_368 = arith.constant 352 : index
              %swap3A_369 = tpu.vector_load %arg11[%swap3A_367, %swap3A_368] {strides = array<i32>} : memref<64x384xf32, #tpu.memory_space<vmem>>, vector<16xf32>,
              tpu.vector_store %arg11[%swap3A_367, %swap3A_368], %broadcast_in_dim3A_33 {strides = array<i32>} : memref<64x384xf32, #tpu.memory_space<vmem>>, vector<16xf32>,
              %swap3A_370 = arith.index_cast %while3A_300 : i32 to index
              %swap3A_371 = arith.constant 368 : index
              %swap3A_372 = tpu.vector_load %arg11[%swap3A_370, %swap3A_371] {strides = array<i32>} : memref<64x384xf32, #tpu.memory_space<vmem>>, vector<16xf32>,
              tpu.vector_store %arg11[%swap3A_370, %swap3A_371], %broadcast_in_dim3A_33 {strides = array<i32>} : memref<64x384xf32, #tpu.memory_space<vmem>>, vector<16xf32>,
              %while3A_373 = arith.constant 0 : i32
              scf.yield %while3A_373 : i32
            }
          } else {
          }
          %dma_start3A_285 = arith.constant 0 : i32
          %dma_start3A_286 = tpu.memref_slice %arg4[%add3A_263, %dma_start3A_285] : memref<114688x384xf32, #tpu.memory_space<hbm>> -> memref<64x384xf32, #tpu.memory_space<hbm>>
          %dma_start3A_287 = arith.constant 0 : i32
          %dma_start3A_288 = tpu.memref_slice %arg4[%add3A_263, %dma_start3A_287] : memref<114688x384xf32, #tpu.memory_space<hbm>> -> memref<64x384xf32, #tpu.memory_space<hbm>>
          tpu.enqueue_dma source(%arg11 : memref<64x384xf32, #tpu.memory_space<vmem>>) target(%dma_start3A_288 : memref<64x384xf32, #tpu.memory_space<hbm>>) target_semaphore(%arg22 : memref<!tpu.dma_semaphore, #tpu.memory_space<semaphore_mem>>)
        } else {
        }
        %le3A = arith.constant 0 : i32
        %le3A_269 = arith.cmpi sle, %min3A_260, %le3A : i32
        %convert_element_type3A_270 = arith.extui %le3A_269 : i1 to i32
        %cond3A_271 = arith.constant 0 : i32
        %cond3A_272 = arith.cmpi ne, %convert_element_type3A_270, %cond3A_271 : i32
        scf.if %cond3A_272 {
          %dma_start3A_273 = arith.constant 0 : i32
          %dma_start3A_274 = tpu.memref_slice %arg4[%add3A_263, %dma_start3A_273] : memref<114688x384xf32, #tpu.memory_space<hbm>> -> memref<64x384xf32, #tpu.memory_space<hbm>>
          %dma_start3A_275 = arith.constant 0 : i32
          %dma_start3A_276 = tpu.memref_slice %arg4[%add3A_263, %dma_start3A_275] : memref<114688x384xf32, #tpu.memory_space<hbm>> -> memref<64x384xf32, #tpu.memory_space<hbm>>
          tpu.enqueue_dma source(%arg13 : memref<64x384xf32, #tpu.memory_space<vmem>>) target(%dma_start3A_276 : memref<64x384xf32, #tpu.memory_space<hbm>>) target_semaphore(%arg22 : memref<!tpu.dma_semaphore, #tpu.memory_space<semaphore_mem>>)
        } else {
        }
      } else {
      }
      %mul3A_232 = arith.constant 4 : i32
      %mul3A_233 = arith.muli %scan3A_176, %mul3A_232 : i32
      %add3A_234 = arith.constant 3 : i32
      %add3A_235 = arith.addi %mul3A_233, %add3A_234 : i32
      %add3A_236 = arith.constant 3 : i32
      %add3A_237 = arith.addi %add3A_235, %add3A_236 : i32
      %lt3A_238 = arith.constant 56 : i32
      %lt3A_239 = arith.cmpi slt, %add3A_237, %lt3A_238 : i32
      %convert_element_type3A_240 = arith.extui %lt3A_239 : i1 to i32
      %cond3A_241 = arith.constant 0 : i32
      %cond3A_242 = arith.cmpi ne, %convert_element_type3A_240, %cond3A_241 : i32
      scf.if %cond3A_242 {
        %mul3A_251 = arith.constant 4 : i32
        %mul3A_252 = arith.muli %add3A_237, %mul3A_251 : i32
        %add3A_253 = arith.addi %select_n3A_30, %mul3A_252 : i32
        %mul3A_254 = arith.constant 64 : i32
        %mul3A_255 = arith.muli %add3A_253, %mul3A_254 : i32
        %sub3A_256 = arith.subi %scan3A_48, %mul3A_255 : i32
        %jit3A_257 = arith.constant 0 : i32
        %jit3A_258 = arith.constant 64 : i32
        %max3A_259 = arith.maxsi %jit3A_257, %sub3A_256 : i32
        %min3A_260 = arith.minsi %jit3A_258, %max3A_259 : i32
        %gt3A_261 = arith.constant 0 : i32
        %gt3A_262 = arith.cmpi sgt, %min3A_260, %gt3A_261 : i32
        %convert_element_type3A_263 = arith.extui %gt3A_262 : i1 to i32
        %cond3A_264 = arith.constant 0 : i32
        %cond3A_265 = arith.cmpi ne, %convert_element_type3A_263, %cond3A_264 : i32
        scf.if %cond3A_265 {
          %scan3A_275 = arith.constant 0 : i32
          %scan3A_276 = arith.constant 0 : i32
          %scan3A_277 = arith.constant 4 : i32
          %scan3A_278 = arith.addi %scan3A_276, %scan3A_277 : i32
          %scan3A_279 = arith.constant 1 : i32
          %scan3A_280 = scf.for %scan3A_282 = %scan3A_276 to %scan3A_278 step %scan3A_279 iter_args(%scan3A_283 = %scan3A_275) -> (i32)  : i32 {
            %mul3A_284 = arith.constant 16 : i32
            %mul3A_285 = arith.muli %scan3A_282, %mul3A_284 : i32
            %add3A_286 = arith.addi %mul3A_255, %mul3A_285 : i32
            %add3A_287 = vector.broadcast %add3A_286 : i32 to vector<16xi32>
            %add3A_288 = arith.addi %add3A_287, %iota3A : vector<16xi32>
            %broadcast_in_dim3A_289 = arith.constant 0 : i32
            %broadcast_in_dim3A_290 = vector.broadcast %broadcast_in_dim3A_289 : i32 to vector<16xi32>
            %add3A_291 = arith.constant 1023 : i32
            %add3A_292 = vector.broadcast %add3A_291 : i32 to vector<16xi32>
            %add3A_293 = arith.addi %broadcast_in_dim3A_290, %add3A_292 : vector<16xi32>
            %gather3A = tpu.vector_load_idx %arg7[%add3A_293] : memref<2048xi32, #tpu.memory_space<vmem>>[vector<16xi32>], vector<16xi32>,
            %le3A = arith.cmpi sle, %gather3A, %add3A_288 : vector<16xi32>
            %add3A_294 = arith.constant 1024 : i32
            %add3A_295 = vector.broadcast %add3A_294 : i32 to vector<16xi32>
            %add3A_296 = arith.addi %broadcast_in_dim3A_290, %add3A_295 : vector<16xi32>
            %select_n3A_297 = arith.select %le3A, %add3A_296, %broadcast_in_dim3A_290 : vector<16xi1>, vector<16xi32>
            %add3A_298 = arith.constant 511 : i32
            %add3A_299 = vector.broadcast %add3A_298 : i32 to vector<16xi32>
            %add3A_300 = arith.addi %select_n3A_297, %add3A_299 : vector<16xi32>
            %gather3A_301 = tpu.vector_load_idx %arg7[%add3A_300] : memref<2048xi32, #tpu.memory_space<vmem>>[vector<16xi32>], vector<16xi32>,
            %le3A_302 = arith.cmpi sle, %gather3A_301, %add3A_288 : vector<16xi32>
            %add3A_303 = arith.constant 512 : i32
            %add3A_304 = vector.broadcast %add3A_303 : i32 to vector<16xi32>
            %add3A_305 = arith.addi %select_n3A_297, %add3A_304 : vector<16xi32>
            %select_n3A_306 = arith.select %le3A_302, %add3A_305, %select_n3A_297 : vector<16xi1>, vector<16xi32>
            %add3A_307 = arith.constant 255 : i32
            %add3A_308 = vector.broadcast %add3A_307 : i32 to vector<16xi32>
            %add3A_309 = arith.addi %select_n3A_306, %add3A_308 : vector<16xi32>
            %gather3A_310 = tpu.vector_load_idx %arg7[%add3A_309] : memref<2048xi32, #tpu.memory_space<vmem>>[vector<16xi32>], vector<16xi32>,
            %le3A_311 = arith.cmpi sle, %gather3A_310, %add3A_288 : vector<16xi32>
            %add3A_312 = arith.constant 256 : i32
            %add3A_313 = vector.broadcast %add3A_312 : i32 to vector<16xi32>
            %add3A_314 = arith.addi %select_n3A_306, %add3A_313 : vector<16xi32>
            %select_n3A_315 = arith.select %le3A_311, %add3A_314, %select_n3A_306 : vector<16xi1>, vector<16xi32>
            %add3A_316 = arith.constant 127 : i32
            %add3A_317 = vector.broadcast %add3A_316 : i32 to vector<16xi32>
            %add3A_318 = arith.addi %select_n3A_315, %add3A_317 : vector<16xi32>
            %gather3A_319 = tpu.vector_load_idx %arg7[%add3A_318] : memref<2048xi32, #tpu.memory_space<vmem>>[vector<16xi32>], vector<16xi32>,
            %le3A_320 = arith.cmpi sle, %gather3A_319, %add3A_288 : vector<16xi32>
            %add3A_321 = arith.constant 128 : i32
            %add3A_322 = vector.broadcast %add3A_321 : i32 to vector<16xi32>
            %add3A_323 = arith.addi %select_n3A_315, %add3A_322 : vector<16xi32>
            %select_n3A_324 = arith.select %le3A_320, %add3A_323, %select_n3A_315 : vector<16xi1>, vector<16xi32>
            %add3A_325 = arith.constant 63 : i32
            %add3A_326 = vector.broadcast %add3A_325 : i32 to vector<16xi32>
            %add3A_327 = arith.addi %select_n3A_324, %add3A_326 : vector<16xi32>
            %gather3A_328 = tpu.vector_load_idx %arg7[%add3A_327] : memref<2048xi32, #tpu.memory_space<vmem>>[vector<16xi32>], vector<16xi32>,
            %le3A_329 = arith.cmpi sle, %gather3A_328, %add3A_288 : vector<16xi32>
            %add3A_330 = arith.constant 64 : i32
            %add3A_331 = vector.broadcast %add3A_330 : i32 to vector<16xi32>
            %add3A_332 = arith.addi %select_n3A_324, %add3A_331 : vector<16xi32>
            %select_n3A_333 = arith.select %le3A_329, %add3A_332, %select_n3A_324 : vector<16xi1>, vector<16xi32>
            %add3A_334 = arith.constant 31 : i32
            %add3A_335 = vector.broadcast %add3A_334 : i32 to vector<16xi32>
            %add3A_336 = arith.addi %select_n3A_333, %add3A_335 : vector<16xi32>
            %gather3A_337 = tpu.vector_load_idx %arg7[%add3A_336] : memref<2048xi32, #tpu.memory_space<vmem>>[vector<16xi32>], vector<16xi32>,
            %le3A_338 = arith.cmpi sle, %gather3A_337, %add3A_288 : vector<16xi32>
            %add3A_339 = arith.constant 32 : i32
            %add3A_340 = vector.broadcast %add3A_339 : i32 to vector<16xi32>
            %add3A_341 = arith.addi %select_n3A_333, %add3A_340 : vector<16xi32>
            %select_n3A_342 = arith.select %le3A_338, %add3A_341, %select_n3A_333 : vector<16xi1>, vector<16xi32>
            %add3A_343 = arith.constant 15 : i32
            %add3A_344 = vector.broadcast %add3A_343 : i32 to vector<16xi32>
            %add3A_345 = arith.addi %select_n3A_342, %add3A_344 : vector<16xi32>
            %gather3A_346 = tpu.vector_load_idx %arg7[%add3A_345] : memref<2048xi32, #tpu.memory_space<vmem>>[vector<16xi32>], vector<16xi32>,
            %le3A_347 = arith.cmpi sle, %gather3A_346, %add3A_288 : vector<16xi32>
            %add3A_348 = arith.constant 16 : i32
            %add3A_349 = vector.broadcast %add3A_348 : i32 to vector<16xi32>
            %add3A_350 = arith.addi %select_n3A_342, %add3A_349 : vector<16xi32>
            %select_n3A_351 = arith.select %le3A_347, %add3A_350, %select_n3A_342 : vector<16xi1>, vector<16xi32>
            %add3A_352 = arith.constant 7 : i32
            %add3A_353 = vector.broadcast %add3A_352 : i32 to vector<16xi32>
            %add3A_354 = arith.addi %select_n3A_351, %add3A_353 : vector<16xi32>
            %gather3A_355 = tpu.vector_load_idx %arg7[%add3A_354] : memref<2048xi32, #tpu.memory_space<vmem>>[vector<16xi32>], vector<16xi32>,
            %le3A_356 = arith.cmpi sle, %gather3A_355, %add3A_288 : vector<16xi32>
            %add3A_357 = arith.constant 8 : i32
            %add3A_358 = vector.broadcast %add3A_357 : i32 to vector<16xi32>
            %add3A_359 = arith.addi %select_n3A_351, %add3A_358 : vector<16xi32>
            %select_n3A_360 = arith.select %le3A_356, %add3A_359, %select_n3A_351 : vector<16xi1>, vector<16xi32>
            %add3A_361 = arith.constant 3 : i32
            %add3A_362 = vector.broadcast %add3A_361 : i32 to vector<16xi32>
            %add3A_363 = arith.addi %select_n3A_360, %add3A_362 : vector<16xi32>
            %gather3A_364 = tpu.vector_load_idx %arg7[%add3A_363] : memref<2048xi32, #tpu.memory_space<vmem>>[vector<16xi32>], vector<16xi32>,
            %le3A_365 = arith.cmpi sle, %gather3A_364, %add3A_288 : vector<16xi32>
            %add3A_366 = arith.constant 4 : i32
            %add3A_367 = vector.broadcast %add3A_366 : i32 to vector<16xi32>
            %add3A_368 = arith.addi %select_n3A_360, %add3A_367 : vector<16xi32>
            %select_n3A_369 = arith.select %le3A_365, %add3A_368, %select_n3A_360 : vector<16xi1>, vector<16xi32>
            %add3A_370 = arith.constant 1 : i32
            %add3A_371 = vector.broadcast %add3A_370 : i32 to vector<16xi32>
            %add3A_372 = arith.addi %select_n3A_369, %add3A_371 : vector<16xi32>
            %gather3A_373 = tpu.vector_load_idx %arg7[%add3A_372] : memref<2048xi32, #tpu.memory_space<vmem>>[vector<16xi32>], vector<16xi32>,
            %le3A_374 = arith.cmpi sle, %gather3A_373, %add3A_288 : vector<16xi32>
            %add3A_375 = arith.constant 2 : i32
            %add3A_376 = vector.broadcast %add3A_375 : i32 to vector<16xi32>
            %add3A_377 = arith.addi %select_n3A_369, %add3A_376 : vector<16xi32>
            %select_n3A_378 = arith.select %le3A_374, %add3A_377, %select_n3A_369 : vector<16xi1>, vector<16xi32>
            %add3A_379 = arith.constant 0 : i32
            %add3A_380 = vector.broadcast %add3A_379 : i32 to vector<16xi32>
            %add3A_381 = arith.addi %select_n3A_378, %add3A_380 : vector<16xi32>
            %gather3A_382 = tpu.vector_load_idx %arg7[%add3A_381] : memref<2048xi32, #tpu.memory_space<vmem>>[vector<16xi32>], vector<16xi32>,
            %le3A_383 = arith.cmpi sle, %gather3A_382, %add3A_288 : vector<16xi32>
            %add3A_384 = arith.constant 1 : i32
            %add3A_385 = vector.broadcast %add3A_384 : i32 to vector<16xi32>
            %add3A_386 = arith.addi %select_n3A_378, %add3A_385 : vector<16xi32>
            %select_n3A_387 = arith.select %le3A_383, %add3A_386, %select_n3A_378 : vector<16xi1>, vector<16xi32>
            %min3A_388 = arith.constant 2047 : i32
            %min3A_389 = vector.broadcast %min3A_388 : i32 to vector<16xi32>
            %min3A_390 = arith.minsi %select_n3A_387, %min3A_389 : vector<16xi32>
            %add3A_391 = vector.broadcast %mul3A_32 : i32 to vector<16xi32>
            %add3A_392 = arith.addi %add3A_391, %min3A_390 : vector<16xi32>
            %mul3A_393 = arith.constant 16 : i32
            %mul3A_394 = arith.muli %scan3A_282, %mul3A_393 : i32
            %swap3A = arith.constant 2 : i32
            %swap3A_395 = arith.index_cast %swap3A : i32 to index
            %swap3A_396 = arith.index_cast %mul3A_394 : i32 to index
            %swap3A_397 = tpu.vector_load %arg8[%swap3A_395, %swap3A_396] {strides = array<i32>} : memref<4x64xi32, #tpu.memory_space<vmem>>, vector<16xi32>,
            tpu.vector_store %arg8[%swap3A_395, %swap3A_396], %add3A_392 {strides = array<i32>} : memref<4x64xi32, #tpu.memory_space<vmem>>, vector<16xi32>,
            %scan3A_398 = arith.constant 0 : i32
            scf.yield %scan3A_398 : i32
          }
          %scan3A_281 = arith.constant 4 : i32
        } else {
        }
        %ge3A = arith.constant 4 : i32
        %ge3A_266 = arith.cmpi sge, %add3A_237, %ge3A : i32
        %convert_element_type3A_267 = arith.extui %ge3A_266 : i1 to i32
        %cond3A_268 = arith.constant 0 : i32
        %cond3A_269 = arith.cmpi ne, %convert_element_type3A_267, %cond3A_268 : i32
        scf.if %cond3A_269 {
          %mul3A_275 = arith.constant 14336 : i32
          %mul3A_276 = arith.muli %select_n3A, %mul3A_275 : i32
          %add3A_277 = arith.addi %mul3A_276, %mul3A_255 : i32
          %sub3A_278 = arith.constant 1024 : i32
          %sub3A_279 = arith.subi %add3A_277, %sub3A_278 : i32
          %dma_wait3A_280 = arith.constant 0 : i32
          %dma_wait3A_281 = tpu.memref_slice %arg4[%sub3A_279, %dma_wait3A_280] : memref<114688x384xf32, #tpu.memory_space<hbm>> -> memref<64x384xf32, #tpu.memory_space<hbm>>
          %dma_wait3A_282 = arith.constant 0 : i32
          %dma_wait3A_283 = tpu.memref_slice %arg4[%sub3A_279, %dma_wait3A_282] : memref<114688x384xf32, #tpu.memory_space<hbm>> -> memref<64x384xf32, #tpu.memory_space<hbm>>
          tpu.wait_dma2 semaphore(%arg22 : memref<!tpu.dma_semaphore, #tpu.memory_space<semaphore_mem>>) src(%arg11 : memref<64x384xf32, #tpu.memory_space<vmem>>) dst(%dma_wait3A_283 : memref<64x384xf32, #tpu.memory_space<hbm>>)
        } else {
        }
        %gt3A_270 = arith.constant 0 : i32
        %gt3A_271 = arith.cmpi sgt, %min3A_260, %gt3A_270 : i32
        %convert_element_type3A_272 = arith.extui %gt3A_271 : i1 to i32
        %cond3A_273 = arith.constant 0 : i32
        %cond3A_274 = arith.cmpi ne, %convert_element_type3A_272, %cond3A_273 : i32
        scf.if %cond3A_274 {
          %dma_start3A_275 = arith.constant 2 : i32
          %dma_start3A_276 = arith.constant 0 : i32
          %dma_start3A_277 = arith.constant 0 : i32
          %dma_start3A_278 = tpu.memref_slice %arg11[%dma_start3A_276, %dma_start3A_277] : memref<64x384xf32, #tpu.memory_space<vmem>> -> memref<32x384xf32, #tpu.memory_space<vmem>>
          %dma_start3A_279 = arith.constant 0 : i32
          %dma_start3A_280 = tpu.memref_slice %arg8[%dma_start3A_275, %dma_start3A_279] : memref<4x64xi32, #tpu.memory_space<vmem>> -> memref<1x32xi32, #tpu.memory_space<vmem>>
          %dma_start3A_281 = tpu.memref_squeeze %dma_start3A_280 : memref<1x32xi32, #tpu.memory_space<vmem>> -> memref<32xi32, #tpu.memory_space<vmem>>
          %dma_start3A_282 = arith.constant 0 : i32
          %dma_start3A_283 = arith.constant 0 : i32
          %dma_start3A_284 = tpu.memref_slice %arg2[%dma_start3A_282, %dma_start3A_283] : memref<16384x384xf32, #tpu.memory_space<hbm>> -> memref<16384x384xf32, #tpu.memory_space<hbm>>
          tpu.enqueue_indirect_dma source(%dma_start3A_284 : memref<16384x384xf32, #tpu.memory_space<hbm>>) target(%dma_start3A_278 : memref<32x384xf32, #tpu.memory_space<vmem>>) offsets(%dma_start3A_281 : memref<32xi32, #tpu.memory_space<vmem>>) semaphore(%arg18 : memref<!tpu.dma_semaphore, #tpu.memory_space<semaphore_mem>>)
          %dma_start3A_285 = arith.constant 2 : i32
          %dma_start3A_286 = arith.constant 32 : i32
          %dma_start3A_287 = arith.constant 0 : i32
          %dma_start3A_288 = tpu.memref_slice %arg11[%dma_start3A_286, %dma_start3A_287] : memref<64x384xf32, #tpu.memory_space<vmem>> -> memref<32x384xf32, #tpu.memory_space<vmem>>
          %dma_start3A_289 = arith.constant 32 : i32
          %dma_start3A_290 = tpu.memref_slice %arg8[%dma_start3A_285, %dma_start3A_289] : memref<4x64xi32, #tpu.memory_space<vmem>> -> memref<1x32xi32, #tpu.memory_space<vmem>>
          %dma_start3A_291 = tpu.memref_squeeze %dma_start3A_290 : memref<1x32xi32, #tpu.memory_space<vmem>> -> memref<32xi32, #tpu.memory_space<vmem>>
          %dma_start3A_292 = arith.constant 0 : i32
          %dma_start3A_293 = arith.constant 0 : i32
          %dma_start3A_294 = tpu.memref_slice %arg2[%dma_start3A_292, %dma_start3A_293] : memref<16384x384xf32, #tpu.memory_space<hbm>> -> memref<16384x384xf32, #tpu.memory_space<hbm>>
          tpu.enqueue_indirect_dma source(%dma_start3A_294 : memref<16384x384xf32, #tpu.memory_space<hbm>>) target(%dma_start3A_288 : memref<32x384xf32, #tpu.memory_space<vmem>>) offsets(%dma_start3A_291 : memref<32xi32, #tpu.memory_space<vmem>>) semaphore(%arg18 : memref<!tpu.dma_semaphore, #tpu.memory_space<semaphore_mem>>)
        } else {
        }
      } else {
      }
      %sub3A_243 = arith.constant 3 : i32
      %sub3A_244 = arith.subi %add3A_237, %sub3A_243 : i32
      %lt3A_245 = arith.constant 56 : i32
      %lt3A_246 = arith.cmpi slt, %sub3A_244, %lt3A_245 : i32
      %convert_element_type3A_247 = arith.extui %lt3A_246 : i1 to i32
      %cond3A_248 = arith.constant 0 : i32
      %cond3A_249 = arith.cmpi ne, %convert_element_type3A_247, %cond3A_248 : i32
      scf.if %cond3A_249 {
        %mul3A_251 = arith.constant 4 : i32
        %mul3A_252 = arith.muli %sub3A_244, %mul3A_251 : i32
        %add3A_253 = arith.addi %select_n3A_30, %mul3A_252 : i32
        %mul3A_254 = arith.constant 64 : i32
        %mul3A_255 = arith.muli %add3A_253, %mul3A_254 : i32
        %sub3A_256 = arith.subi %scan3A_48, %mul3A_255 : i32
        %jit3A_257 = arith.constant 0 : i32
        %jit3A_258 = arith.constant 64 : i32
        %max3A_259 = arith.maxsi %jit3A_257, %sub3A_256 : i32
        %min3A_260 = arith.minsi %jit3A_258, %max3A_259 : i32
        %mul3A_261 = arith.constant 14336 : i32
        %mul3A_262 = arith.muli %select_n3A, %mul3A_261 : i32
        %add3A_263 = arith.addi %mul3A_262, %mul3A_255 : i32
        %gt3A_264 = arith.constant 0 : i32
        %gt3A_265 = arith.cmpi sgt, %min3A_260, %gt3A_264 : i32
        %convert_element_type3A_266 = arith.extui %gt3A_265 : i1 to i32
        %cond3A_267 = arith.constant 0 : i32
        %cond3A_268 = arith.cmpi ne, %convert_element_type3A_266, %cond3A_267 : i32
        scf.if %cond3A_268 {
          %dma_wait3A_273 = arith.constant 3 : i32
          %dma_wait3A_274 = arith.constant 0 : i32
          %dma_wait3A_275 = tpu.memref_slice %arg8[%dma_wait3A_273, %dma_wait3A_274] : memref<4x64xi32, #tpu.memory_space<vmem>> -> memref<1x64xi32, #tpu.memory_space<vmem>>
          %dma_wait3A_276 = tpu.memref_squeeze %dma_wait3A_275 : memref<1x64xi32, #tpu.memory_space<vmem>> -> memref<64xi32, #tpu.memory_space<vmem>>
          %dma_wait3A_277 = arith.constant 0 : i32
          %dma_wait3A_278 = arith.constant 0 : i32
          %dma_wait3A_279 = tpu.memref_slice %arg2[%dma_wait3A_277, %dma_wait3A_278] : memref<16384x384xf32, #tpu.memory_space<hbm>> -> memref<16384x384xf32, #tpu.memory_space<hbm>>
          tpu.wait_indirect_dma semaphore(%arg19 : memref<!tpu.dma_semaphore, #tpu.memory_space<semaphore_mem>>) src(%dma_wait3A_279 : memref<16384x384xf32, #tpu.memory_space<hbm>>) dst(%arg12 : memref<64x384xf32, #tpu.memory_space<vmem>>)
          %lt3A_280 = arith.constant 64 : i32
          %lt3A_281 = arith.cmpi slt, %min3A_260, %lt3A_280 : i32
          %convert_element_type3A_282 = arith.extui %lt3A_281 : i1 to i32
          %cond3A_283 = arith.constant 0 : i32
          %cond3A_284 = arith.cmpi ne, %convert_element_type3A_282, %cond3A_283 : i32
          scf.if %cond3A_284 {
            %while3A = arith.constant 64 : i32
            %while3A_289 = arith.constant 0 : i32
            %while3A_290 = arith.subi %while3A, %min3A_260 : i32
            %while3A_291 = arith.addi %min3A_260, %while3A_290 : i32
            %while3A_292 = arith.constant 1 : i32
            %while3A_293 = arith.divsi %while3A_290, %while3A_292 : i32
            %while3A_294 = arith.muli %while3A_293, %while3A_292 : i32
            %while3A_295 = arith.addi %min3A_260, %while3A_294 : i32
            %while3A_296 = arith.constant 1 : i32
            %while3A_297 = scf.for %while3A_300 = %min3A_260 to %while3A_295 step %while3A_296 iter_args(%while3A_301 = %while3A_289) -> (i32)  : i32 {
              %swap3A = arith.index_cast %while3A_300 : i32 to index
              %swap3A_302 = arith.constant 0 : index
              %swap3A_303 = tpu.vector_load %arg12[%swap3A, %swap3A_302] {strides = array<i32>} : memref<64x384xf32, #tpu.memory_space<vmem>>, vector<16xf32>,
              tpu.vector_store %arg12[%swap3A, %swap3A_302], %broadcast_in_dim3A_33 {strides = array<i32>} : memref<64x384xf32, #tpu.memory_space<vmem>>, vector<16xf32>,
              %swap3A_304 = arith.index_cast %while3A_300 : i32 to index
              %swap3A_305 = arith.constant 16 : index
              %swap3A_306 = tpu.vector_load %arg12[%swap3A_304, %swap3A_305] {strides = array<i32>} : memref<64x384xf32, #tpu.memory_space<vmem>>, vector<16xf32>,
              tpu.vector_store %arg12[%swap3A_304, %swap3A_305], %broadcast_in_dim3A_33 {strides = array<i32>} : memref<64x384xf32, #tpu.memory_space<vmem>>, vector<16xf32>,
              %swap3A_307 = arith.index_cast %while3A_300 : i32 to index
              %swap3A_308 = arith.constant 32 : index
              %swap3A_309 = tpu.vector_load %arg12[%swap3A_307, %swap3A_308] {strides = array<i32>} : memref<64x384xf32, #tpu.memory_space<vmem>>, vector<16xf32>,
              tpu.vector_store %arg12[%swap3A_307, %swap3A_308], %broadcast_in_dim3A_33 {strides = array<i32>} : memref<64x384xf32, #tpu.memory_space<vmem>>, vector<16xf32>,
              %swap3A_310 = arith.index_cast %while3A_300 : i32 to index
              %swap3A_311 = arith.constant 48 : index
              %swap3A_312 = tpu.vector_load %arg12[%swap3A_310, %swap3A_311] {strides = array<i32>} : memref<64x384xf32, #tpu.memory_space<vmem>>, vector<16xf32>,
              tpu.vector_store %arg12[%swap3A_310, %swap3A_311], %broadcast_in_dim3A_33 {strides = array<i32>} : memref<64x384xf32, #tpu.memory_space<vmem>>, vector<16xf32>,
              %swap3A_313 = arith.index_cast %while3A_300 : i32 to index
              %swap3A_314 = arith.constant 64 : index
              %swap3A_315 = tpu.vector_load %arg12[%swap3A_313, %swap3A_314] {strides = array<i32>} : memref<64x384xf32, #tpu.memory_space<vmem>>, vector<16xf32>,
              tpu.vector_store %arg12[%swap3A_313, %swap3A_314], %broadcast_in_dim3A_33 {strides = array<i32>} : memref<64x384xf32, #tpu.memory_space<vmem>>, vector<16xf32>,
              %swap3A_316 = arith.index_cast %while3A_300 : i32 to index
              %swap3A_317 = arith.constant 80 : index
              %swap3A_318 = tpu.vector_load %arg12[%swap3A_316, %swap3A_317] {strides = array<i32>} : memref<64x384xf32, #tpu.memory_space<vmem>>, vector<16xf32>,
              tpu.vector_store %arg12[%swap3A_316, %swap3A_317], %broadcast_in_dim3A_33 {strides = array<i32>} : memref<64x384xf32, #tpu.memory_space<vmem>>, vector<16xf32>,
              %swap3A_319 = arith.index_cast %while3A_300 : i32 to index
              %swap3A_320 = arith.constant 96 : index
              %swap3A_321 = tpu.vector_load %arg12[%swap3A_319, %swap3A_320] {strides = array<i32>} : memref<64x384xf32, #tpu.memory_space<vmem>>, vector<16xf32>,
              tpu.vector_store %arg12[%swap3A_319, %swap3A_320], %broadcast_in_dim3A_33 {strides = array<i32>} : memref<64x384xf32, #tpu.memory_space<vmem>>, vector<16xf32>,
              %swap3A_322 = arith.index_cast %while3A_300 : i32 to index
              %swap3A_323 = arith.constant 112 : index
              %swap3A_324 = tpu.vector_load %arg12[%swap3A_322, %swap3A_323] {strides = array<i32>} : memref<64x384xf32, #tpu.memory_space<vmem>>, vector<16xf32>,
              tpu.vector_store %arg12[%swap3A_322, %swap3A_323], %broadcast_in_dim3A_33 {strides = array<i32>} : memref<64x384xf32, #tpu.memory_space<vmem>>, vector<16xf32>,
              %swap3A_325 = arith.index_cast %while3A_300 : i32 to index
              %swap3A_326 = arith.constant 128 : index
              %swap3A_327 = tpu.vector_load %arg12[%swap3A_325, %swap3A_326] {strides = array<i32>} : memref<64x384xf32, #tpu.memory_space<vmem>>, vector<16xf32>,
              tpu.vector_store %arg12[%swap3A_325, %swap3A_326], %broadcast_in_dim3A_33 {strides = array<i32>} : memref<64x384xf32, #tpu.memory_space<vmem>>, vector<16xf32>,
              %swap3A_328 = arith.index_cast %while3A_300 : i32 to index
              %swap3A_329 = arith.constant 144 : index
              %swap3A_330 = tpu.vector_load %arg12[%swap3A_328, %swap3A_329] {strides = array<i32>} : memref<64x384xf32, #tpu.memory_space<vmem>>, vector<16xf32>,
              tpu.vector_store %arg12[%swap3A_328, %swap3A_329], %broadcast_in_dim3A_33 {strides = array<i32>} : memref<64x384xf32, #tpu.memory_space<vmem>>, vector<16xf32>,
              %swap3A_331 = arith.index_cast %while3A_300 : i32 to index
              %swap3A_332 = arith.constant 160 : index
              %swap3A_333 = tpu.vector_load %arg12[%swap3A_331, %swap3A_332] {strides = array<i32>} : memref<64x384xf32, #tpu.memory_space<vmem>>, vector<16xf32>,
              tpu.vector_store %arg12[%swap3A_331, %swap3A_332], %broadcast_in_dim3A_33 {strides = array<i32>} : memref<64x384xf32, #tpu.memory_space<vmem>>, vector<16xf32>,
              %swap3A_334 = arith.index_cast %while3A_300 : i32 to index
              %swap3A_335 = arith.constant 176 : index
              %swap3A_336 = tpu.vector_load %arg12[%swap3A_334, %swap3A_335] {strides = array<i32>} : memref<64x384xf32, #tpu.memory_space<vmem>>, vector<16xf32>,
              tpu.vector_store %arg12[%swap3A_334, %swap3A_335], %broadcast_in_dim3A_33 {strides = array<i32>} : memref<64x384xf32, #tpu.memory_space<vmem>>, vector<16xf32>,
              %swap3A_337 = arith.index_cast %while3A_300 : i32 to index
              %swap3A_338 = arith.constant 192 : index
              %swap3A_339 = tpu.vector_load %arg12[%swap3A_337, %swap3A_338] {strides = array<i32>} : memref<64x384xf32, #tpu.memory_space<vmem>>, vector<16xf32>,
              tpu.vector_store %arg12[%swap3A_337, %swap3A_338], %broadcast_in_dim3A_33 {strides = array<i32>} : memref<64x384xf32, #tpu.memory_space<vmem>>, vector<16xf32>,
              %swap3A_340 = arith.index_cast %while3A_300 : i32 to index
              %swap3A_341 = arith.constant 208 : index
              %swap3A_342 = tpu.vector_load %arg12[%swap3A_340, %swap3A_341] {strides = array<i32>} : memref<64x384xf32, #tpu.memory_space<vmem>>, vector<16xf32>,
              tpu.vector_store %arg12[%swap3A_340, %swap3A_341], %broadcast_in_dim3A_33 {strides = array<i32>} : memref<64x384xf32, #tpu.memory_space<vmem>>, vector<16xf32>,
              %swap3A_343 = arith.index_cast %while3A_300 : i32 to index
              %swap3A_344 = arith.constant 224 : index
              %swap3A_345 = tpu.vector_load %arg12[%swap3A_343, %swap3A_344] {strides = array<i32>} : memref<64x384xf32, #tpu.memory_space<vmem>>, vector<16xf32>,
              tpu.vector_store %arg12[%swap3A_343, %swap3A_344], %broadcast_in_dim3A_33 {strides = array<i32>} : memref<64x384xf32, #tpu.memory_space<vmem>>, vector<16xf32>,
              %swap3A_346 = arith.index_cast %while3A_300 : i32 to index
              %swap3A_347 = arith.constant 240 : index
              %swap3A_348 = tpu.vector_load %arg12[%swap3A_346, %swap3A_347] {strides = array<i32>} : memref<64x384xf32, #tpu.memory_space<vmem>>, vector<16xf32>,
              tpu.vector_store %arg12[%swap3A_346, %swap3A_347], %broadcast_in_dim3A_33 {strides = array<i32>} : memref<64x384xf32, #tpu.memory_space<vmem>>, vector<16xf32>,
              %swap3A_349 = arith.index_cast %while3A_300 : i32 to index
              %swap3A_350 = arith.constant 256 : index
              %swap3A_351 = tpu.vector_load %arg12[%swap3A_349, %swap3A_350] {strides = array<i32>} : memref<64x384xf32, #tpu.memory_space<vmem>>, vector<16xf32>,
              tpu.vector_store %arg12[%swap3A_349, %swap3A_350], %broadcast_in_dim3A_33 {strides = array<i32>} : memref<64x384xf32, #tpu.memory_space<vmem>>, vector<16xf32>,
              %swap3A_352 = arith.index_cast %while3A_300 : i32 to index
              %swap3A_353 = arith.constant 272 : index
              %swap3A_354 = tpu.vector_load %arg12[%swap3A_352, %swap3A_353] {strides = array<i32>} : memref<64x384xf32, #tpu.memory_space<vmem>>, vector<16xf32>,
              tpu.vector_store %arg12[%swap3A_352, %swap3A_353], %broadcast_in_dim3A_33 {strides = array<i32>} : memref<64x384xf32, #tpu.memory_space<vmem>>, vector<16xf32>,
              %swap3A_355 = arith.index_cast %while3A_300 : i32 to index
              %swap3A_356 = arith.constant 288 : index
              %swap3A_357 = tpu.vector_load %arg12[%swap3A_355, %swap3A_356] {strides = array<i32>} : memref<64x384xf32, #tpu.memory_space<vmem>>, vector<16xf32>,
              tpu.vector_store %arg12[%swap3A_355, %swap3A_356], %broadcast_in_dim3A_33 {strides = array<i32>} : memref<64x384xf32, #tpu.memory_space<vmem>>, vector<16xf32>,
              %swap3A_358 = arith.index_cast %while3A_300 : i32 to index
              %swap3A_359 = arith.constant 304 : index
              %swap3A_360 = tpu.vector_load %arg12[%swap3A_358, %swap3A_359] {strides = array<i32>} : memref<64x384xf32, #tpu.memory_space<vmem>>, vector<16xf32>,
              tpu.vector_store %arg12[%swap3A_358, %swap3A_359], %broadcast_in_dim3A_33 {strides = array<i32>} : memref<64x384xf32, #tpu.memory_space<vmem>>, vector<16xf32>,
              %swap3A_361 = arith.index_cast %while3A_300 : i32 to index
              %swap3A_362 = arith.constant 320 : index
              %swap3A_363 = tpu.vector_load %arg12[%swap3A_361, %swap3A_362] {strides = array<i32>} : memref<64x384xf32, #tpu.memory_space<vmem>>, vector<16xf32>,
              tpu.vector_store %arg12[%swap3A_361, %swap3A_362], %broadcast_in_dim3A_33 {strides = array<i32>} : memref<64x384xf32, #tpu.memory_space<vmem>>, vector<16xf32>,
              %swap3A_364 = arith.index_cast %while3A_300 : i32 to index
              %swap3A_365 = arith.constant 336 : index
              %swap3A_366 = tpu.vector_load %arg12[%swap3A_364, %swap3A_365] {strides = array<i32>} : memref<64x384xf32, #tpu.memory_space<vmem>>, vector<16xf32>,
              tpu.vector_store %arg12[%swap3A_364, %swap3A_365], %broadcast_in_dim3A_33 {strides = array<i32>} : memref<64x384xf32, #tpu.memory_space<vmem>>, vector<16xf32>,
              %swap3A_367 = arith.index_cast %while3A_300 : i32 to index
              %swap3A_368 = arith.constant 352 : index
              %swap3A_369 = tpu.vector_load %arg12[%swap3A_367, %swap3A_368] {strides = array<i32>} : memref<64x384xf32, #tpu.memory_space<vmem>>, vector<16xf32>,
              tpu.vector_store %arg12[%swap3A_367, %swap3A_368], %broadcast_in_dim3A_33 {strides = array<i32>} : memref<64x384xf32, #tpu.memory_space<vmem>>, vector<16xf32>,
              %swap3A_370 = arith.index_cast %while3A_300 : i32 to index
              %swap3A_371 = arith.constant 368 : index
              %swap3A_372 = tpu.vector_load %arg12[%swap3A_370, %swap3A_371] {strides = array<i32>} : memref<64x384xf32, #tpu.memory_space<vmem>>, vector<16xf32>,
              tpu.vector_store %arg12[%swap3A_370, %swap3A_371], %broadcast_in_dim3A_33 {strides = array<i32>} : memref<64x384xf32, #tpu.memory_space<vmem>>, vector<16xf32>,
              %while3A_373 = arith.constant 0 : i32
              scf.yield %while3A_373 : i32
            }
            %while3A_298 = arith.constant 1 : i32
            %while3A_299 = scf.for %while3A_300 = %while3A_295 to %while3A_291 step %while3A_298 iter_args(%while3A_301 = %while3A_297) -> (i32)  : i32 {
              %swap3A = arith.index_cast %while3A_300 : i32 to index
              %swap3A_302 = arith.constant 0 : index
              %swap3A_303 = tpu.vector_load %arg12[%swap3A, %swap3A_302] {strides = array<i32>} : memref<64x384xf32, #tpu.memory_space<vmem>>, vector<16xf32>,
              tpu.vector_store %arg12[%swap3A, %swap3A_302], %broadcast_in_dim3A_33 {strides = array<i32>} : memref<64x384xf32, #tpu.memory_space<vmem>>, vector<16xf32>,
              %swap3A_304 = arith.index_cast %while3A_300 : i32 to index
              %swap3A_305 = arith.constant 16 : index
              %swap3A_306 = tpu.vector_load %arg12[%swap3A_304, %swap3A_305] {strides = array<i32>} : memref<64x384xf32, #tpu.memory_space<vmem>>, vector<16xf32>,
              tpu.vector_store %arg12[%swap3A_304, %swap3A_305], %broadcast_in_dim3A_33 {strides = array<i32>} : memref<64x384xf32, #tpu.memory_space<vmem>>, vector<16xf32>,
              %swap3A_307 = arith.index_cast %while3A_300 : i32 to index
              %swap3A_308 = arith.constant 32 : index
              %swap3A_309 = tpu.vector_load %arg12[%swap3A_307, %swap3A_308] {strides = array<i32>} : memref<64x384xf32, #tpu.memory_space<vmem>>, vector<16xf32>,
              tpu.vector_store %arg12[%swap3A_307, %swap3A_308], %broadcast_in_dim3A_33 {strides = array<i32>} : memref<64x384xf32, #tpu.memory_space<vmem>>, vector<16xf32>,
              %swap3A_310 = arith.index_cast %while3A_300 : i32 to index
              %swap3A_311 = arith.constant 48 : index
              %swap3A_312 = tpu.vector_load %arg12[%swap3A_310, %swap3A_311] {strides = array<i32>} : memref<64x384xf32, #tpu.memory_space<vmem>>, vector<16xf32>,
              tpu.vector_store %arg12[%swap3A_310, %swap3A_311], %broadcast_in_dim3A_33 {strides = array<i32>} : memref<64x384xf32, #tpu.memory_space<vmem>>, vector<16xf32>,
              %swap3A_313 = arith.index_cast %while3A_300 : i32 to index
              %swap3A_314 = arith.constant 64 : index
              %swap3A_315 = tpu.vector_load %arg12[%swap3A_313, %swap3A_314] {strides = array<i32>} : memref<64x384xf32, #tpu.memory_space<vmem>>, vector<16xf32>,
              tpu.vector_store %arg12[%swap3A_313, %swap3A_314], %broadcast_in_dim3A_33 {strides = array<i32>} : memref<64x384xf32, #tpu.memory_space<vmem>>, vector<16xf32>,
              %swap3A_316 = arith.index_cast %while3A_300 : i32 to index
              %swap3A_317 = arith.constant 80 : index
              %swap3A_318 = tpu.vector_load %arg12[%swap3A_316, %swap3A_317] {strides = array<i32>} : memref<64x384xf32, #tpu.memory_space<vmem>>, vector<16xf32>,
              tpu.vector_store %arg12[%swap3A_316, %swap3A_317], %broadcast_in_dim3A_33 {strides = array<i32>} : memref<64x384xf32, #tpu.memory_space<vmem>>, vector<16xf32>,
              %swap3A_319 = arith.index_cast %while3A_300 : i32 to index
              %swap3A_320 = arith.constant 96 : index
              %swap3A_321 = tpu.vector_load %arg12[%swap3A_319, %swap3A_320] {strides = array<i32>} : memref<64x384xf32, #tpu.memory_space<vmem>>, vector<16xf32>,
              tpu.vector_store %arg12[%swap3A_319, %swap3A_320], %broadcast_in_dim3A_33 {strides = array<i32>} : memref<64x384xf32, #tpu.memory_space<vmem>>, vector<16xf32>,
              %swap3A_322 = arith.index_cast %while3A_300 : i32 to index
              %swap3A_323 = arith.constant 112 : index
              %swap3A_324 = tpu.vector_load %arg12[%swap3A_322, %swap3A_323] {strides = array<i32>} : memref<64x384xf32, #tpu.memory_space<vmem>>, vector<16xf32>,
              tpu.vector_store %arg12[%swap3A_322, %swap3A_323], %broadcast_in_dim3A_33 {strides = array<i32>} : memref<64x384xf32, #tpu.memory_space<vmem>>, vector<16xf32>,
              %swap3A_325 = arith.index_cast %while3A_300 : i32 to index
              %swap3A_326 = arith.constant 128 : index
              %swap3A_327 = tpu.vector_load %arg12[%swap3A_325, %swap3A_326] {strides = array<i32>} : memref<64x384xf32, #tpu.memory_space<vmem>>, vector<16xf32>,
              tpu.vector_store %arg12[%swap3A_325, %swap3A_326], %broadcast_in_dim3A_33 {strides = array<i32>} : memref<64x384xf32, #tpu.memory_space<vmem>>, vector<16xf32>,
              %swap3A_328 = arith.index_cast %while3A_300 : i32 to index
              %swap3A_329 = arith.constant 144 : index
              %swap3A_330 = tpu.vector_load %arg12[%swap3A_328, %swap3A_329] {strides = array<i32>} : memref<64x384xf32, #tpu.memory_space<vmem>>, vector<16xf32>,
              tpu.vector_store %arg12[%swap3A_328, %swap3A_329], %broadcast_in_dim3A_33 {strides = array<i32>} : memref<64x384xf32, #tpu.memory_space<vmem>>, vector<16xf32>,
              %swap3A_331 = arith.index_cast %while3A_300 : i32 to index
              %swap3A_332 = arith.constant 160 : index
              %swap3A_333 = tpu.vector_load %arg12[%swap3A_331, %swap3A_332] {strides = array<i32>} : memref<64x384xf32, #tpu.memory_space<vmem>>, vector<16xf32>,
              tpu.vector_store %arg12[%swap3A_331, %swap3A_332], %broadcast_in_dim3A_33 {strides = array<i32>} : memref<64x384xf32, #tpu.memory_space<vmem>>, vector<16xf32>,
              %swap3A_334 = arith.index_cast %while3A_300 : i32 to index
              %swap3A_335 = arith.constant 176 : index
              %swap3A_336 = tpu.vector_load %arg12[%swap3A_334, %swap3A_335] {strides = array<i32>} : memref<64x384xf32, #tpu.memory_space<vmem>>, vector<16xf32>,
              tpu.vector_store %arg12[%swap3A_334, %swap3A_335], %broadcast_in_dim3A_33 {strides = array<i32>} : memref<64x384xf32, #tpu.memory_space<vmem>>, vector<16xf32>,
              %swap3A_337 = arith.index_cast %while3A_300 : i32 to index
              %swap3A_338 = arith.constant 192 : index
              %swap3A_339 = tpu.vector_load %arg12[%swap3A_337, %swap3A_338] {strides = array<i32>} : memref<64x384xf32, #tpu.memory_space<vmem>>, vector<16xf32>,
              tpu.vector_store %arg12[%swap3A_337, %swap3A_338], %broadcast_in_dim3A_33 {strides = array<i32>} : memref<64x384xf32, #tpu.memory_space<vmem>>, vector<16xf32>,
              %swap3A_340 = arith.index_cast %while3A_300 : i32 to index
              %swap3A_341 = arith.constant 208 : index
              %swap3A_342 = tpu.vector_load %arg12[%swap3A_340, %swap3A_341] {strides = array<i32>} : memref<64x384xf32, #tpu.memory_space<vmem>>, vector<16xf32>,
              tpu.vector_store %arg12[%swap3A_340, %swap3A_341], %broadcast_in_dim3A_33 {strides = array<i32>} : memref<64x384xf32, #tpu.memory_space<vmem>>, vector<16xf32>,
              %swap3A_343 = arith.index_cast %while3A_300 : i32 to index
              %swap3A_344 = arith.constant 224 : index
              %swap3A_345 = tpu.vector_load %arg12[%swap3A_343, %swap3A_344] {strides = array<i32>} : memref<64x384xf32, #tpu.memory_space<vmem>>, vector<16xf32>,
              tpu.vector_store %arg12[%swap3A_343, %swap3A_344], %broadcast_in_dim3A_33 {strides = array<i32>} : memref<64x384xf32, #tpu.memory_space<vmem>>, vector<16xf32>,
              %swap3A_346 = arith.index_cast %while3A_300 : i32 to index
              %swap3A_347 = arith.constant 240 : index
              %swap3A_348 = tpu.vector_load %arg12[%swap3A_346, %swap3A_347] {strides = array<i32>} : memref<64x384xf32, #tpu.memory_space<vmem>>, vector<16xf32>,
              tpu.vector_store %arg12[%swap3A_346, %swap3A_347], %broadcast_in_dim3A_33 {strides = array<i32>} : memref<64x384xf32, #tpu.memory_space<vmem>>, vector<16xf32>,
              %swap3A_349 = arith.index_cast %while3A_300 : i32 to index
              %swap3A_350 = arith.constant 256 : index
              %swap3A_351 = tpu.vector_load %arg12[%swap3A_349, %swap3A_350] {strides = array<i32>} : memref<64x384xf32, #tpu.memory_space<vmem>>, vector<16xf32>,
              tpu.vector_store %arg12[%swap3A_349, %swap3A_350], %broadcast_in_dim3A_33 {strides = array<i32>} : memref<64x384xf32, #tpu.memory_space<vmem>>, vector<16xf32>,
              %swap3A_352 = arith.index_cast %while3A_300 : i32 to index
              %swap3A_353 = arith.constant 272 : index
              %swap3A_354 = tpu.vector_load %arg12[%swap3A_352, %swap3A_353] {strides = array<i32>} : memref<64x384xf32, #tpu.memory_space<vmem>>, vector<16xf32>,
              tpu.vector_store %arg12[%swap3A_352, %swap3A_353], %broadcast_in_dim3A_33 {strides = array<i32>} : memref<64x384xf32, #tpu.memory_space<vmem>>, vector<16xf32>,
              %swap3A_355 = arith.index_cast %while3A_300 : i32 to index
              %swap3A_356 = arith.constant 288 : index
              %swap3A_357 = tpu.vector_load %arg12[%swap3A_355, %swap3A_356] {strides = array<i32>} : memref<64x384xf32, #tpu.memory_space<vmem>>, vector<16xf32>,
              tpu.vector_store %arg12[%swap3A_355, %swap3A_356], %broadcast_in_dim3A_33 {strides = array<i32>} : memref<64x384xf32, #tpu.memory_space<vmem>>, vector<16xf32>,
              %swap3A_358 = arith.index_cast %while3A_300 : i32 to index
              %swap3A_359 = arith.constant 304 : index
              %swap3A_360 = tpu.vector_load %arg12[%swap3A_358, %swap3A_359] {strides = array<i32>} : memref<64x384xf32, #tpu.memory_space<vmem>>, vector<16xf32>,
              tpu.vector_store %arg12[%swap3A_358, %swap3A_359], %broadcast_in_dim3A_33 {strides = array<i32>} : memref<64x384xf32, #tpu.memory_space<vmem>>, vector<16xf32>,
              %swap3A_361 = arith.index_cast %while3A_300 : i32 to index
              %swap3A_362 = arith.constant 320 : index
              %swap3A_363 = tpu.vector_load %arg12[%swap3A_361, %swap3A_362] {strides = array<i32>} : memref<64x384xf32, #tpu.memory_space<vmem>>, vector<16xf32>,
              tpu.vector_store %arg12[%swap3A_361, %swap3A_362], %broadcast_in_dim3A_33 {strides = array<i32>} : memref<64x384xf32, #tpu.memory_space<vmem>>, vector<16xf32>,
              %swap3A_364 = arith.index_cast %while3A_300 : i32 to index
              %swap3A_365 = arith.constant 336 : index
              %swap3A_366 = tpu.vector_load %arg12[%swap3A_364, %swap3A_365] {strides = array<i32>} : memref<64x384xf32, #tpu.memory_space<vmem>>, vector<16xf32>,
              tpu.vector_store %arg12[%swap3A_364, %swap3A_365], %broadcast_in_dim3A_33 {strides = array<i32>} : memref<64x384xf32, #tpu.memory_space<vmem>>, vector<16xf32>,
              %swap3A_367 = arith.index_cast %while3A_300 : i32 to index
              %swap3A_368 = arith.constant 352 : index
              %swap3A_369 = tpu.vector_load %arg12[%swap3A_367, %swap3A_368] {strides = array<i32>} : memref<64x384xf32, #tpu.memory_space<vmem>>, vector<16xf32>,
              tpu.vector_store %arg12[%swap3A_367, %swap3A_368], %broadcast_in_dim3A_33 {strides = array<i32>} : memref<64x384xf32, #tpu.memory_space<vmem>>, vector<16xf32>,
              %swap3A_370 = arith.index_cast %while3A_300 : i32 to index
              %swap3A_371 = arith.constant 368 : index
              %swap3A_372 = tpu.vector_load %arg12[%swap3A_370, %swap3A_371] {strides = array<i32>} : memref<64x384xf32, #tpu.memory_space<vmem>>, vector<16xf32>,
              tpu.vector_store %arg12[%swap3A_370, %swap3A_371], %broadcast_in_dim3A_33 {strides = array<i32>} : memref<64x384xf32, #tpu.memory_space<vmem>>, vector<16xf32>,
              %while3A_373 = arith.constant 0 : i32
              scf.yield %while3A_373 : i32
            }
          } else {
          }
          %dma_start3A_285 = arith.constant 0 : i32
          %dma_start3A_286 = tpu.memref_slice %arg4[%add3A_263, %dma_start3A_285] : memref<114688x384xf32, #tpu.memory_space<hbm>> -> memref<64x384xf32, #tpu.memory_space<hbm>>
          %dma_start3A_287 = arith.constant 0 : i32
          %dma_start3A_288 = tpu.memref_slice %arg4[%add3A_263, %dma_start3A_287] : memref<114688x384xf32, #tpu.memory_space<hbm>> -> memref<64x384xf32, #tpu.memory_space<hbm>>
          tpu.enqueue_dma source(%arg12 : memref<64x384xf32, #tpu.memory_space<vmem>>) target(%dma_start3A_288 : memref<64x384xf32, #tpu.memory_space<hbm>>) target_semaphore(%arg23 : memref<!tpu.dma_semaphore, #tpu.memory_space<semaphore_mem>>)
        } else {
        }
        %le3A = arith.constant 0 : i32
        %le3A_269 = arith.cmpi sle, %min3A_260, %le3A : i32
        %convert_element_type3A_270 = arith.extui %le3A_269 : i1 to i32
        %cond3A_271 = arith.constant 0 : i32
        %cond3A_272 = arith.cmpi ne, %convert_element_type3A_270, %cond3A_271 : i32
        scf.if %cond3A_272 {
          %dma_start3A_273 = arith.constant 0 : i32
          %dma_start3A_274 = tpu.memref_slice %arg4[%add3A_263, %dma_start3A_273] : memref<114688x384xf32, #tpu.memory_space<hbm>> -> memref<64x384xf32, #tpu.memory_space<hbm>>
          %dma_start3A_275 = arith.constant 0 : i32
          %dma_start3A_276 = tpu.memref_slice %arg4[%add3A_263, %dma_start3A_275] : memref<114688x384xf32, #tpu.memory_space<hbm>> -> memref<64x384xf32, #tpu.memory_space<hbm>>
          tpu.enqueue_dma source(%arg13 : memref<64x384xf32, #tpu.memory_space<vmem>>) target(%dma_start3A_276 : memref<64x384xf32, #tpu.memory_space<hbm>>) target_semaphore(%arg23 : memref<!tpu.dma_semaphore, #tpu.memory_space<semaphore_mem>>)
        } else {
        }
      } else {
      }
      %scan3A_250 = arith.constant 0 : i32
      scf.yield %scan3A_250 : i32
    }
    %scan3A_126 = arith.constant 14 : i32
    %mul3A_127 = arith.constant 14336 : i32
    %mul3A_128 = arith.muli %select_n3A, %mul3A_127 : i32
    %add3A_129 = arith.constant 208 : i32
    %add3A_130 = arith.addi %select_n3A_30, %add3A_129 : i32
    %mul3A_131 = arith.constant 64 : i32
    %mul3A_132 = arith.muli %add3A_130, %mul3A_131 : i32
    %add3A_133 = arith.addi %mul3A_128, %mul3A_132 : i32
    %dma_wait3A_134 = arith.constant 0 : i32
    %dma_wait3A_135 = tpu.memref_slice %arg4[%add3A_133, %dma_wait3A_134] : memref<114688x384xf32, #tpu.memory_space<hbm>> -> memref<64x384xf32, #tpu.memory_space<hbm>>
    %dma_wait3A_136 = arith.constant 0 : i32
    %dma_wait3A_137 = tpu.memref_slice %arg4[%add3A_133, %dma_wait3A_136] : memref<114688x384xf32, #tpu.memory_space<hbm>> -> memref<64x384xf32, #tpu.memory_space<hbm>>
    tpu.wait_dma2 semaphore(%arg20 : memref<!tpu.dma_semaphore, #tpu.memory_space<semaphore_mem>>) src(%arg9 : memref<64x384xf32, #tpu.memory_space<vmem>>) dst(%dma_wait3A_137 : memref<64x384xf32, #tpu.memory_space<hbm>>)
    %mul3A_138 = arith.constant 14336 : i32
    %mul3A_139 = arith.muli %select_n3A, %mul3A_138 : i32
    %add3A_140 = arith.constant 212 : i32
    %add3A_141 = arith.addi %select_n3A_30, %add3A_140 : i32
    %mul3A_142 = arith.constant 64 : i32
    %mul3A_143 = arith.muli %add3A_141, %mul3A_142 : i32
    %add3A_144 = arith.addi %mul3A_139, %mul3A_143 : i32
    %dma_wait3A_145 = arith.constant 0 : i32
    %dma_wait3A_146 = tpu.memref_slice %arg4[%add3A_144, %dma_wait3A_145] : memref<114688x384xf32, #tpu.memory_space<hbm>> -> memref<64x384xf32, #tpu.memory_space<hbm>>
    %dma_wait3A_147 = arith.constant 0 : i32
    %dma_wait3A_148 = tpu.memref_slice %arg4[%add3A_144, %dma_wait3A_147] : memref<114688x384xf32, #tpu.memory_space<hbm>> -> memref<64x384xf32, #tpu.memory_space<hbm>>
    tpu.wait_dma2 semaphore(%arg21 : memref<!tpu.dma_semaphore, #tpu.memory_space<semaphore_mem>>) src(%arg10 : memref<64x384xf32, #tpu.memory_space<vmem>>) dst(%dma_wait3A_148 : memref<64x384xf32, #tpu.memory_space<hbm>>)
    %mul3A_149 = arith.constant 14336 : i32
    %mul3A_150 = arith.muli %select_n3A, %mul3A_149 : i32
    %add3A_151 = arith.constant 216 : i32
    %add3A_152 = arith.addi %select_n3A_30, %add3A_151 : i32
    %mul3A_153 = arith.constant 64 : i32
    %mul3A_154 = arith.muli %add3A_152, %mul3A_153 : i32
    %add3A_155 = arith.addi %mul3A_150, %mul3A_154 : i32
    %dma_wait3A_156 = arith.constant 0 : i32
    %dma_wait3A_157 = tpu.memref_slice %arg4[%add3A_155, %dma_wait3A_156] : memref<114688x384xf32, #tpu.memory_space<hbm>> -> memref<64x384xf32, #tpu.memory_space<hbm>>
    %dma_wait3A_158 = arith.constant 0 : i32
    %dma_wait3A_159 = tpu.memref_slice %arg4[%add3A_155, %dma_wait3A_158] : memref<114688x384xf32, #tpu.memory_space<hbm>> -> memref<64x384xf32, #tpu.memory_space<hbm>>
    tpu.wait_dma2 semaphore(%arg22 : memref<!tpu.dma_semaphore, #tpu.memory_space<semaphore_mem>>) src(%arg11 : memref<64x384xf32, #tpu.memory_space<vmem>>) dst(%dma_wait3A_159 : memref<64x384xf32, #tpu.memory_space<hbm>>)
    %mul3A_160 = arith.constant 14336 : i32
    %mul3A_161 = arith.muli %select_n3A, %mul3A_160 : i32
    %add3A_162 = arith.constant 220 : i32
    %add3A_163 = arith.addi %select_n3A_30, %add3A_162 : i32
    %mul3A_164 = arith.constant 64 : i32
    %mul3A_165 = arith.muli %add3A_163, %mul3A_164 : i32
    %add3A_166 = arith.addi %mul3A_161, %mul3A_165 : i32
    %dma_wait3A_167 = arith.constant 0 : i32
    %dma_wait3A_168 = tpu.memref_slice %arg4[%add3A_166, %dma_wait3A_167] : memref<114688x384xf32, #tpu.memory_space<hbm>> -> memref<64x384xf32, #tpu.memory_space<hbm>>
    %dma_wait3A_169 = arith.constant 0 : i32
    %dma_wait3A_170 = tpu.memref_slice %arg4[%add3A_166, %dma_wait3A_169] : memref<114688x384xf32, #tpu.memory_space<hbm>> -> memref<64x384xf32, #tpu.memory_space<hbm>>
    tpu.wait_dma2 semaphore(%arg23 : memref<!tpu.dma_semaphore, #tpu.memory_space<semaphore_mem>>) src(%arg12 : memref<64x384xf32, #tpu.memory_space<vmem>>) dst(%dma_wait3A_170 : memref<64x384xf32, #tpu.memory_space<hbm>>)
    %eq3A_171 = arith.constant 0 : i32
    %eq3A_172 = arith.cmpi eq, %select_n3A_30, %eq3A_171 : i32
    %convert_element_type3A_173 = arith.extui %eq3A_172 : i1 to i32
    %cond3A_174 = arith.constant 0 : i32
    %cond3A_175 = arith.cmpi ne, %convert_element_type3A_173, %cond3A_174 : i32
    scf.if %cond3A_175 {
      %dma_wait3A_176 = arith.constant 0 : i32
      %dma_wait3A_177 = tpu.memref_slice %arg5[%select_n3A, %dma_wait3A_176] : memref<8x16xi32, #tpu.memory_space<hbm>> -> memref<1x16xi32, #tpu.memory_space<hbm>>
      %dma_wait3A_178 = tpu.memref_squeeze %dma_wait3A_177 : memref<1x16xi32, #tpu.memory_space<hbm>> -> memref<16xi32, #tpu.memory_space<hbm>>
      %dma_wait3A_179 = arith.constant 0 : i32
      %dma_wait3A_180 = tpu.memref_slice %arg5[%select_n3A, %dma_wait3A_179] : memref<8x16xi32, #tpu.memory_space<hbm>> -> memref<1x16xi32, #tpu.memory_space<hbm>>
      %dma_wait3A_181 = tpu.memref_squeeze %dma_wait3A_180 : memref<1x16xi32, #tpu.memory_space<hbm>> -> memref<16xi32, #tpu.memory_space<hbm>>
      tpu.wait_dma2 semaphore(%arg15 : memref<!tpu.dma_semaphore, #tpu.memory_space<semaphore_mem>>) src(%arg14 : memref<16xi32, #tpu.memory_space<vmem>>) dst(%dma_wait3A_181 : memref<16xi32, #tpu.memory_space<hbm>>)
    } else {
    }
    return
  }
}

</mosaic_0001>

<sc_bundles>
// kernel: kernel.3.cloned.1.call-start
scs
__scs_entry_jumppad:
0x0: {  	(pc) =	sbr.rel $0x88, $3  }
0x1: {  	(tag) =	ssettag $0x0;
	lr =	simm.s32 $0x1  }
0x2: {  	[smem:$0x3F9F] =	sst lr;
	_ =	strace $0xD0000000  }
0x3: {  	_ = 	snop  }
0x4: {  	_ = 	snop  }
0x5: {  	_ = 	snop  }
0x6: {  	_ = 	snop  }
0x7: {  	_ = 	snop  }
__scs_overlays_trampoline_lowered:
0x8: {  	[smem:$0x3FAE] =	sst s0  }
0x9: {  	[smem:$0x3FAF] =	sst s1  }
0xa: {  	[smem:$0x3FB0] =	sst s2  }
0xb: {  	[smem:$0x3FB1] =	sst s3  }
0xc: {  	[smem:$0x3FB2] =	sst s4  }
0xd: {  	[smem:$0x3FB3] =	sst s5  }
0xe: {  	[smem:$0x3FB4] =	sst s6  }
0xf: {  	[smem:$0x3FB5] =	sst s7  }
0x10: {  	[smem:$0x3FB6] =	sst s8  }
0x11: {  	[smem:$0x3FB7] =	sst s9;
	s0 =	simm.s32 @!p0 $0x0  }
0x12: {  	s1 =	sld [smem:$0x3F9D];
	s0 =	simm.s32 @p0 $0x1  }
0x13: {  	[smem:$0x3FB8] =	sst s0;
	s0 =	simm.s32 @!p1 $0x0  }
0x14: {  	s2 =	sld [smem:$0x3F9C];
	s0 =	simm.s32 @p1 $0x1  }
0x15: {  	[smem:$0x3FB9] =	sst s0;
	s0 =	simm.s32 @!p2 $0x0  }
0x16: {  	s3 =	sld [smem:$0x3FDB];
	s0 =	simm.s32 @p2 $0x1  }
0x17: {  	s4 =	simm.s32 $0x1BF5;
	[smem:$0x3FBB] =	sst s0  }
0x18: {  	s0 =	sld [smem:$0x3F9E];
	_ =	swait.ge [sflag:s4], $0x0  }
0x19: {  	s7 =	sld [smem:$0x3F9F]  }
0x1a: {  	s8 =	sadd.s32 $0xFFFFE003, lr  }
0x1b: {  	s9 =	sadd.s32 $0xFFFFFEF7, lr;
	s5 =	simm.s32 $0xFFFFFFFF;
	p2 =	slt.u32 s8, $0xFFFFF086  }
0x1c: {  	p1 =	slt.u32 s9, $0xF7A;
	s5 =	simm.s32 @!p2 $0x0  }
0x1d: {  	s5 =	simm.s32 @p1 $0x1;
	p0 =	seq.s32 s7, s2  }
0x1e: {  	s7 =	smul.u32 @!p0 $0xF7A, s2;
	p2 =	seq.s32 @!p0 s5, $0x0  }
0x1f: {  	s9 =	smul.u32 $0xF7A, s1;
	s8 =	simm.s32 @!p0 $0x1BF5;
	p2 =	por !p2, p0  }
0x20: {  	[sflag:s8] =	ssyncset.s32 @!p0 $0xFFFFF086;
	s6 =	sadd.s32 @!p0 s3, s7;
	s7 =	simm.s32 @!p0 $0x108  }
0x21: {  	s3 =	sadd.s32 s3, s9;
	s6 =	sadd.s32 @!p0 $0x88, s6;
	s7 =	simm.s32 @p2 $0x1082  }
0x22: {  	[simem:s7], [sflag:s8] =	dma.local @!p0 [hbm:s6], $0xF7A  }
0x23: {  	s9 =	sor.u32 $0xD0000000, s2;
	s6 =	simm.s32 $0x108;
	_ =	swait.ge @!p0 [sflag:s8], $0x0  }
0x24: {  	s3 =	sadd.s32 $0x88, s3;
	s6 =	simm.s32 @!p1 $0x1082;
	[sflag:s4] =	ssyncset.s32 $0xFFFFF086  }
0x25: {  	[simem:s6], [sflag:s4] =	dma.local [hbm:s3], $0xF7A  }
0x26: {  	[smem:$0x3F9F] =	sst s1;
	(tag) =	ssettag s2;
	_ =	strace s9  }
0x27: {  	s1 =	sld [smem:$0x3FAF]  }
0x28: {  	s2 =	sld [smem:$0x3FB0]  }
0x29: {  	s4 =	sld [smem:$0x3FB2]  }
0x2a: {  	p0 =	seq.s32 s5, $0x0;
	s5 =	sld [smem:$0x3FB3]  }
0x2b: {  	s6 =	sld [smem:$0x3FB4]  }
0x2c: {  	s7 =	sld [smem:$0x3FB5]  }
0x2d: {  	s3 =	simm.s32 $0x108;
	s8 =	sld [smem:$0x3FB6]  }
0x2e: {  	s3 =	simm.s32 @!p0 $0x1082;
	s9 =	sld [smem:$0x3FB7]  }
0x2f: {  	lr =	sadd.s32 s0, s3;
	s0 =	sld [smem:$0x3FAE]  }
0x30: {  	s3 =	sld [smem:$0x3FB1]  }
0x31: {  	[smem:$0x3FBA] =	sst s10  }
0x32: {  	s10 =	sld [smem:$0x3FB8];
	_ =	sdelay $0x3  }
0x33: {  	p0 =	seq.s32 s10, $0x1;
	s10 =	sld [smem:$0x3FBA];
	_ =	sdelay $0x3  }
0x34: {  	[smem:$0x3FBA] =	sst s10  }
0x35: {  	s10 =	sld [smem:$0x3FB9];
	_ =	sdelay $0x3  }
0x36: {  	p1 =	seq.s32 s10, $0x1;
	s10 =	sld [smem:$0x3FBA];
	_ =	sdelay $0x3  }
0x37: {  	[smem:$0x3FBA] =	sst s10  }
0x38: {  	s10 =	sld [smem:$0x3FBB]  }
0x39: {  	_ = 	snop;
	(pc) =	sbr.ind lr, $3  }
0x3a: {  	_ = 	snop  }
0x3b: {  	_ = 	snop  }
0x3c: {  	p2 =	seq.s32 s10, $0x1;
	s10 =	sld [smem:$0x3FBA]  }
0x3d: {  	_ =	shalt  }
0x3e: {  	_ =	shalt  }
0x3f: {  	_ =	shalt  }
0x40: {  	_ =	shalt  }
0x41: {  	_ =	shalt  }
0x42: {  	_ =	shalt  }
0x43: {  	_ =	shalt  }
0x44: {  	_ =	shalt  }
0x45: {  	_ =	shalt  }
0x46: {  	_ =	shalt  }
0x47: {  	_ =	shalt  }
0x48: {  	_ =	shalt  }
0x49: {  	_ =	shalt  }
0x4a: {  	_ =	shalt  }
0x4b: {  	_ =	shalt  }
0x4c: {  	_ =	shalt  }
0x4d: {  	_ =	shalt  }
0x4e: {  	_ =	shalt  }
0x4f: {  	_ =	shalt  }
0x50: {  	_ =	shalt  }
0x51: {  	_ =	shalt  }
0x52: {  	_ =	shalt  }
0x53: {  	_ =	shalt  }
0x54: {  	_ =	shalt  }
0x55: {  	_ =	shalt  }
0x56: {  	_ =	shalt  }
0x57: {  	_ =	shalt  }
0x58: {  	_ =	shalt  }
0x59: {  	_ =	shalt  }
0x5a: {  	_ =	shalt  }
0x5b: {  	_ =	shalt  }
0x5c: {  	_ =	shalt  }
0x5d: {  	_ =	shalt  }
0x5e: {  	_ =	shalt  }
0x5f: {  	_ =	shalt  }
0x60: {  	_ =	shalt  }
0x61: {  	_ =	shalt  }
0x62: {  	_ =	shalt  }
0x63: {  	_ =	shalt  }
0x64: {  	_ =	shalt  }
0x65: {  	_ =	shalt  }
0x66: {  	_ =	shalt  }
0x67: {  	_ =	shalt  }
0x68: {  	_ =	shalt  }
0x69: {  	_ =	shalt  }
0x6a: {  	_ =	shalt  }
0x6b: {  	_ =	shalt  }
0x6c: {  	_ =	shalt  }
0x6d: {  	_ =	shalt  }
0x6e: {  	_ =	shalt  }
0x6f: {  	_ =	shalt  }
0x70: {  	_ =	shalt  }
0x71: {  	_ =	shalt  }
0x72: {  	_ =	shalt  }
0x73: {  	_ =	shalt  }
0x74: {  	_ =	shalt  }
0x75: {  	_ =	shalt  }
0x76: {  	_ =	shalt  }
0x77: {  	_ =	shalt  }
0x78: {  	_ =	shalt  }
0x79: {  	_ =	shalt  }
0x7a: {  	_ =	shalt  }
0x7b: {  	_ =	shalt  }
0x7c: {  	_ =	shalt  }
0x7d: {  	_ =	shalt  }
0x7e: {  	_ =	shalt  }
0x7f: {  	_ =	shalt  }
0x80: {  	_ =	shalt  }
0x81: {  	_ =	shalt  }
0x82: {  	_ =	shalt  }
0x83: {  	_ =	shalt  }
0x84: {  	_ =	shalt  }
0x85: {  	_ =	shalt  }
0x86: {  	_ =	shalt  }
0x87: {  	_ =	shalt  }
.Lfunc_end0:
.L_simem_size_0:
called_computation_lowered:
.L_overlay_start_0:
0x88: {  	s2 =	sld [smem:$0x3FD9]  }
0x89: {  	s3 =	sld [smem:$0x3FFE];
	_ =	sdelay $0x1  }
0x8a: {  	s1 =	srdreg.scid  }
0x8b: {  	s0 =	sand.u32 $0x1, s1  }
0x8c: {  	s14 =	sshll.u32 s0, $0xA;
	s2 =	sadd.s32 s3, s2  }
0x8d: {  	s2 =	sadd.s32 s2, s14  }
0x8e: {  	[smem:$0x3FC6] =	sst s2  }
0x8f: {  	_ = 	snop  }
0x90: {  	s2 =	sld [smem:$0x3FD0];
	_ =	sdelay $0x1  }
0x91: {  	s15 =	sld [smem:$0x3FC9]  }
0x92: {  	s5 =	simm.s32 $0xA;
	s6 =	simm.s32 $0x10;
	s4 =	sld [smem:$0x3FC8]  }
0x93: {  	[smem:s6], [sflag:s5] =	dma.local [hbm:s2], $0x1  }
0x94: {  	_ =	swait.eq [sflag:s5], $0x1  }
0x95: {  	[sflag:s5] =	ssyncset.done $0x0  }
0x96: {  	[sflag:s5] =	ssyncadd.s32 $0xFFFFFFFF  }
0x97: {  	s16 =	sld [smem:$0x10];
	(tm) =	ssettm $0x1  }
0x98: {  	s17 =	sld [smem:$0x3FFB];
	_ =	sdelay $0x3  }
0x99: {  	_ =	strace s17  }
0x9a: {  	s5 =	sld [smem:$0x3FFC];
	_ =	sdelay $0x3  }
0x9b: {  	_ =	strace s5  }
0x9c: {  	s5 =	sld [smem:$0x3FFD];
	_ =	sdelay $0x3  }
0x9d: {  	_ =	strace s5  }
0x9e: {  	_ =	strace $0x8FFFFFFF  }
0x9f: {  	s18 =	sld [smem:$0x3FDB];
	_ =	sdelay $0x1  }
0xa0: {  	s19 =	simm.s32 $_scs_section_size  }
0xa1: {  	s7 =	simm.s32 $_size__tile_overlayer_lowered;
	s8 =	simm.s32 $_tile_overlayer_lowered  }
0xa2: {  	s22 =	simm.s32 $0x1BFF;
	s21 =	sshll.u32 s8, $0x1;
	s5 =	sadd.s32 s19, s18  }
0xa3: {  	s9 =	simm.s32 $0x0;
	s20 =	sshll.u32 s7, $0x1;
	s7 =	sadd.s32 s21, s5  }
0xa4: {  	[timem:s9], [sflag:s22] =	dma.local [hbm:s7], s20  }
0xa5: {  	_ =	swait.ge [sflag:s22], s20  }
0xa6: {  	s6 =	ssub.s32 $0x0, s20;
	[sflag:s22] =	ssyncset.done $0x0  }
0xa7: {  	[sflag:s22] =	ssyncadd.s32 s6;
	_ =	sdelay $0x1  }
0xa8: {  	s23 =	simm.s32 $0x1B8B  }
0xa9: {  	_ =	swait.ge [sflag:s23], $0x1  }
0xaa: {  	[sflag:s23] =	ssyncset.done $0x0  }
0xab: {  	s25 =	simm.s32 $0x1B8E;
	s24 =	sld [smem:$0x3FFE];
	[sflag:s23] =	ssyncadd.s32 $0xFFFFFFFF  }
0xac: {  	s26 =	simm.s32 $execute0_lowered;
	[smem:$0x3FD2] =	sst s25  }
0xad: {  	s7 =	sshll.u32 s26, $0x1;
	_ =	strace $0x80000046;
	[dreg:$0x1] =	wrdreg $0xFFFFFFFF  }
0xae: {  	s28 =	simm.s32 $_size_execute0_lowered;
	s5 =	sadd.s32 s5, s7;
	[dreg:$0x0] =	wrdreg $0x0  }
0xaf: {  	s7 =	sshll.u32 s28, $0x1;
	[dreg:$0x2] =	wrdreg s5  }
0xb0: {  	[dreg:$0x3] =	wrdreg s7  }
0xb1: {  	[dreg:$0x4] =	wrdreg $0xC0  }
0xb2: {  	_ =	task [dreg:s9], $0x5FFFF  }
0xb3: {  	[dreg:$0x1] =	wrdreg $0xFFFFFFFF  }
0xb4: {  	[dreg:$0x0] =	wrdreg $0x60  }
0xb5: {  	[dreg:$0x2] =	wrdreg s15  }
0xb6: {  	[dreg:$0x3] =	wrdreg s4  }
0xb7: {  	[dreg:$0x4] =	wrdreg s16  }
0xb8: {  	[dreg:$0x5] =	wrdreg s24  }
0xb9: {  	[dreg:$0x6] =	wrdreg $0x9  }
0xba: {  	_ =	task.clear_ibuf [dreg:s9], $0x7FFFF;
	_ =	strace $0x90000046  }
0xbb: {  	s29 =	simm.s32 $0x9;
	_ =	strace $0x80000048  }
0xbc: {  	_ =	swait.ge [sflag:s29], $0x1  }
0xbd: {  	[sflag:s29] =	ssyncadd.s32 $0xFFFFFFFF  }
0xbe: {  	_ =	strace $0x90000048  }
0xbf: {  	_ =	sfence  }
0xc0: {  	s30 =	sld [smem:$0x0];
	_ =	sdelay $0x2  }
0xc1: {  	s31 =	sshll.u32 s1, $0xD;
	s1 =	sshrl.u32 s1, $0x2  }
0xc2: {  	s3 =	sand.u32 $0x4000, s31;
	s1 =	sadd.s32 s1, s30  }
0xc3: {  	s0 =	sor.u32 s3, s0;
	s1 =	sshll.u32 s1, $0x11  }
0xc4: {  	s0 =	sor.u32 s1, s0  }
0xc5: {  	s0 =	sadd.s32 $0x8F2B, s0  }
0xc6: {  	[sflag:s0] =	ssyncadd.remote.s32 $0x1  }
0xc7: {  	_ =	sfence.sel $0xFFFF  }
0xc8: {  	[dreg:$0x0] =	wrdreg $0xFFFFFFFF;
	(pc) =	sbr.abs _section_cstart, $3  }
0xc9: {  	[dreg:$0x1] =	wrdreg $0xFFFFFFFF  }
0xca: {  	_ =	task.clear_ibuf [dreg:s9], $0x2FFFF;
	_ =	strace $0x9FFFFFFF  }
0xcb: {  	(tm) =	ssettm $0x7FFFFFFF  }
tec
execute0_lowered:
.L_overlay_start_1:
0x0: {  	(tag) =	ssettag $0x1  }
0x1: {  	s0 =	srdreg.scid  }
0x2: {  	s3 =	stileid.u32;
	s6 =	rddreg [dreg:$0x1];
	s0 =	sand.u32 $0x1, s0  }
0x3: {  	s4 =	simm.s32 $0x1;
	s5 =	sand.u32 $0x3, s3;
	s1 =	sshll.u32 s0, $0x4  }
0x4: {  	s7 =	rddreg [dreg:$0x3];
	p0 =	sne.s32 s5, $0x0;
	s2 =	sor.u32 s3, s1  }
0x5: {  	s0 =	ssub.s32 $0x2, s0;
	s1 =	rddreg [dreg:$0x0];
	p1 =	seq.s32 s2, $0x0  }
0x6: {  	s22 =	sshll.u32 s5, $0xD;
	s3 =	rddreg [dreg:$0x2];
	p1 =	por !p0, !p1  }
0x7: {  	s13 =	sshrl.u32 s0, $0x1;
	s24 =	ssub.s32 $0x0, s22;
	p1 =	por !p1, !p1  }
0x8: {  	s2 =	sshrl.u32 s2, $0x2;
	s0 =	ssub.s32 s0, s13;
	s4 =	simm.s32 @!p1 $0x0  }
0x9: {  	s0 =	smax.u32 s0, $0x1;
	s2 =	ssub.s32 s2, s4;
	s4 =	simm.s32 $0x0  }
0xa: {  	s8 =	sshrl.u32 s2, $0x3;
	s9 =	sshll.u32 s2, $0x7;
	[smem:$0x7FF] =	sst s4  }
0xb: {  	s9 =	sand.u32 $0x380, s9;
	s10 =	sshll.u32 s8, $0xA;
	s8 =	sshll.u32 s8, $0xE  }
0xc: {  	_ =	strace $0x80000047;
	s10 =	sor.u32 s9, s10;
	s8 =	sor.u32 s9, s8  }
0xd: {  	[dreg:$0xd] =	wrdreg s0;
	s10 =	sshrl.u32 s10, $0x3;
	s8 =	sshrl.u32 s8, $0x3  }
0xe: {  	v0 =	vimm.s32 $0xEDCBA987;
	v1 =	vimm.s32 $0x65432100;
	v3 =	vimm.s32 $0xDCBA9876;
	[dreg:$0xf] =	wrdreg s24;
	s7 =	sadd.s32 s10, s7;
	s6 =	sadd.s32 s6, s8  }
0xf: {  	v4 =	vimm.s32 $0x54321000;
	v5 =	vimm.s32 $0xBA987654;
	v6 =	vimm.s32 $0xE40000;
	s8 =	sshll.u32 s5, $0x6;
	[dreg:$0x5] =	wrdreg s6;
	s15 =	sadd.s32 $0x400, s7  }
0x10: {  	v7 =	vimm.s32 $0x32100000;
	vm0 =	vmmov $0x3;
	vm1 =	vmmov $0xf;
	s16 =	sor.u32 $0x100, s8;
	[dreg:$0x6] =	wrdreg s15  }
0x11: {  	vm2 =	vcmask $0x3F30;
	v8 =	vimm.s32 $0x400;
	v9 =	vimm.s32 $0x0;
	s17 =	sor.u32 $0x200, s8;
	[dreg:$0x7] =	wrdreg s16  }
0x12: {  	vm4 =	vmmov $0xffff;
	v0 =	vunpack.c.l.s4.s8 v0;
	v3 =	vunpack.c.l.s4.s8 v3;
	s18 =	sor.u32 $0x300, s8;
	[dreg:$0x8] =	wrdreg s17  }
0x13: {  	v1 =	vunpack.c.l.s4.s8 v1;
	v4 =	vunpack.c.l.s4.s8 v4;
	v5 =	vunpack.c.l.s4.s8 v5;
	s19 =	sor.u32 $0x400, s8;
	[dreg:$0x9] =	wrdreg s18  }
0x14: {  	v6 =	vunpack.c.l.s2.s4 v6;
	v7 =	vunpack.c.l.s4.s8 v7;
	v3 =	vunpack.c.0.s8.s32 v3;
	s20 =	sor.u32 $0x500, s8;
	[dreg:$0xa] =	wrdreg s19  }
0x15: {  	v2 =	vunpack.c.0.s8.s32 v0;
	v1 =	vunpack.c.0.s8.s32 v1;
	v4 =	vunpack.c.0.s8.s32 v4;
	s21 =	sor.u32 $0x600, s8;
	[dreg:$0xb] =	wrdreg s20  }
0x16: {  	v5 =	vunpack.c.0.s8.s32 v5;
	v6 =	vunpack.c.l.s4.s8 v6;
	v3 =	vand.u32 $0xF, v3;
	s23 =	sxor.u32 $0xFFFFFFFF, s8;
	[dreg:$0xc] =	wrdreg s21  }
0x17: {  	v2 =	vand.u32 $0xF, v2;
	v3 =	vcombine.low v4, v3;
	v4 =	vunpack.c.0.s8.s32 v7;
	s25 =	sxor.u32 $0xFFFFFEFF, s8;
	[dreg:$0xe] =	wrdreg s23  }
0x18: {  	v5 =	vand.u32 $0xF, v5;
	v6 =	vunpack.c.0.s8.s32 v6;
	v7 =	vimm.s32 $0x7060504;
	s26 =	ssub.s32 $0xFFFFFF00, s8;
	[dreg:$0x10] =	wrdreg s25  }
.Ltmp0:
0x19: {  	v4 =	vcombine.low v4, v5;
	v5 =	vunpack.c.0.s8.s32 v7;
	v7 =	vimm.s32 $0x3FF;
	s28 =	sxor.u32 $0xFFFFFDFF, s8;
	[dreg:$0x11] =	wrdreg s26;
	(pc) =	sbr.rel .LBB2_1-.Ltmp0, $4  }
0x1a: {  	vm3 =	vcmask @!p0 $0x3F04;
	v1 =	vcombine.low v1, v2;
	v2 =	vlaneseq.u32;
	s14 =	sshll.u32 s2, $0xB;
	s29 =	ssub.s32 $0xFFFFFE00, s8;
	[dreg:$0x12] =	wrdreg s28  }
0x1b: {  	v6 =	vand.u32 $0x3, v6;
	v10 =	vand.u32 $0x7, v2;
	v11 =	vshrl.u32 v2, $0x3;
	s0 =	simm.s32 $0x800;
	s30 =	sxor.u32 $0xFFFFFCFF, s8;
	[dreg:$0x13] =	wrdreg s29  }
0x1c: {  	v12 =	vor.u32 $0x8, v2;
	v11 =	vmul.u32 $0x8, v11;
	v0 =	vmov s14;
	s9 =	sadd.s32 $0x100, s1;
	s31 =	ssub.s32 $0xFFFFFD00, s8;
	[dreg:$0x14] =	wrdreg s30  }
0x1d: {  	v5 =	vsel vm2, v5, v6;
	vm2 =	vmmov $0xff;
	v6 =	vimm.f32 $0.0e+00;
	s6 =	simm.s32 $0x0;
	s16 =	smul.u32 $0x3800, s2;
	[dreg:$0x15] =	wrdreg s31  }
.LBB2_55:
0x1e: {  	s2 =	simm.s32 $0x6  }
0x1f: {  	_ =	swait.ge [sflag:s2], $0x6000  }
0x20: {  	[sflag:s2] =	ssyncset.done $0x0  }
0x21: {  	s29 =	simm.s32 $0x7;
	[sflag:s2] =	ssyncadd.s32 $0xFFFFA000  }
0x22: {  	_ =	swait.ge [sflag:s29], $0x6000  }
0x23: {  	[sflag:s29] =	ssyncset.done $0x0  }
0x24: {  	s30 =	simm.s32 $0x8;
	[sflag:s29] =	ssyncadd.s32 $0xFFFFA000  }
0x25: {  	_ =	swait.ge [sflag:s30], $0x6000  }
0x26: {  	[sflag:s30] =	ssyncset.done $0x0  }
0x27: {  	s31 =	simm.s32 $0x9;
	[sflag:s30] =	ssyncadd.s32 $0xFFFFA000  }
0x28: {  	_ =	swait.ge [sflag:s31], $0x6000  }
0x29: {  	[sflag:s31] =	ssyncset.done $0x0  }
0x2a: {  	s2 =	simm.s32 @!p0 $0x1;
	[sflag:s31] =	ssyncadd.s32 $0xFFFFA000  }
0x2b: {  	_ =	swait.ge @!p0 [sflag:s2], $0x80  }
0x2c: {  	s6 =	rddreg [dreg:$0x16]  }
0x2d: {  	s5 =	rddreg [dreg:$0xd];
	s6 =	sadd.s32 $0x1, s6  }
0x2e: {  	p1 =	sne.s32 s6, s5  }
.Ltmp1:
0x2f: {  	_ = 	snop;
	(pc) =	sbr.rel @!p1 .LBB2_56-.Ltmp1, $3  }
0x30: {  	_ =	sdelay $0x1  }
0x31: {  	[sflag:s2] =	ssyncset.done @!p0 $0x0  }
0x32: {  	[sflag:s2] =	ssyncadd.s32 @!p0 $0xFFFFFF80  }
.LBB2_1:
0x33: {  	[dreg:$0x16] =	wrdreg s6  }
0x34: {  	s2 =	rddreg [dreg:$0x5]  }
0x35: {  	s5 =	simm.s32 $0x80;
	s30 =	simm.s32 $0x400;
	s31 =	simm.s32 $0x1  }
0x36: {  	[tilespmem:s4], [sflag:$0x1] =	stream.strided.gather [hbm4b:s2+s5], $0x800, s30, s5, $0x38;
	[tilespmem:$0x1F280] =	vst v63  }
0x37: {  	_ =	swait.ge [sflag:s31], $0x800  }
0x38: {  	[sflag:s31] =	ssyncset.done $0x0  }
0x39: {  	s2 =	simm.s32 $0x0;
	[sflag:s31] =	ssyncadd.s32 $0xFFFFF800  }
0x3a: {  	v13 =	vld [tilespmem:s2+$0x0];
	_ =	sdelay $0x3  }
0x3b: {  	v14 =	vld [tilespmem:s2+$0x10]  }
0x3c: {  	v15 =	vperm.xlane v13, v1  }
0x3d: {  	vm5 =	veq.s32 v2, $0x0  }
0x3e: {  	v15 =	vsel vm5, $0x0, v15  }
0x3f: {  	v13 =	vadd.s32 v13, v15  }
0x40: {  	v16 =	vperm.xlane v14, v1;
	v15 =	vperm.xlane v13, v3;
	_ =	sdelay $0x1  }
0x41: {  	v16 =	vsel vm5, $0x0, v16;
	v15 =	vsel vm0, $0x0, v15  }
0x42: {  	v14 =	vadd.s32 v14, v16;
	v13 =	vadd.s32 v15, v13  }
0x43: {  	v16 =	vperm.xlane v14, v3;
	v15 =	vperm.xlane v13, v4;
	_ =	sdelay $0x1  }
0x44: {  	v16 =	vsel vm0, $0x0, v16;
	v15 =	vsel vm1, $0x0, v15  }
0x45: {  	v15 =	vadd.s32 v15, v13;
	v13 =	vadd.s32 v16, v14  }
0x46: {  	v14 =	vperm.xlane v15, v5;
	v16 =	vperm.xlane v13, v4;
	_ =	sdelay $0x1  }
0x47: {  	v14 =	vsel vm2, $0x0, v14;
	v16 =	vsel vm1, $0x0, v16  }
0x48: {  	v14 =	vadd.s32 s4, v14;
	v13 =	vadd.s32 v16, v13  }
0x49: {  	s6 =	simm.s32 $0x100;
	s5 =	simm.s32 $0x20;
	v14 =	vadd.s32 v15, v14;
	v15 =	vperm.xlane v13, v5  }
.LBB2_2:
0x4a: {  	p1 =	sne.s32 s6, $0x1F80;
	v16 =	vld [tilespmem:s5+$0x0];
	[tilespmem:s2+$0x800] =	vst v14;
	v14 =	vbroadcast v14, $0xF  }
0x4b: {  	v15 =	vsel vm2, $0x0, v15  }
0x4c: {  	v14 =	vadd.s32 v14, v15  }
0x4d: {  	v13 =	vadd.s32 v13, v14  }
0x4e: {  	v14 =	vld [tilespmem:s5+$0x10];
	[tilespmem:s2+$0x810] =	vst v13;
	(v2sf) =	vpush v13, $0xF;
	s2 =	smov.u32 s5  }
0x4f: {  	v13 =	vperm.xlane v16, v1;
	_ =	sdelay $0x1  }
0x50: {  	v13 =	vsel vm5, $0x0, v13  }
0x51: {  	v13 =	vadd.s32 v16, v13  }
0x52: {  	v15 =	vperm.xlane v13, v3;
	v16 =	vperm.xlane v14, v1;
	_ =	sdelay $0x1  }
0x53: {  	v15 =	vsel vm0, $0x0, v15;
	v16 =	vsel vm5, $0x0, v16  }
0x54: {  	v13 =	vadd.s32 v15, v13;
	v14 =	vadd.s32 v14, v16  }
0x55: {  	v15 =	vperm.xlane v13, v4;
	v16 =	vperm.xlane v14, v3;
	_ =	sdelay $0x1  }
0x56: {  	v15 =	vsel vm1, $0x0, v15;
	v16 =	vsel vm0, $0x0, v16  }
0x57: {  	v15 =	vadd.s32 v15, v13;
	v13 =	vadd.s32 v16, v14  }
.Ltmp2:
0x58: {  	v14 =	vperm.xlane v15, v5;
	v16 =	vperm.xlane v13, v4;
	(pc) =	sbr.rel @p1 .LBB2_2-.Ltmp2, $4  }
0x59: {  	_ = 	snop  }
0x5a: {  	v14 =	vsel vm2, $0x0, v14;
	v16 =	vsel vm1, $0x0, v16;
	s5 =	spop (v2sf)  }
0x5b: {  	v14 =	vadd.s32 s5, v14;
	v13 =	vadd.s32 v16, v13  }
0x5c: {  	s5 =	sshra.s32 s6, $0x2;
	s6 =	sadd.s32 $0x80, s6;
	v14 =	vadd.s32 v15, v14;
	v15 =	vperm.xlane v13, v5  }
0x5d: {  	v16 =	vld [tilespmem:s5+$0x0];
	v17 =	vbroadcast v14, $0xF  }
0x5e: {  	v15 =	vsel vm2, $0x0, v15  }
0x5f: {  	v15 =	vadd.s32 v17, v15  }
0x60: {  	[tilespmem:s2+$0x800] =	vst v14;
	v13 =	vadd.s32 v13, v15  }
0x61: {  	v14 =	vld [tilespmem:s5+$0x10];
	(v2sf) =	vpush v13, $0xF  }
0x62: {  	v15 =	vperm.xlane v16, v1  }
0x63: {  	vm5 =	veq.s32 v2, $0x0  }
0x64: {  	v15 =	vsel vm5, $0x0, v15  }
0x65: {  	v15 =	vadd.s32 v16, v15  }
0x66: {  	v61 =	vperm.xlane v14, v1;
	v16 =	vperm.xlane v15, v3;
	_ =	sdelay $0x1  }
0x67: {  	v17 =	vsel vm5, $0x0, v61;
	v16 =	vsel vm0, $0x0, v16  }
0x68: {  	v14 =	vadd.s32 v14, v17;
	v15 =	vadd.s32 v16, v15  }
0x69: {  	v17 =	vperm.xlane v14, v3;
	v16 =	vperm.xlane v15, v4;
	_ =	sdelay $0x1  }
0x6a: {  	v17 =	vsel vm0, $0x0, v17;
	v16 =	vsel vm1, $0x0, v16  }
0x6b: {  	v14 =	vadd.s32 v17, v14;
	v15 =	vadd.s32 v16, v15  }
0x6c: {  	v17 =	vperm.xlane v14, v4;
	v16 =	vperm.xlane v15, v5;
	_ =	sdelay $0x1  }
0x6d: {  	v17 =	vsel vm1, $0x0, v17;
	v16 =	vsel vm2, $0x0, v16;
	s6 =	spop (v2sf)  }
0x6e: {  	v14 =	vadd.s32 v17, v14;
	v16 =	vadd.s32 s6, v16  }
0x6f: {  	v62 =	vperm.xlane v14, v5;
	v15 =	vadd.s32 v15, v16  }
0x70: {  	v63 =	vbroadcast v15, $0xF  }
0x71: {  	v16 =	vsel vm2, $0x0, v62  }
0x72: {  	v16 =	vadd.s32 v63, v16  }
0x73: {  	v14 =	vadd.s32 v14, v16  }
0x74: {  	(v2sf) =	vpush v14, $0xF;
	_ =	sdelay $0xc  }
0x75: {  	[tilespmem:s2+$0x810] =	vst v13  }
0x76: {  	[tilespmem:s5+$0x800] =	vst v15  }
0x77: {  	[tilespmem:s5+$0x810] =	vst v14;
	s5 =	spop (v2sf)  }
0x78: {  	v18 =	vimm.s32 @!p0 $0x0;
	v17 =	vlaneseq.u32 @!p0;
	v16 =	vimm.s32 @!p0 $0xF;
	s31 =	ssub.s32 s5, s8  }
0x79: {  	v13 =	vperm.xlane @!p0 v18, v17;
	v16 =	vperm.xlane @!p0 v14, v16;
	p1 =	slt.s32 s31, $0x1  }
.Ltmp3:
0x7a: {  	_ = 	snop;
	(pc) =	sbr.rel @p1 .LBB2_6-.Ltmp3, $4  }
0x7b: {  	v13 =	vsel @!p0 vm3, v13, v16  }
0x7c: {  	s7 =	rddreg [dreg:$0x6];
	s2 =	simm.s32 @!p0 $0x0;
	s6 =	simm.s32 @!p0 $0x1F200;
	[tilespmem:$0x1F200] =	vst @!p0 v13  }
0x7d: {  	[hbm4b:s7+s2] =	stream.linear.scatter @!p0 [tilespmem:s6], [sflag:$0x1], $0x80, $0x38;
	[tilespmem:$0x1F280] =	vst v63  }
0x7e: {  	s2 =	simm.s32 $0x0;
	s6 =	smov.u32 s8  }
.LBB2_4:
0x7f: {  	v13 =	vld.idx.msk [tilespmem:v7+s0+$0x0], $0xffff;
	_ =	sdelay $0x3  }
0x80: {  	v14 =	vor.u32 s6, v2  }
0x81: {  	vm5 =	vgt.s32 v13, v14  }
0x82: {  	v13 =	vsel vm5, $0x0, v8  }
0x83: {  	v15 =	vor.u32 $0x1FF, v13;
	_ =	sdelay $0x4  }
0x84: {  	v15 =	vld.idx.msk [tilespmem:v15+s0+$0x0], $0xffff;
	_ =	sdelay $0x4  }
0x85: {  	vm5 =	vgt.s32 v15, v14;
	v15 =	vor.u32 $0x200, v13  }
0x86: {  	v13 =	vsel vm5, v13, v15  }
0x87: {  	v15 =	vor.u32 $0xFF, v13;
	_ =	sdelay $0x4  }
0x88: {  	v15 =	vld.idx.msk [tilespmem:v15+s0+$0x0], $0xffff;
	_ =	sdelay $0x4  }
0x89: {  	vm5 =	vgt.s32 v15, v14;
	v15 =	vor.u32 $0x100, v13  }
0x8a: {  	v13 =	vsel vm5, v13, v15  }
0x8b: {  	v15 =	vor.u32 $0x7F, v13;
	_ =	sdelay $0x4  }
0x8c: {  	v15 =	vld.idx.msk [tilespmem:v15+s0+$0x0], $0xffff;
	_ =	sdelay $0x4  }
0x8d: {  	vm5 =	vgt.s32 v15, v14;
	v15 =	vor.u32 $0x80, v13  }
0x8e: {  	v13 =	vsel vm5, v13, v15  }
0x8f: {  	v15 =	vadd.s32 $0x3F, v13;
	_ =	sdelay $0x4  }
0x90: {  	v15 =	vld.idx.msk [tilespmem:v15+s0+$0x0], $0xffff;
	_ =	sdelay $0x4  }
0x91: {  	vm5 =	vgt.s32 v15, v14;
	v15 =	vadd.s32 $0x40, v13  }
0x92: {  	v13 =	vsel vm5, v13, v15  }
0x93: {  	v15 =	vadd.s32 $0x1F, v13;
	_ =	sdelay $0x4  }
0x94: {  	v15 =	vld.idx.msk [tilespmem:v15+s0+$0x0], $0xffff;
	_ =	sdelay $0x4  }
0x95: {  	vm5 =	vgt.s32 v15, v14;
	v15 =	vadd.s32 $0x20, v13  }
0x96: {  	v13 =	vsel vm5, v13, v15  }
0x97: {  	v15 =	vadd.s32 $0xF, v13;
	_ =	sdelay $0x4  }
0x98: {  	v15 =	vld.idx.msk [tilespmem:v15+s0+$0x0], $0xffff;
	_ =	sdelay $0x4  }
0x99: {  	vm5 =	vgt.s32 v15, v14;
	v15 =	vadd.s32 $0x10, v13  }
0x9a: {  	v13 =	vsel vm5, v13, v15  }
0x9b: {  	v15 =	vadd.s32 $0x7, v13;
	_ =	sdelay $0x4  }
0x9c: {  	v15 =	vld.idx.msk [tilespmem:v15+s0+$0x0], $0xffff;
	_ =	sdelay $0x4  }
0x9d: {  	vm5 =	vgt.s32 v15, v14;
	v15 =	vadd.s32 $0x8, v13  }
0x9e: {  	v13 =	vsel vm5, v13, v15  }
0x9f: {  	v15 =	vadd.s32 $0x3, v13;
	_ =	sdelay $0x4  }
0xa0: {  	v15 =	vld.idx.msk [tilespmem:v15+s0+$0x0], $0xffff;
	_ =	sdelay $0x4  }
0xa1: {  	vm5 =	vgt.s32 v15, v14;
	v15 =	vadd.s32 $0x4, v13  }
0xa2: {  	v13 =	vsel vm5, v13, v15  }
0xa3: {  	v15 =	vadd.s32 $0x1, v13;
	_ =	sdelay $0x4  }
0xa4: {  	v15 =	vld.idx.msk [tilespmem:v15+s0+$0x0], $0xffff;
	_ =	sdelay $0x4  }
0xa5: {  	vm5 =	vgt.s32 v15, v14;
	v15 =	vadd.s32 $0x2, v13  }
0xa6: {  	v13 =	vsel vm5, v13, v15;
	_ =	sdelay $0x4  }
0xa7: {  	v15 =	vld.idx.msk [tilespmem:v13+s0+$0x0], $0xffff;
	_ =	sdelay $0x4  }
0xa8: {  	p1 =	sne.s32 s2, $0xC0;
	vm5 =	vle.s32 v15, v14  }
.Ltmp4:
0xa9: {  	v14 =	vsel vm5, $0x1, v9;
	(pc) =	sbr.rel @p1 .LBB2_4-.Ltmp4, $4  }
0xaa: {  	v13 =	vadd.s32 v14, v13  }
0xab: {  	v13 =	vmin.u32 v13, $0x7FF  }
0xac: {  	s7 =	sshra.s32 s2, $0x2;
	v13 =	vor.u32 v0, v13  }
0xad: {  	s6 =	sadd.s32 $0x10, s6;
	s2 =	sadd.s32 $0x40, s2;
	[tilespmem:s7+$0x1000] =	vst v13  }
0xae: {  	v13 =	vld [tilespmem:$0x1000];
	_ =	sdelay $0x4  }
0xaf: {  	v14 =	vshrl.u32 v13, $0x3  }
0xb0: {  	v14 =	vmul.u32 $0x18, v14  }
0xb1: {  	v13 =	vand.u32 $0x7, v13  }
0xb2: {  	v13 =	vor.u32 v13, v14  }
0xb3: {  	v14 =	vperm.xlane v13, v10;
	_ =	sdelay $0x1  }
0xb4: {  	v14 =	vadd.s32 v11, v14;
	_ =	sdelay $0x1  }
0xb5: {  	v13 =	vperm.xlane v13, v12;
	_ =	sdelay $0x1  }
0xb6: {  	s2 =	simm.s32 $0x1200;
	v13 =	vadd.s32 v11, v13  }
0xb7: {  	[tilespmem:s2], [sflag:$0x2] =	stream.indirect_vreg.gather [hbm4b:s1+s4], $0x80, v14, vm4, $0xb8;
	[tilespmem:$0x1F280] =	vst v63  }
0xb8: {  	s15 =	simm.s32 $0x1A00  }
0xb9: {  	[tilespmem:s15], [sflag:$0x2] =	stream.indirect_vreg.gather [hbm4b:s9+s4], $0x80, v14, vm2, $0xb8;
	[tilespmem:$0x1F280] =	vst v63  }
0xba: {  	s17 =	simm.s32 $0x1E00  }
0xbb: {  	[tilespmem:s17], [sflag:$0x2] =	stream.indirect_vreg.gather [hbm4b:s1+s4], $0x80, v13, vm4, $0xb8;
	[tilespmem:$0x1F280] =	vst v63  }
0xbc: {  	s18 =	simm.s32 $0x2600  }
0xbd: {  	[tilespmem:s18], [sflag:$0x2] =	stream.indirect_vreg.gather [hbm4b:s9+s4], $0x80, v13, vm2, $0xb8;
	[tilespmem:$0x1F280] =	vst v63  }
0xbe: {  	v13 =	vld [tilespmem:$0x1010];
	_ =	sdelay $0x4  }
0xbf: {  	v14 =	vshrl.u32 v13, $0x3  }
0xc0: {  	v14 =	vmul.u32 $0x18, v14  }
0xc1: {  	v13 =	vand.u32 $0x7, v13  }
0xc2: {  	v13 =	vor.u32 v13, v14  }
0xc3: {  	v14 =	vperm.xlane v13, v10;
	_ =	sdelay $0x1  }
0xc4: {  	v14 =	vadd.s32 v11, v14;
	_ =	sdelay $0x1  }
0xc5: {  	v13 =	vperm.xlane v13, v12;
	_ =	sdelay $0x1  }
0xc6: {  	s19 =	simm.s32 $0x2A00;
	v13 =	vadd.s32 v11, v13  }
0xc7: {  	[tilespmem:s19], [sflag:$0x2] =	stream.indirect_vreg.gather [hbm4b:s1+s4], $0x80, v14, vm4, $0xb8;
	[tilespmem:$0x1F280] =	vst v63  }
0xc8: {  	s20 =	simm.s32 $0x3200  }
0xc9: {  	[tilespmem:s20], [sflag:$0x2] =	stream.indirect_vreg.gather [hbm4b:s9+s4], $0x80, v14, vm2, $0xb8;
	[tilespmem:$0x1F280] =	vst v63  }
0xca: {  	s21 =	simm.s32 $0x3600  }
0xcb: {  	[tilespmem:s21], [sflag:$0x2] =	stream.indirect_vreg.gather [hbm4b:s1+s4], $0x80, v13, vm4, $0xb8;
	[tilespmem:$0x1F280] =	vst v63  }
0xcc: {  	s22 =	simm.s32 $0x3E00  }
0xcd: {  	[tilespmem:s22], [sflag:$0x2] =	stream.indirect_vreg.gather [hbm4b:s9+s4], $0x80, v13, vm2, $0xb8;
	[tilespmem:$0x1F280] =	vst v63  }
0xce: {  	v13 =	vld [tilespmem:$0x1020];
	_ =	sdelay $0x4  }
0xcf: {  	v14 =	vshrl.u32 v13, $0x3  }
0xd0: {  	v14 =	vmul.u32 $0x18, v14  }
0xd1: {  	v13 =	vand.u32 $0x7, v13  }
0xd2: {  	v13 =	vor.u32 v13, v14  }
0xd3: {  	v14 =	vperm.xlane v13, v10;
	_ =	sdelay $0x1  }
0xd4: {  	v14 =	vadd.s32 v11, v14;
	_ =	sdelay $0x1  }
0xd5: {  	v13 =	vperm.xlane v13, v12;
	_ =	sdelay $0x1  }
0xd6: {  	s23 =	simm.s32 $0x4200;
	v13 =	vadd.s32 v11, v13  }
0xd7: {  	[tilespmem:s23], [sflag:$0x2] =	stream.indirect_vreg.gather [hbm4b:s1+s4], $0x80, v14, vm4, $0xb8;
	[tilespmem:$0x1F280] =	vst v63  }
0xd8: {  	s24 =	simm.s32 $0x4A00  }
0xd9: {  	[tilespmem:s24], [sflag:$0x2] =	stream.indirect_vreg.gather [hbm4b:s9+s4], $0x80, v14, vm2, $0xb8;
	[tilespmem:$0x1F280] =	vst v63  }
0xda: {  	s25 =	simm.s32 $0x4E00  }
0xdb: {  	[tilespmem:s25], [sflag:$0x2] =	stream.indirect_vreg.gather [hbm4b:s1+s4], $0x80, v13, vm4, $0xb8;
	[tilespmem:$0x1F280] =	vst v63  }
0xdc: {  	s26 =	simm.s32 $0x5600  }
0xdd: {  	[tilespmem:s26], [sflag:$0x2] =	stream.indirect_vreg.gather [hbm4b:s9+s4], $0x80, v13, vm2, $0xb8;
	[tilespmem:$0x1F280] =	vst v63  }
0xde: {  	v13 =	vld [tilespmem:$0x1030];
	_ =	sdelay $0x4  }
0xdf: {  	v14 =	vshrl.u32 v13, $0x3  }
0xe0: {  	v14 =	vmul.u32 $0x18, v14  }
0xe1: {  	v13 =	vand.u32 $0x7, v13  }
0xe2: {  	v13 =	vor.u32 v13, v14  }
0xe3: {  	v14 =	vperm.xlane v13, v10;
	_ =	sdelay $0x1  }
0xe4: {  	v14 =	vadd.s32 v11, v14;
	_ =	sdelay $0x1  }
0xe5: {  	v13 =	vperm.xlane v13, v12;
	_ =	sdelay $0x1  }
0xe6: {  	s28 =	simm.s32 $0x5A00;
	v13 =	vadd.s32 v11, v13  }
0xe7: {  	[tilespmem:s28], [sflag:$0x2] =	stream.indirect_vreg.gather [hbm4b:s1+s4], $0x80, v14, vm4, $0xb8;
	[tilespmem:$0x1F280] =	vst v63  }
0xe8: {  	s29 =	simm.s32 $0x6200  }
0xe9: {  	[tilespmem:s29], [sflag:$0x2] =	stream.indirect_vreg.gather [hbm4b:s9+s4], $0x80, v14, vm2, $0xb8;
	[tilespmem:$0x1F280] =	vst v63  }
0xea: {  	s30 =	simm.s32 $0x6600  }
0xeb: {  	[tilespmem:s30], [sflag:$0x2] =	stream.indirect_vreg.gather [hbm4b:s1+s4], $0x80, v13, vm4, $0xb8;
	[tilespmem:$0x1F280] =	vst v63  }
0xec: {  	s31 =	simm.s32 $0x6E00  }
0xed: {  	[tilespmem:s31], [sflag:$0x2] =	stream.indirect_vreg.gather [hbm4b:s9+s4], $0x80, v13, vm2, $0xb8;
	[tilespmem:$0x1F280] =	vst v63  }
.LBB2_6:
0xee: {  	s6 =	rddreg [dreg:$0x7]  }
0xef: {  	s2 =	ssub.s32 s5, s6  }
0xf0: {  	p1 =	slt.s32 s2, $0x1  }
.Ltmp5:
0xf1: {  	_ = 	snop;
	(pc) =	sbr.rel @p1 .LBB2_9-.Ltmp5, $2  }
0xf2: {  	_ =	sdelay $0x2  }
0xf3: {  	s2 =	simm.s32 $0x0  }
.LBB2_7:
0xf4: {  	v13 =	vld.idx.msk [tilespmem:v7+s0+$0x0], $0xffff;
	_ =	sdelay $0x3  }
0xf5: {  	v14 =	vor.u32 s6, v2  }
0xf6: {  	vm5 =	vgt.s32 v13, v14  }
0xf7: {  	v13 =	vsel vm5, $0x0, v8  }
0xf8: {  	v15 =	vor.u32 $0x1FF, v13;
	_ =	sdelay $0x4  }
0xf9: {  	v15 =	vld.idx.msk [tilespmem:v15+s0+$0x0], $0xffff;
	_ =	sdelay $0x4  }
0xfa: {  	vm5 =	vgt.s32 v15, v14;
	v15 =	vor.u32 $0x200, v13  }
0xfb: {  	v13 =	vsel vm5, v13, v15  }
0xfc: {  	v15 =	vor.u32 $0xFF, v13;
	_ =	sdelay $0x4  }
0xfd: {  	v15 =	vld.idx.msk [tilespmem:v15+s0+$0x0], $0xffff;
	_ =	sdelay $0x4  }
0xfe: {  	vm5 =	vgt.s32 v15, v14;
	v15 =	vor.u32 $0x100, v13  }
0xff: {  	v13 =	vsel vm5, v13, v15  }
0x100: {  	v15 =	vor.u32 $0x7F, v13;
	_ =	sdelay $0x4  }
0x101: {  	v15 =	vld.idx.msk [tilespmem:v15+s0+$0x0], $0xffff;
	_ =	sdelay $0x4  }
0x102: {  	vm5 =	vgt.s32 v15, v14;
	v15 =	vor.u32 $0x80, v13  }
0x103: {  	v13 =	vsel vm5, v13, v15  }
0x104: {  	v15 =	vadd.s32 $0x3F, v13;
	_ =	sdelay $0x4  }
0x105: {  	v15 =	vld.idx.msk [tilespmem:v15+s0+$0x0], $0xffff;
	_ =	sdelay $0x4  }
0x106: {  	vm5 =	vgt.s32 v15, v14;
	v15 =	vadd.s32 $0x40, v13  }
0x107: {  	v13 =	vsel vm5, v13, v15  }
0x108: {  	v15 =	vadd.s32 $0x1F, v13;
	_ =	sdelay $0x4  }
0x109: {  	v15 =	vld.idx.msk [tilespmem:v15+s0+$0x0], $0xffff;
	_ =	sdelay $0x4  }
0x10a: {  	vm5 =	vgt.s32 v15, v14;
	v15 =	vadd.s32 $0x20, v13  }
0x10b: {  	v13 =	vsel vm5, v13, v15  }
0x10c: {  	v15 =	vadd.s32 $0xF, v13;
	_ =	sdelay $0x4  }
0x10d: {  	v15 =	vld.idx.msk [tilespmem:v15+s0+$0x0], $0xffff;
	_ =	sdelay $0x4  }
0x10e: {  	vm5 =	vgt.s32 v15, v14;
	v15 =	vadd.s32 $0x10, v13  }
0x10f: {  	v13 =	vsel vm5, v13, v15  }
0x110: {  	v15 =	vadd.s32 $0x7, v13;
	_ =	sdelay $0x4  }
0x111: {  	v15 =	vld.idx.msk [tilespmem:v15+s0+$0x0], $0xffff;
	_ =	sdelay $0x4  }
0x112: {  	vm5 =	vgt.s32 v15, v14;
	v15 =	vadd.s32 $0x8, v13  }
0x113: {  	v13 =	vsel vm5, v13, v15  }
0x114: {  	v15 =	vadd.s32 $0x3, v13;
	_ =	sdelay $0x4  }
0x115: {  	v15 =	vld.idx.msk [tilespmem:v15+s0+$0x0], $0xffff;
	_ =	sdelay $0x4  }
0x116: {  	vm5 =	vgt.s32 v15, v14;
	v15 =	vadd.s32 $0x4, v13  }
0x117: {  	v13 =	vsel vm5, v13, v15  }
0x118: {  	v15 =	vadd.s32 $0x1, v13;
	_ =	sdelay $0x4  }
0x119: {  	v15 =	vld.idx.msk [tilespmem:v15+s0+$0x0], $0xffff;
	_ =	sdelay $0x4  }
0x11a: {  	vm5 =	vgt.s32 v15, v14;
	v15 =	vadd.s32 $0x2, v13  }
0x11b: {  	v13 =	vsel vm5, v13, v15;
	_ =	sdelay $0x4  }
0x11c: {  	v15 =	vld.idx.msk [tilespmem:v13+s0+$0x0], $0xffff;
	_ =	sdelay $0x4  }
0x11d: {  	p1 =	sne.s32 s2, $0xC0;
	vm5 =	vle.s32 v15, v14  }
.Ltmp6:
0x11e: {  	v14 =	vsel vm5, $0x1, v9;
	(pc) =	sbr.rel @p1 .LBB2_7-.Ltmp6, $4  }
0x11f: {  	v13 =	vadd.s32 v14, v13  }
0x120: {  	v13 =	vmin.u32 v13, $0x7FF  }
0x121: {  	s7 =	sshra.s32 s2, $0x2;
	v13 =	vor.u32 v0, v13  }
0x122: {  	s6 =	sadd.s32 $0x10, s6;
	s2 =	sadd.s32 $0x40, s2;
	[tilespmem:s7+$0x1080] =	vst v13  }
0x123: {  	v13 =	vld [tilespmem:$0x1080];
	_ =	sdelay $0x4  }
0x124: {  	v14 =	vshrl.u32 v13, $0x3  }
0x125: {  	v14 =	vmul.u32 $0x18, v14  }
0x126: {  	v13 =	vand.u32 $0x7, v13  }
0x127: {  	v13 =	vor.u32 v13, v14  }
0x128: {  	v14 =	vperm.xlane v13, v10;
	_ =	sdelay $0x1  }
0x129: {  	v14 =	vadd.s32 v11, v14;
	_ =	sdelay $0x1  }
0x12a: {  	v13 =	vperm.xlane v13, v12;
	_ =	sdelay $0x1  }
0x12b: {  	s2 =	simm.s32 $0x7200;
	v13 =	vadd.s32 v11, v13  }
0x12c: {  	[tilespmem:s2], [sflag:$0x3] =	stream.indirect_vreg.gather [hbm4b:s1+s4], $0x80, v14, vm4, $0xb8;
	[tilespmem:$0x1F280] =	vst v63  }
0x12d: {  	s15 =	simm.s32 $0x7A00  }
0x12e: {  	[tilespmem:s15], [sflag:$0x3] =	stream.indirect_vreg.gather [hbm4b:s9+s4], $0x80, v14, vm2, $0xb8;
	[tilespmem:$0x1F280] =	vst v63  }
0x12f: {  	s17 =	simm.s32 $0x7E00  }
0x130: {  	[tilespmem:s17], [sflag:$0x3] =	stream.indirect_vreg.gather [hbm4b:s1+s4], $0x80, v13, vm4, $0xb8;
	[tilespmem:$0x1F280] =	vst v63  }
0x131: {  	s18 =	simm.s32 $0x8600  }
0x132: {  	[tilespmem:s18], [sflag:$0x3] =	stream.indirect_vreg.gather [hbm4b:s9+s4], $0x80, v13, vm2, $0xb8;
	[tilespmem:$0x1F280] =	vst v63  }
0x133: {  	v13 =	vld [tilespmem:$0x1090];
	_ =	sdelay $0x4  }
0x134: {  	v14 =	vshrl.u32 v13, $0x3  }
0x135: {  	v14 =	vmul.u32 $0x18, v14  }
0x136: {  	v13 =	vand.u32 $0x7, v13  }
0x137: {  	v13 =	vor.u32 v13, v14  }
0x138: {  	v14 =	vperm.xlane v13, v10;
	_ =	sdelay $0x1  }
0x139: {  	v14 =	vadd.s32 v11, v14;
	_ =	sdelay $0x1  }
0x13a: {  	v13 =	vperm.xlane v13, v12;
	_ =	sdelay $0x1  }
0x13b: {  	s19 =	simm.s32 $0x8A00;
	v13 =	vadd.s32 v11, v13  }
0x13c: {  	[tilespmem:s19], [sflag:$0x3] =	stream.indirect_vreg.gather [hbm4b:s1+s4], $0x80, v14, vm4, $0xb8;
	[tilespmem:$0x1F280] =	vst v63  }
0x13d: {  	s20 =	simm.s32 $0x9200  }
0x13e: {  	[tilespmem:s20], [sflag:$0x3] =	stream.indirect_vreg.gather [hbm4b:s9+s4], $0x80, v14, vm2, $0xb8;
	[tilespmem:$0x1F280] =	vst v63  }
0x13f: {  	s21 =	simm.s32 $0x9600  }
0x140: {  	[tilespmem:s21], [sflag:$0x3] =	stream.indirect_vreg.gather [hbm4b:s1+s4], $0x80, v13, vm4, $0xb8;
	[tilespmem:$0x1F280] =	vst v63  }
0x141: {  	s22 =	simm.s32 $0x9E00  }
0x142: {  	[tilespmem:s22], [sflag:$0x3] =	stream.indirect_vreg.gather [hbm4b:s9+s4], $0x80, v13, vm2, $0xb8;
	[tilespmem:$0x1F280] =	vst v63  }
0x143: {  	v13 =	vld [tilespmem:$0x10A0];
	_ =	sdelay $0x4  }
0x144: {  	v14 =	vshrl.u32 v13, $0x3  }
0x145: {  	v14 =	vmul.u32 $0x18, v14  }
0x146: {  	v13 =	vand.u32 $0x7, v13  }
0x147: {  	v13 =	vor.u32 v13, v14  }
0x148: {  	v14 =	vperm.xlane v13, v10;
	_ =	sdelay $0x1  }
0x149: {  	v14 =	vadd.s32 v11, v14;
	_ =	sdelay $0x1  }
0x14a: {  	v13 =	vperm.xlane v13, v12;
	_ =	sdelay $0x1  }
0x14b: {  	s23 =	simm.s32 $0xA200;
	v13 =	vadd.s32 v11, v13  }
0x14c: {  	[tilespmem:s23], [sflag:$0x3] =	stream.indirect_vreg.gather [hbm4b:s1+s4], $0x80, v14, vm4, $0xb8;
	[tilespmem:$0x1F280] =	vst v63  }
0x14d: {  	s24 =	simm.s32 $0xAA00  }
0x14e: {  	[tilespmem:s24], [sflag:$0x3] =	stream.indirect_vreg.gather [hbm4b:s9+s4], $0x80, v14, vm2, $0xb8;
	[tilespmem:$0x1F280] =	vst v63  }
0x14f: {  	s25 =	simm.s32 $0xAE00  }
0x150: {  	[tilespmem:s25], [sflag:$0x3] =	stream.indirect_vreg.gather [hbm4b:s1+s4], $0x80, v13, vm4, $0xb8;
	[tilespmem:$0x1F280] =	vst v63  }
0x151: {  	s26 =	simm.s32 $0xB600  }
0x152: {  	[tilespmem:s26], [sflag:$0x3] =	stream.indirect_vreg.gather [hbm4b:s9+s4], $0x80, v13, vm2, $0xb8;
	[tilespmem:$0x1F280] =	vst v63  }
0x153: {  	v13 =	vld [tilespmem:$0x10B0];
	_ =	sdelay $0x4  }
0x154: {  	v14 =	vshrl.u32 v13, $0x3  }
0x155: {  	v14 =	vmul.u32 $0x18, v14  }
0x156: {  	v13 =	vand.u32 $0x7, v13  }
0x157: {  	v13 =	vor.u32 v13, v14  }
0x158: {  	v14 =	vperm.xlane v13, v10;
	_ =	sdelay $0x1  }
0x159: {  	v14 =	vadd.s32 v11, v14;
	_ =	sdelay $0x1  }
0x15a: {  	v13 =	vperm.xlane v13, v12;
	_ =	sdelay $0x1  }
0x15b: {  	s28 =	simm.s32 $0xBA00;
	v13 =	vadd.s32 v11, v13  }
0x15c: {  	[tilespmem:s28], [sflag:$0x3] =	stream.indirect_vreg.gather [hbm4b:s1+s4], $0x80, v14, vm4, $0xb8;
	[tilespmem:$0x1F280] =	vst v63  }
0x15d: {  	s29 =	simm.s32 $0xC200  }
0x15e: {  	[tilespmem:s29], [sflag:$0x3] =	stream.indirect_vreg.gather [hbm4b:s9+s4], $0x80, v14, vm2, $0xb8;
	[tilespmem:$0x1F280] =	vst v63  }
0x15f: {  	s30 =	simm.s32 $0xC600  }
0x160: {  	[tilespmem:s30], [sflag:$0x3] =	stream.indirect_vreg.gather [hbm4b:s1+s4], $0x80, v13, vm4, $0xb8;
	[tilespmem:$0x1F280] =	vst v63  }
0x161: {  	s31 =	simm.s32 $0xCE00  }
0x162: {  	[tilespmem:s31], [sflag:$0x3] =	stream.indirect_vreg.gather [hbm4b:s9+s4], $0x80, v13, vm2, $0xb8;
	[tilespmem:$0x1F280] =	vst v63  }
.LBB2_9:
0x163: {  	s6 =	rddreg [dreg:$0x8]  }
0x164: {  	s2 =	ssub.s32 s5, s6  }
0x165: {  	p1 =	slt.s32 s2, $0x1  }
.Ltmp7:
0x166: {  	_ = 	snop;
	(pc) =	sbr.rel @p1 .LBB2_12-.Ltmp7, $2  }
0x167: {  	_ =	sdelay $0x2  }
0x168: {  	s2 =	simm.s32 $0x0  }
.LBB2_10:
0x169: {  	v13 =	vld.idx.msk [tilespmem:v7+s0+$0x0], $0xffff;
	_ =	sdelay $0x3  }
0x16a: {  	v14 =	vor.u32 s6, v2  }
0x16b: {  	vm5 =	vgt.s32 v13, v14  }
0x16c: {  	v13 =	vsel vm5, $0x0, v8  }
0x16d: {  	v15 =	vor.u32 $0x1FF, v13;
	_ =	sdelay $0x4  }
0x16e: {  	v15 =	vld.idx.msk [tilespmem:v15+s0+$0x0], $0xffff;
	_ =	sdelay $0x4  }
0x16f: {  	vm5 =	vgt.s32 v15, v14;
	v15 =	vor.u32 $0x200, v13  }
0x170: {  	v13 =	vsel vm5, v13, v15  }
0x171: {  	v15 =	vor.u32 $0xFF, v13;
	_ =	sdelay $0x4  }
0x172: {  	v15 =	vld.idx.msk [tilespmem:v15+s0+$0x0], $0xffff;
	_ =	sdelay $0x4  }
0x173: {  	vm5 =	vgt.s32 v15, v14;
	v15 =	vor.u32 $0x100, v13  }
0x174: {  	v13 =	vsel vm5, v13, v15  }
0x175: {  	v15 =	vor.u32 $0x7F, v13;
	_ =	sdelay $0x4  }
0x176: {  	v15 =	vld.idx.msk [tilespmem:v15+s0+$0x0], $0xffff;
	_ =	sdelay $0x4  }
0x177: {  	vm5 =	vgt.s32 v15, v14;
	v15 =	vor.u32 $0x80, v13  }
0x178: {  	v13 =	vsel vm5, v13, v15  }
0x179: {  	v15 =	vadd.s32 $0x3F, v13;
	_ =	sdelay $0x4  }
0x17a: {  	v15 =	vld.idx.msk [tilespmem:v15+s0+$0x0], $0xffff;
	_ =	sdelay $0x4  }
0x17b: {  	vm5 =	vgt.s32 v15, v14;
	v15 =	vadd.s32 $0x40, v13  }
0x17c: {  	v13 =	vsel vm5, v13, v15  }
0x17d: {  	v15 =	vadd.s32 $0x1F, v13;
	_ =	sdelay $0x4  }
0x17e: {  	v15 =	vld.idx.msk [tilespmem:v15+s0+$0x0], $0xffff;
	_ =	sdelay $0x4  }
0x17f: {  	vm5 =	vgt.s32 v15, v14;
	v15 =	vadd.s32 $0x20, v13  }
0x180: {  	v13 =	vsel vm5, v13, v15  }
0x181: {  	v15 =	vadd.s32 $0xF, v13;
	_ =	sdelay $0x4  }
0x182: {  	v15 =	vld.idx.msk [tilespmem:v15+s0+$0x0], $0xffff;
	_ =	sdelay $0x4  }
0x183: {  	vm5 =	vgt.s32 v15, v14;
	v15 =	vadd.s32 $0x10, v13  }
0x184: {  	v13 =	vsel vm5, v13, v15  }
0x185: {  	v15 =	vadd.s32 $0x7, v13;
	_ =	sdelay $0x4  }
0x186: {  	v15 =	vld.idx.msk [tilespmem:v15+s0+$0x0], $0xffff;
	_ =	sdelay $0x4  }
0x187: {  	vm5 =	vgt.s32 v15, v14;
	v15 =	vadd.s32 $0x8, v13  }
0x188: {  	v13 =	vsel vm5, v13, v15  }
0x189: {  	v15 =	vadd.s32 $0x3, v13;
	_ =	sdelay $0x4  }
0x18a: {  	v15 =	vld.idx.msk [tilespmem:v15+s0+$0x0], $0xffff;
	_ =	sdelay $0x4  }
0x18b: {  	vm5 =	vgt.s32 v15, v14;
	v15 =	vadd.s32 $0x4, v13  }
0x18c: {  	v13 =	vsel vm5, v13, v15  }
0x18d: {  	v15 =	vadd.s32 $0x1, v13;
	_ =	sdelay $0x4  }
0x18e: {  	v15 =	vld.idx.msk [tilespmem:v15+s0+$0x0], $0xffff;
	_ =	sdelay $0x4  }
0x18f: {  	vm5 =	vgt.s32 v15, v14;
	v15 =	vadd.s32 $0x2, v13  }
0x190: {  	v13 =	vsel vm5, v13, v15;
	_ =	sdelay $0x4  }
0x191: {  	v15 =	vld.idx.msk [tilespmem:v13+s0+$0x0], $0xffff;
	_ =	sdelay $0x4  }
0x192: {  	p1 =	sne.s32 s2, $0xC0;
	vm5 =	vle.s32 v15, v14  }
.Ltmp8:
0x193: {  	v14 =	vsel vm5, $0x1, v9;
	(pc) =	sbr.rel @p1 .LBB2_10-.Ltmp8, $4  }
0x194: {  	v13 =	vadd.s32 v14, v13  }
0x195: {  	v13 =	vmin.u32 v13, $0x7FF  }
0x196: {  	s7 =	sshra.s32 s2, $0x2;
	v13 =	vor.u32 v0, v13  }
0x197: {  	s6 =	sadd.s32 $0x10, s6;
	s2 =	sadd.s32 $0x40, s2;
	[tilespmem:s7+$0x1100] =	vst v13  }
0x198: {  	v13 =	vld [tilespmem:$0x1100];
	_ =	sdelay $0x4  }
0x199: {  	v14 =	vshrl.u32 v13, $0x3  }
0x19a: {  	v14 =	vmul.u32 $0x18, v14  }
0x19b: {  	v13 =	vand.u32 $0x7, v13  }
0x19c: {  	v13 =	vor.u32 v13, v14  }
0x19d: {  	v14 =	vperm.xlane v13, v10;
	_ =	sdelay $0x1  }
0x19e: {  	v14 =	vadd.s32 v11, v14;
	_ =	sdelay $0x1  }
0x19f: {  	v13 =	vperm.xlane v13, v12;
	_ =	sdelay $0x1  }
0x1a0: {  	s2 =	simm.s32 $0xD200;
	v13 =	vadd.s32 v11, v13  }
0x1a1: {  	[tilespmem:s2], [sflag:$0x4] =	stream.indirect_vreg.gather [hbm4b:s1+s4], $0x80, v14, vm4, $0xb8;
	[tilespmem:$0x1F280] =	vst v63  }
0x1a2: {  	s15 =	simm.s32 $0xDA00  }
0x1a3: {  	[tilespmem:s15], [sflag:$0x4] =	stream.indirect_vreg.gather [hbm4b:s9+s4], $0x80, v14, vm2, $0xb8;
	[tilespmem:$0x1F280] =	vst v63  }
0x1a4: {  	s17 =	simm.s32 $0xDE00  }
0x1a5: {  	[tilespmem:s17], [sflag:$0x4] =	stream.indirect_vreg.gather [hbm4b:s1+s4], $0x80, v13, vm4, $0xb8;
	[tilespmem:$0x1F280] =	vst v63  }
0x1a6: {  	s18 =	simm.s32 $0xE600  }
0x1a7: {  	[tilespmem:s18], [sflag:$0x4] =	stream.indirect_vreg.gather [hbm4b:s9+s4], $0x80, v13, vm2, $0xb8;
	[tilespmem:$0x1F280] =	vst v63  }
0x1a8: {  	v13 =	vld [tilespmem:$0x1110];
	_ =	sdelay $0x4  }
0x1a9: {  	v14 =	vshrl.u32 v13, $0x3  }
0x1aa: {  	v14 =	vmul.u32 $0x18, v14  }
0x1ab: {  	v13 =	vand.u32 $0x7, v13  }
0x1ac: {  	v13 =	vor.u32 v13, v14  }
0x1ad: {  	v14 =	vperm.xlane v13, v10;
	_ =	sdelay $0x1  }
0x1ae: {  	v14 =	vadd.s32 v11, v14;
	_ =	sdelay $0x1  }
0x1af: {  	v13 =	vperm.xlane v13, v12;
	_ =	sdelay $0x1  }
0x1b0: {  	s19 =	simm.s32 $0xEA00;
	v13 =	vadd.s32 v11, v13  }
0x1b1: {  	[tilespmem:s19], [sflag:$0x4] =	stream.indirect_vreg.gather [hbm4b:s1+s4], $0x80, v14, vm4, $0xb8;
	[tilespmem:$0x1F280] =	vst v63  }
0x1b2: {  	s20 =	simm.s32 $0xF200  }
0x1b3: {  	[tilespmem:s20], [sflag:$0x4] =	stream.indirect_vreg.gather [hbm4b:s9+s4], $0x80, v14, vm2, $0xb8;
	[tilespmem:$0x1F280] =	vst v63  }
0x1b4: {  	s21 =	simm.s32 $0xF600  }
0x1b5: {  	[tilespmem:s21], [sflag:$0x4] =	stream.indirect_vreg.gather [hbm4b:s1+s4], $0x80, v13, vm4, $0xb8;
	[tilespmem:$0x1F280] =	vst v63  }
0x1b6: {  	s22 =	simm.s32 $0xFE00  }
0x1b7: {  	[tilespmem:s22], [sflag:$0x4] =	stream.indirect_vreg.gather [hbm4b:s9+s4], $0x80, v13, vm2, $0xb8;
	[tilespmem:$0x1F280] =	vst v63  }
0x1b8: {  	v13 =	vld [tilespmem:$0x1120];
	_ =	sdelay $0x4  }
0x1b9: {  	v14 =	vshrl.u32 v13, $0x3  }
0x1ba: {  	v14 =	vmul.u32 $0x18, v14  }
0x1bb: {  	v13 =	vand.u32 $0x7, v13  }
0x1bc: {  	v13 =	vor.u32 v13, v14  }
0x1bd: {  	v14 =	vperm.xlane v13, v10;
	_ =	sdelay $0x1  }
0x1be: {  	v14 =	vadd.s32 v11, v14;
	_ =	sdelay $0x1  }
0x1bf: {  	v13 =	vperm.xlane v13, v12;
	_ =	sdelay $0x1  }
0x1c0: {  	s23 =	simm.s32 $0x10200;
	v13 =	vadd.s32 v11, v13  }
0x1c1: {  	[tilespmem:s23], [sflag:$0x4] =	stream.indirect_vreg.gather [hbm4b:s1+s4], $0x80, v14, vm4, $0xb8;
	[tilespmem:$0x1F280] =	vst v63  }
0x1c2: {  	s24 =	simm.s32 $0x10A00  }
0x1c3: {  	[tilespmem:s24], [sflag:$0x4] =	stream.indirect_vreg.gather [hbm4b:s9+s4], $0x80, v14, vm2, $0xb8;
	[tilespmem:$0x1F280] =	vst v63  }
0x1c4: {  	s25 =	simm.s32 $0x10E00  }
0x1c5: {  	[tilespmem:s25], [sflag:$0x4] =	stream.indirect_vreg.gather [hbm4b:s1+s4], $0x80, v13, vm4, $0xb8;
	[tilespmem:$0x1F280] =	vst v63  }
0x1c6: {  	s26 =	simm.s32 $0x11600  }
0x1c7: {  	[tilespmem:s26], [sflag:$0x4] =	stream.indirect_vreg.gather [hbm4b:s9+s4], $0x80, v13, vm2, $0xb8;
	[tilespmem:$0x1F280] =	vst v63  }
0x1c8: {  	v13 =	vld [tilespmem:$0x1130];
	_ =	sdelay $0x4  }
0x1c9: {  	v14 =	vshrl.u32 v13, $0x3  }
0x1ca: {  	v14 =	vmul.u32 $0x18, v14  }
0x1cb: {  	v13 =	vand.u32 $0x7, v13  }
0x1cc: {  	v13 =	vor.u32 v13, v14  }
0x1cd: {  	v14 =	vperm.xlane v13, v10;
	_ =	sdelay $0x1  }
0x1ce: {  	v14 =	vadd.s32 v11, v14;
	_ =	sdelay $0x1  }
0x1cf: {  	v13 =	vperm.xlane v13, v12;
	_ =	sdelay $0x1  }
0x1d0: {  	s28 =	simm.s32 $0x11A00;
	v13 =	vadd.s32 v11, v13  }
0x1d1: {  	[tilespmem:s28], [sflag:$0x4] =	stream.indirect_vreg.gather [hbm4b:s1+s4], $0x80, v14, vm4, $0xb8;
	[tilespmem:$0x1F280] =	vst v63  }
0x1d2: {  	s29 =	simm.s32 $0x12200  }
0x1d3: {  	[tilespmem:s29], [sflag:$0x4] =	stream.indirect_vreg.gather [hbm4b:s9+s4], $0x80, v14, vm2, $0xb8;
	[tilespmem:$0x1F280] =	vst v63  }
0x1d4: {  	s30 =	simm.s32 $0x12600  }
0x1d5: {  	[tilespmem:s30], [sflag:$0x4] =	stream.indirect_vreg.gather [hbm4b:s1+s4], $0x80, v13, vm4, $0xb8;
	[tilespmem:$0x1F280] =	vst v63  }
0x1d6: {  	s31 =	simm.s32 $0x12E00  }
0x1d7: {  	[tilespmem:s31], [sflag:$0x4] =	stream.indirect_vreg.gather [hbm4b:s9+s4], $0x80, v13, vm2, $0xb8;
	[tilespmem:$0x1F280] =	vst v63  }
.LBB2_12:
0x1d8: {  	s2 =	simm.s32 $0x0  }
0x1d9: {  	s6 =	smul.u32 $0x3000, s2  }
0x1da: {  	s2 =	simm.s32 $0x0  }
0x1db: {  	s7 =	sand.u32 $0x380, s2;
	s6 =	sshra.s32 s6, $0x2  }
0x1dc: {  	s6 =	sor.u32 s7, s6  }
0x1dd: {  	s7 =	sadd.s32 $0x19200, s6;
	[tilespmem:s6+$0x19200] =	vst v6  }
0x1de: {  	[tilespmem:s7+$0x70] =	vst v6  }
0x1df: {  	[tilespmem:s7+$0x60] =	vst v6  }
0x1e0: {  	[tilespmem:s7+$0x30] =	vst v6  }
0x1e1: {  	[tilespmem:s7+$0x50] =	vst v6  }
0x1e2: {  	[tilespmem:s7+$0x20] =	vst v6  }
0x1e3: {  	[tilespmem:s7+$0x40] =	vst v6  }
0x1e4: {  	s31 =	sadd.s32 $0x19600, s6;
	[tilespmem:s7+$0x10] =	vst v6  }
0x1e5: {  	[tilespmem:s31+$0x70] =	vst v6  }
0x1e6: {  	[tilespmem:s31+$0x60] =	vst v6  }
0x1e7: {  	[tilespmem:s31+$0x50] =	vst v6  }
0x1e8: {  	[tilespmem:s31+$0x40] =	vst v6  }
0x1e9: {  	[tilespmem:s6+$0x19600] =	vst v6  }
0x1ea: {  	[tilespmem:s31+$0x20] =	vst v6  }
0x1eb: {  	[tilespmem:s31+$0x10] =	vst v6  }
0x1ec: {  	s7 =	sadd.s32 $0x19A00, s6;
	[tilespmem:s31+$0x30] =	vst v6  }
0x1ed: {  	[tilespmem:s7+$0x70] =	vst v6  }
0x1ee: {  	[tilespmem:s7+$0x40] =	vst v6  }
0x1ef: {  	s10 =	simm.s32 $0x1;
	[tilespmem:s7+$0x60] =	vst v6  }
.LBB2_13:
0x1f0: {  	s11 =	sshrl.u32 s10, $0x3  }
0x1f1: {  	[tilespmem:s6+$0x19A00] =	vst v6;
	s2 =	sadd.s32 $0x80, s2;
	s6 =	smov.u32 s10;
	s12 =	sadd.s32 $0x1, s10  }
0x1f2: {  	p1 =	sne.s32 s10, $0x3F;
	s6 =	smul.u32 $0x3000, s11;
	[tilespmem:s7+$0x20] =	vst v6  }
0x1f3: {  	[tilespmem:s7+$0x30] =	vst v6  }
0x1f4: {  	s10 =	sand.u32 $0x380, s2;
	s6 =	sshra.s32 s6, $0x2;
	[tilespmem:s7+$0x10] =	vst v6  }
0x1f5: {  	s6 =	sor.u32 s10, s6;
	[tilespmem:s7+$0x50] =	vst v6  }
0x1f6: {  	s7 =	sadd.s32 $0x19200, s6;
	[tilespmem:s6+$0x19200] =	vst v6  }
0x1f7: {  	[tilespmem:s7+$0x70] =	vst v6  }
0x1f8: {  	[tilespmem:s7+$0x60] =	vst v6  }
0x1f9: {  	[tilespmem:s7+$0x30] =	vst v6  }
0x1fa: {  	[tilespmem:s7+$0x50] =	vst v6  }
0x1fb: {  	[tilespmem:s7+$0x20] =	vst v6  }
0x1fc: {  	[tilespmem:s7+$0x40] =	vst v6  }
0x1fd: {  	[tilespmem:s7+$0x10] =	vst v6;
	s7 =	sadd.s32 $0x19600, s6  }
0x1fe: {  	[tilespmem:s7+$0x70] =	vst v6  }
0x1ff: {  	[tilespmem:s7+$0x60] =	vst v6  }
0x200: {  	[tilespmem:s7+$0x50] =	vst v6  }
0x201: {  	[tilespmem:s7+$0x40] =	vst v6  }
0x202: {  	[tilespmem:s6+$0x19600] =	vst v6  }
0x203: {  	[tilespmem:s7+$0x20] =	vst v6  }
.Ltmp9:
0x204: {  	[tilespmem:s7+$0x10] =	vst v6;
	(pc) =	sbr.rel @p1 .LBB2_13-.Ltmp9, $4  }
0x205: {  	[tilespmem:s7+$0x30] =	vst v6;
	s7 =	sadd.s32 $0x19A00, s6  }
0x206: {  	[tilespmem:s7+$0x70] =	vst v6  }
0x207: {  	[tilespmem:s7+$0x40] =	vst v6  }
0x208: {  	s10 =	smov.u32 s12;
	[tilespmem:s7+$0x60] =	vst v6  }
0x209: {  	s2 =	rddreg [dreg:$0xe]  }
0x20a: {  	s10 =	rddreg [dreg:$0xf]  }
0x20b: {  	s25 =	rddreg [dreg:$0x11]  }
0x20c: {  	s11 =	rddreg [dreg:$0x10]  }
0x20d: {  	s26 =	rddreg [dreg:$0x13]  }
0x20e: {  	s12 =	rddreg [dreg:$0x12]  }
0x20f: {  	s29 =	rddreg [dreg:$0x15]  }
0x210: {  	s31 =	rddreg [dreg:$0x14]  }
0x211: {  	s15 =	rddreg [dreg:$0xc]  }
0x212: {  	[tilespmem:s6+$0x19A00] =	vst v6;
	s24 =	sshll.u32 s5, $0x7;
	s14 =	rddreg [dreg:$0xb]  }
.Ltmp10:
0x213: {  	[tilespmem:s7+$0x50] =	vst v6;
	s18 =	simm.s32 $0x0;
	s13 =	rddreg [dreg:$0xa];
	(pc) =	sbr.rel .LBB2_15-.Ltmp10, $4  }
0x214: {  	[tilespmem:s7+$0x20] =	vst v6;
	s2 =	sadd.s32 s5, s2;
	s10 =	sadd.s32 s24, s10;
	s6 =	sadd.s32 s5, s25  }
0x215: {  	[tilespmem:s7+$0x30] =	vst v6;
	s11 =	sadd.s32 s5, s11;
	s28 =	sadd.s32 s5, s12;
	s12 =	sadd.s32 s5, s29  }
0x216: {  	[tilespmem:s7+$0x10] =	vst v6;
	s7 =	sadd.s32 s5, s31;
	s30 =	sshll.u32 s6, $0x7;
	s6 =	sadd.s32 s5, s26  }
0x217: {  	s17 =	sshll.u32 s12, $0x7;
	s12 =	rddreg [dreg:$0x9];
	s6 =	sshll.u32 s6, $0x7  }
.LBB2_50:
0x218: {  	s19 =	simm.s32 @!p1 $0x13200  }
0x219: {  	s19 =	simm.s32 @p1 $0x19200  }
.LBB2_54:
0x21a: {  	s20 =	sadd.s32 s16, s23  }
0x21b: {  	s18 =	sadd.s32 $0x1, s18;
	s12 =	sadd.s32 $0x400, s12;
	s2 =	sadd.s32 $0xFFFFFC00, s2  }
0x21c: {  	s10 =	sadd.s32 $0xFFFE0000, s10;
	s13 =	sadd.s32 $0x400, s13;
	p1 =	sne.s32 s18, $0xE  }
.Ltmp11:
0x21d: {  	s11 =	sadd.s32 $0xFFFFFC00, s11;
	s20 =	sshrl.u32 s20, $0x3;
	(pc) =	sbr.rel @!p1 .LBB2_55-.Ltmp11, $4  }
0x21e: {  	s30 =	sadd.s32 $0xFFFE0000, s30;
	s14 =	sadd.s32 $0x400, s14;
	s20 =	smul.u32 $0x180, s20  }
0x21f: {  	s28 =	sadd.s32 $0xFFFFFC00, s28;
	s6 =	sadd.s32 $0xFFFE0000, s6;
	s15 =	sadd.s32 $0x400, s15  }
0x220: {  	s7 =	sadd.s32 $0xFFFFFC00, s7;
	s17 =	sadd.s32 $0xFFFE0000, s17;
	s20 =	sadd.s32 s3, s20  }
0x221: {  	[hbm4b:s20+s4] =	stream.linear.scatter [tilespmem:s19], [sflag:$0x9], $0x6000, $0x38;
	[tilespmem:$0x1F280] =	vst v63  }
.LBB2_15:
0x222: {  	s25 =	sshll.u32 s18, $0xA;
	s19 =	rddreg [dreg:$0x9]  }
0x223: {  	s23 =	sor.u32 s19, s25  }
0x224: {  	s24 =	ssub.s32 s5, s23  }
0x225: {  	p1 =	slt.s32 s24, $0x1  }
.Ltmp12:
0x226: {  	_ = 	snop;
	(pc) =	sbr.rel @p1 .LBB2_17-.Ltmp12, $2  }
0x227: {  	_ =	sdelay $0x2  }
0x228: {  	s20 =	simm.s32 $0x0;
	s19 =	smov.u32 s12  }
.LBB2_16:
0x229: {  	v13 =	vld.idx.msk [tilespmem:v7+s0+$0x0], $0xffff;
	_ =	sdelay $0x3  }
0x22a: {  	v14 =	vor.u32 s19, v2  }
0x22b: {  	vm5 =	vgt.s32 v13, v14  }
0x22c: {  	v13 =	vsel vm5, $0x0, v8  }
0x22d: {  	v15 =	vor.u32 $0x1FF, v13;
	_ =	sdelay $0x4  }
0x22e: {  	v15 =	vld.idx.msk [tilespmem:v15+s0+$0x0], $0xffff;
	_ =	sdelay $0x4  }
0x22f: {  	vm5 =	vgt.s32 v15, v14;
	v15 =	vor.u32 $0x200, v13  }
0x230: {  	v13 =	vsel vm5, v13, v15  }
0x231: {  	v15 =	vor.u32 $0xFF, v13;
	_ =	sdelay $0x4  }
0x232: {  	v15 =	vld.idx.msk [tilespmem:v15+s0+$0x0], $0xffff;
	_ =	sdelay $0x4  }
0x233: {  	vm5 =	vgt.s32 v15, v14;
	v15 =	vor.u32 $0x100, v13  }
0x234: {  	v13 =	vsel vm5, v13, v15  }
0x235: {  	v15 =	vor.u32 $0x7F, v13;
	_ =	sdelay $0x4  }
0x236: {  	v15 =	vld.idx.msk [tilespmem:v15+s0+$0x0], $0xffff;
	_ =	sdelay $0x4  }
0x237: {  	vm5 =	vgt.s32 v15, v14;
	v15 =	vor.u32 $0x80, v13  }
0x238: {  	v13 =	vsel vm5, v13, v15  }
0x239: {  	v15 =	vadd.s32 $0x3F, v13;
	_ =	sdelay $0x4  }
0x23a: {  	v15 =	vld.idx.msk [tilespmem:v15+s0+$0x0], $0xffff;
	_ =	sdelay $0x4  }
0x23b: {  	vm5 =	vgt.s32 v15, v14;
	v15 =	vadd.s32 $0x40, v13  }
0x23c: {  	v13 =	vsel vm5, v13, v15  }
0x23d: {  	v15 =	vadd.s32 $0x1F, v13;
	_ =	sdelay $0x4  }
0x23e: {  	v15 =	vld.idx.msk [tilespmem:v15+s0+$0x0], $0xffff;
	_ =	sdelay $0x4  }
0x23f: {  	vm5 =	vgt.s32 v15, v14;
	v15 =	vadd.s32 $0x20, v13  }
0x240: {  	v13 =	vsel vm5, v13, v15  }
0x241: {  	v15 =	vadd.s32 $0xF, v13;
	_ =	sdelay $0x4  }
0x242: {  	v15 =	vld.idx.msk [tilespmem:v15+s0+$0x0], $0xffff;
	_ =	sdelay $0x4  }
0x243: {  	vm5 =	vgt.s32 v15, v14;
	v15 =	vadd.s32 $0x10, v13  }
0x244: {  	v13 =	vsel vm5, v13, v15  }
0x245: {  	v15 =	vadd.s32 $0x7, v13;
	_ =	sdelay $0x4  }
0x246: {  	v15 =	vld.idx.msk [tilespmem:v15+s0+$0x0], $0xffff;
	_ =	sdelay $0x4  }
0x247: {  	vm5 =	vgt.s32 v15, v14;
	v15 =	vadd.s32 $0x8, v13  }
0x248: {  	v13 =	vsel vm5, v13, v15  }
0x249: {  	v15 =	vadd.s32 $0x3, v13;
	_ =	sdelay $0x4  }
0x24a: {  	v15 =	vld.idx.msk [tilespmem:v15+s0+$0x0], $0xffff;
	_ =	sdelay $0x4  }
0x24b: {  	vm5 =	vgt.s32 v15, v14;
	v15 =	vadd.s32 $0x4, v13  }
0x24c: {  	v13 =	vsel vm5, v13, v15  }
0x24d: {  	v15 =	vadd.s32 $0x1, v13;
	_ =	sdelay $0x4  }
0x24e: {  	v15 =	vld.idx.msk [tilespmem:v15+s0+$0x0], $0xffff;
	_ =	sdelay $0x4  }
0x24f: {  	vm5 =	vgt.s32 v15, v14;
	v15 =	vadd.s32 $0x2, v13  }
0x250: {  	v13 =	vsel vm5, v13, v15;
	_ =	sdelay $0x4  }
0x251: {  	v15 =	vld.idx.msk [tilespmem:v13+s0+$0x0], $0xffff;
	_ =	sdelay $0x4  }
0x252: {  	p2 =	sne.s32 s20, $0xC0;
	vm5 =	vle.s32 v15, v14  }
.Ltmp13:
0x253: {  	v14 =	vsel vm5, $0x1, v9;
	(pc) =	sbr.rel @p2 .LBB2_16-.Ltmp13, $4  }
0x254: {  	v13 =	vadd.s32 v14, v13  }
0x255: {  	v13 =	vmin.u32 v13, $0x7FF  }
0x256: {  	s21 =	sshra.s32 s20, $0x2;
	v13 =	vor.u32 v0, v13  }
0x257: {  	s19 =	sadd.s32 $0x10, s19;
	s20 =	sadd.s32 $0x40, s20;
	[tilespmem:s21+$0x1180] =	vst v13  }
.LBB2_17:
.Ltmp14:
0x258: {  	p2 =	seq.s32 s18, $0x0;
	(pc) =	sbr.rel @p1 .LBB2_19-.Ltmp14, $4  }
0x259: {  	s19 =	simm.s32 @!p2 $0x9  }
0x25a: {  	_ =	swait.ge @!p2 [sflag:s19], $0x6000  }
0x25b: {  	[sflag:s19] =	ssyncset.done @!p2 $0x0  }
0x25c: {  	[sflag:s19] =	ssyncadd.s32 @!p2 $0xFFFFA000  }
0x25d: {  	v13 =	vld [tilespmem:$0x1180];
	_ =	sdelay $0x4  }
0x25e: {  	v14 =	vshrl.u32 v13, $0x3  }
0x25f: {  	v14 =	vmul.u32 $0x18, v14  }
0x260: {  	v13 =	vand.u32 $0x7, v13  }
0x261: {  	v13 =	vor.u32 v13, v14  }
0x262: {  	v14 =	vperm.xlane v13, v10;
	_ =	sdelay $0x1  }
0x263: {  	v14 =	vadd.s32 v11, v14;
	_ =	sdelay $0x1  }
0x264: {  	v13 =	vperm.xlane v13, v12;
	_ =	sdelay $0x1  }
0x265: {  	s19 =	simm.s32 $0x13200;
	v13 =	vadd.s32 v11, v13  }
0x266: {  	[tilespmem:s19], [sflag:$0x5] =	stream.indirect_vreg.gather [hbm4b:s1+s4], $0x80, v14, vm4, $0xb8;
	[tilespmem:$0x1F280] =	vst v63  }
0x267: {  	s26 =	simm.s32 $0x13A00  }
0x268: {  	[tilespmem:s26], [sflag:$0x5] =	stream.indirect_vreg.gather [hbm4b:s9+s4], $0x80, v14, vm2, $0xb8;
	[tilespmem:$0x1F280] =	vst v63  }
0x269: {  	s29 =	simm.s32 $0x13E00  }
0x26a: {  	[tilespmem:s29], [sflag:$0x5] =	stream.indirect_vreg.gather [hbm4b:s1+s4], $0x80, v13, vm4, $0xb8;
	[tilespmem:$0x1F280] =	vst v63  }
0x26b: {  	s31 =	simm.s32 $0x14600  }
0x26c: {  	[tilespmem:s31], [sflag:$0x5] =	stream.indirect_vreg.gather [hbm4b:s9+s4], $0x80, v13, vm2, $0xb8;
	[tilespmem:$0x1F280] =	vst v63  }
0x26d: {  	v13 =	vld [tilespmem:$0x1190];
	_ =	sdelay $0x4  }
0x26e: {  	v14 =	vshrl.u32 v13, $0x3  }
0x26f: {  	v14 =	vmul.u32 $0x18, v14  }
0x270: {  	v13 =	vand.u32 $0x7, v13  }
0x271: {  	v13 =	vor.u32 v13, v14  }
0x272: {  	v14 =	vperm.xlane v13, v10;
	_ =	sdelay $0x1  }
0x273: {  	v14 =	vadd.s32 v11, v14;
	_ =	sdelay $0x1  }
0x274: {  	v13 =	vperm.xlane v13, v12;
	_ =	sdelay $0x1  }
0x275: {  	s20 =	simm.s32 $0x14A00;
	v13 =	vadd.s32 v11, v13  }
0x276: {  	[tilespmem:s20], [sflag:$0x5] =	stream.indirect_vreg.gather [hbm4b:s1+s4], $0x80, v14, vm4, $0xb8;
	[tilespmem:$0x1F280] =	vst v63  }
0x277: {  	s21 =	simm.s32 $0x15200  }
0x278: {  	[tilespmem:s21], [sflag:$0x5] =	stream.indirect_vreg.gather [hbm4b:s9+s4], $0x80, v14, vm2, $0xb8;
	[tilespmem:$0x1F280] =	vst v63  }
0x279: {  	s22 =	simm.s32 $0x15600  }
0x27a: {  	[tilespmem:s22], [sflag:$0x5] =	stream.indirect_vreg.gather [hbm4b:s1+s4], $0x80, v13, vm4, $0xb8;
	[tilespmem:$0x1F280] =	vst v63  }
0x27b: {  	s26 =	simm.s32 $0x15E00  }
0x27c: {  	[tilespmem:s26], [sflag:$0x5] =	stream.indirect_vreg.gather [hbm4b:s9+s4], $0x80, v13, vm2, $0xb8;
	[tilespmem:$0x1F280] =	vst v63  }
0x27d: {  	v13 =	vld [tilespmem:$0x11A0];
	_ =	sdelay $0x4  }
0x27e: {  	v14 =	vshrl.u32 v13, $0x3  }
0x27f: {  	v14 =	vmul.u32 $0x18, v14  }
0x280: {  	v13 =	vand.u32 $0x7, v13  }
0x281: {  	v13 =	vor.u32 v13, v14  }
0x282: {  	v14 =	vperm.xlane v13, v10;
	_ =	sdelay $0x1  }
0x283: {  	v14 =	vadd.s32 v11, v14;
	_ =	sdelay $0x1  }
0x284: {  	v13 =	vperm.xlane v13, v12;
	_ =	sdelay $0x1  }
0x285: {  	s29 =	simm.s32 $0x16200;
	v13 =	vadd.s32 v11, v13  }
0x286: {  	[tilespmem:s29], [sflag:$0x5] =	stream.indirect_vreg.gather [hbm4b:s1+s4], $0x80, v14, vm4, $0xb8;
	[tilespmem:$0x1F280] =	vst v63  }
0x287: {  	s31 =	simm.s32 $0x16A00  }
0x288: {  	[tilespmem:s31], [sflag:$0x5] =	stream.indirect_vreg.gather [hbm4b:s9+s4], $0x80, v14, vm2, $0xb8;
	[tilespmem:$0x1F280] =	vst v63  }
0x289: {  	s20 =	simm.s32 $0x16E00  }
0x28a: {  	[tilespmem:s20], [sflag:$0x5] =	stream.indirect_vreg.gather [hbm4b:s1+s4], $0x80, v13, vm4, $0xb8;
	[tilespmem:$0x1F280] =	vst v63  }
0x28b: {  	s21 =	simm.s32 $0x17600  }
0x28c: {  	[tilespmem:s21], [sflag:$0x5] =	stream.indirect_vreg.gather [hbm4b:s9+s4], $0x80, v13, vm2, $0xb8;
	[tilespmem:$0x1F280] =	vst v63  }
0x28d: {  	v13 =	vld [tilespmem:$0x11B0];
	_ =	sdelay $0x4  }
0x28e: {  	v14 =	vshrl.u32 v13, $0x3  }
0x28f: {  	v14 =	vmul.u32 $0x18, v14  }
0x290: {  	v13 =	vand.u32 $0x7, v13  }
0x291: {  	v13 =	vor.u32 v13, v14  }
0x292: {  	v14 =	vperm.xlane v13, v10;
	_ =	sdelay $0x1  }
0x293: {  	v14 =	vadd.s32 v11, v14;
	_ =	sdelay $0x1  }
0x294: {  	v13 =	vperm.xlane v13, v12;
	_ =	sdelay $0x1  }
0x295: {  	s22 =	simm.s32 $0x17A00;
	v13 =	vadd.s32 v11, v13  }
0x296: {  	[tilespmem:s22], [sflag:$0x5] =	stream.indirect_vreg.gather [hbm4b:s1+s4], $0x80, v14, vm4, $0xb8;
	[tilespmem:$0x1F280] =	vst v63  }
0x297: {  	s26 =	simm.s32 $0x18200  }
0x298: {  	[tilespmem:s26], [sflag:$0x5] =	stream.indirect_vreg.gather [hbm4b:s9+s4], $0x80, v14, vm2, $0xb8;
	[tilespmem:$0x1F280] =	vst v63  }
0x299: {  	s29 =	simm.s32 $0x18600  }
0x29a: {  	[tilespmem:s29], [sflag:$0x5] =	stream.indirect_vreg.gather [hbm4b:s1+s4], $0x80, v13, vm4, $0xb8;
	[tilespmem:$0x1F280] =	vst v63  }
0x29b: {  	s31 =	simm.s32 $0x18E00  }
0x29c: {  	[tilespmem:s31], [sflag:$0x5] =	stream.indirect_vreg.gather [hbm4b:s9+s4], $0x80, v13, vm2, $0xb8;
	[tilespmem:$0x1F280] =	vst v63  }
.LBB2_19:
0x29d: {  	s21 =	sor.u32 s8, s25  }
0x29e: {  	s19 =	ssub.s32 s5, s21  }
0x29f: {  	p2 =	slt.s32 s19, $0x1  }
0x2a0: {  	p3 =	sgt.u32 @!p2 s19, $0x3F  }
0x2a1: {  	p3 =	por p2, p3  }
.Ltmp15:
0x2a2: {  	_ = 	snop;
	(pc) =	sbr.rel @p3 .LBB2_20-.Ltmp15, $4  }
0x2a3: {  	s20 =	simm.s32 @!p2 $0x2  }
0x2a4: {  	_ =	swait.ge @!p2 [sflag:s20], $0x6000  }
0x2a5: {  	[sflag:s20] =	ssyncset.done @!p2 $0x0  }
0x2a6: {  	[sflag:s20] =	ssyncadd.s32 @!p2 $0xFFFFA000  }
0x2a7: {  	s19 =	sadd.s32 $0x1, s2  }
0x2a8: {  	s20 =	sshrl.u32 s19, $0x3  }
0x2a9: {  	s20 =	smul.u32 $0x3000, s20;
	_ =	sdelay $0x1  }
0x2aa: {  	s26 =	sand.u32 $0x380, s10;
	s20 =	sshra.s32 s20, $0x2  }
0x2ab: {  	s20 =	sor.u32 s26, s20  }
0x2ac: {  	[tilespmem:s20+$0x1A70] =	vst v6  }
0x2ad: {  	[tilespmem:s20+$0x1200] =	vst v6  }
0x2ae: {  	[tilespmem:s20+$0x1210] =	vst v6  }
0x2af: {  	[tilespmem:s20+$0x1220] =	vst v6  }
0x2b0: {  	[tilespmem:s20+$0x1230] =	vst v6  }
0x2b1: {  	[tilespmem:s20+$0x1240] =	vst v6  }
0x2b2: {  	[tilespmem:s20+$0x1250] =	vst v6  }
0x2b3: {  	[tilespmem:s20+$0x1260] =	vst v6  }
0x2b4: {  	[tilespmem:s20+$0x1270] =	vst v6  }
0x2b5: {  	[tilespmem:s20+$0x1600] =	vst v6  }
0x2b6: {  	[tilespmem:s20+$0x1610] =	vst v6  }
0x2b7: {  	[tilespmem:s20+$0x1620] =	vst v6  }
0x2b8: {  	p2 =	slt.s32 s19, $0x3F;
	[tilespmem:s20+$0x1630] =	vst v6  }
.Ltmp16:
0x2b9: {  	[tilespmem:s20+$0x1640] =	vst v6;
	(pc) =	sbr.rel @!p2 .LBB2_23-.Ltmp16, $4  }
0x2ba: {  	[tilespmem:s20+$0x1650] =	vst v6  }
0x2bb: {  	[tilespmem:s20+$0x1660] =	vst v6  }
0x2bc: {  	[tilespmem:s20+$0x1670] =	vst v6  }
0x2bd: {  	s29 =	smov.u32 s10;
	[tilespmem:s20+$0x1A00] =	vst v6  }
.LBB2_22:
0x2be: {  	s19 =	sadd.s32 $0x1, s19;
	[tilespmem:s20+$0x1A10] =	vst v6  }
0x2bf: {  	s26 =	sshrl.u32 s19, $0x3;
	p2 =	slt.s32 s19, $0x3F;
	[tilespmem:s20+$0x1A20] =	vst v6  }
0x2c0: {  	s26 =	smul.u32 $0x3000, s26;
	[tilespmem:s20+$0x1A30] =	vst v6  }
0x2c1: {  	s29 =	sadd.s32 $0x80, s29;
	[tilespmem:s20+$0x1A40] =	vst v6  }
0x2c2: {  	s31 =	sand.u32 $0x380, s29;
	s26 =	sshra.s32 s26, $0x2;
	[tilespmem:s20+$0x1A50] =	vst v6  }
0x2c3: {  	[tilespmem:s20+$0x1A60] =	vst v6;
	s20 =	sor.u32 s31, s26  }
0x2c4: {  	[tilespmem:s20+$0x1A70] =	vst v6  }
0x2c5: {  	[tilespmem:s20+$0x1200] =	vst v6  }
0x2c6: {  	[tilespmem:s20+$0x1210] =	vst v6  }
0x2c7: {  	[tilespmem:s20+$0x1220] =	vst v6  }
0x2c8: {  	[tilespmem:s20+$0x1230] =	vst v6  }
0x2c9: {  	[tilespmem:s20+$0x1240] =	vst v6  }
0x2ca: {  	[tilespmem:s20+$0x1250] =	vst v6  }
0x2cb: {  	[tilespmem:s20+$0x1260] =	vst v6  }
0x2cc: {  	[tilespmem:s20+$0x1270] =	vst v6  }
0x2cd: {  	[tilespmem:s20+$0x1600] =	vst v6  }
0x2ce: {  	[tilespmem:s20+$0x1610] =	vst v6  }
0x2cf: {  	[tilespmem:s20+$0x1620] =	vst v6  }
0x2d0: {  	[tilespmem:s20+$0x1630] =	vst v6  }
.Ltmp17:
0x2d1: {  	[tilespmem:s20+$0x1640] =	vst v6;
	(pc) =	sbr.rel @p2 .LBB2_22-.Ltmp17, $4  }
0x2d2: {  	[tilespmem:s20+$0x1650] =	vst v6  }
0x2d3: {  	[tilespmem:s20+$0x1660] =	vst v6  }
0x2d4: {  	[tilespmem:s20+$0x1670] =	vst v6  }
0x2d5: {  	[tilespmem:s20+$0x1A00] =	vst v6  }
.LBB2_23:
0x2d6: {  	[tilespmem:s20+$0x1A10] =	vst v6  }
.Ltmp18:
0x2d7: {  	[tilespmem:s20+$0x1A20] =	vst v6;
	(pc) =	sbr.rel .LBB2_24-.Ltmp18, $4  }
0x2d8: {  	[tilespmem:s20+$0x1A30] =	vst v6  }
0x2d9: {  	[tilespmem:s20+$0x1A40] =	vst v6  }
0x2da: {  	[tilespmem:s20+$0x1A50] =	vst v6  }
0x2db: {  	[tilespmem:s20+$0x1A60] =	vst v6;
	s19 =	simm.s32 $0x1200  }
.LBB2_20:
0x2dc: {  	s19 =	simm.s32 @!p2 $0x1200  }
0x2dd: {  	s19 =	simm.s32 @p2 $0x19200  }
.LBB2_24:
0x2de: {  	s20 =	sadd.s32 s16, s21;
	p2 =	seq.s32 s18, $0xD  }
.Ltmp19:
0x2df: {  	s20 =	sshrl.u32 s20, $0x3;
	(pc) =	sbr.rel @p2 .LBB2_29-.Ltmp19, $3  }
0x2e0: {  	s20 =	smul.u32 $0x180, s20;
	_ =	sdelay $0x1  }
0x2e1: {  	s20 =	sadd.s32 s3, s20  }
0x2e2: {  	[hbm4b:s20+s4] =	stream.linear.scatter [tilespmem:s19], [sflag:$0x6], $0x6000, $0x38;
	[tilespmem:$0x1F280] =	vst v63  }
0x2e3: {  	s19 =	rddreg [dreg:$0xa]  }
0x2e4: {  	s19 =	sadd.s32 s19, s25  }
0x2e5: {  	s19 =	ssub.s32 s5, s19  }
0x2e6: {  	p3 =	slt.s32 s19, $0x1  }
.Ltmp20:
0x2e7: {  	_ = 	snop;
	(pc) =	sbr.rel @p3 .LBB2_28-.Ltmp20, $2  }
0x2e8: {  	_ =	sdelay $0x2  }
0x2e9: {  	s20 =	smov.u32 s13;
	s19 =	simm.s32 $0x0  }
.LBB2_26:
0x2ea: {  	v13 =	vld.idx.msk [tilespmem:v7+s0+$0x0], $0xffff;
	_ =	sdelay $0x3  }
0x2eb: {  	v14 =	vor.u32 s20, v2  }
0x2ec: {  	vm5 =	vgt.s32 v13, v14  }
0x2ed: {  	v13 =	vsel vm5, $0x0, v8  }
0x2ee: {  	v15 =	vor.u32 $0x1FF, v13;
	_ =	sdelay $0x4  }
0x2ef: {  	v15 =	vld.idx.msk [tilespmem:v15+s0+$0x0], $0xffff;
	_ =	sdelay $0x4  }
0x2f0: {  	vm5 =	vgt.s32 v15, v14;
	v15 =	vor.u32 $0x200, v13  }
0x2f1: {  	v13 =	vsel vm5, v13, v15  }
0x2f2: {  	v15 =	vor.u32 $0xFF, v13;
	_ =	sdelay $0x4  }
0x2f3: {  	v15 =	vld.idx.msk [tilespmem:v15+s0+$0x0], $0xffff;
	_ =	sdelay $0x4  }
0x2f4: {  	vm5 =	vgt.s32 v15, v14;
	v15 =	vor.u32 $0x100, v13  }
0x2f5: {  	v13 =	vsel vm5, v13, v15  }
0x2f6: {  	v15 =	vor.u32 $0x7F, v13;
	_ =	sdelay $0x4  }
0x2f7: {  	v15 =	vld.idx.msk [tilespmem:v15+s0+$0x0], $0xffff;
	_ =	sdelay $0x4  }
0x2f8: {  	vm5 =	vgt.s32 v15, v14;
	v15 =	vor.u32 $0x80, v13  }
0x2f9: {  	v13 =	vsel vm5, v13, v15  }
0x2fa: {  	v15 =	vadd.s32 $0x3F, v13;
	_ =	sdelay $0x4  }
0x2fb: {  	v15 =	vld.idx.msk [tilespmem:v15+s0+$0x0], $0xffff;
	_ =	sdelay $0x4  }
0x2fc: {  	vm5 =	vgt.s32 v15, v14;
	v15 =	vadd.s32 $0x40, v13  }
0x2fd: {  	v13 =	vsel vm5, v13, v15  }
0x2fe: {  	v15 =	vadd.s32 $0x1F, v13;
	_ =	sdelay $0x4  }
0x2ff: {  	v15 =	vld.idx.msk [tilespmem:v15+s0+$0x0], $0xffff;
	_ =	sdelay $0x4  }
0x300: {  	vm5 =	vgt.s32 v15, v14;
	v15 =	vadd.s32 $0x20, v13  }
0x301: {  	v13 =	vsel vm5, v13, v15  }
0x302: {  	v15 =	vadd.s32 $0xF, v13;
	_ =	sdelay $0x4  }
0x303: {  	v15 =	vld.idx.msk [tilespmem:v15+s0+$0x0], $0xffff;
	_ =	sdelay $0x4  }
0x304: {  	vm5 =	vgt.s32 v15, v14;
	v15 =	vadd.s32 $0x10, v13  }
0x305: {  	v13 =	vsel vm5, v13, v15  }
0x306: {  	v15 =	vadd.s32 $0x7, v13;
	_ =	sdelay $0x4  }
0x307: {  	v15 =	vld.idx.msk [tilespmem:v15+s0+$0x0], $0xffff;
	_ =	sdelay $0x4  }
0x308: {  	vm5 =	vgt.s32 v15, v14;
	v15 =	vadd.s32 $0x8, v13  }
0x309: {  	v13 =	vsel vm5, v13, v15  }
0x30a: {  	v15 =	vadd.s32 $0x3, v13;
	_ =	sdelay $0x4  }
0x30b: {  	v15 =	vld.idx.msk [tilespmem:v15+s0+$0x0], $0xffff;
	_ =	sdelay $0x4  }
0x30c: {  	vm5 =	vgt.s32 v15, v14;
	v15 =	vadd.s32 $0x4, v13  }
0x30d: {  	v13 =	vsel vm5, v13, v15  }
0x30e: {  	v15 =	vadd.s32 $0x1, v13;
	_ =	sdelay $0x4  }
0x30f: {  	v15 =	vld.idx.msk [tilespmem:v15+s0+$0x0], $0xffff;
	_ =	sdelay $0x4  }
0x310: {  	vm5 =	vgt.s32 v15, v14;
	v15 =	vadd.s32 $0x2, v13  }
0x311: {  	v13 =	vsel vm5, v13, v15;
	_ =	sdelay $0x4  }
0x312: {  	v15 =	vld.idx.msk [tilespmem:v13+s0+$0x0], $0xffff;
	_ =	sdelay $0x4  }
0x313: {  	p3 =	sne.s32 s19, $0xC0;
	vm5 =	vle.s32 v15, v14  }
.Ltmp21:
0x314: {  	v14 =	vsel vm5, $0x1, v9;
	(pc) =	sbr.rel @p3 .LBB2_26-.Ltmp21, $4  }
0x315: {  	v13 =	vadd.s32 v14, v13  }
0x316: {  	v13 =	vmin.u32 v13, $0x7FF  }
0x317: {  	s26 =	sshra.s32 s19, $0x2;
	v13 =	vor.u32 v0, v13  }
0x318: {  	s20 =	sadd.s32 $0x10, s20;
	s19 =	sadd.s32 $0x40, s19;
	[tilespmem:s26+$0x1000] =	vst v13  }
0x319: {  	s19 =	simm.s32 $0x6  }
0x31a: {  	_ =	swait.ge [sflag:s19], $0x6000  }
0x31b: {  	[sflag:s19] =	ssyncset.done $0x0  }
0x31c: {  	[sflag:s19] =	ssyncadd.s32 $0xFFFFA000  }
0x31d: {  	v13 =	vld [tilespmem:$0x1000];
	_ =	sdelay $0x4  }
0x31e: {  	v14 =	vshrl.u32 v13, $0x3  }
0x31f: {  	v14 =	vmul.u32 $0x18, v14  }
0x320: {  	v13 =	vand.u32 $0x7, v13  }
0x321: {  	v13 =	vor.u32 v13, v14  }
0x322: {  	v14 =	vperm.xlane v13, v10;
	_ =	sdelay $0x1  }
0x323: {  	v14 =	vadd.s32 v11, v14;
	_ =	sdelay $0x1  }
0x324: {  	v13 =	vperm.xlane v13, v12;
	_ =	sdelay $0x1  }
0x325: {  	s31 =	simm.s32 $0x1200;
	v13 =	vadd.s32 v11, v13  }
0x326: {  	[tilespmem:s31], [sflag:$0x2] =	stream.indirect_vreg.gather [hbm4b:s1+s4], $0x80, v14, vm4, $0xb8;
	[tilespmem:$0x1F280] =	vst v63  }
0x327: {  	s20 =	simm.s32 $0x1A00  }
0x328: {  	[tilespmem:s20], [sflag:$0x2] =	stream.indirect_vreg.gather [hbm4b:s9+s4], $0x80, v14, vm2, $0xb8;
	[tilespmem:$0x1F280] =	vst v63  }
0x329: {  	s22 =	simm.s32 $0x1E00  }
0x32a: {  	[tilespmem:s22], [sflag:$0x2] =	stream.indirect_vreg.gather [hbm4b:s1+s4], $0x80, v13, vm4, $0xb8;
	[tilespmem:$0x1F280] =	vst v63  }
0x32b: {  	s26 =	simm.s32 $0x2600  }
0x32c: {  	[tilespmem:s26], [sflag:$0x2] =	stream.indirect_vreg.gather [hbm4b:s9+s4], $0x80, v13, vm2, $0xb8;
	[tilespmem:$0x1F280] =	vst v63  }
0x32d: {  	v13 =	vld [tilespmem:$0x1010];
	_ =	sdelay $0x4  }
0x32e: {  	v14 =	vshrl.u32 v13, $0x3  }
0x32f: {  	v14 =	vmul.u32 $0x18, v14  }
0x330: {  	v13 =	vand.u32 $0x7, v13  }
0x331: {  	v13 =	vor.u32 v13, v14  }
0x332: {  	v14 =	vperm.xlane v13, v10;
	_ =	sdelay $0x1  }
0x333: {  	v14 =	vadd.s32 v11, v14;
	_ =	sdelay $0x1  }
0x334: {  	v13 =	vperm.xlane v13, v12;
	_ =	sdelay $0x1  }
0x335: {  	s29 =	simm.s32 $0x2A00;
	v13 =	vadd.s32 v11, v13  }
0x336: {  	[tilespmem:s29], [sflag:$0x2] =	stream.indirect_vreg.gather [hbm4b:s1+s4], $0x80, v14, vm4, $0xb8;
	[tilespmem:$0x1F280] =	vst v63  }
0x337: {  	s31 =	simm.s32 $0x3200  }
0x338: {  	[tilespmem:s31], [sflag:$0x2] =	stream.indirect_vreg.gather [hbm4b:s9+s4], $0x80, v14, vm2, $0xb8;
	[tilespmem:$0x1F280] =	vst v63  }
0x339: {  	s20 =	simm.s32 $0x3600  }
0x33a: {  	[tilespmem:s20], [sflag:$0x2] =	stream.indirect_vreg.gather [hbm4b:s1+s4], $0x80, v13, vm4, $0xb8;
	[tilespmem:$0x1F280] =	vst v63  }
0x33b: {  	s22 =	simm.s32 $0x3E00  }
0x33c: {  	[tilespmem:s22], [sflag:$0x2] =	stream.indirect_vreg.gather [hbm4b:s9+s4], $0x80, v13, vm2, $0xb8;
	[tilespmem:$0x1F280] =	vst v63  }
0x33d: {  	v13 =	vld [tilespmem:$0x1020];
	_ =	sdelay $0x4  }
0x33e: {  	v14 =	vshrl.u32 v13, $0x3  }
0x33f: {  	v14 =	vmul.u32 $0x18, v14  }
0x340: {  	v13 =	vand.u32 $0x7, v13  }
0x341: {  	v13 =	vor.u32 v13, v14  }
0x342: {  	v14 =	vperm.xlane v13, v10;
	_ =	sdelay $0x1  }
0x343: {  	v14 =	vadd.s32 v11, v14;
	_ =	sdelay $0x1  }
0x344: {  	v13 =	vperm.xlane v13, v12;
	_ =	sdelay $0x1  }
0x345: {  	s26 =	simm.s32 $0x4200;
	v13 =	vadd.s32 v11, v13  }
0x346: {  	[tilespmem:s26], [sflag:$0x2] =	stream.indirect_vreg.gather [hbm4b:s1+s4], $0x80, v14, vm4, $0xb8;
	[tilespmem:$0x1F280] =	vst v63  }
0x347: {  	s29 =	simm.s32 $0x4A00  }
0x348: {  	[tilespmem:s29], [sflag:$0x2] =	stream.indirect_vreg.gather [hbm4b:s9+s4], $0x80, v14, vm2, $0xb8;
	[tilespmem:$0x1F280] =	vst v63  }
0x349: {  	s31 =	simm.s32 $0x4E00  }
0x34a: {  	[tilespmem:s31], [sflag:$0x2] =	stream.indirect_vreg.gather [hbm4b:s1+s4], $0x80, v13, vm4, $0xb8;
	[tilespmem:$0x1F280] =	vst v63  }
0x34b: {  	s20 =	simm.s32 $0x5600  }
0x34c: {  	[tilespmem:s20], [sflag:$0x2] =	stream.indirect_vreg.gather [hbm4b:s9+s4], $0x80, v13, vm2, $0xb8;
	[tilespmem:$0x1F280] =	vst v63  }
0x34d: {  	v13 =	vld [tilespmem:$0x1030];
	_ =	sdelay $0x4  }
0x34e: {  	v14 =	vshrl.u32 v13, $0x3  }
0x34f: {  	v14 =	vmul.u32 $0x18, v14  }
0x350: {  	v13 =	vand.u32 $0x7, v13  }
0x351: {  	v13 =	vor.u32 v13, v14  }
0x352: {  	v14 =	vperm.xlane v13, v10;
	_ =	sdelay $0x1  }
0x353: {  	v14 =	vadd.s32 v11, v14;
	_ =	sdelay $0x2  }
0x354: {  	v13 =	vperm.xlane v13, v12  }
0x355: {  	s22 =	simm.s32 $0x5A00  }
0x356: {  	v13 =	vadd.s32 v11, v13;
	[tilespmem:s22], [sflag:$0x2] =	stream.indirect_vreg.gather [hbm4b:s1+s4], $0x80, v14, vm4, $0xb8;
	[tilespmem:$0x1F280] =	vst v63  }
0x357: {  	s26 =	simm.s32 $0x6200  }
0x358: {  	[tilespmem:s26], [sflag:$0x2] =	stream.indirect_vreg.gather [hbm4b:s9+s4], $0x80, v14, vm2, $0xb8;
	[tilespmem:$0x1F280] =	vst v63  }
.Ltmp22:
0x359: {  	_ = 	snop;
	(pc) =	sbr.rel .LBB2_29-.Ltmp22, $4  }
0x35a: {  	s29 =	simm.s32 $0x6600  }
0x35b: {  	[tilespmem:s29], [sflag:$0x2] =	stream.indirect_vreg.gather [hbm4b:s1+s4], $0x80, v13, vm4, $0xb8;
	[tilespmem:$0x1F280] =	vst v63  }
0x35c: {  	s31 =	simm.s32 $0x6E00  }
0x35d: {  	[tilespmem:s31], [sflag:$0x2] =	stream.indirect_vreg.gather [hbm4b:s9+s4], $0x80, v13, vm2, $0xb8;
	[tilespmem:$0x1F280] =	vst v63  }
.LBB2_28:
0x35e: {  	s19 =	simm.s32 $0x6  }
0x35f: {  	_ =	swait.ge [sflag:s19], $0x6000  }
0x360: {  	[sflag:s19] =	ssyncset.done $0x0  }
0x361: {  	[sflag:s19] =	ssyncadd.s32 $0xFFFFA000  }
.LBB2_29:
0x362: {  	s20 =	sor.u32 $0x100, s21  }
0x363: {  	s19 =	ssub.s32 s5, s20  }
0x364: {  	p3 =	slt.s32 s19, $0x1  }
0x365: {  	p4 =	sgt.u32 @!p3 s19, $0x3F  }
0x366: {  	p4 =	por p3, p4  }
.Ltmp23:
0x367: {  	_ = 	snop;
	(pc) =	sbr.rel @p4 .LBB2_30-.Ltmp23, $4  }
0x368: {  	s26 =	simm.s32 @!p3 $0x3  }
0x369: {  	_ =	swait.ge @!p3 [sflag:s26], $0x6000  }
0x36a: {  	[sflag:s26] =	ssyncset.done @!p3 $0x0  }
0x36b: {  	[sflag:s26] =	ssyncadd.s32 @!p3 $0xFFFFA000  }
0x36c: {  	s29 =	sadd.s32 $0x1, s11  }
0x36d: {  	s19 =	sshrl.u32 s29, $0x3  }
0x36e: {  	s19 =	smul.u32 $0x3000, s19;
	_ =	sdelay $0x1  }
0x36f: {  	s26 =	sand.u32 $0x380, s30;
	s19 =	sshra.s32 s19, $0x2  }
0x370: {  	s19 =	sor.u32 s26, s19  }
0x371: {  	[tilespmem:s19+$0x7A70] =	vst v6  }
0x372: {  	[tilespmem:s19+$0x7200] =	vst v6  }
0x373: {  	[tilespmem:s19+$0x7210] =	vst v6  }
0x374: {  	[tilespmem:s19+$0x7220] =	vst v6  }
0x375: {  	[tilespmem:s19+$0x7230] =	vst v6  }
0x376: {  	[tilespmem:s19+$0x7240] =	vst v6  }
0x377: {  	[tilespmem:s19+$0x7250] =	vst v6  }
0x378: {  	[tilespmem:s19+$0x7260] =	vst v6  }
0x379: {  	[tilespmem:s19+$0x7270] =	vst v6  }
0x37a: {  	[tilespmem:s19+$0x7600] =	vst v6  }
0x37b: {  	[tilespmem:s19+$0x7610] =	vst v6  }
0x37c: {  	[tilespmem:s19+$0x7620] =	vst v6  }
0x37d: {  	p3 =	slt.s32 s29, $0x3F;
	[tilespmem:s19+$0x7630] =	vst v6  }
.Ltmp24:
0x37e: {  	[tilespmem:s19+$0x7640] =	vst v6;
	(pc) =	sbr.rel @!p3 .LBB2_33-.Ltmp24, $4  }
0x37f: {  	[tilespmem:s19+$0x7650] =	vst v6  }
0x380: {  	[tilespmem:s19+$0x7660] =	vst v6  }
0x381: {  	[tilespmem:s19+$0x7670] =	vst v6  }
0x382: {  	s26 =	smov.u32 s30;
	[tilespmem:s19+$0x7A00] =	vst v6  }
.LBB2_32:
0x383: {  	s29 =	sadd.s32 $0x1, s29;
	[tilespmem:s19+$0x7A10] =	vst v6  }
0x384: {  	s31 =	sshrl.u32 s29, $0x3;
	p3 =	slt.s32 s29, $0x3F;
	[tilespmem:s19+$0x7A20] =	vst v6  }
0x385: {  	s31 =	smul.u32 $0x3000, s31;
	[tilespmem:s19+$0x7A30] =	vst v6  }
0x386: {  	s26 =	sadd.s32 $0x80, s26;
	[tilespmem:s19+$0x7A40] =	vst v6  }
0x387: {  	s22 =	sand.u32 $0x380, s26;
	s31 =	sshra.s32 s31, $0x2;
	[tilespmem:s19+$0x7A50] =	vst v6  }
0x388: {  	[tilespmem:s19+$0x7A60] =	vst v6;
	s19 =	sor.u32 s22, s31  }
0x389: {  	[tilespmem:s19+$0x7A70] =	vst v6  }
0x38a: {  	[tilespmem:s19+$0x7200] =	vst v6  }
0x38b: {  	[tilespmem:s19+$0x7210] =	vst v6  }
0x38c: {  	[tilespmem:s19+$0x7220] =	vst v6  }
0x38d: {  	[tilespmem:s19+$0x7230] =	vst v6  }
0x38e: {  	[tilespmem:s19+$0x7240] =	vst v6  }
0x38f: {  	[tilespmem:s19+$0x7250] =	vst v6  }
0x390: {  	[tilespmem:s19+$0x7260] =	vst v6  }
0x391: {  	[tilespmem:s19+$0x7270] =	vst v6  }
0x392: {  	[tilespmem:s19+$0x7600] =	vst v6  }
0x393: {  	[tilespmem:s19+$0x7610] =	vst v6  }
0x394: {  	[tilespmem:s19+$0x7620] =	vst v6  }
0x395: {  	[tilespmem:s19+$0x7630] =	vst v6  }
.Ltmp25:
0x396: {  	[tilespmem:s19+$0x7640] =	vst v6;
	(pc) =	sbr.rel @p3 .LBB2_32-.Ltmp25, $4  }
0x397: {  	[tilespmem:s19+$0x7650] =	vst v6  }
0x398: {  	[tilespmem:s19+$0x7660] =	vst v6  }
0x399: {  	[tilespmem:s19+$0x7670] =	vst v6  }
0x39a: {  	[tilespmem:s19+$0x7A00] =	vst v6  }
.LBB2_33:
0x39b: {  	[tilespmem:s19+$0x7A10] =	vst v6  }
.Ltmp26:
0x39c: {  	[tilespmem:s19+$0x7A20] =	vst v6;
	(pc) =	sbr.rel .LBB2_34-.Ltmp26, $4  }
0x39d: {  	[tilespmem:s19+$0x7A30] =	vst v6  }
0x39e: {  	[tilespmem:s19+$0x7A40] =	vst v6  }
0x39f: {  	[tilespmem:s19+$0x7A50] =	vst v6  }
0x3a0: {  	[tilespmem:s19+$0x7A60] =	vst v6;
	s19 =	simm.s32 $0x7200  }
.LBB2_30:
0x3a1: {  	s19 =	simm.s32 @!p3 $0x7200  }
0x3a2: {  	s19 =	simm.s32 @p3 $0x19200  }
.LBB2_34:
0x3a3: {  	s20 =	sadd.s32 s16, s20  }
.Ltmp27:
0x3a4: {  	s20 =	sshrl.u32 s20, $0x3;
	(pc) =	sbr.rel @p2 .LBB2_39-.Ltmp27, $3  }
0x3a5: {  	s20 =	smul.u32 $0x180, s20;
	_ =	sdelay $0x1  }
0x3a6: {  	s20 =	sadd.s32 s3, s20  }
0x3a7: {  	[hbm4b:s20+s4] =	stream.linear.scatter [tilespmem:s19], [sflag:$0x7], $0x6000, $0x38;
	[tilespmem:$0x1F280] =	vst v63  }
0x3a8: {  	s19 =	rddreg [dreg:$0xb]  }
0x3a9: {  	s19 =	sadd.s32 s19, s25  }
0x3aa: {  	s19 =	ssub.s32 s5, s19  }
0x3ab: {  	p3 =	slt.s32 s19, $0x1  }
.Ltmp28:
0x3ac: {  	_ = 	snop;
	(pc) =	sbr.rel @p3 .LBB2_38-.Ltmp28, $2  }
0x3ad: {  	_ =	sdelay $0x2  }
0x3ae: {  	s20 =	smov.u32 s14;
	s19 =	simm.s32 $0x0  }
.LBB2_36:
0x3af: {  	v13 =	vld.idx.msk [tilespmem:v7+s0+$0x0], $0xffff;
	_ =	sdelay $0x3  }
0x3b0: {  	v14 =	vor.u32 s20, v2  }
0x3b1: {  	vm5 =	vgt.s32 v13, v14  }
0x3b2: {  	v13 =	vsel vm5, $0x0, v8  }
0x3b3: {  	v15 =	vor.u32 $0x1FF, v13;
	_ =	sdelay $0x4  }
0x3b4: {  	v15 =	vld.idx.msk [tilespmem:v15+s0+$0x0], $0xffff;
	_ =	sdelay $0x4  }
0x3b5: {  	vm5 =	vgt.s32 v15, v14;
	v15 =	vor.u32 $0x200, v13  }
0x3b6: {  	v13 =	vsel vm5, v13, v15  }
0x3b7: {  	v15 =	vor.u32 $0xFF, v13;
	_ =	sdelay $0x4  }
0x3b8: {  	v15 =	vld.idx.msk [tilespmem:v15+s0+$0x0], $0xffff;
	_ =	sdelay $0x4  }
0x3b9: {  	vm5 =	vgt.s32 v15, v14;
	v15 =	vor.u32 $0x100, v13  }
0x3ba: {  	v13 =	vsel vm5, v13, v15  }
0x3bb: {  	v15 =	vor.u32 $0x7F, v13;
	_ =	sdelay $0x4  }
0x3bc: {  	v15 =	vld.idx.msk [tilespmem:v15+s0+$0x0], $0xffff;
	_ =	sdelay $0x4  }
0x3bd: {  	vm5 =	vgt.s32 v15, v14;
	v15 =	vor.u32 $0x80, v13  }
0x3be: {  	v13 =	vsel vm5, v13, v15  }
0x3bf: {  	v15 =	vadd.s32 $0x3F, v13;
	_ =	sdelay $0x4  }
0x3c0: {  	v15 =	vld.idx.msk [tilespmem:v15+s0+$0x0], $0xffff;
	_ =	sdelay $0x4  }
0x3c1: {  	vm5 =	vgt.s32 v15, v14;
	v15 =	vadd.s32 $0x40, v13  }
0x3c2: {  	v13 =	vsel vm5, v13, v15  }
0x3c3: {  	v15 =	vadd.s32 $0x1F, v13;
	_ =	sdelay $0x4  }
0x3c4: {  	v15 =	vld.idx.msk [tilespmem:v15+s0+$0x0], $0xffff;
	_ =	sdelay $0x4  }
0x3c5: {  	vm5 =	vgt.s32 v15, v14;
	v15 =	vadd.s32 $0x20, v13  }
0x3c6: {  	v13 =	vsel vm5, v13, v15  }
0x3c7: {  	v15 =	vadd.s32 $0xF, v13;
	_ =	sdelay $0x4  }
0x3c8: {  	v15 =	vld.idx.msk [tilespmem:v15+s0+$0x0], $0xffff;
	_ =	sdelay $0x4  }
0x3c9: {  	vm5 =	vgt.s32 v15, v14;
	v15 =	vadd.s32 $0x10, v13  }
0x3ca: {  	v13 =	vsel vm5, v13, v15  }
0x3cb: {  	v15 =	vadd.s32 $0x7, v13;
	_ =	sdelay $0x4  }
0x3cc: {  	v15 =	vld.idx.msk [tilespmem:v15+s0+$0x0], $0xffff;
	_ =	sdelay $0x4  }
0x3cd: {  	vm5 =	vgt.s32 v15, v14;
	v15 =	vadd.s32 $0x8, v13  }
0x3ce: {  	v13 =	vsel vm5, v13, v15  }
0x3cf: {  	v15 =	vadd.s32 $0x3, v13;
	_ =	sdelay $0x4  }
0x3d0: {  	v15 =	vld.idx.msk [tilespmem:v15+s0+$0x0], $0xffff;
	_ =	sdelay $0x4  }
0x3d1: {  	vm5 =	vgt.s32 v15, v14;
	v15 =	vadd.s32 $0x4, v13  }
0x3d2: {  	v13 =	vsel vm5, v13, v15  }
0x3d3: {  	v15 =	vadd.s32 $0x1, v13;
	_ =	sdelay $0x4  }
0x3d4: {  	v15 =	vld.idx.msk [tilespmem:v15+s0+$0x0], $0xffff;
	_ =	sdelay $0x4  }
0x3d5: {  	vm5 =	vgt.s32 v15, v14;
	v15 =	vadd.s32 $0x2, v13  }
0x3d6: {  	v13 =	vsel vm5, v13, v15;
	_ =	sdelay $0x4  }
0x3d7: {  	v15 =	vld.idx.msk [tilespmem:v13+s0+$0x0], $0xffff;
	_ =	sdelay $0x4  }
0x3d8: {  	p3 =	sne.s32 s19, $0xC0;
	vm5 =	vle.s32 v15, v14  }
.Ltmp29:
0x3d9: {  	v14 =	vsel vm5, $0x1, v9;
	(pc) =	sbr.rel @p3 .LBB2_36-.Ltmp29, $4  }
0x3da: {  	v13 =	vadd.s32 v14, v13  }
0x3db: {  	v13 =	vmin.u32 v13, $0x7FF  }
0x3dc: {  	s22 =	sshra.s32 s19, $0x2;
	v13 =	vor.u32 v0, v13  }
0x3dd: {  	s20 =	sadd.s32 $0x10, s20;
	s19 =	sadd.s32 $0x40, s19;
	[tilespmem:s22+$0x1080] =	vst v13  }
0x3de: {  	s19 =	simm.s32 $0x7  }
0x3df: {  	_ =	swait.ge [sflag:s19], $0x6000  }
0x3e0: {  	[sflag:s19] =	ssyncset.done $0x0  }
0x3e1: {  	[sflag:s19] =	ssyncadd.s32 $0xFFFFA000  }
0x3e2: {  	v13 =	vld [tilespmem:$0x1080];
	_ =	sdelay $0x4  }
0x3e3: {  	v14 =	vshrl.u32 v13, $0x3  }
0x3e4: {  	v14 =	vmul.u32 $0x18, v14  }
0x3e5: {  	v13 =	vand.u32 $0x7, v13  }
0x3e6: {  	v13 =	vor.u32 v13, v14  }
0x3e7: {  	v14 =	vperm.xlane v13, v10;
	_ =	sdelay $0x1  }
0x3e8: {  	v14 =	vadd.s32 v11, v14;
	_ =	sdelay $0x1  }
0x3e9: {  	v13 =	vperm.xlane v13, v12;
	_ =	sdelay $0x1  }
0x3ea: {  	s31 =	simm.s32 $0x7200;
	v13 =	vadd.s32 v11, v13  }
0x3eb: {  	[tilespmem:s31], [sflag:$0x3] =	stream.indirect_vreg.gather [hbm4b:s1+s4], $0x80, v14, vm4, $0xb8;
	[tilespmem:$0x1F280] =	vst v63  }
0x3ec: {  	s20 =	simm.s32 $0x7A00  }
0x3ed: {  	[tilespmem:s20], [sflag:$0x3] =	stream.indirect_vreg.gather [hbm4b:s9+s4], $0x80, v14, vm2, $0xb8;
	[tilespmem:$0x1F280] =	vst v63  }
0x3ee: {  	s22 =	simm.s32 $0x7E00  }
0x3ef: {  	[tilespmem:s22], [sflag:$0x3] =	stream.indirect_vreg.gather [hbm4b:s1+s4], $0x80, v13, vm4, $0xb8;
	[tilespmem:$0x1F280] =	vst v63  }
0x3f0: {  	s26 =	simm.s32 $0x8600  }
0x3f1: {  	[tilespmem:s26], [sflag:$0x3] =	stream.indirect_vreg.gather [hbm4b:s9+s4], $0x80, v13, vm2, $0xb8;
	[tilespmem:$0x1F280] =	vst v63  }
0x3f2: {  	v13 =	vld [tilespmem:$0x1090];
	_ =	sdelay $0x4  }
0x3f3: {  	v14 =	vshrl.u32 v13, $0x3  }
0x3f4: {  	v14 =	vmul.u32 $0x18, v14  }
0x3f5: {  	v13 =	vand.u32 $0x7, v13  }
0x3f6: {  	v13 =	vor.u32 v13, v14  }
0x3f7: {  	v14 =	vperm.xlane v13, v10;
	_ =	sdelay $0x1  }
0x3f8: {  	v14 =	vadd.s32 v11, v14;
	_ =	sdelay $0x1  }
0x3f9: {  	v13 =	vperm.xlane v13, v12;
	_ =	sdelay $0x1  }
0x3fa: {  	s29 =	simm.s32 $0x8A00;
	v13 =	vadd.s32 v11, v13  }
0x3fb: {  	[tilespmem:s29], [sflag:$0x3] =	stream.indirect_vreg.gather [hbm4b:s1+s4], $0x80, v14, vm4, $0xb8;
	[tilespmem:$0x1F280] =	vst v63  }
0x3fc: {  	s31 =	simm.s32 $0x9200  }
0x3fd: {  	[tilespmem:s31], [sflag:$0x3] =	stream.indirect_vreg.gather [hbm4b:s9+s4], $0x80, v14, vm2, $0xb8;
	[tilespmem:$0x1F280] =	vst v63  }
0x3fe: {  	s20 =	simm.s32 $0x9600  }
0x3ff: {  	[tilespmem:s20], [sflag:$0x3] =	stream.indirect_vreg.gather [hbm4b:s1+s4], $0x80, v13, vm4, $0xb8;
	[tilespmem:$0x1F280] =	vst v63  }
0x400: {  	s22 =	simm.s32 $0x9E00  }
0x401: {  	[tilespmem:s22], [sflag:$0x3] =	stream.indirect_vreg.gather [hbm4b:s9+s4], $0x80, v13, vm2, $0xb8;
	[tilespmem:$0x1F280] =	vst v63  }
0x402: {  	v13 =	vld [tilespmem:$0x10A0];
	_ =	sdelay $0x4  }
0x403: {  	v14 =	vshrl.u32 v13, $0x3  }
0x404: {  	v14 =	vmul.u32 $0x18, v14  }
0x405: {  	v13 =	vand.u32 $0x7, v13  }
0x406: {  	v13 =	vor.u32 v13, v14  }
0x407: {  	v14 =	vperm.xlane v13, v10;
	_ =	sdelay $0x1  }
0x408: {  	v14 =	vadd.s32 v11, v14;
	_ =	sdelay $0x1  }
0x409: {  	v13 =	vperm.xlane v13, v12;
	_ =	sdelay $0x1  }
0x40a: {  	s26 =	simm.s32 $0xA200;
	v13 =	vadd.s32 v11, v13  }
0x40b: {  	[tilespmem:s26], [sflag:$0x3] =	stream.indirect_vreg.gather [hbm4b:s1+s4], $0x80, v14, vm4, $0xb8;
	[tilespmem:$0x1F280] =	vst v63  }
0x40c: {  	s29 =	simm.s32 $0xAA00  }
0x40d: {  	[tilespmem:s29], [sflag:$0x3] =	stream.indirect_vreg.gather [hbm4b:s9+s4], $0x80, v14, vm2, $0xb8;
	[tilespmem:$0x1F280] =	vst v63  }
0x40e: {  	s31 =	simm.s32 $0xAE00  }
0x40f: {  	[tilespmem:s31], [sflag:$0x3] =	stream.indirect_vreg.gather [hbm4b:s1+s4], $0x80, v13, vm4, $0xb8;
	[tilespmem:$0x1F280] =	vst v63  }
0x410: {  	s20 =	simm.s32 $0xB600  }
0x411: {  	[tilespmem:s20], [sflag:$0x3] =	stream.indirect_vreg.gather [hbm4b:s9+s4], $0x80, v13, vm2, $0xb8;
	[tilespmem:$0x1F280] =	vst v63  }
0x412: {  	v13 =	vld [tilespmem:$0x10B0];
	_ =	sdelay $0x4  }
0x413: {  	v14 =	vshrl.u32 v13, $0x3  }
0x414: {  	v14 =	vmul.u32 $0x18, v14  }
0x415: {  	v13 =	vand.u32 $0x7, v13  }
0x416: {  	v13 =	vor.u32 v13, v14  }
0x417: {  	v14 =	vperm.xlane v13, v10;
	_ =	sdelay $0x1  }
0x418: {  	v14 =	vadd.s32 v11, v14;
	_ =	sdelay $0x2  }
0x419: {  	v13 =	vperm.xlane v13, v12  }
0x41a: {  	s22 =	simm.s32 $0xBA00  }
0x41b: {  	v13 =	vadd.s32 v11, v13;
	[tilespmem:s22], [sflag:$0x3] =	stream.indirect_vreg.gather [hbm4b:s1+s4], $0x80, v14, vm4, $0xb8;
	[tilespmem:$0x1F280] =	vst v63  }
0x41c: {  	s26 =	simm.s32 $0xC200  }
0x41d: {  	[tilespmem:s26], [sflag:$0x3] =	stream.indirect_vreg.gather [hbm4b:s9+s4], $0x80, v14, vm2, $0xb8;
	[tilespmem:$0x1F280] =	vst v63  }
.Ltmp30:
0x41e: {  	_ = 	snop;
	(pc) =	sbr.rel .LBB2_39-.Ltmp30, $4  }
0x41f: {  	s29 =	simm.s32 $0xC600  }
0x420: {  	[tilespmem:s29], [sflag:$0x3] =	stream.indirect_vreg.gather [hbm4b:s1+s4], $0x80, v13, vm4, $0xb8;
	[tilespmem:$0x1F280] =	vst v63  }
0x421: {  	s31 =	simm.s32 $0xCE00  }
0x422: {  	[tilespmem:s31], [sflag:$0x3] =	stream.indirect_vreg.gather [hbm4b:s9+s4], $0x80, v13, vm2, $0xb8;
	[tilespmem:$0x1F280] =	vst v63  }
.LBB2_38:
0x423: {  	s19 =	simm.s32 $0x7  }
0x424: {  	_ =	swait.ge [sflag:s19], $0x6000  }
0x425: {  	[sflag:s19] =	ssyncset.done $0x0  }
0x426: {  	[sflag:s19] =	ssyncadd.s32 $0xFFFFA000  }
.LBB2_39:
0x427: {  	s20 =	sor.u32 $0x200, s21  }
0x428: {  	s19 =	ssub.s32 s5, s20  }
0x429: {  	p3 =	slt.s32 s19, $0x1  }
0x42a: {  	p4 =	sgt.u32 @!p3 s19, $0x3F  }
0x42b: {  	p4 =	por p3, p4  }
.Ltmp31:
0x42c: {  	_ = 	snop;
	(pc) =	sbr.rel @p4 .LBB2_40-.Ltmp31, $4  }
0x42d: {  	s21 =	simm.s32 @!p3 $0x4  }
0x42e: {  	_ =	swait.ge @!p3 [sflag:s21], $0x6000  }
0x42f: {  	[sflag:s21] =	ssyncset.done @!p3 $0x0  }
0x430: {  	[sflag:s21] =	ssyncadd.s32 @!p3 $0xFFFFA000  }
0x431: {  	s21 =	sadd.s32 $0x1, s28  }
0x432: {  	s19 =	sshrl.u32 s21, $0x3  }
0x433: {  	s19 =	smul.u32 $0x3000, s19;
	_ =	sdelay $0x1  }
0x434: {  	s22 =	sand.u32 $0x380, s6;
	s19 =	sshra.s32 s19, $0x2  }
0x435: {  	s19 =	sor.u32 s22, s19  }
0x436: {  	[tilespmem:s19+$0xDA70] =	vst v6  }
0x437: {  	[tilespmem:s19+$0xD200] =	vst v6  }
0x438: {  	[tilespmem:s19+$0xD210] =	vst v6  }
0x439: {  	[tilespmem:s19+$0xD220] =	vst v6  }
0x43a: {  	[tilespmem:s19+$0xD230] =	vst v6  }
0x43b: {  	[tilespmem:s19+$0xD240] =	vst v6  }
0x43c: {  	[tilespmem:s19+$0xD250] =	vst v6  }
0x43d: {  	[tilespmem:s19+$0xD260] =	vst v6  }
0x43e: {  	[tilespmem:s19+$0xD270] =	vst v6  }
0x43f: {  	[tilespmem:s19+$0xD600] =	vst v6  }
0x440: {  	[tilespmem:s19+$0xD610] =	vst v6  }
0x441: {  	[tilespmem:s19+$0xD620] =	vst v6  }
0x442: {  	p3 =	slt.s32 s21, $0x3F;
	[tilespmem:s19+$0xD630] =	vst v6  }
.Ltmp32:
0x443: {  	[tilespmem:s19+$0xD640] =	vst v6;
	(pc) =	sbr.rel @!p3 .LBB2_43-.Ltmp32, $4  }
0x444: {  	[tilespmem:s19+$0xD650] =	vst v6  }
0x445: {  	[tilespmem:s19+$0xD660] =	vst v6  }
0x446: {  	[tilespmem:s19+$0xD670] =	vst v6  }
0x447: {  	s26 =	smov.u32 s6;
	[tilespmem:s19+$0xDA00] =	vst v6  }
.LBB2_42:
0x448: {  	s21 =	sadd.s32 $0x1, s21;
	[tilespmem:s19+$0xDA10] =	vst v6  }
0x449: {  	s22 =	sshrl.u32 s21, $0x3;
	p3 =	slt.s32 s21, $0x3F;
	[tilespmem:s19+$0xDA20] =	vst v6  }
0x44a: {  	s22 =	smul.u32 $0x3000, s22;
	[tilespmem:s19+$0xDA30] =	vst v6  }
0x44b: {  	s26 =	sadd.s32 $0x80, s26;
	[tilespmem:s19+$0xDA40] =	vst v6  }
0x44c: {  	s29 =	sand.u32 $0x380, s26;
	s22 =	sshra.s32 s22, $0x2;
	[tilespmem:s19+$0xDA50] =	vst v6  }
0x44d: {  	[tilespmem:s19+$0xDA60] =	vst v6;
	s19 =	sor.u32 s29, s22  }
0x44e: {  	[tilespmem:s19+$0xDA70] =	vst v6  }
0x44f: {  	[tilespmem:s19+$0xD200] =	vst v6  }
0x450: {  	[tilespmem:s19+$0xD210] =	vst v6  }
0x451: {  	[tilespmem:s19+$0xD220] =	vst v6  }
0x452: {  	[tilespmem:s19+$0xD230] =	vst v6  }
0x453: {  	[tilespmem:s19+$0xD240] =	vst v6  }
0x454: {  	[tilespmem:s19+$0xD250] =	vst v6  }
0x455: {  	[tilespmem:s19+$0xD260] =	vst v6  }
0x456: {  	[tilespmem:s19+$0xD270] =	vst v6  }
0x457: {  	[tilespmem:s19+$0xD600] =	vst v6  }
0x458: {  	[tilespmem:s19+$0xD610] =	vst v6  }
0x459: {  	[tilespmem:s19+$0xD620] =	vst v6  }
0x45a: {  	[tilespmem:s19+$0xD630] =	vst v6  }
.Ltmp33:
0x45b: {  	[tilespmem:s19+$0xD640] =	vst v6;
	(pc) =	sbr.rel @p3 .LBB2_42-.Ltmp33, $4  }
0x45c: {  	[tilespmem:s19+$0xD650] =	vst v6  }
0x45d: {  	[tilespmem:s19+$0xD660] =	vst v6  }
0x45e: {  	[tilespmem:s19+$0xD670] =	vst v6  }
0x45f: {  	[tilespmem:s19+$0xDA00] =	vst v6  }
.LBB2_43:
0x460: {  	[tilespmem:s19+$0xDA10] =	vst v6  }
.Ltmp34:
0x461: {  	[tilespmem:s19+$0xDA20] =	vst v6;
	(pc) =	sbr.rel .LBB2_44-.Ltmp34, $4  }
0x462: {  	[tilespmem:s19+$0xDA30] =	vst v6  }
0x463: {  	[tilespmem:s19+$0xDA40] =	vst v6  }
0x464: {  	[tilespmem:s19+$0xDA50] =	vst v6  }
0x465: {  	[tilespmem:s19+$0xDA60] =	vst v6;
	s19 =	simm.s32 $0xD200  }
.LBB2_40:
0x466: {  	s19 =	simm.s32 @!p3 $0xD200  }
0x467: {  	s19 =	simm.s32 @p3 $0x19200  }
.LBB2_44:
0x468: {  	s20 =	sadd.s32 s16, s20  }
.Ltmp35:
0x469: {  	s20 =	sshrl.u32 s20, $0x3;
	(pc) =	sbr.rel @p2 .LBB2_49-.Ltmp35, $3  }
0x46a: {  	s20 =	smul.u32 $0x180, s20;
	_ =	sdelay $0x1  }
0x46b: {  	s20 =	sadd.s32 s3, s20  }
0x46c: {  	[hbm4b:s20+s4] =	stream.linear.scatter [tilespmem:s19], [sflag:$0x8], $0x6000, $0x38;
	[tilespmem:$0x1F280] =	vst v63  }
0x46d: {  	s19 =	rddreg [dreg:$0xc]  }
0x46e: {  	s19 =	sadd.s32 s19, s25  }
0x46f: {  	s19 =	ssub.s32 s5, s19  }
0x470: {  	p2 =	slt.s32 s19, $0x1  }
.Ltmp36:
0x471: {  	_ = 	snop;
	(pc) =	sbr.rel @p2 .LBB2_48-.Ltmp36, $2  }
0x472: {  	_ =	sdelay $0x2  }
0x473: {  	s20 =	smov.u32 s15;
	s19 =	simm.s32 $0x0  }
.LBB2_46:
0x474: {  	v13 =	vld.idx.msk [tilespmem:v7+s0+$0x0], $0xffff;
	_ =	sdelay $0x3  }
0x475: {  	v14 =	vor.u32 s20, v2  }
0x476: {  	vm5 =	vgt.s32 v13, v14  }
0x477: {  	v13 =	vsel vm5, $0x0, v8  }
0x478: {  	v15 =	vor.u32 $0x1FF, v13;
	_ =	sdelay $0x4  }
0x479: {  	v15 =	vld.idx.msk [tilespmem:v15+s0+$0x0], $0xffff;
	_ =	sdelay $0x4  }
0x47a: {  	vm5 =	vgt.s32 v15, v14;
	v15 =	vor.u32 $0x200, v13  }
0x47b: {  	v13 =	vsel vm5, v13, v15  }
0x47c: {  	v15 =	vor.u32 $0xFF, v13;
	_ =	sdelay $0x4  }
0x47d: {  	v15 =	vld.idx.msk [tilespmem:v15+s0+$0x0], $0xffff;
	_ =	sdelay $0x4  }
0x47e: {  	vm5 =	vgt.s32 v15, v14;
	v15 =	vor.u32 $0x100, v13  }
0x47f: {  	v13 =	vsel vm5, v13, v15  }
0x480: {  	v15 =	vor.u32 $0x7F, v13;
	_ =	sdelay $0x4  }
0x481: {  	v15 =	vld.idx.msk [tilespmem:v15+s0+$0x0], $0xffff;
	_ =	sdelay $0x4  }
0x482: {  	vm5 =	vgt.s32 v15, v14;
	v15 =	vor.u32 $0x80, v13  }
0x483: {  	v13 =	vsel vm5, v13, v15  }
0x484: {  	v15 =	vadd.s32 $0x3F, v13;
	_ =	sdelay $0x4  }
0x485: {  	v15 =	vld.idx.msk [tilespmem:v15+s0+$0x0], $0xffff;
	_ =	sdelay $0x4  }
0x486: {  	vm5 =	vgt.s32 v15, v14;
	v15 =	vadd.s32 $0x40, v13  }
0x487: {  	v13 =	vsel vm5, v13, v15  }
0x488: {  	v15 =	vadd.s32 $0x1F, v13;
	_ =	sdelay $0x4  }
0x489: {  	v15 =	vld.idx.msk [tilespmem:v15+s0+$0x0], $0xffff;
	_ =	sdelay $0x4  }
0x48a: {  	vm5 =	vgt.s32 v15, v14;
	v15 =	vadd.s32 $0x20, v13  }
0x48b: {  	v13 =	vsel vm5, v13, v15  }
0x48c: {  	v15 =	vadd.s32 $0xF, v13;
	_ =	sdelay $0x4  }
0x48d: {  	v15 =	vld.idx.msk [tilespmem:v15+s0+$0x0], $0xffff;
	_ =	sdelay $0x4  }
0x48e: {  	vm5 =	vgt.s32 v15, v14;
	v15 =	vadd.s32 $0x10, v13  }
0x48f: {  	v13 =	vsel vm5, v13, v15  }
0x490: {  	v15 =	vadd.s32 $0x7, v13;
	_ =	sdelay $0x4  }
0x491: {  	v15 =	vld.idx.msk [tilespmem:v15+s0+$0x0], $0xffff;
	_ =	sdelay $0x4  }
0x492: {  	vm5 =	vgt.s32 v15, v14;
	v15 =	vadd.s32 $0x8, v13  }
0x493: {  	v13 =	vsel vm5, v13, v15  }
0x494: {  	v15 =	vadd.s32 $0x3, v13;
	_ =	sdelay $0x4  }
0x495: {  	v15 =	vld.idx.msk [tilespmem:v15+s0+$0x0], $0xffff;
	_ =	sdelay $0x4  }
0x496: {  	vm5 =	vgt.s32 v15, v14;
	v15 =	vadd.s32 $0x4, v13  }
0x497: {  	v13 =	vsel vm5, v13, v15  }
0x498: {  	v15 =	vadd.s32 $0x1, v13;
	_ =	sdelay $0x4  }
0x499: {  	v15 =	vld.idx.msk [tilespmem:v15+s0+$0x0], $0xffff;
	_ =	sdelay $0x4  }
0x49a: {  	vm5 =	vgt.s32 v15, v14;
	v15 =	vadd.s32 $0x2, v13  }
0x49b: {  	v13 =	vsel vm5, v13, v15;
	_ =	sdelay $0x4  }
0x49c: {  	v15 =	vld.idx.msk [tilespmem:v13+s0+$0x0], $0xffff;
	_ =	sdelay $0x4  }
0x49d: {  	p2 =	sne.s32 s19, $0xC0;
	vm5 =	vle.s32 v15, v14  }
.Ltmp37:
0x49e: {  	v14 =	vsel vm5, $0x1, v9;
	(pc) =	sbr.rel @p2 .LBB2_46-.Ltmp37, $4  }
0x49f: {  	v13 =	vadd.s32 v14, v13  }
0x4a0: {  	v13 =	vmin.u32 v13, $0x7FF  }
0x4a1: {  	s21 =	sshra.s32 s19, $0x2;
	v13 =	vor.u32 v0, v13  }
0x4a2: {  	s20 =	sadd.s32 $0x10, s20;
	s19 =	sadd.s32 $0x40, s19;
	[tilespmem:s21+$0x1100] =	vst v13  }
0x4a3: {  	s19 =	simm.s32 $0x8  }
0x4a4: {  	_ =	swait.ge [sflag:s19], $0x6000  }
0x4a5: {  	[sflag:s19] =	ssyncset.done $0x0  }
0x4a6: {  	[sflag:s19] =	ssyncadd.s32 $0xFFFFA000  }
0x4a7: {  	v13 =	vld [tilespmem:$0x1100];
	_ =	sdelay $0x4  }
0x4a8: {  	v14 =	vshrl.u32 v13, $0x3  }
0x4a9: {  	v14 =	vmul.u32 $0x18, v14  }
0x4aa: {  	v13 =	vand.u32 $0x7, v13  }
0x4ab: {  	v13 =	vor.u32 v13, v14  }
0x4ac: {  	v14 =	vperm.xlane v13, v10;
	_ =	sdelay $0x1  }
0x4ad: {  	v14 =	vadd.s32 v11, v14;
	_ =	sdelay $0x1  }
0x4ae: {  	v13 =	vperm.xlane v13, v12;
	_ =	sdelay $0x1  }
0x4af: {  	s29 =	simm.s32 $0xD200;
	v13 =	vadd.s32 v11, v13  }
0x4b0: {  	[tilespmem:s29], [sflag:$0x4] =	stream.indirect_vreg.gather [hbm4b:s1+s4], $0x80, v14, vm4, $0xb8;
	[tilespmem:$0x1F280] =	vst v63  }
0x4b1: {  	s31 =	simm.s32 $0xDA00  }
0x4b2: {  	[tilespmem:s31], [sflag:$0x4] =	stream.indirect_vreg.gather [hbm4b:s9+s4], $0x80, v14, vm2, $0xb8;
	[tilespmem:$0x1F280] =	vst v63  }
0x4b3: {  	s20 =	simm.s32 $0xDE00  }
0x4b4: {  	[tilespmem:s20], [sflag:$0x4] =	stream.indirect_vreg.gather [hbm4b:s1+s4], $0x80, v13, vm4, $0xb8;
	[tilespmem:$0x1F280] =	vst v63  }
0x4b5: {  	s21 =	simm.s32 $0xE600  }
0x4b6: {  	[tilespmem:s21], [sflag:$0x4] =	stream.indirect_vreg.gather [hbm4b:s9+s4], $0x80, v13, vm2, $0xb8;
	[tilespmem:$0x1F280] =	vst v63  }
0x4b7: {  	v13 =	vld [tilespmem:$0x1110];
	_ =	sdelay $0x4  }
0x4b8: {  	v14 =	vshrl.u32 v13, $0x3  }
0x4b9: {  	v14 =	vmul.u32 $0x18, v14  }
0x4ba: {  	v13 =	vand.u32 $0x7, v13  }
0x4bb: {  	v13 =	vor.u32 v13, v14  }
0x4bc: {  	v14 =	vperm.xlane v13, v10;
	_ =	sdelay $0x1  }
0x4bd: {  	v14 =	vadd.s32 v11, v14;
	_ =	sdelay $0x1  }
0x4be: {  	v13 =	vperm.xlane v13, v12;
	_ =	sdelay $0x1  }
0x4bf: {  	s22 =	simm.s32 $0xEA00;
	v13 =	vadd.s32 v11, v13  }
0x4c0: {  	[tilespmem:s22], [sflag:$0x4] =	stream.indirect_vreg.gather [hbm4b:s1+s4], $0x80, v14, vm4, $0xb8;
	[tilespmem:$0x1F280] =	vst v63  }
0x4c1: {  	s25 =	simm.s32 $0xF200  }
0x4c2: {  	[tilespmem:s25], [sflag:$0x4] =	stream.indirect_vreg.gather [hbm4b:s9+s4], $0x80, v14, vm2, $0xb8;
	[tilespmem:$0x1F280] =	vst v63  }
0x4c3: {  	s26 =	simm.s32 $0xF600  }
0x4c4: {  	[tilespmem:s26], [sflag:$0x4] =	stream.indirect_vreg.gather [hbm4b:s1+s4], $0x80, v13, vm4, $0xb8;
	[tilespmem:$0x1F280] =	vst v63  }
0x4c5: {  	s29 =	simm.s32 $0xFE00  }
0x4c6: {  	[tilespmem:s29], [sflag:$0x4] =	stream.indirect_vreg.gather [hbm4b:s9+s4], $0x80, v13, vm2, $0xb8;
	[tilespmem:$0x1F280] =	vst v63  }
0x4c7: {  	v13 =	vld [tilespmem:$0x1120];
	_ =	sdelay $0x4  }
0x4c8: {  	v14 =	vshrl.u32 v13, $0x3  }
0x4c9: {  	v14 =	vmul.u32 $0x18, v14  }
0x4ca: {  	v13 =	vand.u32 $0x7, v13  }
0x4cb: {  	v13 =	vor.u32 v13, v14  }
0x4cc: {  	v14 =	vperm.xlane v13, v10;
	_ =	sdelay $0x1  }
0x4cd: {  	v14 =	vadd.s32 v11, v14;
	_ =	sdelay $0x1  }
0x4ce: {  	v13 =	vperm.xlane v13, v12;
	_ =	sdelay $0x1  }
0x4cf: {  	s31 =	simm.s32 $0x10200;
	v13 =	vadd.s32 v11, v13  }
0x4d0: {  	[tilespmem:s31], [sflag:$0x4] =	stream.indirect_vreg.gather [hbm4b:s1+s4], $0x80, v14, vm4, $0xb8;
	[tilespmem:$0x1F280] =	vst v63  }
0x4d1: {  	s20 =	simm.s32 $0x10A00  }
0x4d2: {  	[tilespmem:s20], [sflag:$0x4] =	stream.indirect_vreg.gather [hbm4b:s9+s4], $0x80, v14, vm2, $0xb8;
	[tilespmem:$0x1F280] =	vst v63  }
0x4d3: {  	s21 =	simm.s32 $0x10E00  }
0x4d4: {  	[tilespmem:s21], [sflag:$0x4] =	stream.indirect_vreg.gather [hbm4b:s1+s4], $0x80, v13, vm4, $0xb8;
	[tilespmem:$0x1F280] =	vst v63  }
0x4d5: {  	s22 =	simm.s32 $0x11600  }
0x4d6: {  	[tilespmem:s22], [sflag:$0x4] =	stream.indirect_vreg.gather [hbm4b:s9+s4], $0x80, v13, vm2, $0xb8;
	[tilespmem:$0x1F280] =	vst v63  }
0x4d7: {  	v13 =	vld [tilespmem:$0x1130];
	_ =	sdelay $0x4  }
0x4d8: {  	v14 =	vshrl.u32 v13, $0x3  }
0x4d9: {  	v14 =	vmul.u32 $0x18, v14  }
0x4da: {  	v13 =	vand.u32 $0x7, v13  }
0x4db: {  	v13 =	vor.u32 v13, v14  }
0x4dc: {  	v14 =	vperm.xlane v13, v10;
	_ =	sdelay $0x1  }
0x4dd: {  	v14 =	vadd.s32 v11, v14;
	_ =	sdelay $0x2  }
0x4de: {  	v13 =	vperm.xlane v13, v12  }
0x4df: {  	s25 =	simm.s32 $0x11A00  }
0x4e0: {  	v13 =	vadd.s32 v11, v13;
	[tilespmem:s25], [sflag:$0x4] =	stream.indirect_vreg.gather [hbm4b:s1+s4], $0x80, v14, vm4, $0xb8;
	[tilespmem:$0x1F280] =	vst v63  }
0x4e1: {  	s26 =	simm.s32 $0x12200  }
0x4e2: {  	[tilespmem:s26], [sflag:$0x4] =	stream.indirect_vreg.gather [hbm4b:s9+s4], $0x80, v14, vm2, $0xb8;
	[tilespmem:$0x1F280] =	vst v63  }
.Ltmp38:
0x4e3: {  	_ = 	snop;
	(pc) =	sbr.rel .LBB2_49-.Ltmp38, $4  }
0x4e4: {  	s29 =	simm.s32 $0x12600  }
0x4e5: {  	[tilespmem:s29], [sflag:$0x4] =	stream.indirect_vreg.gather [hbm4b:s1+s4], $0x80, v13, vm4, $0xb8;
	[tilespmem:$0x1F280] =	vst v63  }
0x4e6: {  	s31 =	simm.s32 $0x12E00  }
0x4e7: {  	[tilespmem:s31], [sflag:$0x4] =	stream.indirect_vreg.gather [hbm4b:s9+s4], $0x80, v13, vm2, $0xb8;
	[tilespmem:$0x1F280] =	vst v63  }
.LBB2_48:
0x4e8: {  	s19 =	simm.s32 $0x8  }
0x4e9: {  	_ =	swait.ge [sflag:s19], $0x6000  }
0x4ea: {  	[sflag:s19] =	ssyncset.done $0x0  }
0x4eb: {  	[sflag:s19] =	ssyncadd.s32 $0xFFFFA000  }
.LBB2_49:
0x4ec: {  	p2 =	sgt.u32 @!p1 s24, $0x3F  }
0x4ed: {  	p2 =	por p1, p2  }
.Ltmp39:
0x4ee: {  	_ = 	snop;
	(pc) =	sbr.rel @p2 .LBB2_50-.Ltmp39, $4  }
0x4ef: {  	s19 =	simm.s32 @!p1 $0x5  }
0x4f0: {  	_ =	swait.ge @!p1 [sflag:s19], $0x6000  }
0x4f1: {  	[sflag:s19] =	ssyncset.done @!p1 $0x0  }
0x4f2: {  	[sflag:s19] =	ssyncadd.s32 @!p1 $0xFFFFA000  }
0x4f3: {  	s20 =	sadd.s32 $0x1, s7  }
0x4f4: {  	s19 =	sshrl.u32 s20, $0x3  }
0x4f5: {  	s19 =	smul.u32 $0x3000, s19;
	_ =	sdelay $0x1  }
0x4f6: {  	s21 =	sand.u32 $0x380, s17;
	s19 =	sshra.s32 s19, $0x2  }
0x4f7: {  	s19 =	sor.u32 s21, s19  }
0x4f8: {  	s21 =	sadd.s32 $0x13200, s19;
	[tilespmem:s19+$0x13200] =	vst v6  }
0x4f9: {  	[tilespmem:s21+$0x60] =	vst v6  }
0x4fa: {  	[tilespmem:s21+$0x70] =	vst v6  }
0x4fb: {  	[tilespmem:s21+$0x50] =	vst v6  }
0x4fc: {  	[tilespmem:s21+$0x30] =	vst v6  }
0x4fd: {  	[tilespmem:s21+$0x20] =	vst v6  }
0x4fe: {  	[tilespmem:s21+$0x10] =	vst v6  }
0x4ff: {  	s31 =	sadd.s32 $0x13600, s19;
	[tilespmem:s21+$0x40] =	vst v6  }
0x500: {  	[tilespmem:s31+$0x70] =	vst v6  }
0x501: {  	[tilespmem:s31+$0x60] =	vst v6  }
0x502: {  	[tilespmem:s31+$0x50] =	vst v6  }
0x503: {  	[tilespmem:s31+$0x40] =	vst v6  }
0x504: {  	p1 =	slt.s32 s20, $0x3F;
	[tilespmem:s19+$0x13600] =	vst v6  }
.Ltmp40:
0x505: {  	[tilespmem:s31+$0x10] =	vst v6;
	(pc) =	sbr.rel @!p1 .LBB2_53-.Ltmp40, $4  }
0x506: {  	[tilespmem:s31+$0x20] =	vst v6  }
0x507: {  	s24 =	sadd.s32 $0x13A00, s19;
	[tilespmem:s31+$0x30] =	vst v6  }
0x508: {  	[tilespmem:s24+$0x70] =	vst v6  }
0x509: {  	s21 =	smov.u32 s17;
	[tilespmem:s24+$0x50] =	vst v6  }
.LBB2_52:
0x50a: {  	s20 =	sadd.s32 $0x1, s20;
	[tilespmem:s19+$0x13A00] =	vst v6;
	s21 =	sadd.s32 $0x80, s21  }
0x50b: {  	s19 =	sshrl.u32 s20, $0x3;
	p1 =	slt.s32 s20, $0x3F;
	[tilespmem:s24+$0x30] =	vst v6  }
0x50c: {  	s19 =	smul.u32 $0x3000, s19;
	[tilespmem:s24+$0x60] =	vst v6  }
0x50d: {  	[tilespmem:s24+$0x20] =	vst v6  }
0x50e: {  	s22 =	sand.u32 $0x380, s21;
	s19 =	sshra.s32 s19, $0x2;
	[tilespmem:s24+$0x10] =	vst v6  }
0x50f: {  	s19 =	sor.u32 s22, s19;
	[tilespmem:s24+$0x40] =	vst v6  }
0x510: {  	s22 =	sadd.s32 $0x13200, s19;
	[tilespmem:s19+$0x13200] =	vst v6  }
0x511: {  	[tilespmem:s22+$0x60] =	vst v6  }
0x512: {  	[tilespmem:s22+$0x70] =	vst v6  }
0x513: {  	[tilespmem:s22+$0x50] =	vst v6  }
0x514: {  	[tilespmem:s22+$0x30] =	vst v6  }
0x515: {  	[tilespmem:s22+$0x20] =	vst v6  }
0x516: {  	[tilespmem:s22+$0x10] =	vst v6  }
0x517: {  	[tilespmem:s22+$0x40] =	vst v6;
	s22 =	sadd.s32 $0x13600, s19  }
0x518: {  	[tilespmem:s22+$0x70] =	vst v6  }
0x519: {  	[tilespmem:s22+$0x60] =	vst v6  }
0x51a: {  	[tilespmem:s22+$0x50] =	vst v6  }
0x51b: {  	[tilespmem:s22+$0x40] =	vst v6  }
0x51c: {  	[tilespmem:s19+$0x13600] =	vst v6  }
.Ltmp41:
0x51d: {  	[tilespmem:s22+$0x10] =	vst v6;
	(pc) =	sbr.rel @p1 .LBB2_52-.Ltmp41, $4  }
0x51e: {  	[tilespmem:s22+$0x20] =	vst v6  }
0x51f: {  	s24 =	sadd.s32 $0x13A00, s19;
	[tilespmem:s22+$0x30] =	vst v6  }
0x520: {  	[tilespmem:s24+$0x70] =	vst v6  }
0x521: {  	[tilespmem:s24+$0x50] =	vst v6  }
.LBB2_53:
0x522: {  	[tilespmem:s19+$0x13A00] =	vst v6  }
.Ltmp42:
0x523: {  	[tilespmem:s24+$0x60] =	vst v6;
	(pc) =	sbr.rel .LBB2_54-.Ltmp42, $4  }
0x524: {  	[tilespmem:s24+$0x40] =	vst v6  }
0x525: {  	[tilespmem:s24+$0x30] =	vst v6  }
0x526: {  	[tilespmem:s24+$0x20] =	vst v6  }
0x527: {  	s19 =	simm.s32 $0x13200;
	[tilespmem:s24+$0x10] =	vst v6  }
.LBB2_56:
0x528: {  	_ =	sfence.sel $0x180000  }
0x529: {  	[bflag:$0x0] =	sbarrier.arrive $0xFFFF  }
0x52a: {  	_ =	strace $0x90000047  }
0x52b: {  	s0 =	stileid.u32;
	[bflag:$0x2] =	sbarrier.arrive $0xFFFF  }
0x52c: {  	p0 =	sne.s32 s0, $0x0;
	s0 =	rddreg [dreg:$0x4]  }
0x52d: {  	s0 =	sadd.s32 @!p0 $0x100000, s0  }
0x52e: {  	[sflag:s0] =	ssyncadd.tile.s32 @!p0 $0x1;
	_ =	shalt  }
.Lfunc_end2:
_tile_overlayer_lowered:
.L_overlay_start_2:
0x52f: {  	(tag) =	ssettag $0x2  }
0x530: {  	s0 =	rddreg [dreg:$0x0];
	s2 =	stileid.u32  }
0x531: {  	s1 =	rddreg [dreg:$0x1];
	p0 =	sne.s32 s2, $0x0  }
0x532: {  	s3 =	rddreg [dreg:$0x2];
	[bflag:$0x3] =	sbarrier.arrive $0xFFFF;
	s2 =	simm.s32 @!p0 $0x1C0A  }
0x533: {  	[timem:s3], [sflag:s2] =	dma.local @!p0 [hbm:s0], s1  }
0x534: {  	s0 =	simm.s32 @!p0 $0xA  }
0x535: {  	_ =	swait.ge @!p0 [sflag:s0], s1  }
0x536: {  	s1 =	ssub.s32 @!p0 $0x0, s1;
	[sflag:s0] =	ssyncset.done @!p0 $0x0  }
0x537: {  	[sflag:s0] =	ssyncadd.s32 @!p0 s1  }
0x538: {  	[bflag:$0x3] =	sbarrier.arrive $0xFFFF  }
0x539: {  	_ =	shalt  }

</sc_bundles>
